<compile_context>
chip_gen: v7x
topology: tpu7x:2x2x1
jax: 0.10.2.dev20260603
libtpu: 0.0.44.dev20260713+nightly
codegen_flags: <defaults>
</compile_context>

<pallas_src>
import functools

import jax
import jax.numpy as jnp
from jax import lax
from jax.experimental import pallas as pl
from jax.experimental.pallas import tpu as pltpu
from jax.experimental.pallas import tpu_sc as plsc

NC = 2
NS = 16
NW = NC * NS
CH = 80
SCH = 80
RPT = 640
NPAD = NS * RPT
LANES = 16
BLK = 1280


def _sc_mesh():
    return plsc.VectorSubcoreMesh(core_axis_name="c", subcore_axis_name="s")


def _make_degree_kernel(n_chunks):
    @functools.partial(
        pl.kernel,
        out_type=jax.ShapeDtypeStruct((NC, NPAD), jnp.float32),
        mesh=_sc_mesh(),
        scratch_types=[
            pltpu.VMEM((n_chunks, CH), jnp.int32),
            pltpu.VMEM((CH,), jnp.float32),
            pltpu.VMEM((RPT,), jnp.float32),
            pltpu.VMEM_SHARED((NPAD,), jnp.float32),
            pltpu.SemaphoreType.DMA,
        ],
    )
    def degree_kernel(dst_hbm, out_hbm, dst_v, ones_v, zero_v, acc_sh, dsem):
        cid = lax.axis_index("c")
        sid = lax.axis_index("s")
        wid = cid * NS + sid
        base = sid * RPT

        def fill(i, _):
            ones_v[pl.ds(i * LANES, LANES)] = jnp.ones((LANES,), jnp.float32)
            return 0

        lax.fori_loop(0, CH // LANES, fill, 0)

        def fillz(i, _):
            zero_v[pl.ds(i * LANES, LANES)] = jnp.zeros((LANES,), jnp.float32)
            return 0

        lax.fori_loop(0, RPT // LANES, fillz, 0)
        pltpu.sync_copy(zero_v, acc_sh.at[pl.ds(base, RPT)])
        plsc.subcore_barrier()

        pltpu.sync_copy(dst_hbm.at[wid], dst_v)

        wave = n_chunks // 5

        def step(w, _):
            def fire(j, _):
                pltpu.async_copy(ones_v, acc_sh.at[dst_v.at[w * wave + j]],
                                 dsem, add=True)
                return 0

            lax.fori_loop(0, wave, fire, 0)

            def drain(j, _):
                pltpu.make_async_copy(ones_v, acc_sh.at[dst_v.at[0]],
                                      dsem).wait()
                return 0

            lax.fori_loop(0, wave, drain, 0)
            return 0

        lax.fori_loop(0, 5, step, 0)
        plsc.subcore_barrier()
        pltpu.sync_copy(acc_sh.at[pl.ds(base, RPT)],
                        out_hbm.at[cid, pl.ds(base, RPT)])

    return degree_kernel


def _make_scatter_kernel(n_chunks, d):
    n_groups = 5
    gch = n_chunks // n_groups

    @functools.partial(
        pl.kernel,
        out_type=jax.ShapeDtypeStruct((NC, NPAD, d), jnp.float32),
        mesh=_sc_mesh(),
        scratch_types=[
            pltpu.VMEM((gch, SCH), jnp.int32),
            pltpu.VMEM((gch, SCH), jnp.int32),
            [pltpu.VMEM((SCH, d), jnp.float32) for _ in range(3)],
            pltpu.VMEM((8, d), jnp.float32),
            pltpu.VMEM_SHARED((NPAD, d), jnp.float32),
            [pltpu.SemaphoreType.DMA for _ in range(3)],
            [pltpu.SemaphoreType.DMA for _ in range(3)],
        ],
    )
    def scatter_kernel(hs_hbm, src_hbm, dst_hbm, out_hbm,
                       src_v, dst_v, rows, zero_v, acc_sh, gsem, ssem):
        cid = lax.axis_index("c")
        sid = lax.axis_index("s")
        wid = cid * NS + sid
        base = sid * RPT

        def gath(j, b):
            pltpu.async_copy(hs_hbm.at[src_v.at[j]], rows[b], gsem[b])

        def gath_wait(j, b):
            pltpu.make_async_copy(hs_hbm.at[src_v.at[j]], rows[b],
                                  gsem[b]).wait()

        def scat(j, b):
            pltpu.async_copy(rows[b], acc_sh.at[dst_v.at[j]], ssem[b],
                             add=True)

        def scat_wait(j, b):
            pltpu.make_async_copy(rows[b], acc_sh.at[dst_v.at[j]],
                                  ssem[b]).wait()

        def fz(i, _):
            r = i // (d // LANES)
            c = lax.rem(i, d // LANES) * LANES
            zero_v[r, pl.ds(c, LANES)] = jnp.zeros((LANES,), jnp.float32)
            return 0

        lax.fori_loop(0, 8 * (d // LANES), fz, 0)

        def zc(k, _):
            pltpu.sync_copy(zero_v, acc_sh.at[pl.ds(base + k * 8, 8)])
            return 0

        lax.fori_loop(0, RPT // 8, zc, 0)
        plsc.subcore_barrier()

        def group(g, _):
            pltpu.sync_copy(src_hbm.at[wid, g], src_v)
            pltpu.sync_copy(dst_hbm.at[wid, g], dst_v)
            gath(0, 0)
            gath(1, 1)
            gath_wait(0, 0)
            scat(0, 0)
            gath(2, 2)
            gath_wait(1, 1)
            scat(1, 1)

            def ring(u, _):
                j = 2 + 3 * u
                scat_wait(j - 2, 0)
                gath(j + 1, 0)
                gath_wait(j, 2)
                scat(j, 2)
                scat_wait(j - 1, 1)
                gath(j + 2, 1)
                gath_wait(j + 1, 0)
                scat(j + 1, 0)
                scat_wait(j, 2)
                gath(j + 3, 2)
                gath_wait(j + 2, 1)
                scat(j + 2, 1)
                return 0

            lax.fori_loop(0, (gch - 4) // 3, ring, 0)
            scat_wait(gch - 4, 0)
            gath(gch - 1, 0)
            gath_wait(gch - 2, 2)
            scat(gch - 2, 2)
            gath_wait(gch - 1, 0)
            scat(gch - 1, 0)
            scat_wait(gch - 3, 1)
            scat_wait(gch - 2, 2)
            scat_wait(gch - 1, 0)
            return 0

        lax.fori_loop(0, n_groups, group, 0)
        plsc.subcore_barrier()
        pltpu.sync_copy(acc_sh.at[pl.ds(base, RPT)],
                        out_hbm.at[cid, pl.ds(base, RPT)])

    return scatter_kernel


def _tc_first_body(x_ref, d0_ref, d1_ref, w_ref, dinv_ref, hs_ref):
    deg = d0_ref[...] + d1_ref[...] + 1.0
    dinv = lax.rsqrt(deg)
    dinv_ref[...] = dinv
    h = jnp.dot(x_ref[...], w_ref[...], preferred_element_type=jnp.float32)
    hs_ref[...] = h * dinv


def _tc_mid_body(a0_ref, a1_ref, hs_ref, dinv_ref, b_ref, g_ref, bt_ref,
                 w_ref, out_ref):
    dinv = dinv_ref[...]
    s = (a0_ref[...] + a1_ref[...] + hs_ref[...]) * dinv + b_ref[...]
    g = jnp.maximum(s, 0.0)
    mu = jnp.mean(g, axis=1, keepdims=True)
    var = jnp.mean((g - mu) ** 2, axis=1, keepdims=True)
    ln = (g - mu) * lax.rsqrt(var + 1e-5) * g_ref[...] + bt_ref[...]
    out_ref[...] = jnp.dot(ln, w_ref[...],
                           preferred_element_type=jnp.float32) * dinv


def _tc_last_body(a0_ref, a1_ref, hs_ref, dinv_ref, b_ref, g_ref, bt_ref,
                  wc_ref, bc_ref, out_ref):
    dinv = dinv_ref[...]
    s = (a0_ref[...] + a1_ref[...] + hs_ref[...]) * dinv + b_ref[...]
    g = jnp.maximum(s, 0.0)
    mu = jnp.mean(g, axis=1, keepdims=True)
    var = jnp.mean((g - mu) ** 2, axis=1, keepdims=True)
    ln = (g - mu) * lax.rsqrt(var + 1e-5) * g_ref[...] + bt_ref[...]
    out_ref[...] = jnp.dot(ln, wc_ref[...],
                           preferred_element_type=jnp.float32) + bc_ref[...]


def _row_spec(d):
    return pl.BlockSpec((BLK, d), lambda i: (i, 0))


def _full_spec(shape):
    return pl.BlockSpec(shape, lambda i: tuple(0 for _ in shape))


def kernel(x, edge_index, W1, b1, W2, b2, W3, b3, gamma, beta, Wc, bc):
    n, d_in = x.shape
    e = edge_index.shape[1]
    hidden = W1.shape[1]
    out_d = Wc.shape[1]
    epw = e // NW
    n_chunks = epw // CH
    grid = (NPAD // BLK,)

    n_groups = 5
    gsz = n_groups * SCH
    epw_pad = ((epw + gsz - 1) // gsz) * gsz
    s_chunks = epw_pad // SCH
    src = jnp.pad(edge_index[0].reshape(NW, epw),
                  ((0, 0), (0, epw_pad - epw)))
    dst = jnp.pad(edge_index[1].reshape(NW, epw),
                  ((0, 0), (0, epw_pad - epw)), constant_values=NPAD - 1)
    src = src.reshape(NW, n_groups, s_chunks // n_groups, SCH)
    dst = dst.reshape(NW, n_groups, s_chunks // n_groups, SCH)
    dst_flat = edge_index[1].reshape(NW, n_chunks, CH)
    x_pad = jnp.pad(x, ((0, NPAD - n), (0, 0)))

    degp = _make_degree_kernel(n_chunks)(dst_flat)
    d0 = degp[0].reshape(NPAD, 1)
    d1 = degp[1].reshape(NPAD, 1)

    dinv_col, hs1 = pl.pallas_call(
        _tc_first_body,
        grid=grid,
        in_specs=[
            _row_spec(d_in),
            _row_spec(1),
            _row_spec(1),
            _full_spec((d_in, hidden)),
        ],
        out_specs=[_row_spec(1), _row_spec(hidden)],
        out_shape=[
            jax.ShapeDtypeStruct((NPAD, 1), jnp.float32),
            jax.ShapeDtypeStruct((NPAD, hidden), jnp.float32),
        ],
    )(x_pad, d0, d1, W1)

    scatter = _make_scatter_kernel(s_chunks, hidden)

    def mid_layer(hs, b_l, w_next):
        acc = scatter(hs, src, dst)
        return pl.pallas_call(
            _tc_mid_body,
            grid=grid,
            in_specs=[
                _row_spec(hidden), _row_spec(hidden), _row_spec(hidden),
                _row_spec(1),
                _full_spec((1, hidden)), _full_spec((1, hidden)),
                _full_spec((1, hidden)), _full_spec((hidden, hidden)),
            ],
            out_specs=_row_spec(hidden),
            out_shape=jax.ShapeDtypeStruct((NPAD, hidden), jnp.float32),
        )(acc[0], acc[1], hs, dinv_col, b_l.reshape(1, hidden),
          gamma.reshape(1, hidden), beta.reshape(1, hidden), w_next)

    hs2 = mid_layer(hs1, b1, W2)
    hs3 = mid_layer(hs2, b2, W3)

    acc3 = scatter(hs3, src, dst)
    out = pl.pallas_call(
        _tc_last_body,
        grid=grid,
        in_specs=[
            _row_spec(hidden), _row_spec(hidden), _row_spec(hidden),
            _row_spec(1),
            _full_spec((1, hidden)), _full_spec((1, hidden)),
            _full_spec((1, hidden)), _full_spec((hidden, out_d)),
            _full_spec((1, out_d)),
        ],
        out_specs=_row_spec(out_d),
        out_shape=jax.ShapeDtypeStruct((NPAD, out_d), jnp.float32),
    )(acc3[0], acc3[1], hs3, dinv_col, b3.reshape(1, hidden),
      gamma.reshape(1, hidden), beta.reshape(1, hidden), Wc,
      bc.reshape(1, out_d))

    return out[:n]

# --- scband reference (transcript-rebuilt; emitter-appended) ---
"""Pipeline reference for scband-reachability-gnn-13108240187815 (READ-ONLY COPY).

The authoritative reference and input builder live on the scoring server;
editing this copy changes nothing except your own understanding.
"""

import jax, jax.numpy as jnp
import numpy as np

N = 10000
E = 320000
D_IN = 128
HIDDEN = 128
OUT = 4


def layer_norm(h, gamma, beta, eps=1e-5):
    mu = jnp.mean(h, axis=-1, keepdims=True)
    var = jnp.mean((h - mu) ** 2, axis=-1, keepdims=True)
    return (h - mu) / jnp.sqrt(var + eps) * gamma + beta


def gcn_conv(x, edge_index, W, b):
    # PyG-style GCNConv: add self-loops, symmetric normalization, x@W, scatter-add, bias
    n = x.shape[0]
    loop = jnp.arange(n, dtype=edge_index.dtype)
    src = jnp.concatenate([edge_index[0], loop])
    dst = jnp.concatenate([edge_index[1], loop])
    ones = jnp.ones(dst.shape[0], dtype=x.dtype)
    deg = jnp.zeros((n,), dtype=x.dtype).at[dst].add(ones)
    dinv = jnp.where(deg > 0, 1.0 / jnp.sqrt(deg), 0.0)
    norm = dinv[src] * dinv[dst]
    h = x @ W
    msg = h[src] * norm[:, None]
    out = jnp.zeros((n, W.shape[1]), dtype=x.dtype).at[dst].add(msg)
    return out + b


def setup_inputs(seed: int = 0) -> dict:
    key = jax.random.key(seed)
    ks = jax.random.split(key, 12)
    x = jax.random.normal(ks[0], (N, D_IN), dtype=jnp.float32)
    edge_index = jax.random.randint(ks[1], (2, E), 0, N, dtype=jnp.int32)
    W1 = jax.random.normal(ks[2], (D_IN, HIDDEN), dtype=jnp.float32) * (1.0 / np.sqrt(D_IN))
    b1 = jnp.zeros((HIDDEN,), dtype=jnp.float32)
    W2 = jax.random.normal(ks[3], (HIDDEN, HIDDEN), dtype=jnp.float32) * (1.0 / np.sqrt(HIDDEN))
    b2 = jnp.zeros((HIDDEN,), dtype=jnp.float32)
    W3 = jax.random.normal(ks[4], (HIDDEN, HIDDEN), dtype=jnp.float32) * (1.0 / np.sqrt(HIDDEN))
    b3 = jnp.zeros((HIDDEN,), dtype=jnp.float32)
    gamma = jnp.ones((HIDDEN,), dtype=jnp.float32)
    beta = jnp.zeros((HIDDEN,), dtype=jnp.float32)
    Wc = jax.random.normal(ks[5], (HIDDEN, OUT), dtype=jnp.float32) * (1.0 / np.sqrt(HIDDEN))
    bc = jnp.zeros((OUT,), dtype=jnp.float32)
    return {"x": x, "edge_index": edge_index, "W1": W1, "b1": b1, "W2": W2, "b2": b2,
            "W3": W3, "b3": b3, "gamma": gamma, "beta": beta, "Wc": Wc, "bc": bc}


def reference(x, edge_index, W1, b1, W2, b2, W3, b3, gamma, beta, Wc, bc):
    # dropout is identity in eval mode; the single LayerNorm module is shared across layers
    h = jax.nn.relu(gcn_conv(x, edge_index, W1, b1))
    h = layer_norm(h, gamma, beta)
    h = jax.nn.relu(gcn_conv(h, edge_index, W2, b2))
    h = layer_norm(h, gamma, beta)
    h = jax.nn.relu(gcn_conv(h, edge_index, W3, b3))
    h = layer_norm(h, gamma, beta)
    return h @ Wc + bc

if __name__ == "__main__":
    import jax
    _d = setup_inputs()
    print(jax.jit(kernel)(*tuple(_d.values())))

</pallas_src>

<mosaic_0001>
#map = affine_map<(d0, d1) -> (0, 0)>
#map1 = affine_map<(d0, d1) -> (0, 0, 0, 0)>
#map2 = affine_map<(d0, d1) -> (0, 0, 0)>
module attributes {stable_mosaic.version = 14 : i64} {
  func.func @scatter_kernel(%arg0: i32, %arg1: i32, %arg2: memref<10240x128xf32, #tpu.memory_space<hbm>>, %arg3: memref<32x5x25x80xi32, #tpu.memory_space<hbm>>, %arg4: memref<32x5x25x80xi32, #tpu.memory_space<hbm>>, %arg5: memref<2x10240x128xf32, #tpu.memory_space<hbm>>, %arg6: memref<25x80xi32, #tpu.memory_space<vmem>>, %arg7: memref<25x80xi32, #tpu.memory_space<vmem>>, %arg8: memref<80x128xf32, #tpu.memory_space<vmem>>, %arg9: memref<80x128xf32, #tpu.memory_space<vmem>>, %arg10: memref<80x128xf32, #tpu.memory_space<vmem>>, %arg11: memref<8x128xf32, #tpu.memory_space<vmem>>, %arg12: memref<10240x128xf32, #tpu.memory_space<vmem_shared>>, %arg13: memref<!tpu.dma_semaphore, #tpu.memory_space<semaphore_mem>>, %arg14: memref<!tpu.dma_semaphore, #tpu.memory_space<semaphore_mem>>, %arg15: memref<!tpu.dma_semaphore, #tpu.memory_space<semaphore_mem>>, %arg16: memref<!tpu.dma_semaphore, #tpu.memory_space<semaphore_mem>>, %arg17: memref<!tpu.dma_semaphore, #tpu.memory_space<semaphore_mem>>, %arg18: memref<!tpu.dma_semaphore, #tpu.memory_space<semaphore_mem>>) attributes {dimension_semantics = [#tpu.dimension_semantics<core_parallel>, #tpu.dimension_semantics<subcore_parallel>], iteration_bounds = array<i64: 2, 16>, scalar_prefetch = 0 : i64, scratch_operands = 13 : i64, tpu.core_type = #tpu.core_type<sc_vector_subcore>, window_params = [{transform_indices = #map}, {transform_indices = #map1}, {transform_indices = #map1}, {transform_indices = #map2}]} {
    %mul3A = arith.constant 16 : i32
    %mul3A_0 = arith.muli %arg0, %mul3A : i32
    %add3A = arith.addi %mul3A_0, %arg1 : i32
    %mul3A_1 = arith.constant 640 : i32
    %mul3A_2 = arith.muli %arg1, %mul3A_1 : i32
    %scan3A = arith.constant 0 : i32
    %scan3A_3 = arith.constant 0 : i32
    %scan3A_4 = arith.constant 64 : i32
    %scan3A_5 = arith.addi %scan3A_3, %scan3A_4 : i32
    %scan3A_6 = arith.constant 1 : i32
    %scan3A_7 = scf.for %scan3A_24 = %scan3A_3 to %scan3A_5 step %scan3A_6 iter_args(%scan3A_25 = %scan3A) -> (i32)  : i32 {
      %jit3A = arith.constant 8 : i32
      %div3A = arith.divsi %scan3A_24, %jit3A : i32
      %sign3A = arith.constant 0 : i32
      %sign3A_26 = arith.cmpi sgt, %scan3A_24, %sign3A : i32
      %sign3A_27 = arith.extui %sign3A_26 : i1 to i32
      %sign3A_28 = arith.constant 0 : i32
      %sign3A_29 = arith.cmpi slt, %scan3A_24, %sign3A_28 : i32
      %sign3A_30 = arith.extui %sign3A_29 : i1 to i32
      %sign3A_31 = arith.subi %sign3A_27, %sign3A_30 : i32
      %sign3A_32 = arith.constant 0 : i32
      %sign3A_33 = arith.cmpi sgt, %jit3A, %sign3A_32 : i32
      %sign3A_34 = arith.extui %sign3A_33 : i1 to i32
      %sign3A_35 = arith.constant 0 : i32
      %sign3A_36 = arith.cmpi slt, %jit3A, %sign3A_35 : i32
      %sign3A_37 = arith.extui %sign3A_36 : i1 to i32
      %sign3A_38 = arith.subi %sign3A_34, %sign3A_37 : i32
      %ne3A = arith.cmpi ne, %sign3A_31, %sign3A_38 : i32
      %rem3A = arith.remsi %scan3A_24, %jit3A : i32
      %ne3A_39 = arith.constant 0 : i32
      %ne3A_40 = arith.cmpi ne, %rem3A, %ne3A_39 : i32
      %and3A = arith.andi %ne3A, %ne3A_40 : i1
      %sub3A = arith.constant 1 : i32
      %sub3A_41 = arith.subi %div3A, %sub3A : i32
      %select_n3A = arith.select %and3A, %sub3A_41, %div3A : i32
      %rem3A_42 = arith.constant 8 : i32
      %rem3A_43 = arith.remsi %scan3A_24, %rem3A_42 : i32
      %mul3A_44 = arith.constant 16 : i32
      %mul3A_45 = arith.muli %rem3A_43, %mul3A_44 : i32
      %broadcast_in_dim3A = arith.constant 0.000000e+00 : f32
      %broadcast_in_dim3A_46 = vector.broadcast %broadcast_in_dim3A : f32 to vector<16xf32>
      %swap3A = arith.index_cast %select_n3A : i32 to index
      %swap3A_47 = arith.index_cast %mul3A_45 : i32 to index
      %swap3A_48 = tpu.vector_load %arg11[%swap3A, %swap3A_47] {strides = array<i32>} : memref<8x128xf32, #tpu.memory_space<vmem>>, vector<1x16xf32>,
      %swap3A_49 = vector.shape_cast %swap3A_48 : vector<1x16xf32> to vector<16xf32>
      %swap3A_50 = vector.shape_cast %broadcast_in_dim3A_46 : vector<16xf32> to vector<1x16xf32>
      tpu.vector_store %arg11[%swap3A, %swap3A_47], %swap3A_50 {strides = array<i32>} : memref<8x128xf32, #tpu.memory_space<vmem>>, vector<1x16xf32>,
      %scan3A_51 = arith.constant 0 : i32
      scf.yield %scan3A_51 : i32
    }
    %scan3A_8 = arith.constant 64 : i32
    %scan3A_9 = arith.constant 0 : i32
    %scan3A_10 = arith.constant 0 : i32
    %scan3A_11 = arith.constant 80 : i32
    %scan3A_12 = arith.addi %scan3A_10, %scan3A_11 : i32
    %scan3A_13 = arith.constant 1 : i32
    %scan3A_14 = scf.for %scan3A_24 = %scan3A_10 to %scan3A_12 step %scan3A_13 iter_args(%scan3A_25 = %scan3A_9) -> (i32)  : i32 {
      %mul3A_26 = arith.constant 8 : i32
      %mul3A_27 = arith.muli %scan3A_24, %mul3A_26 : i32
      %add3A_28 = arith.addi %mul3A_2, %mul3A_27 : i32
      "tpu.region"() ({
        %run_scoped3A = tpu.sem_alloc : memref<!tpu.dma_semaphore, #tpu.memory_space<semaphore_mem>>
        %dma_start3A = arith.constant 0 : i32
        %dma_start3A_30 = tpu.memref_slice %arg12[%add3A_28, %dma_start3A] : memref<10240x128xf32, #tpu.memory_space<vmem_shared>> -> memref<8x128xf32, #tpu.memory_space<vmem_shared>>
        %dma_start3A_31 = arith.constant 0 : i32
        %dma_start3A_32 = tpu.memref_slice %arg12[%add3A_28, %dma_start3A_31] : memref<10240x128xf32, #tpu.memory_space<vmem_shared>> -> memref<8x128xf32, #tpu.memory_space<vmem_shared>>
        tpu.enqueue_dma source(%arg11 : memref<8x128xf32, #tpu.memory_space<vmem>>) target(%dma_start3A_32 : memref<8x128xf32, #tpu.memory_space<vmem_shared>>) target_semaphore(%run_scoped3A : memref<!tpu.dma_semaphore, #tpu.memory_space<semaphore_mem>>)
        %dma_wait3A = arith.constant 0 : i32
        %dma_wait3A_33 = tpu.memref_slice %arg12[%add3A_28, %dma_wait3A] : memref<10240x128xf32, #tpu.memory_space<vmem_shared>> -> memref<8x128xf32, #tpu.memory_space<vmem_shared>>
        %dma_wait3A_34 = arith.constant 0 : i32
        %dma_wait3A_35 = tpu.memref_slice %arg12[%add3A_28, %dma_wait3A_34] : memref<10240x128xf32, #tpu.memory_space<vmem_shared>> -> memref<8x128xf32, #tpu.memory_space<vmem_shared>>
        tpu.wait_dma2 semaphore(%run_scoped3A : memref<!tpu.dma_semaphore, #tpu.memory_space<semaphore_mem>>) src(%arg11 : memref<8x128xf32, #tpu.memory_space<vmem>>) dst(%dma_wait3A_35 : memref<8x128xf32, #tpu.memory_space<vmem_shared>>)
        tpu.yield
      }) : () -> ()
      %scan3A_29 = arith.constant 0 : i32
      scf.yield %scan3A_29 : i32
    }
    %scan3A_15 = arith.constant 80 : i32
    %barrier3A = arith.constant 0 : index
    tpu.barrier barrier_id(%barrier3A)
    %scan3A_16 = arith.constant 0 : i32
    %scan3A_17 = arith.constant 0 : i32
    %scan3A_18 = arith.constant 5 : i32
    %scan3A_19 = arith.addi %scan3A_17, %scan3A_18 : i32
    %scan3A_20 = arith.constant 1 : i32
    %scan3A_21 = scf.for %scan3A_24 = %scan3A_17 to %scan3A_19 step %scan3A_20 iter_args(%scan3A_25 = %scan3A_16) -> (i32)  : i32 {
      "tpu.region"() ({
        %run_scoped3A = tpu.sem_alloc : memref<!tpu.dma_semaphore, #tpu.memory_space<semaphore_mem>>
        %dma_start3A_144 = arith.constant 0 : i32
        %dma_start3A_145 = arith.constant 0 : i32
        %dma_start3A_146 = tpu.memref_slice %arg3[%add3A, %scan3A_24, %dma_start3A_144, %dma_start3A_145] : memref<32x5x25x80xi32, #tpu.memory_space<hbm>> -> memref<1x1x25x80xi32, #tpu.memory_space<hbm>>
        %dma_start3A_147 = tpu.memref_squeeze %dma_start3A_146 : memref<1x1x25x80xi32, #tpu.memory_space<hbm>> -> memref<25x80xi32, #tpu.memory_space<hbm>>
        %dma_start3A_148 = arith.constant 0 : i32
        %dma_start3A_149 = arith.constant 0 : i32
        %dma_start3A_150 = tpu.memref_slice %arg3[%add3A, %scan3A_24, %dma_start3A_148, %dma_start3A_149] : memref<32x5x25x80xi32, #tpu.memory_space<hbm>> -> memref<1x1x25x80xi32, #tpu.memory_space<hbm>>
        %dma_start3A_151 = tpu.memref_squeeze %dma_start3A_150 : memref<1x1x25x80xi32, #tpu.memory_space<hbm>> -> memref<25x80xi32, #tpu.memory_space<hbm>>
        tpu.enqueue_dma source(%dma_start3A_151 : memref<25x80xi32, #tpu.memory_space<hbm>>) target(%arg6 : memref<25x80xi32, #tpu.memory_space<vmem>>) target_semaphore(%run_scoped3A : memref<!tpu.dma_semaphore, #tpu.memory_space<semaphore_mem>>)
        %dma_wait3A_152 = arith.constant 0 : i32
        %dma_wait3A_153 = arith.constant 0 : i32
        %dma_wait3A_154 = tpu.memref_slice %arg3[%add3A, %scan3A_24, %dma_wait3A_152, %dma_wait3A_153] : memref<32x5x25x80xi32, #tpu.memory_space<hbm>> -> memref<1x1x25x80xi32, #tpu.memory_space<hbm>>
        %dma_wait3A_155 = tpu.memref_squeeze %dma_wait3A_154 : memref<1x1x25x80xi32, #tpu.memory_space<hbm>> -> memref<25x80xi32, #tpu.memory_space<hbm>>
        %dma_wait3A_156 = arith.constant 0 : i32
        %dma_wait3A_157 = arith.constant 0 : i32
        %dma_wait3A_158 = tpu.memref_slice %arg3[%add3A, %scan3A_24, %dma_wait3A_156, %dma_wait3A_157] : memref<32x5x25x80xi32, #tpu.memory_space<hbm>> -> memref<1x1x25x80xi32, #tpu.memory_space<hbm>>
        %dma_wait3A_159 = tpu.memref_squeeze %dma_wait3A_158 : memref<1x1x25x80xi32, #tpu.memory_space<hbm>> -> memref<25x80xi32, #tpu.memory_space<hbm>>
        tpu.wait_dma2 semaphore(%run_scoped3A : memref<!tpu.dma_semaphore, #tpu.memory_space<semaphore_mem>>) src(%dma_wait3A_159 : memref<25x80xi32, #tpu.memory_space<hbm>>) dst(%arg6 : memref<25x80xi32, #tpu.memory_space<vmem>>)
        tpu.yield
      }) : () -> ()
      "tpu.region"() ({
        %run_scoped3A = tpu.sem_alloc : memref<!tpu.dma_semaphore, #tpu.memory_space<semaphore_mem>>
        %dma_start3A_144 = arith.constant 0 : i32
        %dma_start3A_145 = arith.constant 0 : i32
        %dma_start3A_146 = tpu.memref_slice %arg4[%add3A, %scan3A_24, %dma_start3A_144, %dma_start3A_145] : memref<32x5x25x80xi32, #tpu.memory_space<hbm>> -> memref<1x1x25x80xi32, #tpu.memory_space<hbm>>
        %dma_start3A_147 = tpu.memref_squeeze %dma_start3A_146 : memref<1x1x25x80xi32, #tpu.memory_space<hbm>> -> memref<25x80xi32, #tpu.memory_space<hbm>>
        %dma_start3A_148 = arith.constant 0 : i32
        %dma_start3A_149 = arith.constant 0 : i32
        %dma_start3A_150 = tpu.memref_slice %arg4[%add3A, %scan3A_24, %dma_start3A_148, %dma_start3A_149] : memref<32x5x25x80xi32, #tpu.memory_space<hbm>> -> memref<1x1x25x80xi32, #tpu.memory_space<hbm>>
        %dma_start3A_151 = tpu.memref_squeeze %dma_start3A_150 : memref<1x1x25x80xi32, #tpu.memory_space<hbm>> -> memref<25x80xi32, #tpu.memory_space<hbm>>
        tpu.enqueue_dma source(%dma_start3A_151 : memref<25x80xi32, #tpu.memory_space<hbm>>) target(%arg7 : memref<25x80xi32, #tpu.memory_space<vmem>>) target_semaphore(%run_scoped3A : memref<!tpu.dma_semaphore, #tpu.memory_space<semaphore_mem>>)
        %dma_wait3A_152 = arith.constant 0 : i32
        %dma_wait3A_153 = arith.constant 0 : i32
        %dma_wait3A_154 = tpu.memref_slice %arg4[%add3A, %scan3A_24, %dma_wait3A_152, %dma_wait3A_153] : memref<32x5x25x80xi32, #tpu.memory_space<hbm>> -> memref<1x1x25x80xi32, #tpu.memory_space<hbm>>
        %dma_wait3A_155 = tpu.memref_squeeze %dma_wait3A_154 : memref<1x1x25x80xi32, #tpu.memory_space<hbm>> -> memref<25x80xi32, #tpu.memory_space<hbm>>
        %dma_wait3A_156 = arith.constant 0 : i32
        %dma_wait3A_157 = arith.constant 0 : i32
        %dma_wait3A_158 = tpu.memref_slice %arg4[%add3A, %scan3A_24, %dma_wait3A_156, %dma_wait3A_157] : memref<32x5x25x80xi32, #tpu.memory_space<hbm>> -> memref<1x1x25x80xi32, #tpu.memory_space<hbm>>
        %dma_wait3A_159 = tpu.memref_squeeze %dma_wait3A_158 : memref<1x1x25x80xi32, #tpu.memory_space<hbm>> -> memref<25x80xi32, #tpu.memory_space<hbm>>
        tpu.wait_dma2 semaphore(%run_scoped3A : memref<!tpu.dma_semaphore, #tpu.memory_space<semaphore_mem>>) src(%dma_wait3A_159 : memref<25x80xi32, #tpu.memory_space<hbm>>) dst(%arg7 : memref<25x80xi32, #tpu.memory_space<vmem>>)
        tpu.yield
      }) : () -> ()
      %dma_start3A = arith.constant 0 : i32
      %dma_start3A_26 = arith.constant 0 : i32
      %dma_start3A_27 = tpu.memref_slice %arg6[%dma_start3A, %dma_start3A_26] : memref<25x80xi32, #tpu.memory_space<vmem>> -> memref<1x80xi32, #tpu.memory_space<vmem>>
      %dma_start3A_28 = tpu.memref_squeeze %dma_start3A_27 : memref<1x80xi32, #tpu.memory_space<vmem>> -> memref<80xi32, #tpu.memory_space<vmem>>
      %dma_start3A_29 = arith.constant 0 : i32
      %dma_start3A_30 = arith.constant 0 : i32
      %dma_start3A_31 = tpu.memref_slice %arg2[%dma_start3A_29, %dma_start3A_30] : memref<10240x128xf32, #tpu.memory_space<hbm>> -> memref<10240x128xf32, #tpu.memory_space<hbm>>
      tpu.enqueue_indirect_dma source(%dma_start3A_31 : memref<10240x128xf32, #tpu.memory_space<hbm>>) target(%arg8 : memref<80x128xf32, #tpu.memory_space<vmem>>) offsets(%dma_start3A_28 : memref<80xi32, #tpu.memory_space<vmem>>) semaphore(%arg13 : memref<!tpu.dma_semaphore, #tpu.memory_space<semaphore_mem>>)
      %dma_start3A_32 = arith.constant 1 : i32
      %dma_start3A_33 = arith.constant 0 : i32
      %dma_start3A_34 = tpu.memref_slice %arg6[%dma_start3A_32, %dma_start3A_33] : memref<25x80xi32, #tpu.memory_space<vmem>> -> memref<1x80xi32, #tpu.memory_space<vmem>>
      %dma_start3A_35 = tpu.memref_squeeze %dma_start3A_34 : memref<1x80xi32, #tpu.memory_space<vmem>> -> memref<80xi32, #tpu.memory_space<vmem>>
      %dma_start3A_36 = arith.constant 0 : i32
      %dma_start3A_37 = arith.constant 0 : i32
      %dma_start3A_38 = tpu.memref_slice %arg2[%dma_start3A_36, %dma_start3A_37] : memref<10240x128xf32, #tpu.memory_space<hbm>> -> memref<10240x128xf32, #tpu.memory_space<hbm>>
      tpu.enqueue_indirect_dma source(%dma_start3A_38 : memref<10240x128xf32, #tpu.memory_space<hbm>>) target(%arg9 : memref<80x128xf32, #tpu.memory_space<vmem>>) offsets(%dma_start3A_35 : memref<80xi32, #tpu.memory_space<vmem>>) semaphore(%arg14 : memref<!tpu.dma_semaphore, #tpu.memory_space<semaphore_mem>>)
      %dma_wait3A = arith.constant 0 : i32
      %dma_wait3A_39 = arith.constant 0 : i32
      %dma_wait3A_40 = tpu.memref_slice %arg6[%dma_wait3A, %dma_wait3A_39] : memref<25x80xi32, #tpu.memory_space<vmem>> -> memref<1x80xi32, #tpu.memory_space<vmem>>
      %dma_wait3A_41 = tpu.memref_squeeze %dma_wait3A_40 : memref<1x80xi32, #tpu.memory_space<vmem>> -> memref<80xi32, #tpu.memory_space<vmem>>
      %dma_wait3A_42 = arith.constant 0 : i32
      %dma_wait3A_43 = arith.constant 0 : i32
      %dma_wait3A_44 = tpu.memref_slice %arg2[%dma_wait3A_42, %dma_wait3A_43] : memref<10240x128xf32, #tpu.memory_space<hbm>> -> memref<10240x128xf32, #tpu.memory_space<hbm>>
      tpu.wait_indirect_dma semaphore(%arg13 : memref<!tpu.dma_semaphore, #tpu.memory_space<semaphore_mem>>) src(%dma_wait3A_44 : memref<10240x128xf32, #tpu.memory_space<hbm>>) dst(%arg8 : memref<80x128xf32, #tpu.memory_space<vmem>>)
      %dma_start3A_45 = arith.constant 0 : i32
      %dma_start3A_46 = arith.constant 0 : i32
      %dma_start3A_47 = tpu.memref_slice %arg7[%dma_start3A_45, %dma_start3A_46] : memref<25x80xi32, #tpu.memory_space<vmem>> -> memref<1x80xi32, #tpu.memory_space<vmem>>
      %dma_start3A_48 = tpu.memref_squeeze %dma_start3A_47 : memref<1x80xi32, #tpu.memory_space<vmem>> -> memref<80xi32, #tpu.memory_space<vmem>>
      %dma_start3A_49 = arith.constant 0 : i32
      %dma_start3A_50 = arith.constant 0 : i32
      %dma_start3A_51 = tpu.memref_slice %arg12[%dma_start3A_49, %dma_start3A_50] : memref<10240x128xf32, #tpu.memory_space<vmem_shared>> -> memref<10240x128xf32, #tpu.memory_space<vmem_shared>>
      tpu.enqueue_indirect_dma source(%arg8 : memref<80x128xf32, #tpu.memory_space<vmem>>) target(%dma_start3A_51 : memref<10240x128xf32, #tpu.memory_space<vmem_shared>>) offsets(%dma_start3A_48 : memref<80xi32, #tpu.memory_space<vmem>>) semaphore(%arg16 : memref<!tpu.dma_semaphore, #tpu.memory_space<semaphore_mem>>) {add = true}
      %dma_start3A_52 = arith.constant 2 : i32
      %dma_start3A_53 = arith.constant 0 : i32
      %dma_start3A_54 = tpu.memref_slice %arg6[%dma_start3A_52, %dma_start3A_53] : memref<25x80xi32, #tpu.memory_space<vmem>> -> memref<1x80xi32, #tpu.memory_space<vmem>>
      %dma_start3A_55 = tpu.memref_squeeze %dma_start3A_54 : memref<1x80xi32, #tpu.memory_space<vmem>> -> memref<80xi32, #tpu.memory_space<vmem>>
      %dma_start3A_56 = arith.constant 0 : i32
      %dma_start3A_57 = arith.constant 0 : i32
      %dma_start3A_58 = tpu.memref_slice %arg2[%dma_start3A_56, %dma_start3A_57] : memref<10240x128xf32, #tpu.memory_space<hbm>> -> memref<10240x128xf32, #tpu.memory_space<hbm>>
      tpu.enqueue_indirect_dma source(%dma_start3A_58 : memref<10240x128xf32, #tpu.memory_space<hbm>>) target(%arg10 : memref<80x128xf32, #tpu.memory_space<vmem>>) offsets(%dma_start3A_55 : memref<80xi32, #tpu.memory_space<vmem>>) semaphore(%arg15 : memref<!tpu.dma_semaphore, #tpu.memory_space<semaphore_mem>>)
      %dma_wait3A_59 = arith.constant 1 : i32
      %dma_wait3A_60 = arith.constant 0 : i32
      %dma_wait3A_61 = tpu.memref_slice %arg6[%dma_wait3A_59, %dma_wait3A_60] : memref<25x80xi32, #tpu.memory_space<vmem>> -> memref<1x80xi32, #tpu.memory_space<vmem>>
      %dma_wait3A_62 = tpu.memref_squeeze %dma_wait3A_61 : memref<1x80xi32, #tpu.memory_space<vmem>> -> memref<80xi32, #tpu.memory_space<vmem>>
      %dma_wait3A_63 = arith.constant 0 : i32
      %dma_wait3A_64 = arith.constant 0 : i32
      %dma_wait3A_65 = tpu.memref_slice %arg2[%dma_wait3A_63, %dma_wait3A_64] : memref<10240x128xf32, #tpu.memory_space<hbm>> -> memref<10240x128xf32, #tpu.memory_space<hbm>>
      tpu.wait_indirect_dma semaphore(%arg14 : memref<!tpu.dma_semaphore, #tpu.memory_space<semaphore_mem>>) src(%dma_wait3A_65 : memref<10240x128xf32, #tpu.memory_space<hbm>>) dst(%arg9 : memref<80x128xf32, #tpu.memory_space<vmem>>)
      %dma_start3A_66 = arith.constant 1 : i32
      %dma_start3A_67 = arith.constant 0 : i32
      %dma_start3A_68 = tpu.memref_slice %arg7[%dma_start3A_66, %dma_start3A_67] : memref<25x80xi32, #tpu.memory_space<vmem>> -> memref<1x80xi32, #tpu.memory_space<vmem>>
      %dma_start3A_69 = tpu.memref_squeeze %dma_start3A_68 : memref<1x80xi32, #tpu.memory_space<vmem>> -> memref<80xi32, #tpu.memory_space<vmem>>
      %dma_start3A_70 = arith.constant 0 : i32
      %dma_start3A_71 = arith.constant 0 : i32
      %dma_start3A_72 = tpu.memref_slice %arg12[%dma_start3A_70, %dma_start3A_71] : memref<10240x128xf32, #tpu.memory_space<vmem_shared>> -> memref<10240x128xf32, #tpu.memory_space<vmem_shared>>
      tpu.enqueue_indirect_dma source(%arg9 : memref<80x128xf32, #tpu.memory_space<vmem>>) target(%dma_start3A_72 : memref<10240x128xf32, #tpu.memory_space<vmem_shared>>) offsets(%dma_start3A_69 : memref<80xi32, #tpu.memory_space<vmem>>) semaphore(%arg17 : memref<!tpu.dma_semaphore, #tpu.memory_space<semaphore_mem>>) {add = true}
      %scan3A_73 = arith.constant 0 : i32
      %scan3A_74 = arith.constant 0 : i32
      %scan3A_75 = arith.constant 7 : i32
      %scan3A_76 = arith.addi %scan3A_74, %scan3A_75 : i32
      %scan3A_77 = arith.constant 1 : i32
      %scan3A_78 = scf.for %scan3A_144 = %scan3A_74 to %scan3A_76 step %scan3A_77 iter_args(%scan3A_145 = %scan3A_73) -> (i32)  : i32 {
        %mul3A_146 = arith.constant 3 : i32
        %mul3A_147 = arith.muli %mul3A_146, %scan3A_144 : i32
        %add3A_148 = arith.constant 2 : i32
        %add3A_149 = arith.addi %add3A_148, %mul3A_147 : i32
        %sub3A = arith.constant 2 : i32
        %sub3A_150 = arith.subi %add3A_149, %sub3A : i32
        %dma_wait3A_151 = arith.constant 0 : i32
        %dma_wait3A_152 = tpu.memref_slice %arg7[%sub3A_150, %dma_wait3A_151] : memref<25x80xi32, #tpu.memory_space<vmem>> -> memref<1x80xi32, #tpu.memory_space<vmem>>
        %dma_wait3A_153 = tpu.memref_squeeze %dma_wait3A_152 : memref<1x80xi32, #tpu.memory_space<vmem>> -> memref<80xi32, #tpu.memory_space<vmem>>
        %dma_wait3A_154 = arith.constant 0 : i32
        %dma_wait3A_155 = arith.constant 0 : i32
        %dma_wait3A_156 = tpu.memref_slice %arg12[%dma_wait3A_154, %dma_wait3A_155] : memref<10240x128xf32, #tpu.memory_space<vmem_shared>> -> memref<10240x128xf32, #tpu.memory_space<vmem_shared>>
        tpu.wait_indirect_dma semaphore(%arg16 : memref<!tpu.dma_semaphore, #tpu.memory_space<semaphore_mem>>) src(%arg8 : memref<80x128xf32, #tpu.memory_space<vmem>>) dst(%dma_wait3A_156 : memref<10240x128xf32, #tpu.memory_space<vmem_shared>>)
        %add3A_157 = arith.constant 1 : i32
        %add3A_158 = arith.addi %add3A_149, %add3A_157 : i32
        %dma_start3A_159 = arith.constant 0 : i32
        %dma_start3A_160 = tpu.memref_slice %arg6[%add3A_158, %dma_start3A_159] : memref<25x80xi32, #tpu.memory_space<vmem>> -> memref<1x80xi32, #tpu.memory_space<vmem>>
        %dma_start3A_161 = tpu.memref_squeeze %dma_start3A_160 : memref<1x80xi32, #tpu.memory_space<vmem>> -> memref<80xi32, #tpu.memory_space<vmem>>
        %dma_start3A_162 = arith.constant 0 : i32
        %dma_start3A_163 = arith.constant 0 : i32
        %dma_start3A_164 = tpu.memref_slice %arg2[%dma_start3A_162, %dma_start3A_163] : memref<10240x128xf32, #tpu.memory_space<hbm>> -> memref<10240x128xf32, #tpu.memory_space<hbm>>
        tpu.enqueue_indirect_dma source(%dma_start3A_164 : memref<10240x128xf32, #tpu.memory_space<hbm>>) target(%arg8 : memref<80x128xf32, #tpu.memory_space<vmem>>) offsets(%dma_start3A_161 : memref<80xi32, #tpu.memory_space<vmem>>) semaphore(%arg13 : memref<!tpu.dma_semaphore, #tpu.memory_space<semaphore_mem>>)
        %dma_wait3A_165 = arith.constant 0 : i32
        %dma_wait3A_166 = tpu.memref_slice %arg6[%add3A_149, %dma_wait3A_165] : memref<25x80xi32, #tpu.memory_space<vmem>> -> memref<1x80xi32, #tpu.memory_space<vmem>>
        %dma_wait3A_167 = tpu.memref_squeeze %dma_wait3A_166 : memref<1x80xi32, #tpu.memory_space<vmem>> -> memref<80xi32, #tpu.memory_space<vmem>>
        %dma_wait3A_168 = arith.constant 0 : i32
        %dma_wait3A_169 = arith.constant 0 : i32
        %dma_wait3A_170 = tpu.memref_slice %arg2[%dma_wait3A_168, %dma_wait3A_169] : memref<10240x128xf32, #tpu.memory_space<hbm>> -> memref<10240x128xf32, #tpu.memory_space<hbm>>
        tpu.wait_indirect_dma semaphore(%arg15 : memref<!tpu.dma_semaphore, #tpu.memory_space<semaphore_mem>>) src(%dma_wait3A_170 : memref<10240x128xf32, #tpu.memory_space<hbm>>) dst(%arg10 : memref<80x128xf32, #tpu.memory_space<vmem>>)
        %dma_start3A_171 = arith.constant 0 : i32
        %dma_start3A_172 = tpu.memref_slice %arg7[%add3A_149, %dma_start3A_171] : memref<25x80xi32, #tpu.memory_space<vmem>> -> memref<1x80xi32, #tpu.memory_space<vmem>>
        %dma_start3A_173 = tpu.memref_squeeze %dma_start3A_172 : memref<1x80xi32, #tpu.memory_space<vmem>> -> memref<80xi32, #tpu.memory_space<vmem>>
        %dma_start3A_174 = arith.constant 0 : i32
        %dma_start3A_175 = arith.constant 0 : i32
        %dma_start3A_176 = tpu.memref_slice %arg12[%dma_start3A_174, %dma_start3A_175] : memref<10240x128xf32, #tpu.memory_space<vmem_shared>> -> memref<10240x128xf32, #tpu.memory_space<vmem_shared>>
        tpu.enqueue_indirect_dma source(%arg10 : memref<80x128xf32, #tpu.memory_space<vmem>>) target(%dma_start3A_176 : memref<10240x128xf32, #tpu.memory_space<vmem_shared>>) offsets(%dma_start3A_173 : memref<80xi32, #tpu.memory_space<vmem>>) semaphore(%arg18 : memref<!tpu.dma_semaphore, #tpu.memory_space<semaphore_mem>>) {add = true}
        %sub3A_177 = arith.constant 1 : i32
        %sub3A_178 = arith.subi %add3A_149, %sub3A_177 : i32
        %dma_wait3A_179 = arith.constant 0 : i32
        %dma_wait3A_180 = tpu.memref_slice %arg7[%sub3A_178, %dma_wait3A_179] : memref<25x80xi32, #tpu.memory_space<vmem>> -> memref<1x80xi32, #tpu.memory_space<vmem>>
        %dma_wait3A_181 = tpu.memref_squeeze %dma_wait3A_180 : memref<1x80xi32, #tpu.memory_space<vmem>> -> memref<80xi32, #tpu.memory_space<vmem>>
        %dma_wait3A_182 = arith.constant 0 : i32
        %dma_wait3A_183 = arith.constant 0 : i32
        %dma_wait3A_184 = tpu.memref_slice %arg12[%dma_wait3A_182, %dma_wait3A_183] : memref<10240x128xf32, #tpu.memory_space<vmem_shared>> -> memref<10240x128xf32, #tpu.memory_space<vmem_shared>>
        tpu.wait_indirect_dma semaphore(%arg17 : memref<!tpu.dma_semaphore, #tpu.memory_space<semaphore_mem>>) src(%arg9 : memref<80x128xf32, #tpu.memory_space<vmem>>) dst(%dma_wait3A_184 : memref<10240x128xf32, #tpu.memory_space<vmem_shared>>)
        %add3A_185 = arith.constant 2 : i32
        %add3A_186 = arith.addi %add3A_149, %add3A_185 : i32
        %dma_start3A_187 = arith.constant 0 : i32
        %dma_start3A_188 = tpu.memref_slice %arg6[%add3A_186, %dma_start3A_187] : memref<25x80xi32, #tpu.memory_space<vmem>> -> memref<1x80xi32, #tpu.memory_space<vmem>>
        %dma_start3A_189 = tpu.memref_squeeze %dma_start3A_188 : memref<1x80xi32, #tpu.memory_space<vmem>> -> memref<80xi32, #tpu.memory_space<vmem>>
        %dma_start3A_190 = arith.constant 0 : i32
        %dma_start3A_191 = arith.constant 0 : i32
        %dma_start3A_192 = tpu.memref_slice %arg2[%dma_start3A_190, %dma_start3A_191] : memref<10240x128xf32, #tpu.memory_space<hbm>> -> memref<10240x128xf32, #tpu.memory_space<hbm>>
        tpu.enqueue_indirect_dma source(%dma_start3A_192 : memref<10240x128xf32, #tpu.memory_space<hbm>>) target(%arg9 : memref<80x128xf32, #tpu.memory_space<vmem>>) offsets(%dma_start3A_189 : memref<80xi32, #tpu.memory_space<vmem>>) semaphore(%arg14 : memref<!tpu.dma_semaphore, #tpu.memory_space<semaphore_mem>>)
        %add3A_193 = arith.constant 1 : i32
        %add3A_194 = arith.addi %add3A_149, %add3A_193 : i32
        %dma_wait3A_195 = arith.constant 0 : i32
        %dma_wait3A_196 = tpu.memref_slice %arg6[%add3A_194, %dma_wait3A_195] : memref<25x80xi32, #tpu.memory_space<vmem>> -> memref<1x80xi32, #tpu.memory_space<vmem>>
        %dma_wait3A_197 = tpu.memref_squeeze %dma_wait3A_196 : memref<1x80xi32, #tpu.memory_space<vmem>> -> memref<80xi32, #tpu.memory_space<vmem>>
        %dma_wait3A_198 = arith.constant 0 : i32
        %dma_wait3A_199 = arith.constant 0 : i32
        %dma_wait3A_200 = tpu.memref_slice %arg2[%dma_wait3A_198, %dma_wait3A_199] : memref<10240x128xf32, #tpu.memory_space<hbm>> -> memref<10240x128xf32, #tpu.memory_space<hbm>>
        tpu.wait_indirect_dma semaphore(%arg13 : memref<!tpu.dma_semaphore, #tpu.memory_space<semaphore_mem>>) src(%dma_wait3A_200 : memref<10240x128xf32, #tpu.memory_space<hbm>>) dst(%arg8 : memref<80x128xf32, #tpu.memory_space<vmem>>)
        %add3A_201 = arith.constant 1 : i32
        %add3A_202 = arith.addi %add3A_149, %add3A_201 : i32
        %dma_start3A_203 = arith.constant 0 : i32
        %dma_start3A_204 = tpu.memref_slice %arg7[%add3A_202, %dma_start3A_203] : memref<25x80xi32, #tpu.memory_space<vmem>> -> memref<1x80xi32, #tpu.memory_space<vmem>>
        %dma_start3A_205 = tpu.memref_squeeze %dma_start3A_204 : memref<1x80xi32, #tpu.memory_space<vmem>> -> memref<80xi32, #tpu.memory_space<vmem>>
        %dma_start3A_206 = arith.constant 0 : i32
        %dma_start3A_207 = arith.constant 0 : i32
        %dma_start3A_208 = tpu.memref_slice %arg12[%dma_start3A_206, %dma_start3A_207] : memref<10240x128xf32, #tpu.memory_space<vmem_shared>> -> memref<10240x128xf32, #tpu.memory_space<vmem_shared>>
        tpu.enqueue_indirect_dma source(%arg8 : memref<80x128xf32, #tpu.memory_space<vmem>>) target(%dma_start3A_208 : memref<10240x128xf32, #tpu.memory_space<vmem_shared>>) offsets(%dma_start3A_205 : memref<80xi32, #tpu.memory_space<vmem>>) semaphore(%arg16 : memref<!tpu.dma_semaphore, #tpu.memory_space<semaphore_mem>>) {add = true}
        %dma_wait3A_209 = arith.constant 0 : i32
        %dma_wait3A_210 = tpu.memref_slice %arg7[%add3A_149, %dma_wait3A_209] : memref<25x80xi32, #tpu.memory_space<vmem>> -> memref<1x80xi32, #tpu.memory_space<vmem>>
        %dma_wait3A_211 = tpu.memref_squeeze %dma_wait3A_210 : memref<1x80xi32, #tpu.memory_space<vmem>> -> memref<80xi32, #tpu.memory_space<vmem>>
        %dma_wait3A_212 = arith.constant 0 : i32
        %dma_wait3A_213 = arith.constant 0 : i32
        %dma_wait3A_214 = tpu.memref_slice %arg12[%dma_wait3A_212, %dma_wait3A_213] : memref<10240x128xf32, #tpu.memory_space<vmem_shared>> -> memref<10240x128xf32, #tpu.memory_space<vmem_shared>>
        tpu.wait_indirect_dma semaphore(%arg18 : memref<!tpu.dma_semaphore, #tpu.memory_space<semaphore_mem>>) src(%arg10 : memref<80x128xf32, #tpu.memory_space<vmem>>) dst(%dma_wait3A_214 : memref<10240x128xf32, #tpu.memory_space<vmem_shared>>)
        %add3A_215 = arith.constant 3 : i32
        %add3A_216 = arith.addi %add3A_149, %add3A_215 : i32
        %dma_start3A_217 = arith.constant 0 : i32
        %dma_start3A_218 = tpu.memref_slice %arg6[%add3A_216, %dma_start3A_217] : memref<25x80xi32, #tpu.memory_space<vmem>> -> memref<1x80xi32, #tpu.memory_space<vmem>>
        %dma_start3A_219 = tpu.memref_squeeze %dma_start3A_218 : memref<1x80xi32, #tpu.memory_space<vmem>> -> memref<80xi32, #tpu.memory_space<vmem>>
        %dma_start3A_220 = arith.constant 0 : i32
        %dma_start3A_221 = arith.constant 0 : i32
        %dma_start3A_222 = tpu.memref_slice %arg2[%dma_start3A_220, %dma_start3A_221] : memref<10240x128xf32, #tpu.memory_space<hbm>> -> memref<10240x128xf32, #tpu.memory_space<hbm>>
        tpu.enqueue_indirect_dma source(%dma_start3A_222 : memref<10240x128xf32, #tpu.memory_space<hbm>>) target(%arg10 : memref<80x128xf32, #tpu.memory_space<vmem>>) offsets(%dma_start3A_219 : memref<80xi32, #tpu.memory_space<vmem>>) semaphore(%arg15 : memref<!tpu.dma_semaphore, #tpu.memory_space<semaphore_mem>>)
        %add3A_223 = arith.constant 2 : i32
        %add3A_224 = arith.addi %add3A_149, %add3A_223 : i32
        %dma_wait3A_225 = arith.constant 0 : i32
        %dma_wait3A_226 = tpu.memref_slice %arg6[%add3A_224, %dma_wait3A_225] : memref<25x80xi32, #tpu.memory_space<vmem>> -> memref<1x80xi32, #tpu.memory_space<vmem>>
        %dma_wait3A_227 = tpu.memref_squeeze %dma_wait3A_226 : memref<1x80xi32, #tpu.memory_space<vmem>> -> memref<80xi32, #tpu.memory_space<vmem>>
        %dma_wait3A_228 = arith.constant 0 : i32
        %dma_wait3A_229 = arith.constant 0 : i32
        %dma_wait3A_230 = tpu.memref_slice %arg2[%dma_wait3A_228, %dma_wait3A_229] : memref<10240x128xf32, #tpu.memory_space<hbm>> -> memref<10240x128xf32, #tpu.memory_space<hbm>>
        tpu.wait_indirect_dma semaphore(%arg14 : memref<!tpu.dma_semaphore, #tpu.memory_space<semaphore_mem>>) src(%dma_wait3A_230 : memref<10240x128xf32, #tpu.memory_space<hbm>>) dst(%arg9 : memref<80x128xf32, #tpu.memory_space<vmem>>)
        %add3A_231 = arith.constant 2 : i32
        %add3A_232 = arith.addi %add3A_149, %add3A_231 : i32
        %dma_start3A_233 = arith.constant 0 : i32
        %dma_start3A_234 = tpu.memref_slice %arg7[%add3A_232, %dma_start3A_233] : memref<25x80xi32, #tpu.memory_space<vmem>> -> memref<1x80xi32, #tpu.memory_space<vmem>>
        %dma_start3A_235 = tpu.memref_squeeze %dma_start3A_234 : memref<1x80xi32, #tpu.memory_space<vmem>> -> memref<80xi32, #tpu.memory_space<vmem>>
        %dma_start3A_236 = arith.constant 0 : i32
        %dma_start3A_237 = arith.constant 0 : i32
        %dma_start3A_238 = tpu.memref_slice %arg12[%dma_start3A_236, %dma_start3A_237] : memref<10240x128xf32, #tpu.memory_space<vmem_shared>> -> memref<10240x128xf32, #tpu.memory_space<vmem_shared>>
        tpu.enqueue_indirect_dma source(%arg9 : memref<80x128xf32, #tpu.memory_space<vmem>>) target(%dma_start3A_238 : memref<10240x128xf32, #tpu.memory_space<vmem_shared>>) offsets(%dma_start3A_235 : memref<80xi32, #tpu.memory_space<vmem>>) semaphore(%arg17 : memref<!tpu.dma_semaphore, #tpu.memory_space<semaphore_mem>>) {add = true}
        %scan3A_239 = arith.constant 0 : i32
        scf.yield %scan3A_239 : i32
      }
      %scan3A_79 = arith.constant 7 : i32
      %dma_wait3A_80 = arith.constant 21 : i32
      %dma_wait3A_81 = arith.constant 0 : i32
      %dma_wait3A_82 = tpu.memref_slice %arg7[%dma_wait3A_80, %dma_wait3A_81] : memref<25x80xi32, #tpu.memory_space<vmem>> -> memref<1x80xi32, #tpu.memory_space<vmem>>
      %dma_wait3A_83 = tpu.memref_squeeze %dma_wait3A_82 : memref<1x80xi32, #tpu.memory_space<vmem>> -> memref<80xi32, #tpu.memory_space<vmem>>
      %dma_wait3A_84 = arith.constant 0 : i32
      %dma_wait3A_85 = arith.constant 0 : i32
      %dma_wait3A_86 = tpu.memref_slice %arg12[%dma_wait3A_84, %dma_wait3A_85] : memref<10240x128xf32, #tpu.memory_space<vmem_shared>> -> memref<10240x128xf32, #tpu.memory_space<vmem_shared>>
      tpu.wait_indirect_dma semaphore(%arg16 : memref<!tpu.dma_semaphore, #tpu.memory_space<semaphore_mem>>) src(%arg8 : memref<80x128xf32, #tpu.memory_space<vmem>>) dst(%dma_wait3A_86 : memref<10240x128xf32, #tpu.memory_space<vmem_shared>>)
      %dma_start3A_87 = arith.constant 24 : i32
      %dma_start3A_88 = arith.constant 0 : i32
      %dma_start3A_89 = tpu.memref_slice %arg6[%dma_start3A_87, %dma_start3A_88] : memref<25x80xi32, #tpu.memory_space<vmem>> -> memref<1x80xi32, #tpu.memory_space<vmem>>
      %dma_start3A_90 = tpu.memref_squeeze %dma_start3A_89 : memref<1x80xi32, #tpu.memory_space<vmem>> -> memref<80xi32, #tpu.memory_space<vmem>>
      %dma_start3A_91 = arith.constant 0 : i32
      %dma_start3A_92 = arith.constant 0 : i32
      %dma_start3A_93 = tpu.memref_slice %arg2[%dma_start3A_91, %dma_start3A_92] : memref<10240x128xf32, #tpu.memory_space<hbm>> -> memref<10240x128xf32, #tpu.memory_space<hbm>>
      tpu.enqueue_indirect_dma source(%dma_start3A_93 : memref<10240x128xf32, #tpu.memory_space<hbm>>) target(%arg8 : memref<80x128xf32, #tpu.memory_space<vmem>>) offsets(%dma_start3A_90 : memref<80xi32, #tpu.memory_space<vmem>>) semaphore(%arg13 : memref<!tpu.dma_semaphore, #tpu.memory_space<semaphore_mem>>)
      %dma_wait3A_94 = arith.constant 23 : i32
      %dma_wait3A_95 = arith.constant 0 : i32
      %dma_wait3A_96 = tpu.memref_slice %arg6[%dma_wait3A_94, %dma_wait3A_95] : memref<25x80xi32, #tpu.memory_space<vmem>> -> memref<1x80xi32, #tpu.memory_space<vmem>>
      %dma_wait3A_97 = tpu.memref_squeeze %dma_wait3A_96 : memref<1x80xi32, #tpu.memory_space<vmem>> -> memref<80xi32, #tpu.memory_space<vmem>>
      %dma_wait3A_98 = arith.constant 0 : i32
      %dma_wait3A_99 = arith.constant 0 : i32
      %dma_wait3A_100 = tpu.memref_slice %arg2[%dma_wait3A_98, %dma_wait3A_99] : memref<10240x128xf32, #tpu.memory_space<hbm>> -> memref<10240x128xf32, #tpu.memory_space<hbm>>
      tpu.wait_indirect_dma semaphore(%arg15 : memref<!tpu.dma_semaphore, #tpu.memory_space<semaphore_mem>>) src(%dma_wait3A_100 : memref<10240x128xf32, #tpu.memory_space<hbm>>) dst(%arg10 : memref<80x128xf32, #tpu.memory_space<vmem>>)
      %dma_start3A_101 = arith.constant 23 : i32
      %dma_start3A_102 = arith.constant 0 : i32
      %dma_start3A_103 = tpu.memref_slice %arg7[%dma_start3A_101, %dma_start3A_102] : memref<25x80xi32, #tpu.memory_space<vmem>> -> memref<1x80xi32, #tpu.memory_space<vmem>>
      %dma_start3A_104 = tpu.memref_squeeze %dma_start3A_103 : memref<1x80xi32, #tpu.memory_space<vmem>> -> memref<80xi32, #tpu.memory_space<vmem>>
      %dma_start3A_105 = arith.constant 0 : i32
      %dma_start3A_106 = arith.constant 0 : i32
      %dma_start3A_107 = tpu.memref_slice %arg12[%dma_start3A_105, %dma_start3A_106] : memref<10240x128xf32, #tpu.memory_space<vmem_shared>> -> memref<10240x128xf32, #tpu.memory_space<vmem_shared>>
      tpu.enqueue_indirect_dma source(%arg10 : memref<80x128xf32, #tpu.memory_space<vmem>>) target(%dma_start3A_107 : memref<10240x128xf32, #tpu.memory_space<vmem_shared>>) offsets(%dma_start3A_104 : memref<80xi32, #tpu.memory_space<vmem>>) semaphore(%arg18 : memref<!tpu.dma_semaphore, #tpu.memory_space<semaphore_mem>>) {add = true}
      %dma_wait3A_108 = arith.constant 24 : i32
      %dma_wait3A_109 = arith.constant 0 : i32
      %dma_wait3A_110 = tpu.memref_slice %arg6[%dma_wait3A_108, %dma_wait3A_109] : memref<25x80xi32, #tpu.memory_space<vmem>> -> memref<1x80xi32, #tpu.memory_space<vmem>>
      %dma_wait3A_111 = tpu.memref_squeeze %dma_wait3A_110 : memref<1x80xi32, #tpu.memory_space<vmem>> -> memref<80xi32, #tpu.memory_space<vmem>>
      %dma_wait3A_112 = arith.constant 0 : i32
      %dma_wait3A_113 = arith.constant 0 : i32
      %dma_wait3A_114 = tpu.memref_slice %arg2[%dma_wait3A_112, %dma_wait3A_113] : memref<10240x128xf32, #tpu.memory_space<hbm>> -> memref<10240x128xf32, #tpu.memory_space<hbm>>
      tpu.wait_indirect_dma semaphore(%arg13 : memref<!tpu.dma_semaphore, #tpu.memory_space<semaphore_mem>>) src(%dma_wait3A_114 : memref<10240x128xf32, #tpu.memory_space<hbm>>) dst(%arg8 : memref<80x128xf32, #tpu.memory_space<vmem>>)
      %dma_start3A_115 = arith.constant 24 : i32
      %dma_start3A_116 = arith.constant 0 : i32
      %dma_start3A_117 = tpu.memref_slice %arg7[%dma_start3A_115, %dma_start3A_116] : memref<25x80xi32, #tpu.memory_space<vmem>> -> memref<1x80xi32, #tpu.memory_space<vmem>>
      %dma_start3A_118 = tpu.memref_squeeze %dma_start3A_117 : memref<1x80xi32, #tpu.memory_space<vmem>> -> memref<80xi32, #tpu.memory_space<vmem>>
      %dma_start3A_119 = arith.constant 0 : i32
      %dma_start3A_120 = arith.constant 0 : i32
      %dma_start3A_121 = tpu.memref_slice %arg12[%dma_start3A_119, %dma_start3A_120] : memref<10240x128xf32, #tpu.memory_space<vmem_shared>> -> memref<10240x128xf32, #tpu.memory_space<vmem_shared>>
      tpu.enqueue_indirect_dma source(%arg8 : memref<80x128xf32, #tpu.memory_space<vmem>>) target(%dma_start3A_121 : memref<10240x128xf32, #tpu.memory_space<vmem_shared>>) offsets(%dma_start3A_118 : memref<80xi32, #tpu.memory_space<vmem>>) semaphore(%arg16 : memref<!tpu.dma_semaphore, #tpu.memory_space<semaphore_mem>>) {add = true}
      %dma_wait3A_122 = arith.constant 22 : i32
      %dma_wait3A_123 = arith.constant 0 : i32
      %dma_wait3A_124 = tpu.memref_slice %arg7[%dma_wait3A_122, %dma_wait3A_123] : memref<25x80xi32, #tpu.memory_space<vmem>> -> memref<1x80xi32, #tpu.memory_space<vmem>>
      %dma_wait3A_125 = tpu.memref_squeeze %dma_wait3A_124 : memref<1x80xi32, #tpu.memory_space<vmem>> -> memref<80xi32, #tpu.memory_space<vmem>>
      %dma_wait3A_126 = arith.constant 0 : i32
      %dma_wait3A_127 = arith.constant 0 : i32
      %dma_wait3A_128 = tpu.memref_slice %arg12[%dma_wait3A_126, %dma_wait3A_127] : memref<10240x128xf32, #tpu.memory_space<vmem_shared>> -> memref<10240x128xf32, #tpu.memory_space<vmem_shared>>
      tpu.wait_indirect_dma semaphore(%arg17 : memref<!tpu.dma_semaphore, #tpu.memory_space<semaphore_mem>>) src(%arg9 : memref<80x128xf32, #tpu.memory_space<vmem>>) dst(%dma_wait3A_128 : memref<10240x128xf32, #tpu.memory_space<vmem_shared>>)
      %dma_wait3A_129 = arith.constant 23 : i32
      %dma_wait3A_130 = arith.constant 0 : i32
      %dma_wait3A_131 = tpu.memref_slice %arg7[%dma_wait3A_129, %dma_wait3A_130] : memref<25x80xi32, #tpu.memory_space<vmem>> -> memref<1x80xi32, #tpu.memory_space<vmem>>
      %dma_wait3A_132 = tpu.memref_squeeze %dma_wait3A_131 : memref<1x80xi32, #tpu.memory_space<vmem>> -> memref<80xi32, #tpu.memory_space<vmem>>
      %dma_wait3A_133 = arith.constant 0 : i32
      %dma_wait3A_134 = arith.constant 0 : i32
      %dma_wait3A_135 = tpu.memref_slice %arg12[%dma_wait3A_133, %dma_wait3A_134] : memref<10240x128xf32, #tpu.memory_space<vmem_shared>> -> memref<10240x128xf32, #tpu.memory_space<vmem_shared>>
      tpu.wait_indirect_dma semaphore(%arg18 : memref<!tpu.dma_semaphore, #tpu.memory_space<semaphore_mem>>) src(%arg10 : memref<80x128xf32, #tpu.memory_space<vmem>>) dst(%dma_wait3A_135 : memref<10240x128xf32, #tpu.memory_space<vmem_shared>>)
      %dma_wait3A_136 = arith.constant 24 : i32
      %dma_wait3A_137 = arith.constant 0 : i32
      %dma_wait3A_138 = tpu.memref_slice %arg7[%dma_wait3A_136, %dma_wait3A_137] : memref<25x80xi32, #tpu.memory_space<vmem>> -> memref<1x80xi32, #tpu.memory_space<vmem>>
      %dma_wait3A_139 = tpu.memref_squeeze %dma_wait3A_138 : memref<1x80xi32, #tpu.memory_space<vmem>> -> memref<80xi32, #tpu.memory_space<vmem>>
      %dma_wait3A_140 = arith.constant 0 : i32
      %dma_wait3A_141 = arith.constant 0 : i32
      %dma_wait3A_142 = tpu.memref_slice %arg12[%dma_wait3A_140, %dma_wait3A_141] : memref<10240x128xf32, #tpu.memory_space<vmem_shared>> -> memref<10240x128xf32, #tpu.memory_space<vmem_shared>>
      tpu.wait_indirect_dma semaphore(%arg16 : memref<!tpu.dma_semaphore, #tpu.memory_space<semaphore_mem>>) src(%arg8 : memref<80x128xf32, #tpu.memory_space<vmem>>) dst(%dma_wait3A_142 : memref<10240x128xf32, #tpu.memory_space<vmem_shared>>)
      %scan3A_143 = arith.constant 0 : i32
      scf.yield %scan3A_143 : i32
    }
    %scan3A_22 = arith.constant 5 : i32
    %barrier3A_23 = arith.constant 0 : index
    tpu.barrier barrier_id(%barrier3A_23)
    "tpu.region"() ({
      %run_scoped3A = tpu.sem_alloc : memref<!tpu.dma_semaphore, #tpu.memory_space<semaphore_mem>>
      %dma_start3A = arith.constant 0 : i32
      %dma_start3A_24 = tpu.memref_slice %arg5[%arg0, %mul3A_2, %dma_start3A] : memref<2x10240x128xf32, #tpu.memory_space<hbm>> -> memref<1x640x128xf32, #tpu.memory_space<hbm>>
      %dma_start3A_25 = tpu.memref_squeeze %dma_start3A_24 : memref<1x640x128xf32, #tpu.memory_space<hbm>> -> memref<640x128xf32, #tpu.memory_space<hbm>>
      %dma_start3A_26 = arith.constant 0 : i32
      %dma_start3A_27 = tpu.memref_slice %arg12[%mul3A_2, %dma_start3A_26] : memref<10240x128xf32, #tpu.memory_space<vmem_shared>> -> memref<640x128xf32, #tpu.memory_space<vmem_shared>>
      tpu.enqueue_dma source(%dma_start3A_27 : memref<640x128xf32, #tpu.memory_space<vmem_shared>>) target(%dma_start3A_25 : memref<640x128xf32, #tpu.memory_space<hbm>>) target_semaphore(%run_scoped3A : memref<!tpu.dma_semaphore, #tpu.memory_space<semaphore_mem>>)
      %dma_wait3A = arith.constant 0 : i32
      %dma_wait3A_28 = tpu.memref_slice %arg5[%arg0, %mul3A_2, %dma_wait3A] : memref<2x10240x128xf32, #tpu.memory_space<hbm>> -> memref<1x640x128xf32, #tpu.memory_space<hbm>>
      %dma_wait3A_29 = tpu.memref_squeeze %dma_wait3A_28 : memref<1x640x128xf32, #tpu.memory_space<hbm>> -> memref<640x128xf32, #tpu.memory_space<hbm>>
      %dma_wait3A_30 = arith.constant 0 : i32
      %dma_wait3A_31 = tpu.memref_slice %arg12[%mul3A_2, %dma_wait3A_30] : memref<10240x128xf32, #tpu.memory_space<vmem_shared>> -> memref<640x128xf32, #tpu.memory_space<vmem_shared>>
      tpu.wait_dma2 semaphore(%run_scoped3A : memref<!tpu.dma_semaphore, #tpu.memory_space<semaphore_mem>>) src(%dma_wait3A_31 : memref<640x128xf32, #tpu.memory_space<vmem_shared>>) dst(%dma_wait3A_29 : memref<640x128xf32, #tpu.memory_space<hbm>>)
      tpu.yield
    }) : () -> ()
    return
  }
}

#map = affine_map<(d0, d1) -> (0, 0)>
#map1 = affine_map<(d0, d1) -> (0, 0, 0, 0)>
#map2 = affine_map<(d0, d1) -> (0, 0, 0)>
module attributes {stable_mosaic.version = 14 : i64} {
  func.func @scatter_kernel(%arg0: i32, %arg1: i32, %arg2: memref<10240x128xf32, #tpu.memory_space<hbm>>, %arg3: memref<32x5x25x80xi32, #tpu.memory_space<hbm>>, %arg4: memref<32x5x25x80xi32, #tpu.memory_space<hbm>>, %arg5: memref<2x10240x128xf32, #tpu.memory_space<hbm>>, %arg6: memref<25x80xi32, #tpu.memory_space<vmem>>, %arg7: memref<25x80xi32, #tpu.memory_space<vmem>>, %arg8: memref<80x128xf32, #tpu.memory_space<vmem>>, %arg9: memref<80x128xf32, #tpu.memory_space<vmem>>, %arg10: memref<80x128xf32, #tpu.memory_space<vmem>>, %arg11: memref<8x128xf32, #tpu.memory_space<vmem>>, %arg12: memref<10240x128xf32, #tpu.memory_space<vmem_shared>>, %arg13: memref<!tpu.dma_semaphore, #tpu.memory_space<semaphore_mem>>, %arg14: memref<!tpu.dma_semaphore, #tpu.memory_space<semaphore_mem>>, %arg15: memref<!tpu.dma_semaphore, #tpu.memory_space<semaphore_mem>>, %arg16: memref<!tpu.dma_semaphore, #tpu.memory_space<semaphore_mem>>, %arg17: memref<!tpu.dma_semaphore, #tpu.memory_space<semaphore_mem>>, %arg18: memref<!tpu.dma_semaphore, #tpu.memory_space<semaphore_mem>>) attributes {dimension_semantics = [#tpu.dimension_semantics<core_parallel>, #tpu.dimension_semantics<subcore_parallel>], iteration_bounds = array<i64: 2, 16>, scalar_prefetch = 0 : i64, scratch_operands = 13 : i64, tpu.core_type = #tpu.core_type<sc_vector_subcore>, window_params = [{transform_indices = #map}, {transform_indices = #map1}, {transform_indices = #map1}, {transform_indices = #map2}]} {
    %mul3A = arith.constant 16 : i32
    %mul3A_0 = arith.muli %arg0, %mul3A : i32
    %add3A = arith.addi %mul3A_0, %arg1 : i32
    %mul3A_1 = arith.constant 640 : i32
    %mul3A_2 = arith.muli %arg1, %mul3A_1 : i32
    %scan3A = arith.constant 0 : i32
    %scan3A_3 = arith.constant 0 : i32
    %scan3A_4 = arith.constant 64 : i32
    %scan3A_5 = arith.addi %scan3A_3, %scan3A_4 : i32
    %scan3A_6 = arith.constant 1 : i32
    %scan3A_7 = scf.for %scan3A_24 = %scan3A_3 to %scan3A_5 step %scan3A_6 iter_args(%scan3A_25 = %scan3A) -> (i32)  : i32 {
      %jit3A = arith.constant 8 : i32
      %div3A = arith.divsi %scan3A_24, %jit3A : i32
      %sign3A = arith.constant 0 : i32
      %sign3A_26 = arith.cmpi sgt, %scan3A_24, %sign3A : i32
      %sign3A_27 = arith.extui %sign3A_26 : i1 to i32
      %sign3A_28 = arith.constant 0 : i32
      %sign3A_29 = arith.cmpi slt, %scan3A_24, %sign3A_28 : i32
      %sign3A_30 = arith.extui %sign3A_29 : i1 to i32
      %sign3A_31 = arith.subi %sign3A_27, %sign3A_30 : i32
      %sign3A_32 = arith.constant 0 : i32
      %sign3A_33 = arith.cmpi sgt, %jit3A, %sign3A_32 : i32
      %sign3A_34 = arith.extui %sign3A_33 : i1 to i32
      %sign3A_35 = arith.constant 0 : i32
      %sign3A_36 = arith.cmpi slt, %jit3A, %sign3A_35 : i32
      %sign3A_37 = arith.extui %sign3A_36 : i1 to i32
      %sign3A_38 = arith.subi %sign3A_34, %sign3A_37 : i32
      %ne3A = arith.cmpi ne, %sign3A_31, %sign3A_38 : i32
      %rem3A = arith.remsi %scan3A_24, %jit3A : i32
      %ne3A_39 = arith.constant 0 : i32
      %ne3A_40 = arith.cmpi ne, %rem3A, %ne3A_39 : i32
      %and3A = arith.andi %ne3A, %ne3A_40 : i1
      %sub3A = arith.constant 1 : i32
      %sub3A_41 = arith.subi %div3A, %sub3A : i32
      %select_n3A = arith.select %and3A, %sub3A_41, %div3A : i32
      %rem3A_42 = arith.constant 8 : i32
      %rem3A_43 = arith.remsi %scan3A_24, %rem3A_42 : i32
      %mul3A_44 = arith.constant 16 : i32
      %mul3A_45 = arith.muli %rem3A_43, %mul3A_44 : i32
      %broadcast_in_dim3A = arith.constant 0.000000e+00 : f32
      %broadcast_in_dim3A_46 = vector.broadcast %broadcast_in_dim3A : f32 to vector<16xf32>
      %swap3A = arith.index_cast %select_n3A : i32 to index
      %swap3A_47 = arith.index_cast %mul3A_45 : i32 to index
      %swap3A_48 = tpu.vector_load %arg11[%swap3A, %swap3A_47] {strides = array<i32>} : memref<8x128xf32, #tpu.memory_space<vmem>>, vector<1x16xf32>,
      %swap3A_49 = vector.shape_cast %swap3A_48 : vector<1x16xf32> to vector<16xf32>
      %swap3A_50 = vector.shape_cast %broadcast_in_dim3A_46 : vector<16xf32> to vector<1x16xf32>
      tpu.vector_store %arg11[%swap3A, %swap3A_47], %swap3A_50 {strides = array<i32>} : memref<8x128xf32, #tpu.memory_space<vmem>>, vector<1x16xf32>,
      %scan3A_51 = arith.constant 0 : i32
      scf.yield %scan3A_51 : i32
    }
    %scan3A_8 = arith.constant 64 : i32
    %scan3A_9 = arith.constant 0 : i32
    %scan3A_10 = arith.constant 0 : i32
    %scan3A_11 = arith.constant 80 : i32
    %scan3A_12 = arith.addi %scan3A_10, %scan3A_11 : i32
    %scan3A_13 = arith.constant 1 : i32
    %scan3A_14 = scf.for %scan3A_24 = %scan3A_10 to %scan3A_12 step %scan3A_13 iter_args(%scan3A_25 = %scan3A_9) -> (i32)  : i32 {
      %mul3A_26 = arith.constant 8 : i32
      %mul3A_27 = arith.muli %scan3A_24, %mul3A_26 : i32
      %add3A_28 = arith.addi %mul3A_2, %mul3A_27 : i32
      "tpu.region"() ({
        %run_scoped3A = tpu.sem_alloc : memref<!tpu.dma_semaphore, #tpu.memory_space<semaphore_mem>>
        %dma_start3A = arith.constant 0 : i32
        %dma_start3A_30 = tpu.memref_slice %arg12[%add3A_28, %dma_start3A] : memref<10240x128xf32, #tpu.memory_space<vmem_shared>> -> memref<8x128xf32, #tpu.memory_space<vmem_shared>>
        %dma_start3A_31 = arith.constant 0 : i32
        %dma_start3A_32 = tpu.memref_slice %arg12[%add3A_28, %dma_start3A_31] : memref<10240x128xf32, #tpu.memory_space<vmem_shared>> -> memref<8x128xf32, #tpu.memory_space<vmem_shared>>
        tpu.enqueue_dma source(%arg11 : memref<8x128xf32, #tpu.memory_space<vmem>>) target(%dma_start3A_32 : memref<8x128xf32, #tpu.memory_space<vmem_shared>>) target_semaphore(%run_scoped3A : memref<!tpu.dma_semaphore, #tpu.memory_space<semaphore_mem>>)
        %dma_wait3A = arith.constant 0 : i32
        %dma_wait3A_33 = tpu.memref_slice %arg12[%add3A_28, %dma_wait3A] : memref<10240x128xf32, #tpu.memory_space<vmem_shared>> -> memref<8x128xf32, #tpu.memory_space<vmem_shared>>
        %dma_wait3A_34 = arith.constant 0 : i32
        %dma_wait3A_35 = tpu.memref_slice %arg12[%add3A_28, %dma_wait3A_34] : memref<10240x128xf32, #tpu.memory_space<vmem_shared>> -> memref<8x128xf32, #tpu.memory_space<vmem_shared>>
        tpu.wait_dma2 semaphore(%run_scoped3A : memref<!tpu.dma_semaphore, #tpu.memory_space<semaphore_mem>>) src(%arg11 : memref<8x128xf32, #tpu.memory_space<vmem>>) dst(%dma_wait3A_35 : memref<8x128xf32, #tpu.memory_space<vmem_shared>>)
        tpu.yield
      }) : () -> ()
      %scan3A_29 = arith.constant 0 : i32
      scf.yield %scan3A_29 : i32
    }
    %scan3A_15 = arith.constant 80 : i32
    %barrier3A = arith.constant 0 : index
    tpu.barrier barrier_id(%barrier3A)
    %scan3A_16 = arith.constant 0 : i32
    %scan3A_17 = arith.constant 0 : i32
    %scan3A_18 = arith.constant 5 : i32
    %scan3A_19 = arith.addi %scan3A_17, %scan3A_18 : i32
    %scan3A_20 = arith.constant 1 : i32
    %scan3A_21 = scf.for %scan3A_24 = %scan3A_17 to %scan3A_19 step %scan3A_20 iter_args(%scan3A_25 = %scan3A_16) -> (i32)  : i32 {
      "tpu.region"() ({
        %run_scoped3A = tpu.sem_alloc : memref<!tpu.dma_semaphore, #tpu.memory_space<semaphore_mem>>
        %dma_start3A_144 = arith.constant 0 : i32
        %dma_start3A_145 = arith.constant 0 : i32
        %dma_start3A_146 = tpu.memref_slice %arg3[%add3A, %scan3A_24, %dma_start3A_144, %dma_start3A_145] : memref<32x5x25x80xi32, #tpu.memory_space<hbm>> -> memref<1x1x25x80xi32, #tpu.memory_space<hbm>>
        %dma_start3A_147 = tpu.memref_squeeze %dma_start3A_146 : memref<1x1x25x80xi32, #tpu.memory_space<hbm>> -> memref<25x80xi32, #tpu.memory_space<hbm>>
        %dma_start3A_148 = arith.constant 0 : i32
        %dma_start3A_149 = arith.constant 0 : i32
        %dma_start3A_150 = tpu.memref_slice %arg3[%add3A, %scan3A_24, %dma_start3A_148, %dma_start3A_149] : memref<32x5x25x80xi32, #tpu.memory_space<hbm>> -> memref<1x1x25x80xi32, #tpu.memory_space<hbm>>
        %dma_start3A_151 = tpu.memref_squeeze %dma_start3A_150 : memref<1x1x25x80xi32, #tpu.memory_space<hbm>> -> memref<25x80xi32, #tpu.memory_space<hbm>>
        tpu.enqueue_dma source(%dma_start3A_151 : memref<25x80xi32, #tpu.memory_space<hbm>>) target(%arg6 : memref<25x80xi32, #tpu.memory_space<vmem>>) target_semaphore(%run_scoped3A : memref<!tpu.dma_semaphore, #tpu.memory_space<semaphore_mem>>)
        %dma_wait3A_152 = arith.constant 0 : i32
        %dma_wait3A_153 = arith.constant 0 : i32
        %dma_wait3A_154 = tpu.memref_slice %arg3[%add3A, %scan3A_24, %dma_wait3A_152, %dma_wait3A_153] : memref<32x5x25x80xi32, #tpu.memory_space<hbm>> -> memref<1x1x25x80xi32, #tpu.memory_space<hbm>>
        %dma_wait3A_155 = tpu.memref_squeeze %dma_wait3A_154 : memref<1x1x25x80xi32, #tpu.memory_space<hbm>> -> memref<25x80xi32, #tpu.memory_space<hbm>>
        %dma_wait3A_156 = arith.constant 0 : i32
        %dma_wait3A_157 = arith.constant 0 : i32
        %dma_wait3A_158 = tpu.memref_slice %arg3[%add3A, %scan3A_24, %dma_wait3A_156, %dma_wait3A_157] : memref<32x5x25x80xi32, #tpu.memory_space<hbm>> -> memref<1x1x25x80xi32, #tpu.memory_space<hbm>>
        %dma_wait3A_159 = tpu.memref_squeeze %dma_wait3A_158 : memref<1x1x25x80xi32, #tpu.memory_space<hbm>> -> memref<25x80xi32, #tpu.memory_space<hbm>>
        tpu.wait_dma2 semaphore(%run_scoped3A : memref<!tpu.dma_semaphore, #tpu.memory_space<semaphore_mem>>) src(%dma_wait3A_159 : memref<25x80xi32, #tpu.memory_space<hbm>>) dst(%arg6 : memref<25x80xi32, #tpu.memory_space<vmem>>)
        tpu.yield
      }) : () -> ()
      "tpu.region"() ({
        %run_scoped3A = tpu.sem_alloc : memref<!tpu.dma_semaphore, #tpu.memory_space<semaphore_mem>>
        %dma_start3A_144 = arith.constant 0 : i32
        %dma_start3A_145 = arith.constant 0 : i32
        %dma_start3A_146 = tpu.memref_slice %arg4[%add3A, %scan3A_24, %dma_start3A_144, %dma_start3A_145] : memref<32x5x25x80xi32, #tpu.memory_space<hbm>> -> memref<1x1x25x80xi32, #tpu.memory_space<hbm>>
        %dma_start3A_147 = tpu.memref_squeeze %dma_start3A_146 : memref<1x1x25x80xi32, #tpu.memory_space<hbm>> -> memref<25x80xi32, #tpu.memory_space<hbm>>
        %dma_start3A_148 = arith.constant 0 : i32
        %dma_start3A_149 = arith.constant 0 : i32
        %dma_start3A_150 = tpu.memref_slice %arg4[%add3A, %scan3A_24, %dma_start3A_148, %dma_start3A_149] : memref<32x5x25x80xi32, #tpu.memory_space<hbm>> -> memref<1x1x25x80xi32, #tpu.memory_space<hbm>>
        %dma_start3A_151 = tpu.memref_squeeze %dma_start3A_150 : memref<1x1x25x80xi32, #tpu.memory_space<hbm>> -> memref<25x80xi32, #tpu.memory_space<hbm>>
        tpu.enqueue_dma source(%dma_start3A_151 : memref<25x80xi32, #tpu.memory_space<hbm>>) target(%arg7 : memref<25x80xi32, #tpu.memory_space<vmem>>) target_semaphore(%run_scoped3A : memref<!tpu.dma_semaphore, #tpu.memory_space<semaphore_mem>>)
        %dma_wait3A_152 = arith.constant 0 : i32
        %dma_wait3A_153 = arith.constant 0 : i32
        %dma_wait3A_154 = tpu.memref_slice %arg4[%add3A, %scan3A_24, %dma_wait3A_152, %dma_wait3A_153] : memref<32x5x25x80xi32, #tpu.memory_space<hbm>> -> memref<1x1x25x80xi32, #tpu.memory_space<hbm>>
        %dma_wait3A_155 = tpu.memref_squeeze %dma_wait3A_154 : memref<1x1x25x80xi32, #tpu.memory_space<hbm>> -> memref<25x80xi32, #tpu.memory_space<hbm>>
        %dma_wait3A_156 = arith.constant 0 : i32
        %dma_wait3A_157 = arith.constant 0 : i32
        %dma_wait3A_158 = tpu.memref_slice %arg4[%add3A, %scan3A_24, %dma_wait3A_156, %dma_wait3A_157] : memref<32x5x25x80xi32, #tpu.memory_space<hbm>> -> memref<1x1x25x80xi32, #tpu.memory_space<hbm>>
        %dma_wait3A_159 = tpu.memref_squeeze %dma_wait3A_158 : memref<1x1x25x80xi32, #tpu.memory_space<hbm>> -> memref<25x80xi32, #tpu.memory_space<hbm>>
        tpu.wait_dma2 semaphore(%run_scoped3A : memref<!tpu.dma_semaphore, #tpu.memory_space<semaphore_mem>>) src(%dma_wait3A_159 : memref<25x80xi32, #tpu.memory_space<hbm>>) dst(%arg7 : memref<25x80xi32, #tpu.memory_space<vmem>>)
        tpu.yield
      }) : () -> ()
      %dma_start3A = arith.constant 0 : i32
      %dma_start3A_26 = arith.constant 0 : i32
      %dma_start3A_27 = tpu.memref_slice %arg6[%dma_start3A, %dma_start3A_26] : memref<25x80xi32, #tpu.memory_space<vmem>> -> memref<1x80xi32, #tpu.memory_space<vmem>>
      %dma_start3A_28 = tpu.memref_squeeze %dma_start3A_27 : memref<1x80xi32, #tpu.memory_space<vmem>> -> memref<80xi32, #tpu.memory_space<vmem>>
      %dma_start3A_29 = arith.constant 0 : i32
      %dma_start3A_30 = arith.constant 0 : i32
      %dma_start3A_31 = tpu.memref_slice %arg2[%dma_start3A_29, %dma_start3A_30] : memref<10240x128xf32, #tpu.memory_space<hbm>> -> memref<10240x128xf32, #tpu.memory_space<hbm>>
      tpu.enqueue_indirect_dma source(%dma_start3A_31 : memref<10240x128xf32, #tpu.memory_space<hbm>>) target(%arg8 : memref<80x128xf32, #tpu.memory_space<vmem>>) offsets(%dma_start3A_28 : memref<80xi32, #tpu.memory_space<vmem>>) semaphore(%arg13 : memref<!tpu.dma_semaphore, #tpu.memory_space<semaphore_mem>>)
      %dma_start3A_32 = arith.constant 1 : i32
      %dma_start3A_33 = arith.constant 0 : i32
      %dma_start3A_34 = tpu.memref_slice %arg6[%dma_start3A_32, %dma_start3A_33] : memref<25x80xi32, #tpu.memory_space<vmem>> -> memref<1x80xi32, #tpu.memory_space<vmem>>
      %dma_start3A_35 = tpu.memref_squeeze %dma_start3A_34 : memref<1x80xi32, #tpu.memory_space<vmem>> -> memref<80xi32, #tpu.memory_space<vmem>>
      %dma_start3A_36 = arith.constant 0 : i32
      %dma_start3A_37 = arith.constant 0 : i32
      %dma_start3A_38 = tpu.memref_slice %arg2[%dma_start3A_36, %dma_start3A_37] : memref<10240x128xf32, #tpu.memory_space<hbm>> -> memref<10240x128xf32, #tpu.memory_space<hbm>>
      tpu.enqueue_indirect_dma source(%dma_start3A_38 : memref<10240x128xf32, #tpu.memory_space<hbm>>) target(%arg9 : memref<80x128xf32, #tpu.memory_space<vmem>>) offsets(%dma_start3A_35 : memref<80xi32, #tpu.memory_space<vmem>>) semaphore(%arg14 : memref<!tpu.dma_semaphore, #tpu.memory_space<semaphore_mem>>)
      %dma_wait3A = arith.constant 0 : i32
      %dma_wait3A_39 = arith.constant 0 : i32
      %dma_wait3A_40 = tpu.memref_slice %arg6[%dma_wait3A, %dma_wait3A_39] : memref<25x80xi32, #tpu.memory_space<vmem>> -> memref<1x80xi32, #tpu.memory_space<vmem>>
      %dma_wait3A_41 = tpu.memref_squeeze %dma_wait3A_40 : memref<1x80xi32, #tpu.memory_space<vmem>> -> memref<80xi32, #tpu.memory_space<vmem>>
      %dma_wait3A_42 = arith.constant 0 : i32
      %dma_wait3A_43 = arith.constant 0 : i32
      %dma_wait3A_44 = tpu.memref_slice %arg2[%dma_wait3A_42, %dma_wait3A_43] : memref<10240x128xf32, #tpu.memory_space<hbm>> -> memref<10240x128xf32, #tpu.memory_space<hbm>>
      tpu.wait_indirect_dma semaphore(%arg13 : memref<!tpu.dma_semaphore, #tpu.memory_space<semaphore_mem>>) src(%dma_wait3A_44 : memref<10240x128xf32, #tpu.memory_space<hbm>>) dst(%arg8 : memref<80x128xf32, #tpu.memory_space<vmem>>)
      %dma_start3A_45 = arith.constant 0 : i32
      %dma_start3A_46 = arith.constant 0 : i32
      %dma_start3A_47 = tpu.memref_slice %arg7[%dma_start3A_45, %dma_start3A_46] : memref<25x80xi32, #tpu.memory_space<vmem>> -> memref<1x80xi32, #tpu.memory_space<vmem>>
      %dma_start3A_48 = tpu.memref_squeeze %dma_start3A_47 : memref<1x80xi32, #tpu.memory_space<vmem>> -> memref<80xi32, #tpu.memory_space<vmem>>
      %dma_start3A_49 = arith.constant 0 : i32
      %dma_start3A_50 = arith.constant 0 : i32
      %dma_start3A_51 = tpu.memref_slice %arg12[%dma_start3A_49, %dma_start3A_50] : memref<10240x128xf32, #tpu.memory_space<vmem_shared>> -> memref<10240x128xf32, #tpu.memory_space<vmem_shared>>
      tpu.enqueue_indirect_dma source(%arg8 : memref<80x128xf32, #tpu.memory_space<vmem>>) target(%dma_start3A_51 : memref<10240x128xf32, #tpu.memory_space<vmem_shared>>) offsets(%dma_start3A_48 : memref<80xi32, #tpu.memory_space<vmem>>) semaphore(%arg16 : memref<!tpu.dma_semaphore, #tpu.memory_space<semaphore_mem>>) {add = true}
      %dma_start3A_52 = arith.constant 2 : i32
      %dma_start3A_53 = arith.constant 0 : i32
      %dma_start3A_54 = tpu.memref_slice %arg6[%dma_start3A_52, %dma_start3A_53] : memref<25x80xi32, #tpu.memory_space<vmem>> -> memref<1x80xi32, #tpu.memory_space<vmem>>
      %dma_start3A_55 = tpu.memref_squeeze %dma_start3A_54 : memref<1x80xi32, #tpu.memory_space<vmem>> -> memref<80xi32, #tpu.memory_space<vmem>>
      %dma_start3A_56 = arith.constant 0 : i32
      %dma_start3A_57 = arith.constant 0 : i32
      %dma_start3A_58 = tpu.memref_slice %arg2[%dma_start3A_56, %dma_start3A_57] : memref<10240x128xf32, #tpu.memory_space<hbm>> -> memref<10240x128xf32, #tpu.memory_space<hbm>>
      tpu.enqueue_indirect_dma source(%dma_start3A_58 : memref<10240x128xf32, #tpu.memory_space<hbm>>) target(%arg10 : memref<80x128xf32, #tpu.memory_space<vmem>>) offsets(%dma_start3A_55 : memref<80xi32, #tpu.memory_space<vmem>>) semaphore(%arg15 : memref<!tpu.dma_semaphore, #tpu.memory_space<semaphore_mem>>)
      %dma_wait3A_59 = arith.constant 1 : i32
      %dma_wait3A_60 = arith.constant 0 : i32
      %dma_wait3A_61 = tpu.memref_slice %arg6[%dma_wait3A_59, %dma_wait3A_60] : memref<25x80xi32, #tpu.memory_space<vmem>> -> memref<1x80xi32, #tpu.memory_space<vmem>>
      %dma_wait3A_62 = tpu.memref_squeeze %dma_wait3A_61 : memref<1x80xi32, #tpu.memory_space<vmem>> -> memref<80xi32, #tpu.memory_space<vmem>>
      %dma_wait3A_63 = arith.constant 0 : i32
      %dma_wait3A_64 = arith.constant 0 : i32
      %dma_wait3A_65 = tpu.memref_slice %arg2[%dma_wait3A_63, %dma_wait3A_64] : memref<10240x128xf32, #tpu.memory_space<hbm>> -> memref<10240x128xf32, #tpu.memory_space<hbm>>
      tpu.wait_indirect_dma semaphore(%arg14 : memref<!tpu.dma_semaphore, #tpu.memory_space<semaphore_mem>>) src(%dma_wait3A_65 : memref<10240x128xf32, #tpu.memory_space<hbm>>) dst(%arg9 : memref<80x128xf32, #tpu.memory_space<vmem>>)
      %dma_start3A_66 = arith.constant 1 : i32
      %dma_start3A_67 = arith.constant 0 : i32
      %dma_start3A_68 = tpu.memref_slice %arg7[%dma_start3A_66, %dma_start3A_67] : memref<25x80xi32, #tpu.memory_space<vmem>> -> memref<1x80xi32, #tpu.memory_space<vmem>>
      %dma_start3A_69 = tpu.memref_squeeze %dma_start3A_68 : memref<1x80xi32, #tpu.memory_space<vmem>> -> memref<80xi32, #tpu.memory_space<vmem>>
      %dma_start3A_70 = arith.constant 0 : i32
      %dma_start3A_71 = arith.constant 0 : i32
      %dma_start3A_72 = tpu.memref_slice %arg12[%dma_start3A_70, %dma_start3A_71] : memref<10240x128xf32, #tpu.memory_space<vmem_shared>> -> memref<10240x128xf32, #tpu.memory_space<vmem_shared>>
      tpu.enqueue_indirect_dma source(%arg9 : memref<80x128xf32, #tpu.memory_space<vmem>>) target(%dma_start3A_72 : memref<10240x128xf32, #tpu.memory_space<vmem_shared>>) offsets(%dma_start3A_69 : memref<80xi32, #tpu.memory_space<vmem>>) semaphore(%arg17 : memref<!tpu.dma_semaphore, #tpu.memory_space<semaphore_mem>>) {add = true}
      %scan3A_73 = arith.constant 0 : i32
      %scan3A_74 = arith.constant 0 : i32
      %scan3A_75 = arith.constant 7 : i32
      %scan3A_76 = arith.addi %scan3A_74, %scan3A_75 : i32
      %scan3A_77 = arith.constant 1 : i32
      %scan3A_78 = scf.for %scan3A_144 = %scan3A_74 to %scan3A_76 step %scan3A_77 iter_args(%scan3A_145 = %scan3A_73) -> (i32)  : i32 {
        %mul3A_146 = arith.constant 3 : i32
        %mul3A_147 = arith.muli %mul3A_146, %scan3A_144 : i32
        %add3A_148 = arith.constant 2 : i32
        %add3A_149 = arith.addi %add3A_148, %mul3A_147 : i32
        %sub3A = arith.constant 2 : i32
        %sub3A_150 = arith.subi %add3A_149, %sub3A : i32
        %dma_wait3A_151 = arith.constant 0 : i32
        %dma_wait3A_152 = tpu.memref_slice %arg7[%sub3A_150, %dma_wait3A_151] : memref<25x80xi32, #tpu.memory_space<vmem>> -> memref<1x80xi32, #tpu.memory_space<vmem>>
        %dma_wait3A_153 = tpu.memref_squeeze %dma_wait3A_152 : memref<1x80xi32, #tpu.memory_space<vmem>> -> memref<80xi32, #tpu.memory_space<vmem>>
        %dma_wait3A_154 = arith.constant 0 : i32
        %dma_wait3A_155 = arith.constant 0 : i32
        %dma_wait3A_156 = tpu.memref_slice %arg12[%dma_wait3A_154, %dma_wait3A_155] : memref<10240x128xf32, #tpu.memory_space<vmem_shared>> -> memref<10240x128xf32, #tpu.memory_space<vmem_shared>>
        tpu.wait_indirect_dma semaphore(%arg16 : memref<!tpu.dma_semaphore, #tpu.memory_space<semaphore_mem>>) src(%arg8 : memref<80x128xf32, #tpu.memory_space<vmem>>) dst(%dma_wait3A_156 : memref<10240x128xf32, #tpu.memory_space<vmem_shared>>)
        %add3A_157 = arith.constant 1 : i32
        %add3A_158 = arith.addi %add3A_149, %add3A_157 : i32
        %dma_start3A_159 = arith.constant 0 : i32
        %dma_start3A_160 = tpu.memref_slice %arg6[%add3A_158, %dma_start3A_159] : memref<25x80xi32, #tpu.memory_space<vmem>> -> memref<1x80xi32, #tpu.memory_space<vmem>>
        %dma_start3A_161 = tpu.memref_squeeze %dma_start3A_160 : memref<1x80xi32, #tpu.memory_space<vmem>> -> memref<80xi32, #tpu.memory_space<vmem>>
        %dma_start3A_162 = arith.constant 0 : i32
        %dma_start3A_163 = arith.constant 0 : i32
        %dma_start3A_164 = tpu.memref_slice %arg2[%dma_start3A_162, %dma_start3A_163] : memref<10240x128xf32, #tpu.memory_space<hbm>> -> memref<10240x128xf32, #tpu.memory_space<hbm>>
        tpu.enqueue_indirect_dma source(%dma_start3A_164 : memref<10240x128xf32, #tpu.memory_space<hbm>>) target(%arg8 : memref<80x128xf32, #tpu.memory_space<vmem>>) offsets(%dma_start3A_161 : memref<80xi32, #tpu.memory_space<vmem>>) semaphore(%arg13 : memref<!tpu.dma_semaphore, #tpu.memory_space<semaphore_mem>>)
        %dma_wait3A_165 = arith.constant 0 : i32
        %dma_wait3A_166 = tpu.memref_slice %arg6[%add3A_149, %dma_wait3A_165] : memref<25x80xi32, #tpu.memory_space<vmem>> -> memref<1x80xi32, #tpu.memory_space<vmem>>
        %dma_wait3A_167 = tpu.memref_squeeze %dma_wait3A_166 : memref<1x80xi32, #tpu.memory_space<vmem>> -> memref<80xi32, #tpu.memory_space<vmem>>
        %dma_wait3A_168 = arith.constant 0 : i32
        %dma_wait3A_169 = arith.constant 0 : i32
        %dma_wait3A_170 = tpu.memref_slice %arg2[%dma_wait3A_168, %dma_wait3A_169] : memref<10240x128xf32, #tpu.memory_space<hbm>> -> memref<10240x128xf32, #tpu.memory_space<hbm>>
        tpu.wait_indirect_dma semaphore(%arg15 : memref<!tpu.dma_semaphore, #tpu.memory_space<semaphore_mem>>) src(%dma_wait3A_170 : memref<10240x128xf32, #tpu.memory_space<hbm>>) dst(%arg10 : memref<80x128xf32, #tpu.memory_space<vmem>>)
        %dma_start3A_171 = arith.constant 0 : i32
        %dma_start3A_172 = tpu.memref_slice %arg7[%add3A_149, %dma_start3A_171] : memref<25x80xi32, #tpu.memory_space<vmem>> -> memref<1x80xi32, #tpu.memory_space<vmem>>
        %dma_start3A_173 = tpu.memref_squeeze %dma_start3A_172 : memref<1x80xi32, #tpu.memory_space<vmem>> -> memref<80xi32, #tpu.memory_space<vmem>>
        %dma_start3A_174 = arith.constant 0 : i32
        %dma_start3A_175 = arith.constant 0 : i32
        %dma_start3A_176 = tpu.memref_slice %arg12[%dma_start3A_174, %dma_start3A_175] : memref<10240x128xf32, #tpu.memory_space<vmem_shared>> -> memref<10240x128xf32, #tpu.memory_space<vmem_shared>>
        tpu.enqueue_indirect_dma source(%arg10 : memref<80x128xf32, #tpu.memory_space<vmem>>) target(%dma_start3A_176 : memref<10240x128xf32, #tpu.memory_space<vmem_shared>>) offsets(%dma_start3A_173 : memref<80xi32, #tpu.memory_space<vmem>>) semaphore(%arg18 : memref<!tpu.dma_semaphore, #tpu.memory_space<semaphore_mem>>) {add = true}
        %sub3A_177 = arith.constant 1 : i32
        %sub3A_178 = arith.subi %add3A_149, %sub3A_177 : i32
        %dma_wait3A_179 = arith.constant 0 : i32
        %dma_wait3A_180 = tpu.memref_slice %arg7[%sub3A_178, %dma_wait3A_179] : memref<25x80xi32, #tpu.memory_space<vmem>> -> memref<1x80xi32, #tpu.memory_space<vmem>>
        %dma_wait3A_181 = tpu.memref_squeeze %dma_wait3A_180 : memref<1x80xi32, #tpu.memory_space<vmem>> -> memref<80xi32, #tpu.memory_space<vmem>>
        %dma_wait3A_182 = arith.constant 0 : i32
        %dma_wait3A_183 = arith.constant 0 : i32
        %dma_wait3A_184 = tpu.memref_slice %arg12[%dma_wait3A_182, %dma_wait3A_183] : memref<10240x128xf32, #tpu.memory_space<vmem_shared>> -> memref<10240x128xf32, #tpu.memory_space<vmem_shared>>
        tpu.wait_indirect_dma semaphore(%arg17 : memref<!tpu.dma_semaphore, #tpu.memory_space<semaphore_mem>>) src(%arg9 : memref<80x128xf32, #tpu.memory_space<vmem>>) dst(%dma_wait3A_184 : memref<10240x128xf32, #tpu.memory_space<vmem_shared>>)
        %add3A_185 = arith.constant 2 : i32
        %add3A_186 = arith.addi %add3A_149, %add3A_185 : i32
        %dma_start3A_187 = arith.constant 0 : i32
        %dma_start3A_188 = tpu.memref_slice %arg6[%add3A_186, %dma_start3A_187] : memref<25x80xi32, #tpu.memory_space<vmem>> -> memref<1x80xi32, #tpu.memory_space<vmem>>
        %dma_start3A_189 = tpu.memref_squeeze %dma_start3A_188 : memref<1x80xi32, #tpu.memory_space<vmem>> -> memref<80xi32, #tpu.memory_space<vmem>>
        %dma_start3A_190 = arith.constant 0 : i32
        %dma_start3A_191 = arith.constant 0 : i32
        %dma_start3A_192 = tpu.memref_slice %arg2[%dma_start3A_190, %dma_start3A_191] : memref<10240x128xf32, #tpu.memory_space<hbm>> -> memref<10240x128xf32, #tpu.memory_space<hbm>>
        tpu.enqueue_indirect_dma source(%dma_start3A_192 : memref<10240x128xf32, #tpu.memory_space<hbm>>) target(%arg9 : memref<80x128xf32, #tpu.memory_space<vmem>>) offsets(%dma_start3A_189 : memref<80xi32, #tpu.memory_space<vmem>>) semaphore(%arg14 : memref<!tpu.dma_semaphore, #tpu.memory_space<semaphore_mem>>)
        %add3A_193 = arith.constant 1 : i32
        %add3A_194 = arith.addi %add3A_149, %add3A_193 : i32
        %dma_wait3A_195 = arith.constant 0 : i32
        %dma_wait3A_196 = tpu.memref_slice %arg6[%add3A_194, %dma_wait3A_195] : memref<25x80xi32, #tpu.memory_space<vmem>> -> memref<1x80xi32, #tpu.memory_space<vmem>>
        %dma_wait3A_197 = tpu.memref_squeeze %dma_wait3A_196 : memref<1x80xi32, #tpu.memory_space<vmem>> -> memref<80xi32, #tpu.memory_space<vmem>>
        %dma_wait3A_198 = arith.constant 0 : i32
        %dma_wait3A_199 = arith.constant 0 : i32
        %dma_wait3A_200 = tpu.memref_slice %arg2[%dma_wait3A_198, %dma_wait3A_199] : memref<10240x128xf32, #tpu.memory_space<hbm>> -> memref<10240x128xf32, #tpu.memory_space<hbm>>
        tpu.wait_indirect_dma semaphore(%arg13 : memref<!tpu.dma_semaphore, #tpu.memory_space<semaphore_mem>>) src(%dma_wait3A_200 : memref<10240x128xf32, #tpu.memory_space<hbm>>) dst(%arg8 : memref<80x128xf32, #tpu.memory_space<vmem>>)
        %add3A_201 = arith.constant 1 : i32
        %add3A_202 = arith.addi %add3A_149, %add3A_201 : i32
        %dma_start3A_203 = arith.constant 0 : i32
        %dma_start3A_204 = tpu.memref_slice %arg7[%add3A_202, %dma_start3A_203] : memref<25x80xi32, #tpu.memory_space<vmem>> -> memref<1x80xi32, #tpu.memory_space<vmem>>
        %dma_start3A_205 = tpu.memref_squeeze %dma_start3A_204 : memref<1x80xi32, #tpu.memory_space<vmem>> -> memref<80xi32, #tpu.memory_space<vmem>>
        %dma_start3A_206 = arith.constant 0 : i32
        %dma_start3A_207 = arith.constant 0 : i32
        %dma_start3A_208 = tpu.memref_slice %arg12[%dma_start3A_206, %dma_start3A_207] : memref<10240x128xf32, #tpu.memory_space<vmem_shared>> -> memref<10240x128xf32, #tpu.memory_space<vmem_shared>>
        tpu.enqueue_indirect_dma source(%arg8 : memref<80x128xf32, #tpu.memory_space<vmem>>) target(%dma_start3A_208 : memref<10240x128xf32, #tpu.memory_space<vmem_shared>>) offsets(%dma_start3A_205 : memref<80xi32, #tpu.memory_space<vmem>>) semaphore(%arg16 : memref<!tpu.dma_semaphore, #tpu.memory_space<semaphore_mem>>) {add = true}
        %dma_wait3A_209 = arith.constant 0 : i32
        %dma_wait3A_210 = tpu.memref_slice %arg7[%add3A_149, %dma_wait3A_209] : memref<25x80xi32, #tpu.memory_space<vmem>> -> memref<1x80xi32, #tpu.memory_space<vmem>>
        %dma_wait3A_211 = tpu.memref_squeeze %dma_wait3A_210 : memref<1x80xi32, #tpu.memory_space<vmem>> -> memref<80xi32, #tpu.memory_space<vmem>>
        %dma_wait3A_212 = arith.constant 0 : i32
        %dma_wait3A_213 = arith.constant 0 : i32
        %dma_wait3A_214 = tpu.memref_slice %arg12[%dma_wait3A_212, %dma_wait3A_213] : memref<10240x128xf32, #tpu.memory_space<vmem_shared>> -> memref<10240x128xf32, #tpu.memory_space<vmem_shared>>
        tpu.wait_indirect_dma semaphore(%arg18 : memref<!tpu.dma_semaphore, #tpu.memory_space<semaphore_mem>>) src(%arg10 : memref<80x128xf32, #tpu.memory_space<vmem>>) dst(%dma_wait3A_214 : memref<10240x128xf32, #tpu.memory_space<vmem_shared>>)
        %add3A_215 = arith.constant 3 : i32
        %add3A_216 = arith.addi %add3A_149, %add3A_215 : i32
        %dma_start3A_217 = arith.constant 0 : i32
        %dma_start3A_218 = tpu.memref_slice %arg6[%add3A_216, %dma_start3A_217] : memref<25x80xi32, #tpu.memory_space<vmem>> -> memref<1x80xi32, #tpu.memory_space<vmem>>
        %dma_start3A_219 = tpu.memref_squeeze %dma_start3A_218 : memref<1x80xi32, #tpu.memory_space<vmem>> -> memref<80xi32, #tpu.memory_space<vmem>>
        %dma_start3A_220 = arith.constant 0 : i32
        %dma_start3A_221 = arith.constant 0 : i32
        %dma_start3A_222 = tpu.memref_slice %arg2[%dma_start3A_220, %dma_start3A_221] : memref<10240x128xf32, #tpu.memory_space<hbm>> -> memref<10240x128xf32, #tpu.memory_space<hbm>>
        tpu.enqueue_indirect_dma source(%dma_start3A_222 : memref<10240x128xf32, #tpu.memory_space<hbm>>) target(%arg10 : memref<80x128xf32, #tpu.memory_space<vmem>>) offsets(%dma_start3A_219 : memref<80xi32, #tpu.memory_space<vmem>>) semaphore(%arg15 : memref<!tpu.dma_semaphore, #tpu.memory_space<semaphore_mem>>)
        %add3A_223 = arith.constant 2 : i32
        %add3A_224 = arith.addi %add3A_149, %add3A_223 : i32
        %dma_wait3A_225 = arith.constant 0 : i32
        %dma_wait3A_226 = tpu.memref_slice %arg6[%add3A_224, %dma_wait3A_225] : memref<25x80xi32, #tpu.memory_space<vmem>> -> memref<1x80xi32, #tpu.memory_space<vmem>>
        %dma_wait3A_227 = tpu.memref_squeeze %dma_wait3A_226 : memref<1x80xi32, #tpu.memory_space<vmem>> -> memref<80xi32, #tpu.memory_space<vmem>>
        %dma_wait3A_228 = arith.constant 0 : i32
        %dma_wait3A_229 = arith.constant 0 : i32
        %dma_wait3A_230 = tpu.memref_slice %arg2[%dma_wait3A_228, %dma_wait3A_229] : memref<10240x128xf32, #tpu.memory_space<hbm>> -> memref<10240x128xf32, #tpu.memory_space<hbm>>
        tpu.wait_indirect_dma semaphore(%arg14 : memref<!tpu.dma_semaphore, #tpu.memory_space<semaphore_mem>>) src(%dma_wait3A_230 : memref<10240x128xf32, #tpu.memory_space<hbm>>) dst(%arg9 : memref<80x128xf32, #tpu.memory_space<vmem>>)
        %add3A_231 = arith.constant 2 : i32
        %add3A_232 = arith.addi %add3A_149, %add3A_231 : i32
        %dma_start3A_233 = arith.constant 0 : i32
        %dma_start3A_234 = tpu.memref_slice %arg7[%add3A_232, %dma_start3A_233] : memref<25x80xi32, #tpu.memory_space<vmem>> -> memref<1x80xi32, #tpu.memory_space<vmem>>
        %dma_start3A_235 = tpu.memref_squeeze %dma_start3A_234 : memref<1x80xi32, #tpu.memory_space<vmem>> -> memref<80xi32, #tpu.memory_space<vmem>>
        %dma_start3A_236 = arith.constant 0 : i32
        %dma_start3A_237 = arith.constant 0 : i32
        %dma_start3A_238 = tpu.memref_slice %arg12[%dma_start3A_236, %dma_start3A_237] : memref<10240x128xf32, #tpu.memory_space<vmem_shared>> -> memref<10240x128xf32, #tpu.memory_space<vmem_shared>>
        tpu.enqueue_indirect_dma source(%arg9 : memref<80x128xf32, #tpu.memory_space<vmem>>) target(%dma_start3A_238 : memref<10240x128xf32, #tpu.memory_space<vmem_shared>>) offsets(%dma_start3A_235 : memref<80xi32, #tpu.memory_space<vmem>>) semaphore(%arg17 : memref<!tpu.dma_semaphore, #tpu.memory_space<semaphore_mem>>) {add = true}
        %scan3A_239 = arith.constant 0 : i32
        scf.yield %scan3A_239 : i32
      }
      %scan3A_79 = arith.constant 7 : i32
      %dma_wait3A_80 = arith.constant 21 : i32
      %dma_wait3A_81 = arith.constant 0 : i32
      %dma_wait3A_82 = tpu.memref_slice %arg7[%dma_wait3A_80, %dma_wait3A_81] : memref<25x80xi32, #tpu.memory_space<vmem>> -> memref<1x80xi32, #tpu.memory_space<vmem>>
      %dma_wait3A_83 = tpu.memref_squeeze %dma_wait3A_82 : memref<1x80xi32, #tpu.memory_space<vmem>> -> memref<80xi32, #tpu.memory_space<vmem>>
      %dma_wait3A_84 = arith.constant 0 : i32
      %dma_wait3A_85 = arith.constant 0 : i32
      %dma_wait3A_86 = tpu.memref_slice %arg12[%dma_wait3A_84, %dma_wait3A_85] : memref<10240x128xf32, #tpu.memory_space<vmem_shared>> -> memref<10240x128xf32, #tpu.memory_space<vmem_shared>>
      tpu.wait_indirect_dma semaphore(%arg16 : memref<!tpu.dma_semaphore, #tpu.memory_space<semaphore_mem>>) src(%arg8 : memref<80x128xf32, #tpu.memory_space<vmem>>) dst(%dma_wait3A_86 : memref<10240x128xf32, #tpu.memory_space<vmem_shared>>)
      %dma_start3A_87 = arith.constant 24 : i32
      %dma_start3A_88 = arith.constant 0 : i32
      %dma_start3A_89 = tpu.memref_slice %arg6[%dma_start3A_87, %dma_start3A_88] : memref<25x80xi32, #tpu.memory_space<vmem>> -> memref<1x80xi32, #tpu.memory_space<vmem>>
      %dma_start3A_90 = tpu.memref_squeeze %dma_start3A_89 : memref<1x80xi32, #tpu.memory_space<vmem>> -> memref<80xi32, #tpu.memory_space<vmem>>
      %dma_start3A_91 = arith.constant 0 : i32
      %dma_start3A_92 = arith.constant 0 : i32
      %dma_start3A_93 = tpu.memref_slice %arg2[%dma_start3A_91, %dma_start3A_92] : memref<10240x128xf32, #tpu.memory_space<hbm>> -> memref<10240x128xf32, #tpu.memory_space<hbm>>
      tpu.enqueue_indirect_dma source(%dma_start3A_93 : memref<10240x128xf32, #tpu.memory_space<hbm>>) target(%arg8 : memref<80x128xf32, #tpu.memory_space<vmem>>) offsets(%dma_start3A_90 : memref<80xi32, #tpu.memory_space<vmem>>) semaphore(%arg13 : memref<!tpu.dma_semaphore, #tpu.memory_space<semaphore_mem>>)
      %dma_wait3A_94 = arith.constant 23 : i32
      %dma_wait3A_95 = arith.constant 0 : i32
      %dma_wait3A_96 = tpu.memref_slice %arg6[%dma_wait3A_94, %dma_wait3A_95] : memref<25x80xi32, #tpu.memory_space<vmem>> -> memref<1x80xi32, #tpu.memory_space<vmem>>
      %dma_wait3A_97 = tpu.memref_squeeze %dma_wait3A_96 : memref<1x80xi32, #tpu.memory_space<vmem>> -> memref<80xi32, #tpu.memory_space<vmem>>
      %dma_wait3A_98 = arith.constant 0 : i32
      %dma_wait3A_99 = arith.constant 0 : i32
      %dma_wait3A_100 = tpu.memref_slice %arg2[%dma_wait3A_98, %dma_wait3A_99] : memref<10240x128xf32, #tpu.memory_space<hbm>> -> memref<10240x128xf32, #tpu.memory_space<hbm>>
      tpu.wait_indirect_dma semaphore(%arg15 : memref<!tpu.dma_semaphore, #tpu.memory_space<semaphore_mem>>) src(%dma_wait3A_100 : memref<10240x128xf32, #tpu.memory_space<hbm>>) dst(%arg10 : memref<80x128xf32, #tpu.memory_space<vmem>>)
      %dma_start3A_101 = arith.constant 23 : i32
      %dma_start3A_102 = arith.constant 0 : i32
      %dma_start3A_103 = tpu.memref_slice %arg7[%dma_start3A_101, %dma_start3A_102] : memref<25x80xi32, #tpu.memory_space<vmem>> -> memref<1x80xi32, #tpu.memory_space<vmem>>
      %dma_start3A_104 = tpu.memref_squeeze %dma_start3A_103 : memref<1x80xi32, #tpu.memory_space<vmem>> -> memref<80xi32, #tpu.memory_space<vmem>>
      %dma_start3A_105 = arith.constant 0 : i32
      %dma_start3A_106 = arith.constant 0 : i32
      %dma_start3A_107 = tpu.memref_slice %arg12[%dma_start3A_105, %dma_start3A_106] : memref<10240x128xf32, #tpu.memory_space<vmem_shared>> -> memref<10240x128xf32, #tpu.memory_space<vmem_shared>>
      tpu.enqueue_indirect_dma source(%arg10 : memref<80x128xf32, #tpu.memory_space<vmem>>) target(%dma_start3A_107 : memref<10240x128xf32, #tpu.memory_space<vmem_shared>>) offsets(%dma_start3A_104 : memref<80xi32, #tpu.memory_space<vmem>>) semaphore(%arg18 : memref<!tpu.dma_semaphore, #tpu.memory_space<semaphore_mem>>) {add = true}
      %dma_wait3A_108 = arith.constant 24 : i32
      %dma_wait3A_109 = arith.constant 0 : i32
      %dma_wait3A_110 = tpu.memref_slice %arg6[%dma_wait3A_108, %dma_wait3A_109] : memref<25x80xi32, #tpu.memory_space<vmem>> -> memref<1x80xi32, #tpu.memory_space<vmem>>
      %dma_wait3A_111 = tpu.memref_squeeze %dma_wait3A_110 : memref<1x80xi32, #tpu.memory_space<vmem>> -> memref<80xi32, #tpu.memory_space<vmem>>
      %dma_wait3A_112 = arith.constant 0 : i32
      %dma_wait3A_113 = arith.constant 0 : i32
      %dma_wait3A_114 = tpu.memref_slice %arg2[%dma_wait3A_112, %dma_wait3A_113] : memref<10240x128xf32, #tpu.memory_space<hbm>> -> memref<10240x128xf32, #tpu.memory_space<hbm>>
      tpu.wait_indirect_dma semaphore(%arg13 : memref<!tpu.dma_semaphore, #tpu.memory_space<semaphore_mem>>) src(%dma_wait3A_114 : memref<10240x128xf32, #tpu.memory_space<hbm>>) dst(%arg8 : memref<80x128xf32, #tpu.memory_space<vmem>>)
      %dma_start3A_115 = arith.constant 24 : i32
      %dma_start3A_116 = arith.constant 0 : i32
      %dma_start3A_117 = tpu.memref_slice %arg7[%dma_start3A_115, %dma_start3A_116] : memref<25x80xi32, #tpu.memory_space<vmem>> -> memref<1x80xi32, #tpu.memory_space<vmem>>
      %dma_start3A_118 = tpu.memref_squeeze %dma_start3A_117 : memref<1x80xi32, #tpu.memory_space<vmem>> -> memref<80xi32, #tpu.memory_space<vmem>>
      %dma_start3A_119 = arith.constant 0 : i32
      %dma_start3A_120 = arith.constant 0 : i32
      %dma_start3A_121 = tpu.memref_slice %arg12[%dma_start3A_119, %dma_start3A_120] : memref<10240x128xf32, #tpu.memory_space<vmem_shared>> -> memref<10240x128xf32, #tpu.memory_space<vmem_shared>>
      tpu.enqueue_indirect_dma source(%arg8 : memref<80x128xf32, #tpu.memory_space<vmem>>) target(%dma_start3A_121 : memref<10240x128xf32, #tpu.memory_space<vmem_shared>>) offsets(%dma_start3A_118 : memref<80xi32, #tpu.memory_space<vmem>>) semaphore(%arg16 : memref<!tpu.dma_semaphore, #tpu.memory_space<semaphore_mem>>) {add = true}
      %dma_wait3A_122 = arith.constant 22 : i32
      %dma_wait3A_123 = arith.constant 0 : i32
      %dma_wait3A_124 = tpu.memref_slice %arg7[%dma_wait3A_122, %dma_wait3A_123] : memref<25x80xi32, #tpu.memory_space<vmem>> -> memref<1x80xi32, #tpu.memory_space<vmem>>
      %dma_wait3A_125 = tpu.memref_squeeze %dma_wait3A_124 : memref<1x80xi32, #tpu.memory_space<vmem>> -> memref<80xi32, #tpu.memory_space<vmem>>
      %dma_wait3A_126 = arith.constant 0 : i32
      %dma_wait3A_127 = arith.constant 0 : i32
      %dma_wait3A_128 = tpu.memref_slice %arg12[%dma_wait3A_126, %dma_wait3A_127] : memref<10240x128xf32, #tpu.memory_space<vmem_shared>> -> memref<10240x128xf32, #tpu.memory_space<vmem_shared>>
      tpu.wait_indirect_dma semaphore(%arg17 : memref<!tpu.dma_semaphore, #tpu.memory_space<semaphore_mem>>) src(%arg9 : memref<80x128xf32, #tpu.memory_space<vmem>>) dst(%dma_wait3A_128 : memref<10240x128xf32, #tpu.memory_space<vmem_shared>>)
      %dma_wait3A_129 = arith.constant 23 : i32
      %dma_wait3A_130 = arith.constant 0 : i32
      %dma_wait3A_131 = tpu.memref_slice %arg7[%dma_wait3A_129, %dma_wait3A_130] : memref<25x80xi32, #tpu.memory_space<vmem>> -> memref<1x80xi32, #tpu.memory_space<vmem>>
      %dma_wait3A_132 = tpu.memref_squeeze %dma_wait3A_131 : memref<1x80xi32, #tpu.memory_space<vmem>> -> memref<80xi32, #tpu.memory_space<vmem>>
      %dma_wait3A_133 = arith.constant 0 : i32
      %dma_wait3A_134 = arith.constant 0 : i32
      %dma_wait3A_135 = tpu.memref_slice %arg12[%dma_wait3A_133, %dma_wait3A_134] : memref<10240x128xf32, #tpu.memory_space<vmem_shared>> -> memref<10240x128xf32, #tpu.memory_space<vmem_shared>>
      tpu.wait_indirect_dma semaphore(%arg18 : memref<!tpu.dma_semaphore, #tpu.memory_space<semaphore_mem>>) src(%arg10 : memref<80x128xf32, #tpu.memory_space<vmem>>) dst(%dma_wait3A_135 : memref<10240x128xf32, #tpu.memory_space<vmem_shared>>)
      %dma_wait3A_136 = arith.constant 24 : i32
      %dma_wait3A_137 = arith.constant 0 : i32
      %dma_wait3A_138 = tpu.memref_slice %arg7[%dma_wait3A_136, %dma_wait3A_137] : memref<25x80xi32, #tpu.memory_space<vmem>> -> memref<1x80xi32, #tpu.memory_space<vmem>>
      %dma_wait3A_139 = tpu.memref_squeeze %dma_wait3A_138 : memref<1x80xi32, #tpu.memory_space<vmem>> -> memref<80xi32, #tpu.memory_space<vmem>>
      %dma_wait3A_140 = arith.constant 0 : i32
      %dma_wait3A_141 = arith.constant 0 : i32
      %dma_wait3A_142 = tpu.memref_slice %arg12[%dma_wait3A_140, %dma_wait3A_141] : memref<10240x128xf32, #tpu.memory_space<vmem_shared>> -> memref<10240x128xf32, #tpu.memory_space<vmem_shared>>
      tpu.wait_indirect_dma semaphore(%arg16 : memref<!tpu.dma_semaphore, #tpu.memory_space<semaphore_mem>>) src(%arg8 : memref<80x128xf32, #tpu.memory_space<vmem>>) dst(%dma_wait3A_142 : memref<10240x128xf32, #tpu.memory_space<vmem_shared>>)
      %scan3A_143 = arith.constant 0 : i32
      scf.yield %scan3A_143 : i32
    }
    %scan3A_22 = arith.constant 5 : i32
    %barrier3A_23 = arith.constant 0 : index
    tpu.barrier barrier_id(%barrier3A_23)
    "tpu.region"() ({
      %run_scoped3A = tpu.sem_alloc : memref<!tpu.dma_semaphore, #tpu.memory_space<semaphore_mem>>
      %dma_start3A = arith.constant 0 : i32
      %dma_start3A_24 = tpu.memref_slice %arg5[%arg0, %mul3A_2, %dma_start3A] : memref<2x10240x128xf32, #tpu.memory_space<hbm>> -> memref<1x640x128xf32, #tpu.memory_space<hbm>>
      %dma_start3A_25 = tpu.memref_squeeze %dma_start3A_24 : memref<1x640x128xf32, #tpu.memory_space<hbm>> -> memref<640x128xf32, #tpu.memory_space<hbm>>
      %dma_start3A_26 = arith.constant 0 : i32
      %dma_start3A_27 = tpu.memref_slice %arg12[%mul3A_2, %dma_start3A_26] : memref<10240x128xf32, #tpu.memory_space<vmem_shared>> -> memref<640x128xf32, #tpu.memory_space<vmem_shared>>
      tpu.enqueue_dma source(%dma_start3A_27 : memref<640x128xf32, #tpu.memory_space<vmem_shared>>) target(%dma_start3A_25 : memref<640x128xf32, #tpu.memory_space<hbm>>) target_semaphore(%run_scoped3A : memref<!tpu.dma_semaphore, #tpu.memory_space<semaphore_mem>>)
      %dma_wait3A = arith.constant 0 : i32
      %dma_wait3A_28 = tpu.memref_slice %arg5[%arg0, %mul3A_2, %dma_wait3A] : memref<2x10240x128xf32, #tpu.memory_space<hbm>> -> memref<1x640x128xf32, #tpu.memory_space<hbm>>
      %dma_wait3A_29 = tpu.memref_squeeze %dma_wait3A_28 : memref<1x640x128xf32, #tpu.memory_space<hbm>> -> memref<640x128xf32, #tpu.memory_space<hbm>>
      %dma_wait3A_30 = arith.constant 0 : i32
      %dma_wait3A_31 = tpu.memref_slice %arg12[%mul3A_2, %dma_wait3A_30] : memref<10240x128xf32, #tpu.memory_space<vmem_shared>> -> memref<640x128xf32, #tpu.memory_space<vmem_shared>>
      tpu.wait_dma2 semaphore(%run_scoped3A : memref<!tpu.dma_semaphore, #tpu.memory_space<semaphore_mem>>) src(%dma_wait3A_31 : memref<640x128xf32, #tpu.memory_space<vmem_shared>>) dst(%dma_wait3A_29 : memref<640x128xf32, #tpu.memory_space<hbm>>)
      tpu.yield
    }) : () -> ()
    return
  }
}

#map = affine_map<(d0, d1) -> (0, 0, 0)>
#map1 = affine_map<(d0, d1) -> (0, 0)>
module attributes {stable_mosaic.version = 14 : i64} {
  func.func @degree_kernel(%arg0: i32, %arg1: i32, %arg2: memref<32x125x80xi32, #tpu.memory_space<hbm>>, %arg3: memref<2x10240xf32, #tpu.memory_space<hbm>>, %arg4: memref<125x80xi32, #tpu.memory_space<vmem>>, %arg5: memref<80xf32, #tpu.memory_space<vmem>>, %arg6: memref<640xf32, #tpu.memory_space<vmem>>, %arg7: memref<10240xf32, #tpu.memory_space<vmem_shared>>, %arg8: memref<!tpu.dma_semaphore, #tpu.memory_space<semaphore_mem>>) attributes {dimension_semantics = [#tpu.dimension_semantics<core_parallel>, #tpu.dimension_semantics<subcore_parallel>], iteration_bounds = array<i64: 2, 16>, scalar_prefetch = 0 : i64, scratch_operands = 5 : i64, tpu.core_type = #tpu.core_type<sc_vector_subcore>, window_params = [{transform_indices = #map}, {transform_indices = #map1}]} {
    %mul3A = arith.constant 16 : i32
    %mul3A_0 = arith.muli %arg0, %mul3A : i32
    %add3A = arith.addi %mul3A_0, %arg1 : i32
    %mul3A_1 = arith.constant 640 : i32
    %mul3A_2 = arith.muli %arg1, %mul3A_1 : i32
    %scan3A = arith.constant 0 : i32
    %scan3A_3 = arith.constant 0 : i32
    %scan3A_4 = arith.constant 5 : i32
    %scan3A_5 = arith.addi %scan3A_3, %scan3A_4 : i32
    %scan3A_6 = arith.constant 1 : i32
    %scan3A_7 = scf.for %scan3A_24 = %scan3A_3 to %scan3A_5 step %scan3A_6 iter_args(%scan3A_25 = %scan3A) -> (i32)  : i32 {
      %broadcast_in_dim3A = arith.constant 1.000000e+00 : f32
      %broadcast_in_dim3A_26 = vector.broadcast %broadcast_in_dim3A : f32 to vector<16xf32>
      %mul3A_27 = arith.constant 16 : i32
      %mul3A_28 = arith.muli %scan3A_24, %mul3A_27 : i32
      %swap3A = arith.index_cast %mul3A_28 : i32 to index
      %swap3A_29 = tpu.vector_load %arg5[%swap3A] {strides = array<i32>} : memref<80xf32, #tpu.memory_space<vmem>>, vector<16xf32>,
      %swap3A_30 = vector.shape_cast %swap3A_29 : vector<16xf32> to vector<16xf32>
      %swap3A_31 = vector.shape_cast %broadcast_in_dim3A_26 : vector<16xf32> to vector<16xf32>
      tpu.vector_store %arg5[%swap3A], %swap3A_31 {strides = array<i32>} : memref<80xf32, #tpu.memory_space<vmem>>, vector<16xf32>,
      %scan3A_32 = arith.constant 0 : i32
      scf.yield %scan3A_32 : i32
    }
    %scan3A_8 = arith.constant 5 : i32
    %scan3A_9 = arith.constant 0 : i32
    %scan3A_10 = arith.constant 0 : i32
    %scan3A_11 = arith.constant 40 : i32
    %scan3A_12 = arith.addi %scan3A_10, %scan3A_11 : i32
    %scan3A_13 = arith.constant 1 : i32
    %scan3A_14 = scf.for %scan3A_24 = %scan3A_10 to %scan3A_12 step %scan3A_13 iter_args(%scan3A_25 = %scan3A_9) -> (i32)  : i32 {
      %broadcast_in_dim3A = arith.constant 0.000000e+00 : f32
      %broadcast_in_dim3A_26 = vector.broadcast %broadcast_in_dim3A : f32 to vector<16xf32>
      %mul3A_27 = arith.constant 16 : i32
      %mul3A_28 = arith.muli %scan3A_24, %mul3A_27 : i32
      %swap3A = arith.index_cast %mul3A_28 : i32 to index
      %swap3A_29 = tpu.vector_load %arg6[%swap3A] {strides = array<i32>} : memref<640xf32, #tpu.memory_space<vmem>>, vector<16xf32>,
      %swap3A_30 = vector.shape_cast %swap3A_29 : vector<16xf32> to vector<16xf32>
      %swap3A_31 = vector.shape_cast %broadcast_in_dim3A_26 : vector<16xf32> to vector<16xf32>
      tpu.vector_store %arg6[%swap3A], %swap3A_31 {strides = array<i32>} : memref<640xf32, #tpu.memory_space<vmem>>, vector<16xf32>,
      %scan3A_32 = arith.constant 0 : i32
      scf.yield %scan3A_32 : i32
    }
    %scan3A_15 = arith.constant 40 : i32
    "tpu.region"() ({
      %run_scoped3A = tpu.sem_alloc : memref<!tpu.dma_semaphore, #tpu.memory_space<semaphore_mem>>
      %dma_start3A = tpu.memref_slice %arg7[%mul3A_2] : memref<10240xf32, #tpu.memory_space<vmem_shared>> -> memref<640xf32, #tpu.memory_space<vmem_shared>>
      %dma_start3A_24 = tpu.memref_slice %arg7[%mul3A_2] : memref<10240xf32, #tpu.memory_space<vmem_shared>> -> memref<640xf32, #tpu.memory_space<vmem_shared>>
      tpu.enqueue_dma source(%arg6 : memref<640xf32, #tpu.memory_space<vmem>>) target(%dma_start3A_24 : memref<640xf32, #tpu.memory_space<vmem_shared>>) target_semaphore(%run_scoped3A : memref<!tpu.dma_semaphore, #tpu.memory_space<semaphore_mem>>)
      %dma_wait3A = tpu.memref_slice %arg7[%mul3A_2] : memref<10240xf32, #tpu.memory_space<vmem_shared>> -> memref<640xf32, #tpu.memory_space<vmem_shared>>
      %dma_wait3A_25 = tpu.memref_slice %arg7[%mul3A_2] : memref<10240xf32, #tpu.memory_space<vmem_shared>> -> memref<640xf32, #tpu.memory_space<vmem_shared>>
      tpu.wait_dma2 semaphore(%run_scoped3A : memref<!tpu.dma_semaphore, #tpu.memory_space<semaphore_mem>>) src(%arg6 : memref<640xf32, #tpu.memory_space<vmem>>) dst(%dma_wait3A_25 : memref<640xf32, #tpu.memory_space<vmem_shared>>)
      tpu.yield
    }) : () -> ()
    %barrier3A = arith.constant 0 : index
    tpu.barrier barrier_id(%barrier3A)
    "tpu.region"() ({
      %run_scoped3A = tpu.sem_alloc : memref<!tpu.dma_semaphore, #tpu.memory_space<semaphore_mem>>
      %dma_start3A = arith.constant 0 : i32
      %dma_start3A_24 = arith.constant 0 : i32
      %dma_start3A_25 = tpu.memref_slice %arg2[%add3A, %dma_start3A, %dma_start3A_24] : memref<32x125x80xi32, #tpu.memory_space<hbm>> -> memref<1x125x80xi32, #tpu.memory_space<hbm>>
      %dma_start3A_26 = tpu.memref_squeeze %dma_start3A_25 : memref<1x125x80xi32, #tpu.memory_space<hbm>> -> memref<125x80xi32, #tpu.memory_space<hbm>>
      %dma_start3A_27 = arith.constant 0 : i32
      %dma_start3A_28 = arith.constant 0 : i32
      %dma_start3A_29 = tpu.memref_slice %arg2[%add3A, %dma_start3A_27, %dma_start3A_28] : memref<32x125x80xi32, #tpu.memory_space<hbm>> -> memref<1x125x80xi32, #tpu.memory_space<hbm>>
      %dma_start3A_30 = tpu.memref_squeeze %dma_start3A_29 : memref<1x125x80xi32, #tpu.memory_space<hbm>> -> memref<125x80xi32, #tpu.memory_space<hbm>>
      tpu.enqueue_dma source(%dma_start3A_30 : memref<125x80xi32, #tpu.memory_space<hbm>>) target(%arg4 : memref<125x80xi32, #tpu.memory_space<vmem>>) target_semaphore(%run_scoped3A : memref<!tpu.dma_semaphore, #tpu.memory_space<semaphore_mem>>)
      %dma_wait3A = arith.constant 0 : i32
      %dma_wait3A_31 = arith.constant 0 : i32
      %dma_wait3A_32 = tpu.memref_slice %arg2[%add3A, %dma_wait3A, %dma_wait3A_31] : memref<32x125x80xi32, #tpu.memory_space<hbm>> -> memref<1x125x80xi32, #tpu.memory_space<hbm>>
      %dma_wait3A_33 = tpu.memref_squeeze %dma_wait3A_32 : memref<1x125x80xi32, #tpu.memory_space<hbm>> -> memref<125x80xi32, #tpu.memory_space<hbm>>
      %dma_wait3A_34 = arith.constant 0 : i32
      %dma_wait3A_35 = arith.constant 0 : i32
      %dma_wait3A_36 = tpu.memref_slice %arg2[%add3A, %dma_wait3A_34, %dma_wait3A_35] : memref<32x125x80xi32, #tpu.memory_space<hbm>> -> memref<1x125x80xi32, #tpu.memory_space<hbm>>
      %dma_wait3A_37 = tpu.memref_squeeze %dma_wait3A_36 : memref<1x125x80xi32, #tpu.memory_space<hbm>> -> memref<125x80xi32, #tpu.memory_space<hbm>>
      tpu.wait_dma2 semaphore(%run_scoped3A : memref<!tpu.dma_semaphore, #tpu.memory_space<semaphore_mem>>) src(%dma_wait3A_37 : memref<125x80xi32, #tpu.memory_space<hbm>>) dst(%arg4 : memref<125x80xi32, #tpu.memory_space<vmem>>)
      tpu.yield
    }) : () -> ()
    %scan3A_16 = arith.constant 0 : i32
    %scan3A_17 = arith.constant 0 : i32
    %scan3A_18 = arith.constant 5 : i32
    %scan3A_19 = arith.addi %scan3A_17, %scan3A_18 : i32
    %scan3A_20 = arith.constant 1 : i32
    %scan3A_21 = scf.for %scan3A_24 = %scan3A_17 to %scan3A_19 step %scan3A_20 iter_args(%scan3A_25 = %scan3A_16) -> (i32)  : i32 {
      %scan3A_26 = arith.constant 0 : i32
      %scan3A_27 = arith.constant 0 : i32
      %scan3A_28 = arith.constant 25 : i32
      %scan3A_29 = arith.addi %scan3A_27, %scan3A_28 : i32
      %scan3A_30 = arith.constant 1 : i32
      %scan3A_31 = scf.for %scan3A_41 = %scan3A_27 to %scan3A_29 step %scan3A_30 iter_args(%scan3A_42 = %scan3A_26) -> (i32)  : i32 {
        %mul3A_43 = arith.constant 25 : i32
        %mul3A_44 = arith.muli %scan3A_24, %mul3A_43 : i32
        %add3A_45 = arith.addi %mul3A_44, %scan3A_41 : i32
        %dma_start3A = arith.constant 0 : i32
        %dma_start3A_46 = tpu.memref_slice %arg4[%add3A_45, %dma_start3A] : memref<125x80xi32, #tpu.memory_space<vmem>> -> memref<1x80xi32, #tpu.memory_space<vmem>>
        %dma_start3A_47 = tpu.memref_squeeze %dma_start3A_46 : memref<1x80xi32, #tpu.memory_space<vmem>> -> memref<80xi32, #tpu.memory_space<vmem>>
        %dma_start3A_48 = arith.constant 0 : i32
        %dma_start3A_49 = tpu.memref_slice %arg7[%dma_start3A_48] : memref<10240xf32, #tpu.memory_space<vmem_shared>> -> memref<10240xf32, #tpu.memory_space<vmem_shared>>
        tpu.enqueue_indirect_dma source(%arg5 : memref<80xf32, #tpu.memory_space<vmem>>) target(%dma_start3A_49 : memref<10240xf32, #tpu.memory_space<vmem_shared>>) offsets(%dma_start3A_47 : memref<80xi32, #tpu.memory_space<vmem>>) semaphore(%arg8 : memref<!tpu.dma_semaphore, #tpu.memory_space<semaphore_mem>>) {add = true}
        %scan3A_50 = arith.constant 0 : i32
        scf.yield %scan3A_50 : i32
      }
      %scan3A_32 = arith.constant 25 : i32
      %scan3A_33 = arith.constant 0 : i32
      %scan3A_34 = arith.constant 0 : i32
      %scan3A_35 = arith.constant 25 : i32
      %scan3A_36 = arith.addi %scan3A_34, %scan3A_35 : i32
      %scan3A_37 = arith.constant 1 : i32
      %scan3A_38 = scf.for %scan3A_41 = %scan3A_34 to %scan3A_36 step %scan3A_37 iter_args(%scan3A_42 = %scan3A_33) -> (i32)  : i32 {
        %dma_wait3A = arith.constant 0 : i32
        %dma_wait3A_43 = arith.constant 0 : i32
        %dma_wait3A_44 = tpu.memref_slice %arg4[%dma_wait3A, %dma_wait3A_43] : memref<125x80xi32, #tpu.memory_space<vmem>> -> memref<1x80xi32, #tpu.memory_space<vmem>>
        %dma_wait3A_45 = tpu.memref_squeeze %dma_wait3A_44 : memref<1x80xi32, #tpu.memory_space<vmem>> -> memref<80xi32, #tpu.memory_space<vmem>>
        %dma_wait3A_46 = arith.constant 0 : i32
        %dma_wait3A_47 = tpu.memref_slice %arg7[%dma_wait3A_46] : memref<10240xf32, #tpu.memory_space<vmem_shared>> -> memref<10240xf32, #tpu.memory_space<vmem_shared>>
        tpu.wait_indirect_dma semaphore(%arg8 : memref<!tpu.dma_semaphore, #tpu.memory_space<semaphore_mem>>) src(%arg5 : memref<80xf32, #tpu.memory_space<vmem>>) dst(%dma_wait3A_47 : memref<10240xf32, #tpu.memory_space<vmem_shared>>)
        %scan3A_48 = arith.constant 0 : i32
        scf.yield %scan3A_48 : i32
      }
      %scan3A_39 = arith.constant 25 : i32
      %scan3A_40 = arith.constant 0 : i32
      scf.yield %scan3A_40 : i32
    }
    %scan3A_22 = arith.constant 5 : i32
    %barrier3A_23 = arith.constant 0 : index
    tpu.barrier barrier_id(%barrier3A_23)
    "tpu.region"() ({
      %run_scoped3A = tpu.sem_alloc : memref<!tpu.dma_semaphore, #tpu.memory_space<semaphore_mem>>
      %dma_start3A = tpu.memref_slice %arg3[%arg0, %mul3A_2] : memref<2x10240xf32, #tpu.memory_space<hbm>> -> memref<1x640xf32, #tpu.memory_space<hbm>>
      %dma_start3A_24 = tpu.memref_squeeze %dma_start3A : memref<1x640xf32, #tpu.memory_space<hbm>> -> memref<640xf32, #tpu.memory_space<hbm>>
      %dma_start3A_25 = tpu.memref_slice %arg7[%mul3A_2] : memref<10240xf32, #tpu.memory_space<vmem_shared>> -> memref<640xf32, #tpu.memory_space<vmem_shared>>
      tpu.enqueue_dma source(%dma_start3A_25 : memref<640xf32, #tpu.memory_space<vmem_shared>>) target(%dma_start3A_24 : memref<640xf32, #tpu.memory_space<hbm>>) target_semaphore(%run_scoped3A : memref<!tpu.dma_semaphore, #tpu.memory_space<semaphore_mem>>)
      %dma_wait3A = tpu.memref_slice %arg3[%arg0, %mul3A_2] : memref<2x10240xf32, #tpu.memory_space<hbm>> -> memref<1x640xf32, #tpu.memory_space<hbm>>
      %dma_wait3A_26 = tpu.memref_squeeze %dma_wait3A : memref<1x640xf32, #tpu.memory_space<hbm>> -> memref<640xf32, #tpu.memory_space<hbm>>
      %dma_wait3A_27 = tpu.memref_slice %arg7[%mul3A_2] : memref<10240xf32, #tpu.memory_space<vmem_shared>> -> memref<640xf32, #tpu.memory_space<vmem_shared>>
      tpu.wait_dma2 semaphore(%run_scoped3A : memref<!tpu.dma_semaphore, #tpu.memory_space<semaphore_mem>>) src(%dma_wait3A_27 : memref<640xf32, #tpu.memory_space<vmem_shared>>) dst(%dma_wait3A_26 : memref<640xf32, #tpu.memory_space<hbm>>)
      tpu.yield
    }) : () -> ()
    return
  }
}

#map = affine_map<(d0, d1) -> (0, 0)>
#map1 = affine_map<(d0, d1) -> (0, 0, 0, 0)>
#map2 = affine_map<(d0, d1) -> (0, 0, 0)>
module attributes {stable_mosaic.version = 14 : i64} {
  func.func @scatter_kernel(%arg0: i32, %arg1: i32, %arg2: memref<10240x128xf32, #tpu.memory_space<hbm>>, %arg3: memref<32x5x25x80xi32, #tpu.memory_space<hbm>>, %arg4: memref<32x5x25x80xi32, #tpu.memory_space<hbm>>, %arg5: memref<2x10240x128xf32, #tpu.memory_space<hbm>>, %arg6: memref<25x80xi32, #tpu.memory_space<vmem>>, %arg7: memref<25x80xi32, #tpu.memory_space<vmem>>, %arg8: memref<80x128xf32, #tpu.memory_space<vmem>>, %arg9: memref<80x128xf32, #tpu.memory_space<vmem>>, %arg10: memref<80x128xf32, #tpu.memory_space<vmem>>, %arg11: memref<8x128xf32, #tpu.memory_space<vmem>>, %arg12: memref<10240x128xf32, #tpu.memory_space<vmem_shared>>, %arg13: memref<!tpu.dma_semaphore, #tpu.memory_space<semaphore_mem>>, %arg14: memref<!tpu.dma_semaphore, #tpu.memory_space<semaphore_mem>>, %arg15: memref<!tpu.dma_semaphore, #tpu.memory_space<semaphore_mem>>, %arg16: memref<!tpu.dma_semaphore, #tpu.memory_space<semaphore_mem>>, %arg17: memref<!tpu.dma_semaphore, #tpu.memory_space<semaphore_mem>>, %arg18: memref<!tpu.dma_semaphore, #tpu.memory_space<semaphore_mem>>) attributes {dimension_semantics = [#tpu.dimension_semantics<core_parallel>, #tpu.dimension_semantics<subcore_parallel>], iteration_bounds = array<i64: 2, 16>, scalar_prefetch = 0 : i64, scratch_operands = 13 : i64, tpu.core_type = #tpu.core_type<sc_vector_subcore>, window_params = [{transform_indices = #map}, {transform_indices = #map1}, {transform_indices = #map1}, {transform_indices = #map2}]} {
    %mul3A = arith.constant 16 : i32
    %mul3A_0 = arith.muli %arg0, %mul3A : i32
    %add3A = arith.addi %mul3A_0, %arg1 : i32
    %mul3A_1 = arith.constant 640 : i32
    %mul3A_2 = arith.muli %arg1, %mul3A_1 : i32
    %scan3A = arith.constant 0 : i32
    %scan3A_3 = arith.constant 0 : i32
    %scan3A_4 = arith.constant 64 : i32
    %scan3A_5 = arith.addi %scan3A_3, %scan3A_4 : i32
    %scan3A_6 = arith.constant 1 : i32
    %scan3A_7 = scf.for %scan3A_24 = %scan3A_3 to %scan3A_5 step %scan3A_6 iter_args(%scan3A_25 = %scan3A) -> (i32)  : i32 {
      %jit3A = arith.constant 8 : i32
      %div3A = arith.divsi %scan3A_24, %jit3A : i32
      %sign3A = arith.constant 0 : i32
      %sign3A_26 = arith.cmpi sgt, %scan3A_24, %sign3A : i32
      %sign3A_27 = arith.extui %sign3A_26 : i1 to i32
      %sign3A_28 = arith.constant 0 : i32
      %sign3A_29 = arith.cmpi slt, %scan3A_24, %sign3A_28 : i32
      %sign3A_30 = arith.extui %sign3A_29 : i1 to i32
      %sign3A_31 = arith.subi %sign3A_27, %sign3A_30 : i32
      %sign3A_32 = arith.constant 0 : i32
      %sign3A_33 = arith.cmpi sgt, %jit3A, %sign3A_32 : i32
      %sign3A_34 = arith.extui %sign3A_33 : i1 to i32
      %sign3A_35 = arith.constant 0 : i32
      %sign3A_36 = arith.cmpi slt, %jit3A, %sign3A_35 : i32
      %sign3A_37 = arith.extui %sign3A_36 : i1 to i32
      %sign3A_38 = arith.subi %sign3A_34, %sign3A_37 : i32
      %ne3A = arith.cmpi ne, %sign3A_31, %sign3A_38 : i32
      %rem3A = arith.remsi %scan3A_24, %jit3A : i32
      %ne3A_39 = arith.constant 0 : i32
      %ne3A_40 = arith.cmpi ne, %rem3A, %ne3A_39 : i32
      %and3A = arith.andi %ne3A, %ne3A_40 : i1
      %sub3A = arith.constant 1 : i32
      %sub3A_41 = arith.subi %div3A, %sub3A : i32
      %select_n3A = arith.select %and3A, %sub3A_41, %div3A : i32
      %rem3A_42 = arith.constant 8 : i32
      %rem3A_43 = arith.remsi %scan3A_24, %rem3A_42 : i32
      %mul3A_44 = arith.constant 16 : i32
      %mul3A_45 = arith.muli %rem3A_43, %mul3A_44 : i32
      %broadcast_in_dim3A = arith.constant 0.000000e+00 : f32
      %broadcast_in_dim3A_46 = vector.broadcast %broadcast_in_dim3A : f32 to vector<16xf32>
      %swap3A = arith.index_cast %select_n3A : i32 to index
      %swap3A_47 = arith.index_cast %mul3A_45 : i32 to index
      %swap3A_48 = tpu.vector_load %arg11[%swap3A, %swap3A_47] {strides = array<i32>} : memref<8x128xf32, #tpu.memory_space<vmem>>, vector<1x16xf32>,
      %swap3A_49 = vector.shape_cast %swap3A_48 : vector<1x16xf32> to vector<16xf32>
      %swap3A_50 = vector.shape_cast %broadcast_in_dim3A_46 : vector<16xf32> to vector<1x16xf32>
      tpu.vector_store %arg11[%swap3A, %swap3A_47], %swap3A_50 {strides = array<i32>} : memref<8x128xf32, #tpu.memory_space<vmem>>, vector<1x16xf32>,
      %scan3A_51 = arith.constant 0 : i32
      scf.yield %scan3A_51 : i32
    }
    %scan3A_8 = arith.constant 64 : i32
    %scan3A_9 = arith.constant 0 : i32
    %scan3A_10 = arith.constant 0 : i32
    %scan3A_11 = arith.constant 80 : i32
    %scan3A_12 = arith.addi %scan3A_10, %scan3A_11 : i32
    %scan3A_13 = arith.constant 1 : i32
    %scan3A_14 = scf.for %scan3A_24 = %scan3A_10 to %scan3A_12 step %scan3A_13 iter_args(%scan3A_25 = %scan3A_9) -> (i32)  : i32 {
      %mul3A_26 = arith.constant 8 : i32
      %mul3A_27 = arith.muli %scan3A_24, %mul3A_26 : i32
      %add3A_28 = arith.addi %mul3A_2, %mul3A_27 : i32
      "tpu.region"() ({
        %run_scoped3A = tpu.sem_alloc : memref<!tpu.dma_semaphore, #tpu.memory_space<semaphore_mem>>
        %dma_start3A = arith.constant 0 : i32
        %dma_start3A_30 = tpu.memref_slice %arg12[%add3A_28, %dma_start3A] : memref<10240x128xf32, #tpu.memory_space<vmem_shared>> -> memref<8x128xf32, #tpu.memory_space<vmem_shared>>
        %dma_start3A_31 = arith.constant 0 : i32
        %dma_start3A_32 = tpu.memref_slice %arg12[%add3A_28, %dma_start3A_31] : memref<10240x128xf32, #tpu.memory_space<vmem_shared>> -> memref<8x128xf32, #tpu.memory_space<vmem_shared>>
        tpu.enqueue_dma source(%arg11 : memref<8x128xf32, #tpu.memory_space<vmem>>) target(%dma_start3A_32 : memref<8x128xf32, #tpu.memory_space<vmem_shared>>) target_semaphore(%run_scoped3A : memref<!tpu.dma_semaphore, #tpu.memory_space<semaphore_mem>>)
        %dma_wait3A = arith.constant 0 : i32
        %dma_wait3A_33 = tpu.memref_slice %arg12[%add3A_28, %dma_wait3A] : memref<10240x128xf32, #tpu.memory_space<vmem_shared>> -> memref<8x128xf32, #tpu.memory_space<vmem_shared>>
        %dma_wait3A_34 = arith.constant 0 : i32
        %dma_wait3A_35 = tpu.memref_slice %arg12[%add3A_28, %dma_wait3A_34] : memref<10240x128xf32, #tpu.memory_space<vmem_shared>> -> memref<8x128xf32, #tpu.memory_space<vmem_shared>>
        tpu.wait_dma2 semaphore(%run_scoped3A : memref<!tpu.dma_semaphore, #tpu.memory_space<semaphore_mem>>) src(%arg11 : memref<8x128xf32, #tpu.memory_space<vmem>>) dst(%dma_wait3A_35 : memref<8x128xf32, #tpu.memory_space<vmem_shared>>)
        tpu.yield
      }) : () -> ()
      %scan3A_29 = arith.constant 0 : i32
      scf.yield %scan3A_29 : i32
    }
    %scan3A_15 = arith.constant 80 : i32
    %barrier3A = arith.constant 0 : index
    tpu.barrier barrier_id(%barrier3A)
    %scan3A_16 = arith.constant 0 : i32
    %scan3A_17 = arith.constant 0 : i32
    %scan3A_18 = arith.constant 5 : i32
    %scan3A_19 = arith.addi %scan3A_17, %scan3A_18 : i32
    %scan3A_20 = arith.constant 1 : i32
    %scan3A_21 = scf.for %scan3A_24 = %scan3A_17 to %scan3A_19 step %scan3A_20 iter_args(%scan3A_25 = %scan3A_16) -> (i32)  : i32 {
      "tpu.region"() ({
        %run_scoped3A = tpu.sem_alloc : memref<!tpu.dma_semaphore, #tpu.memory_space<semaphore_mem>>
        %dma_start3A_144 = arith.constant 0 : i32
        %dma_start3A_145 = arith.constant 0 : i32
        %dma_start3A_146 = tpu.memref_slice %arg3[%add3A, %scan3A_24, %dma_start3A_144, %dma_start3A_145] : memref<32x5x25x80xi32, #tpu.memory_space<hbm>> -> memref<1x1x25x80xi32, #tpu.memory_space<hbm>>
        %dma_start3A_147 = tpu.memref_squeeze %dma_start3A_146 : memref<1x1x25x80xi32, #tpu.memory_space<hbm>> -> memref<25x80xi32, #tpu.memory_space<hbm>>
        %dma_start3A_148 = arith.constant 0 : i32
        %dma_start3A_149 = arith.constant 0 : i32
        %dma_start3A_150 = tpu.memref_slice %arg3[%add3A, %scan3A_24, %dma_start3A_148, %dma_start3A_149] : memref<32x5x25x80xi32, #tpu.memory_space<hbm>> -> memref<1x1x25x80xi32, #tpu.memory_space<hbm>>
        %dma_start3A_151 = tpu.memref_squeeze %dma_start3A_150 : memref<1x1x25x80xi32, #tpu.memory_space<hbm>> -> memref<25x80xi32, #tpu.memory_space<hbm>>
        tpu.enqueue_dma source(%dma_start3A_151 : memref<25x80xi32, #tpu.memory_space<hbm>>) target(%arg6 : memref<25x80xi32, #tpu.memory_space<vmem>>) target_semaphore(%run_scoped3A : memref<!tpu.dma_semaphore, #tpu.memory_space<semaphore_mem>>)
        %dma_wait3A_152 = arith.constant 0 : i32
        %dma_wait3A_153 = arith.constant 0 : i32
        %dma_wait3A_154 = tpu.memref_slice %arg3[%add3A, %scan3A_24, %dma_wait3A_152, %dma_wait3A_153] : memref<32x5x25x80xi32, #tpu.memory_space<hbm>> -> memref<1x1x25x80xi32, #tpu.memory_space<hbm>>
        %dma_wait3A_155 = tpu.memref_squeeze %dma_wait3A_154 : memref<1x1x25x80xi32, #tpu.memory_space<hbm>> -> memref<25x80xi32, #tpu.memory_space<hbm>>
        %dma_wait3A_156 = arith.constant 0 : i32
        %dma_wait3A_157 = arith.constant 0 : i32
        %dma_wait3A_158 = tpu.memref_slice %arg3[%add3A, %scan3A_24, %dma_wait3A_156, %dma_wait3A_157] : memref<32x5x25x80xi32, #tpu.memory_space<hbm>> -> memref<1x1x25x80xi32, #tpu.memory_space<hbm>>
        %dma_wait3A_159 = tpu.memref_squeeze %dma_wait3A_158 : memref<1x1x25x80xi32, #tpu.memory_space<hbm>> -> memref<25x80xi32, #tpu.memory_space<hbm>>
        tpu.wait_dma2 semaphore(%run_scoped3A : memref<!tpu.dma_semaphore, #tpu.memory_space<semaphore_mem>>) src(%dma_wait3A_159 : memref<25x80xi32, #tpu.memory_space<hbm>>) dst(%arg6 : memref<25x80xi32, #tpu.memory_space<vmem>>)
        tpu.yield
      }) : () -> ()
      "tpu.region"() ({
        %run_scoped3A = tpu.sem_alloc : memref<!tpu.dma_semaphore, #tpu.memory_space<semaphore_mem>>
        %dma_start3A_144 = arith.constant 0 : i32
        %dma_start3A_145 = arith.constant 0 : i32
        %dma_start3A_146 = tpu.memref_slice %arg4[%add3A, %scan3A_24, %dma_start3A_144, %dma_start3A_145] : memref<32x5x25x80xi32, #tpu.memory_space<hbm>> -> memref<1x1x25x80xi32, #tpu.memory_space<hbm>>
        %dma_start3A_147 = tpu.memref_squeeze %dma_start3A_146 : memref<1x1x25x80xi32, #tpu.memory_space<hbm>> -> memref<25x80xi32, #tpu.memory_space<hbm>>
        %dma_start3A_148 = arith.constant 0 : i32
        %dma_start3A_149 = arith.constant 0 : i32
        %dma_start3A_150 = tpu.memref_slice %arg4[%add3A, %scan3A_24, %dma_start3A_148, %dma_start3A_149] : memref<32x5x25x80xi32, #tpu.memory_space<hbm>> -> memref<1x1x25x80xi32, #tpu.memory_space<hbm>>
        %dma_start3A_151 = tpu.memref_squeeze %dma_start3A_150 : memref<1x1x25x80xi32, #tpu.memory_space<hbm>> -> memref<25x80xi32, #tpu.memory_space<hbm>>
        tpu.enqueue_dma source(%dma_start3A_151 : memref<25x80xi32, #tpu.memory_space<hbm>>) target(%arg7 : memref<25x80xi32, #tpu.memory_space<vmem>>) target_semaphore(%run_scoped3A : memref<!tpu.dma_semaphore, #tpu.memory_space<semaphore_mem>>)
        %dma_wait3A_152 = arith.constant 0 : i32
        %dma_wait3A_153 = arith.constant 0 : i32
        %dma_wait3A_154 = tpu.memref_slice %arg4[%add3A, %scan3A_24, %dma_wait3A_152, %dma_wait3A_153] : memref<32x5x25x80xi32, #tpu.memory_space<hbm>> -> memref<1x1x25x80xi32, #tpu.memory_space<hbm>>
        %dma_wait3A_155 = tpu.memref_squeeze %dma_wait3A_154 : memref<1x1x25x80xi32, #tpu.memory_space<hbm>> -> memref<25x80xi32, #tpu.memory_space<hbm>>
        %dma_wait3A_156 = arith.constant 0 : i32
        %dma_wait3A_157 = arith.constant 0 : i32
        %dma_wait3A_158 = tpu.memref_slice %arg4[%add3A, %scan3A_24, %dma_wait3A_156, %dma_wait3A_157] : memref<32x5x25x80xi32, #tpu.memory_space<hbm>> -> memref<1x1x25x80xi32, #tpu.memory_space<hbm>>
        %dma_wait3A_159 = tpu.memref_squeeze %dma_wait3A_158 : memref<1x1x25x80xi32, #tpu.memory_space<hbm>> -> memref<25x80xi32, #tpu.memory_space<hbm>>
        tpu.wait_dma2 semaphore(%run_scoped3A : memref<!tpu.dma_semaphore, #tpu.memory_space<semaphore_mem>>) src(%dma_wait3A_159 : memref<25x80xi32, #tpu.memory_space<hbm>>) dst(%arg7 : memref<25x80xi32, #tpu.memory_space<vmem>>)
        tpu.yield
      }) : () -> ()
      %dma_start3A = arith.constant 0 : i32
      %dma_start3A_26 = arith.constant 0 : i32
      %dma_start3A_27 = tpu.memref_slice %arg6[%dma_start3A, %dma_start3A_26] : memref<25x80xi32, #tpu.memory_space<vmem>> -> memref<1x80xi32, #tpu.memory_space<vmem>>
      %dma_start3A_28 = tpu.memref_squeeze %dma_start3A_27 : memref<1x80xi32, #tpu.memory_space<vmem>> -> memref<80xi32, #tpu.memory_space<vmem>>
      %dma_start3A_29 = arith.constant 0 : i32
      %dma_start3A_30 = arith.constant 0 : i32
      %dma_start3A_31 = tpu.memref_slice %arg2[%dma_start3A_29, %dma_start3A_30] : memref<10240x128xf32, #tpu.memory_space<hbm>> -> memref<10240x128xf32, #tpu.memory_space<hbm>>
      tpu.enqueue_indirect_dma source(%dma_start3A_31 : memref<10240x128xf32, #tpu.memory_space<hbm>>) target(%arg8 : memref<80x128xf32, #tpu.memory_space<vmem>>) offsets(%dma_start3A_28 : memref<80xi32, #tpu.memory_space<vmem>>) semaphore(%arg13 : memref<!tpu.dma_semaphore, #tpu.memory_space<semaphore_mem>>)
      %dma_start3A_32 = arith.constant 1 : i32
      %dma_start3A_33 = arith.constant 0 : i32
      %dma_start3A_34 = tpu.memref_slice %arg6[%dma_start3A_32, %dma_start3A_33] : memref<25x80xi32, #tpu.memory_space<vmem>> -> memref<1x80xi32, #tpu.memory_space<vmem>>
      %dma_start3A_35 = tpu.memref_squeeze %dma_start3A_34 : memref<1x80xi32, #tpu.memory_space<vmem>> -> memref<80xi32, #tpu.memory_space<vmem>>
      %dma_start3A_36 = arith.constant 0 : i32
      %dma_start3A_37 = arith.constant 0 : i32
      %dma_start3A_38 = tpu.memref_slice %arg2[%dma_start3A_36, %dma_start3A_37] : memref<10240x128xf32, #tpu.memory_space<hbm>> -> memref<10240x128xf32, #tpu.memory_space<hbm>>
      tpu.enqueue_indirect_dma source(%dma_start3A_38 : memref<10240x128xf32, #tpu.memory_space<hbm>>) target(%arg9 : memref<80x128xf32, #tpu.memory_space<vmem>>) offsets(%dma_start3A_35 : memref<80xi32, #tpu.memory_space<vmem>>) semaphore(%arg14 : memref<!tpu.dma_semaphore, #tpu.memory_space<semaphore_mem>>)
      %dma_wait3A = arith.constant 0 : i32
      %dma_wait3A_39 = arith.constant 0 : i32
      %dma_wait3A_40 = tpu.memref_slice %arg6[%dma_wait3A, %dma_wait3A_39] : memref<25x80xi32, #tpu.memory_space<vmem>> -> memref<1x80xi32, #tpu.memory_space<vmem>>
      %dma_wait3A_41 = tpu.memref_squeeze %dma_wait3A_40 : memref<1x80xi32, #tpu.memory_space<vmem>> -> memref<80xi32, #tpu.memory_space<vmem>>
      %dma_wait3A_42 = arith.constant 0 : i32
      %dma_wait3A_43 = arith.constant 0 : i32
      %dma_wait3A_44 = tpu.memref_slice %arg2[%dma_wait3A_42, %dma_wait3A_43] : memref<10240x128xf32, #tpu.memory_space<hbm>> -> memref<10240x128xf32, #tpu.memory_space<hbm>>
      tpu.wait_indirect_dma semaphore(%arg13 : memref<!tpu.dma_semaphore, #tpu.memory_space<semaphore_mem>>) src(%dma_wait3A_44 : memref<10240x128xf32, #tpu.memory_space<hbm>>) dst(%arg8 : memref<80x128xf32, #tpu.memory_space<vmem>>)
      %dma_start3A_45 = arith.constant 0 : i32
      %dma_start3A_46 = arith.constant 0 : i32
      %dma_start3A_47 = tpu.memref_slice %arg7[%dma_start3A_45, %dma_start3A_46] : memref<25x80xi32, #tpu.memory_space<vmem>> -> memref<1x80xi32, #tpu.memory_space<vmem>>
      %dma_start3A_48 = tpu.memref_squeeze %dma_start3A_47 : memref<1x80xi32, #tpu.memory_space<vmem>> -> memref<80xi32, #tpu.memory_space<vmem>>
      %dma_start3A_49 = arith.constant 0 : i32
      %dma_start3A_50 = arith.constant 0 : i32
      %dma_start3A_51 = tpu.memref_slice %arg12[%dma_start3A_49, %dma_start3A_50] : memref<10240x128xf32, #tpu.memory_space<vmem_shared>> -> memref<10240x128xf32, #tpu.memory_space<vmem_shared>>
      tpu.enqueue_indirect_dma source(%arg8 : memref<80x128xf32, #tpu.memory_space<vmem>>) target(%dma_start3A_51 : memref<10240x128xf32, #tpu.memory_space<vmem_shared>>) offsets(%dma_start3A_48 : memref<80xi32, #tpu.memory_space<vmem>>) semaphore(%arg16 : memref<!tpu.dma_semaphore, #tpu.memory_space<semaphore_mem>>) {add = true}
      %dma_start3A_52 = arith.constant 2 : i32
      %dma_start3A_53 = arith.constant 0 : i32
      %dma_start3A_54 = tpu.memref_slice %arg6[%dma_start3A_52, %dma_start3A_53] : memref<25x80xi32, #tpu.memory_space<vmem>> -> memref<1x80xi32, #tpu.memory_space<vmem>>
      %dma_start3A_55 = tpu.memref_squeeze %dma_start3A_54 : memref<1x80xi32, #tpu.memory_space<vmem>> -> memref<80xi32, #tpu.memory_space<vmem>>
      %dma_start3A_56 = arith.constant 0 : i32
      %dma_start3A_57 = arith.constant 0 : i32
      %dma_start3A_58 = tpu.memref_slice %arg2[%dma_start3A_56, %dma_start3A_57] : memref<10240x128xf32, #tpu.memory_space<hbm>> -> memref<10240x128xf32, #tpu.memory_space<hbm>>
      tpu.enqueue_indirect_dma source(%dma_start3A_58 : memref<10240x128xf32, #tpu.memory_space<hbm>>) target(%arg10 : memref<80x128xf32, #tpu.memory_space<vmem>>) offsets(%dma_start3A_55 : memref<80xi32, #tpu.memory_space<vmem>>) semaphore(%arg15 : memref<!tpu.dma_semaphore, #tpu.memory_space<semaphore_mem>>)
      %dma_wait3A_59 = arith.constant 1 : i32
      %dma_wait3A_60 = arith.constant 0 : i32
      %dma_wait3A_61 = tpu.memref_slice %arg6[%dma_wait3A_59, %dma_wait3A_60] : memref<25x80xi32, #tpu.memory_space<vmem>> -> memref<1x80xi32, #tpu.memory_space<vmem>>
      %dma_wait3A_62 = tpu.memref_squeeze %dma_wait3A_61 : memref<1x80xi32, #tpu.memory_space<vmem>> -> memref<80xi32, #tpu.memory_space<vmem>>
      %dma_wait3A_63 = arith.constant 0 : i32
      %dma_wait3A_64 = arith.constant 0 : i32
      %dma_wait3A_65 = tpu.memref_slice %arg2[%dma_wait3A_63, %dma_wait3A_64] : memref<10240x128xf32, #tpu.memory_space<hbm>> -> memref<10240x128xf32, #tpu.memory_space<hbm>>
      tpu.wait_indirect_dma semaphore(%arg14 : memref<!tpu.dma_semaphore, #tpu.memory_space<semaphore_mem>>) src(%dma_wait3A_65 : memref<10240x128xf32, #tpu.memory_space<hbm>>) dst(%arg9 : memref<80x128xf32, #tpu.memory_space<vmem>>)
      %dma_start3A_66 = arith.constant 1 : i32
      %dma_start3A_67 = arith.constant 0 : i32
      %dma_start3A_68 = tpu.memref_slice %arg7[%dma_start3A_66, %dma_start3A_67] : memref<25x80xi32, #tpu.memory_space<vmem>> -> memref<1x80xi32, #tpu.memory_space<vmem>>
      %dma_start3A_69 = tpu.memref_squeeze %dma_start3A_68 : memref<1x80xi32, #tpu.memory_space<vmem>> -> memref<80xi32, #tpu.memory_space<vmem>>
      %dma_start3A_70 = arith.constant 0 : i32
      %dma_start3A_71 = arith.constant 0 : i32
      %dma_start3A_72 = tpu.memref_slice %arg12[%dma_start3A_70, %dma_start3A_71] : memref<10240x128xf32, #tpu.memory_space<vmem_shared>> -> memref<10240x128xf32, #tpu.memory_space<vmem_shared>>
      tpu.enqueue_indirect_dma source(%arg9 : memref<80x128xf32, #tpu.memory_space<vmem>>) target(%dma_start3A_72 : memref<10240x128xf32, #tpu.memory_space<vmem_shared>>) offsets(%dma_start3A_69 : memref<80xi32, #tpu.memory_space<vmem>>) semaphore(%arg17 : memref<!tpu.dma_semaphore, #tpu.memory_space<semaphore_mem>>) {add = true}
      %scan3A_73 = arith.constant 0 : i32
      %scan3A_74 = arith.constant 0 : i32
      %scan3A_75 = arith.constant 7 : i32
      %scan3A_76 = arith.addi %scan3A_74, %scan3A_75 : i32
      %scan3A_77 = arith.constant 1 : i32
      %scan3A_78 = scf.for %scan3A_144 = %scan3A_74 to %scan3A_76 step %scan3A_77 iter_args(%scan3A_145 = %scan3A_73) -> (i32)  : i32 {
        %mul3A_146 = arith.constant 3 : i32
        %mul3A_147 = arith.muli %mul3A_146, %scan3A_144 : i32
        %add3A_148 = arith.constant 2 : i32
        %add3A_149 = arith.addi %add3A_148, %mul3A_147 : i32
        %sub3A = arith.constant 2 : i32
        %sub3A_150 = arith.subi %add3A_149, %sub3A : i32
        %dma_wait3A_151 = arith.constant 0 : i32
        %dma_wait3A_152 = tpu.memref_slice %arg7[%sub3A_150, %dma_wait3A_151] : memref<25x80xi32, #tpu.memory_space<vmem>> -> memref<1x80xi32, #tpu.memory_space<vmem>>
        %dma_wait3A_153 = tpu.memref_squeeze %dma_wait3A_152 : memref<1x80xi32, #tpu.memory_space<vmem>> -> memref<80xi32, #tpu.memory_space<vmem>>
        %dma_wait3A_154 = arith.constant 0 : i32
        %dma_wait3A_155 = arith.constant 0 : i32
        %dma_wait3A_156 = tpu.memref_slice %arg12[%dma_wait3A_154, %dma_wait3A_155] : memref<10240x128xf32, #tpu.memory_space<vmem_shared>> -> memref<10240x128xf32, #tpu.memory_space<vmem_shared>>
        tpu.wait_indirect_dma semaphore(%arg16 : memref<!tpu.dma_semaphore, #tpu.memory_space<semaphore_mem>>) src(%arg8 : memref<80x128xf32, #tpu.memory_space<vmem>>) dst(%dma_wait3A_156 : memref<10240x128xf32, #tpu.memory_space<vmem_shared>>)
        %add3A_157 = arith.constant 1 : i32
        %add3A_158 = arith.addi %add3A_149, %add3A_157 : i32
        %dma_start3A_159 = arith.constant 0 : i32
        %dma_start3A_160 = tpu.memref_slice %arg6[%add3A_158, %dma_start3A_159] : memref<25x80xi32, #tpu.memory_space<vmem>> -> memref<1x80xi32, #tpu.memory_space<vmem>>
        %dma_start3A_161 = tpu.memref_squeeze %dma_start3A_160 : memref<1x80xi32, #tpu.memory_space<vmem>> -> memref<80xi32, #tpu.memory_space<vmem>>
        %dma_start3A_162 = arith.constant 0 : i32
        %dma_start3A_163 = arith.constant 0 : i32
        %dma_start3A_164 = tpu.memref_slice %arg2[%dma_start3A_162, %dma_start3A_163] : memref<10240x128xf32, #tpu.memory_space<hbm>> -> memref<10240x128xf32, #tpu.memory_space<hbm>>
        tpu.enqueue_indirect_dma source(%dma_start3A_164 : memref<10240x128xf32, #tpu.memory_space<hbm>>) target(%arg8 : memref<80x128xf32, #tpu.memory_space<vmem>>) offsets(%dma_start3A_161 : memref<80xi32, #tpu.memory_space<vmem>>) semaphore(%arg13 : memref<!tpu.dma_semaphore, #tpu.memory_space<semaphore_mem>>)
        %dma_wait3A_165 = arith.constant 0 : i32
        %dma_wait3A_166 = tpu.memref_slice %arg6[%add3A_149, %dma_wait3A_165] : memref<25x80xi32, #tpu.memory_space<vmem>> -> memref<1x80xi32, #tpu.memory_space<vmem>>
        %dma_wait3A_167 = tpu.memref_squeeze %dma_wait3A_166 : memref<1x80xi32, #tpu.memory_space<vmem>> -> memref<80xi32, #tpu.memory_space<vmem>>
        %dma_wait3A_168 = arith.constant 0 : i32
        %dma_wait3A_169 = arith.constant 0 : i32
        %dma_wait3A_170 = tpu.memref_slice %arg2[%dma_wait3A_168, %dma_wait3A_169] : memref<10240x128xf32, #tpu.memory_space<hbm>> -> memref<10240x128xf32, #tpu.memory_space<hbm>>
        tpu.wait_indirect_dma semaphore(%arg15 : memref<!tpu.dma_semaphore, #tpu.memory_space<semaphore_mem>>) src(%dma_wait3A_170 : memref<10240x128xf32, #tpu.memory_space<hbm>>) dst(%arg10 : memref<80x128xf32, #tpu.memory_space<vmem>>)
        %dma_start3A_171 = arith.constant 0 : i32
        %dma_start3A_172 = tpu.memref_slice %arg7[%add3A_149, %dma_start3A_171] : memref<25x80xi32, #tpu.memory_space<vmem>> -> memref<1x80xi32, #tpu.memory_space<vmem>>
        %dma_start3A_173 = tpu.memref_squeeze %dma_start3A_172 : memref<1x80xi32, #tpu.memory_space<vmem>> -> memref<80xi32, #tpu.memory_space<vmem>>
        %dma_start3A_174 = arith.constant 0 : i32
        %dma_start3A_175 = arith.constant 0 : i32
        %dma_start3A_176 = tpu.memref_slice %arg12[%dma_start3A_174, %dma_start3A_175] : memref<10240x128xf32, #tpu.memory_space<vmem_shared>> -> memref<10240x128xf32, #tpu.memory_space<vmem_shared>>
        tpu.enqueue_indirect_dma source(%arg10 : memref<80x128xf32, #tpu.memory_space<vmem>>) target(%dma_start3A_176 : memref<10240x128xf32, #tpu.memory_space<vmem_shared>>) offsets(%dma_start3A_173 : memref<80xi32, #tpu.memory_space<vmem>>) semaphore(%arg18 : memref<!tpu.dma_semaphore, #tpu.memory_space<semaphore_mem>>) {add = true}
        %sub3A_177 = arith.constant 1 : i32
        %sub3A_178 = arith.subi %add3A_149, %sub3A_177 : i32
        %dma_wait3A_179 = arith.constant 0 : i32
        %dma_wait3A_180 = tpu.memref_slice %arg7[%sub3A_178, %dma_wait3A_179] : memref<25x80xi32, #tpu.memory_space<vmem>> -> memref<1x80xi32, #tpu.memory_space<vmem>>
        %dma_wait3A_181 = tpu.memref_squeeze %dma_wait3A_180 : memref<1x80xi32, #tpu.memory_space<vmem>> -> memref<80xi32, #tpu.memory_space<vmem>>
        %dma_wait3A_182 = arith.constant 0 : i32
        %dma_wait3A_183 = arith.constant 0 : i32
        %dma_wait3A_184 = tpu.memref_slice %arg12[%dma_wait3A_182, %dma_wait3A_183] : memref<10240x128xf32, #tpu.memory_space<vmem_shared>> -> memref<10240x128xf32, #tpu.memory_space<vmem_shared>>
        tpu.wait_indirect_dma semaphore(%arg17 : memref<!tpu.dma_semaphore, #tpu.memory_space<semaphore_mem>>) src(%arg9 : memref<80x128xf32, #tpu.memory_space<vmem>>) dst(%dma_wait3A_184 : memref<10240x128xf32, #tpu.memory_space<vmem_shared>>)
        %add3A_185 = arith.constant 2 : i32
        %add3A_186 = arith.addi %add3A_149, %add3A_185 : i32
        %dma_start3A_187 = arith.constant 0 : i32
        %dma_start3A_188 = tpu.memref_slice %arg6[%add3A_186, %dma_start3A_187] : memref<25x80xi32, #tpu.memory_space<vmem>> -> memref<1x80xi32, #tpu.memory_space<vmem>>
        %dma_start3A_189 = tpu.memref_squeeze %dma_start3A_188 : memref<1x80xi32, #tpu.memory_space<vmem>> -> memref<80xi32, #tpu.memory_space<vmem>>
        %dma_start3A_190 = arith.constant 0 : i32
        %dma_start3A_191 = arith.constant 0 : i32
        %dma_start3A_192 = tpu.memref_slice %arg2[%dma_start3A_190, %dma_start3A_191] : memref<10240x128xf32, #tpu.memory_space<hbm>> -> memref<10240x128xf32, #tpu.memory_space<hbm>>
        tpu.enqueue_indirect_dma source(%dma_start3A_192 : memref<10240x128xf32, #tpu.memory_space<hbm>>) target(%arg9 : memref<80x128xf32, #tpu.memory_space<vmem>>) offsets(%dma_start3A_189 : memref<80xi32, #tpu.memory_space<vmem>>) semaphore(%arg14 : memref<!tpu.dma_semaphore, #tpu.memory_space<semaphore_mem>>)
        %add3A_193 = arith.constant 1 : i32
        %add3A_194 = arith.addi %add3A_149, %add3A_193 : i32
        %dma_wait3A_195 = arith.constant 0 : i32
        %dma_wait3A_196 = tpu.memref_slice %arg6[%add3A_194, %dma_wait3A_195] : memref<25x80xi32, #tpu.memory_space<vmem>> -> memref<1x80xi32, #tpu.memory_space<vmem>>
        %dma_wait3A_197 = tpu.memref_squeeze %dma_wait3A_196 : memref<1x80xi32, #tpu.memory_space<vmem>> -> memref<80xi32, #tpu.memory_space<vmem>>
        %dma_wait3A_198 = arith.constant 0 : i32
        %dma_wait3A_199 = arith.constant 0 : i32
        %dma_wait3A_200 = tpu.memref_slice %arg2[%dma_wait3A_198, %dma_wait3A_199] : memref<10240x128xf32, #tpu.memory_space<hbm>> -> memref<10240x128xf32, #tpu.memory_space<hbm>>
        tpu.wait_indirect_dma semaphore(%arg13 : memref<!tpu.dma_semaphore, #tpu.memory_space<semaphore_mem>>) src(%dma_wait3A_200 : memref<10240x128xf32, #tpu.memory_space<hbm>>) dst(%arg8 : memref<80x128xf32, #tpu.memory_space<vmem>>)
        %add3A_201 = arith.constant 1 : i32
        %add3A_202 = arith.addi %add3A_149, %add3A_201 : i32
        %dma_start3A_203 = arith.constant 0 : i32
        %dma_start3A_204 = tpu.memref_slice %arg7[%add3A_202, %dma_start3A_203] : memref<25x80xi32, #tpu.memory_space<vmem>> -> memref<1x80xi32, #tpu.memory_space<vmem>>
        %dma_start3A_205 = tpu.memref_squeeze %dma_start3A_204 : memref<1x80xi32, #tpu.memory_space<vmem>> -> memref<80xi32, #tpu.memory_space<vmem>>
        %dma_start3A_206 = arith.constant 0 : i32
        %dma_start3A_207 = arith.constant 0 : i32
        %dma_start3A_208 = tpu.memref_slice %arg12[%dma_start3A_206, %dma_start3A_207] : memref<10240x128xf32, #tpu.memory_space<vmem_shared>> -> memref<10240x128xf32, #tpu.memory_space<vmem_shared>>
        tpu.enqueue_indirect_dma source(%arg8 : memref<80x128xf32, #tpu.memory_space<vmem>>) target(%dma_start3A_208 : memref<10240x128xf32, #tpu.memory_space<vmem_shared>>) offsets(%dma_start3A_205 : memref<80xi32, #tpu.memory_space<vmem>>) semaphore(%arg16 : memref<!tpu.dma_semaphore, #tpu.memory_space<semaphore_mem>>) {add = true}
        %dma_wait3A_209 = arith.constant 0 : i32
        %dma_wait3A_210 = tpu.memref_slice %arg7[%add3A_149, %dma_wait3A_209] : memref<25x80xi32, #tpu.memory_space<vmem>> -> memref<1x80xi32, #tpu.memory_space<vmem>>
        %dma_wait3A_211 = tpu.memref_squeeze %dma_wait3A_210 : memref<1x80xi32, #tpu.memory_space<vmem>> -> memref<80xi32, #tpu.memory_space<vmem>>
        %dma_wait3A_212 = arith.constant 0 : i32
        %dma_wait3A_213 = arith.constant 0 : i32
        %dma_wait3A_214 = tpu.memref_slice %arg12[%dma_wait3A_212, %dma_wait3A_213] : memref<10240x128xf32, #tpu.memory_space<vmem_shared>> -> memref<10240x128xf32, #tpu.memory_space<vmem_shared>>
        tpu.wait_indirect_dma semaphore(%arg18 : memref<!tpu.dma_semaphore, #tpu.memory_space<semaphore_mem>>) src(%arg10 : memref<80x128xf32, #tpu.memory_space<vmem>>) dst(%dma_wait3A_214 : memref<10240x128xf32, #tpu.memory_space<vmem_shared>>)
        %add3A_215 = arith.constant 3 : i32
        %add3A_216 = arith.addi %add3A_149, %add3A_215 : i32
        %dma_start3A_217 = arith.constant 0 : i32
        %dma_start3A_218 = tpu.memref_slice %arg6[%add3A_216, %dma_start3A_217] : memref<25x80xi32, #tpu.memory_space<vmem>> -> memref<1x80xi32, #tpu.memory_space<vmem>>
        %dma_start3A_219 = tpu.memref_squeeze %dma_start3A_218 : memref<1x80xi32, #tpu.memory_space<vmem>> -> memref<80xi32, #tpu.memory_space<vmem>>
        %dma_start3A_220 = arith.constant 0 : i32
        %dma_start3A_221 = arith.constant 0 : i32
        %dma_start3A_222 = tpu.memref_slice %arg2[%dma_start3A_220, %dma_start3A_221] : memref<10240x128xf32, #tpu.memory_space<hbm>> -> memref<10240x128xf32, #tpu.memory_space<hbm>>
        tpu.enqueue_indirect_dma source(%dma_start3A_222 : memref<10240x128xf32, #tpu.memory_space<hbm>>) target(%arg10 : memref<80x128xf32, #tpu.memory_space<vmem>>) offsets(%dma_start3A_219 : memref<80xi32, #tpu.memory_space<vmem>>) semaphore(%arg15 : memref<!tpu.dma_semaphore, #tpu.memory_space<semaphore_mem>>)
        %add3A_223 = arith.constant 2 : i32
        %add3A_224 = arith.addi %add3A_149, %add3A_223 : i32
        %dma_wait3A_225 = arith.constant 0 : i32
        %dma_wait3A_226 = tpu.memref_slice %arg6[%add3A_224, %dma_wait3A_225] : memref<25x80xi32, #tpu.memory_space<vmem>> -> memref<1x80xi32, #tpu.memory_space<vmem>>
        %dma_wait3A_227 = tpu.memref_squeeze %dma_wait3A_226 : memref<1x80xi32, #tpu.memory_space<vmem>> -> memref<80xi32, #tpu.memory_space<vmem>>
        %dma_wait3A_228 = arith.constant 0 : i32
        %dma_wait3A_229 = arith.constant 0 : i32
        %dma_wait3A_230 = tpu.memref_slice %arg2[%dma_wait3A_228, %dma_wait3A_229] : memref<10240x128xf32, #tpu.memory_space<hbm>> -> memref<10240x128xf32, #tpu.memory_space<hbm>>
        tpu.wait_indirect_dma semaphore(%arg14 : memref<!tpu.dma_semaphore, #tpu.memory_space<semaphore_mem>>) src(%dma_wait3A_230 : memref<10240x128xf32, #tpu.memory_space<hbm>>) dst(%arg9 : memref<80x128xf32, #tpu.memory_space<vmem>>)
        %add3A_231 = arith.constant 2 : i32
        %add3A_232 = arith.addi %add3A_149, %add3A_231 : i32
        %dma_start3A_233 = arith.constant 0 : i32
        %dma_start3A_234 = tpu.memref_slice %arg7[%add3A_232, %dma_start3A_233] : memref<25x80xi32, #tpu.memory_space<vmem>> -> memref<1x80xi32, #tpu.memory_space<vmem>>
        %dma_start3A_235 = tpu.memref_squeeze %dma_start3A_234 : memref<1x80xi32, #tpu.memory_space<vmem>> -> memref<80xi32, #tpu.memory_space<vmem>>
        %dma_start3A_236 = arith.constant 0 : i32
        %dma_start3A_237 = arith.constant 0 : i32
        %dma_start3A_238 = tpu.memref_slice %arg12[%dma_start3A_236, %dma_start3A_237] : memref<10240x128xf32, #tpu.memory_space<vmem_shared>> -> memref<10240x128xf32, #tpu.memory_space<vmem_shared>>
        tpu.enqueue_indirect_dma source(%arg9 : memref<80x128xf32, #tpu.memory_space<vmem>>) target(%dma_start3A_238 : memref<10240x128xf32, #tpu.memory_space<vmem_shared>>) offsets(%dma_start3A_235 : memref<80xi32, #tpu.memory_space<vmem>>) semaphore(%arg17 : memref<!tpu.dma_semaphore, #tpu.memory_space<semaphore_mem>>) {add = true}
        %scan3A_239 = arith.constant 0 : i32
        scf.yield %scan3A_239 : i32
      }
      %scan3A_79 = arith.constant 7 : i32
      %dma_wait3A_80 = arith.constant 21 : i32
      %dma_wait3A_81 = arith.constant 0 : i32
      %dma_wait3A_82 = tpu.memref_slice %arg7[%dma_wait3A_80, %dma_wait3A_81] : memref<25x80xi32, #tpu.memory_space<vmem>> -> memref<1x80xi32, #tpu.memory_space<vmem>>
      %dma_wait3A_83 = tpu.memref_squeeze %dma_wait3A_82 : memref<1x80xi32, #tpu.memory_space<vmem>> -> memref<80xi32, #tpu.memory_space<vmem>>
      %dma_wait3A_84 = arith.constant 0 : i32
      %dma_wait3A_85 = arith.constant 0 : i32
      %dma_wait3A_86 = tpu.memref_slice %arg12[%dma_wait3A_84, %dma_wait3A_85] : memref<10240x128xf32, #tpu.memory_space<vmem_shared>> -> memref<10240x128xf32, #tpu.memory_space<vmem_shared>>
      tpu.wait_indirect_dma semaphore(%arg16 : memref<!tpu.dma_semaphore, #tpu.memory_space<semaphore_mem>>) src(%arg8 : memref<80x128xf32, #tpu.memory_space<vmem>>) dst(%dma_wait3A_86 : memref<10240x128xf32, #tpu.memory_space<vmem_shared>>)
      %dma_start3A_87 = arith.constant 24 : i32
      %dma_start3A_88 = arith.constant 0 : i32
      %dma_start3A_89 = tpu.memref_slice %arg6[%dma_start3A_87, %dma_start3A_88] : memref<25x80xi32, #tpu.memory_space<vmem>> -> memref<1x80xi32, #tpu.memory_space<vmem>>
      %dma_start3A_90 = tpu.memref_squeeze %dma_start3A_89 : memref<1x80xi32, #tpu.memory_space<vmem>> -> memref<80xi32, #tpu.memory_space<vmem>>
      %dma_start3A_91 = arith.constant 0 : i32
      %dma_start3A_92 = arith.constant 0 : i32
      %dma_start3A_93 = tpu.memref_slice %arg2[%dma_start3A_91, %dma_start3A_92] : memref<10240x128xf32, #tpu.memory_space<hbm>> -> memref<10240x128xf32, #tpu.memory_space<hbm>>
      tpu.enqueue_indirect_dma source(%dma_start3A_93 : memref<10240x128xf32, #tpu.memory_space<hbm>>) target(%arg8 : memref<80x128xf32, #tpu.memory_space<vmem>>) offsets(%dma_start3A_90 : memref<80xi32, #tpu.memory_space<vmem>>) semaphore(%arg13 : memref<!tpu.dma_semaphore, #tpu.memory_space<semaphore_mem>>)
      %dma_wait3A_94 = arith.constant 23 : i32
      %dma_wait3A_95 = arith.constant 0 : i32
      %dma_wait3A_96 = tpu.memref_slice %arg6[%dma_wait3A_94, %dma_wait3A_95] : memref<25x80xi32, #tpu.memory_space<vmem>> -> memref<1x80xi32, #tpu.memory_space<vmem>>
      %dma_wait3A_97 = tpu.memref_squeeze %dma_wait3A_96 : memref<1x80xi32, #tpu.memory_space<vmem>> -> memref<80xi32, #tpu.memory_space<vmem>>
      %dma_wait3A_98 = arith.constant 0 : i32
      %dma_wait3A_99 = arith.constant 0 : i32
      %dma_wait3A_100 = tpu.memref_slice %arg2[%dma_wait3A_98, %dma_wait3A_99] : memref<10240x128xf32, #tpu.memory_space<hbm>> -> memref<10240x128xf32, #tpu.memory_space<hbm>>
      tpu.wait_indirect_dma semaphore(%arg15 : memref<!tpu.dma_semaphore, #tpu.memory_space<semaphore_mem>>) src(%dma_wait3A_100 : memref<10240x128xf32, #tpu.memory_space<hbm>>) dst(%arg10 : memref<80x128xf32, #tpu.memory_space<vmem>>)
      %dma_start3A_101 = arith.constant 23 : i32
      %dma_start3A_102 = arith.constant 0 : i32
      %dma_start3A_103 = tpu.memref_slice %arg7[%dma_start3A_101, %dma_start3A_102] : memref<25x80xi32, #tpu.memory_space<vmem>> -> memref<1x80xi32, #tpu.memory_space<vmem>>
      %dma_start3A_104 = tpu.memref_squeeze %dma_start3A_103 : memref<1x80xi32, #tpu.memory_space<vmem>> -> memref<80xi32, #tpu.memory_space<vmem>>
      %dma_start3A_105 = arith.constant 0 : i32
      %dma_start3A_106 = arith.constant 0 : i32
      %dma_start3A_107 = tpu.memref_slice %arg12[%dma_start3A_105, %dma_start3A_106] : memref<10240x128xf32, #tpu.memory_space<vmem_shared>> -> memref<10240x128xf32, #tpu.memory_space<vmem_shared>>
      tpu.enqueue_indirect_dma source(%arg10 : memref<80x128xf32, #tpu.memory_space<vmem>>) target(%dma_start3A_107 : memref<10240x128xf32, #tpu.memory_space<vmem_shared>>) offsets(%dma_start3A_104 : memref<80xi32, #tpu.memory_space<vmem>>) semaphore(%arg18 : memref<!tpu.dma_semaphore, #tpu.memory_space<semaphore_mem>>) {add = true}
      %dma_wait3A_108 = arith.constant 24 : i32
      %dma_wait3A_109 = arith.constant 0 : i32
      %dma_wait3A_110 = tpu.memref_slice %arg6[%dma_wait3A_108, %dma_wait3A_109] : memref<25x80xi32, #tpu.memory_space<vmem>> -> memref<1x80xi32, #tpu.memory_space<vmem>>
      %dma_wait3A_111 = tpu.memref_squeeze %dma_wait3A_110 : memref<1x80xi32, #tpu.memory_space<vmem>> -> memref<80xi32, #tpu.memory_space<vmem>>
      %dma_wait3A_112 = arith.constant 0 : i32
      %dma_wait3A_113 = arith.constant 0 : i32
      %dma_wait3A_114 = tpu.memref_slice %arg2[%dma_wait3A_112, %dma_wait3A_113] : memref<10240x128xf32, #tpu.memory_space<hbm>> -> memref<10240x128xf32, #tpu.memory_space<hbm>>
      tpu.wait_indirect_dma semaphore(%arg13 : memref<!tpu.dma_semaphore, #tpu.memory_space<semaphore_mem>>) src(%dma_wait3A_114 : memref<10240x128xf32, #tpu.memory_space<hbm>>) dst(%arg8 : memref<80x128xf32, #tpu.memory_space<vmem>>)
      %dma_start3A_115 = arith.constant 24 : i32
      %dma_start3A_116 = arith.constant 0 : i32
      %dma_start3A_117 = tpu.memref_slice %arg7[%dma_start3A_115, %dma_start3A_116] : memref<25x80xi32, #tpu.memory_space<vmem>> -> memref<1x80xi32, #tpu.memory_space<vmem>>
      %dma_start3A_118 = tpu.memref_squeeze %dma_start3A_117 : memref<1x80xi32, #tpu.memory_space<vmem>> -> memref<80xi32, #tpu.memory_space<vmem>>
      %dma_start3A_119 = arith.constant 0 : i32
      %dma_start3A_120 = arith.constant 0 : i32
      %dma_start3A_121 = tpu.memref_slice %arg12[%dma_start3A_119, %dma_start3A_120] : memref<10240x128xf32, #tpu.memory_space<vmem_shared>> -> memref<10240x128xf32, #tpu.memory_space<vmem_shared>>
      tpu.enqueue_indirect_dma source(%arg8 : memref<80x128xf32, #tpu.memory_space<vmem>>) target(%dma_start3A_121 : memref<10240x128xf32, #tpu.memory_space<vmem_shared>>) offsets(%dma_start3A_118 : memref<80xi32, #tpu.memory_space<vmem>>) semaphore(%arg16 : memref<!tpu.dma_semaphore, #tpu.memory_space<semaphore_mem>>) {add = true}
      %dma_wait3A_122 = arith.constant 22 : i32
      %dma_wait3A_123 = arith.constant 0 : i32
      %dma_wait3A_124 = tpu.memref_slice %arg7[%dma_wait3A_122, %dma_wait3A_123] : memref<25x80xi32, #tpu.memory_space<vmem>> -> memref<1x80xi32, #tpu.memory_space<vmem>>
      %dma_wait3A_125 = tpu.memref_squeeze %dma_wait3A_124 : memref<1x80xi32, #tpu.memory_space<vmem>> -> memref<80xi32, #tpu.memory_space<vmem>>
      %dma_wait3A_126 = arith.constant 0 : i32
      %dma_wait3A_127 = arith.constant 0 : i32
      %dma_wait3A_128 = tpu.memref_slice %arg12[%dma_wait3A_126, %dma_wait3A_127] : memref<10240x128xf32, #tpu.memory_space<vmem_shared>> -> memref<10240x128xf32, #tpu.memory_space<vmem_shared>>
      tpu.wait_indirect_dma semaphore(%arg17 : memref<!tpu.dma_semaphore, #tpu.memory_space<semaphore_mem>>) src(%arg9 : memref<80x128xf32, #tpu.memory_space<vmem>>) dst(%dma_wait3A_128 : memref<10240x128xf32, #tpu.memory_space<vmem_shared>>)
      %dma_wait3A_129 = arith.constant 23 : i32
      %dma_wait3A_130 = arith.constant 0 : i32
      %dma_wait3A_131 = tpu.memref_slice %arg7[%dma_wait3A_129, %dma_wait3A_130] : memref<25x80xi32, #tpu.memory_space<vmem>> -> memref<1x80xi32, #tpu.memory_space<vmem>>
      %dma_wait3A_132 = tpu.memref_squeeze %dma_wait3A_131 : memref<1x80xi32, #tpu.memory_space<vmem>> -> memref<80xi32, #tpu.memory_space<vmem>>
      %dma_wait3A_133 = arith.constant 0 : i32
      %dma_wait3A_134 = arith.constant 0 : i32
      %dma_wait3A_135 = tpu.memref_slice %arg12[%dma_wait3A_133, %dma_wait3A_134] : memref<10240x128xf32, #tpu.memory_space<vmem_shared>> -> memref<10240x128xf32, #tpu.memory_space<vmem_shared>>
      tpu.wait_indirect_dma semaphore(%arg18 : memref<!tpu.dma_semaphore, #tpu.memory_space<semaphore_mem>>) src(%arg10 : memref<80x128xf32, #tpu.memory_space<vmem>>) dst(%dma_wait3A_135 : memref<10240x128xf32, #tpu.memory_space<vmem_shared>>)
      %dma_wait3A_136 = arith.constant 24 : i32
      %dma_wait3A_137 = arith.constant 0 : i32
      %dma_wait3A_138 = tpu.memref_slice %arg7[%dma_wait3A_136, %dma_wait3A_137] : memref<25x80xi32, #tpu.memory_space<vmem>> -> memref<1x80xi32, #tpu.memory_space<vmem>>
      %dma_wait3A_139 = tpu.memref_squeeze %dma_wait3A_138 : memref<1x80xi32, #tpu.memory_space<vmem>> -> memref<80xi32, #tpu.memory_space<vmem>>
      %dma_wait3A_140 = arith.constant 0 : i32
      %dma_wait3A_141 = arith.constant 0 : i32
      %dma_wait3A_142 = tpu.memref_slice %arg12[%dma_wait3A_140, %dma_wait3A_141] : memref<10240x128xf32, #tpu.memory_space<vmem_shared>> -> memref<10240x128xf32, #tpu.memory_space<vmem_shared>>
      tpu.wait_indirect_dma semaphore(%arg16 : memref<!tpu.dma_semaphore, #tpu.memory_space<semaphore_mem>>) src(%arg8 : memref<80x128xf32, #tpu.memory_space<vmem>>) dst(%dma_wait3A_142 : memref<10240x128xf32, #tpu.memory_space<vmem_shared>>)
      %scan3A_143 = arith.constant 0 : i32
      scf.yield %scan3A_143 : i32
    }
    %scan3A_22 = arith.constant 5 : i32
    %barrier3A_23 = arith.constant 0 : index
    tpu.barrier barrier_id(%barrier3A_23)
    "tpu.region"() ({
      %run_scoped3A = tpu.sem_alloc : memref<!tpu.dma_semaphore, #tpu.memory_space<semaphore_mem>>
      %dma_start3A = arith.constant 0 : i32
      %dma_start3A_24 = tpu.memref_slice %arg5[%arg0, %mul3A_2, %dma_start3A] : memref<2x10240x128xf32, #tpu.memory_space<hbm>> -> memref<1x640x128xf32, #tpu.memory_space<hbm>>
      %dma_start3A_25 = tpu.memref_squeeze %dma_start3A_24 : memref<1x640x128xf32, #tpu.memory_space<hbm>> -> memref<640x128xf32, #tpu.memory_space<hbm>>
      %dma_start3A_26 = arith.constant 0 : i32
      %dma_start3A_27 = tpu.memref_slice %arg12[%mul3A_2, %dma_start3A_26] : memref<10240x128xf32, #tpu.memory_space<vmem_shared>> -> memref<640x128xf32, #tpu.memory_space<vmem_shared>>
      tpu.enqueue_dma source(%dma_start3A_27 : memref<640x128xf32, #tpu.memory_space<vmem_shared>>) target(%dma_start3A_25 : memref<640x128xf32, #tpu.memory_space<hbm>>) target_semaphore(%run_scoped3A : memref<!tpu.dma_semaphore, #tpu.memory_space<semaphore_mem>>)
      %dma_wait3A = arith.constant 0 : i32
      %dma_wait3A_28 = tpu.memref_slice %arg5[%arg0, %mul3A_2, %dma_wait3A] : memref<2x10240x128xf32, #tpu.memory_space<hbm>> -> memref<1x640x128xf32, #tpu.memory_space<hbm>>
      %dma_wait3A_29 = tpu.memref_squeeze %dma_wait3A_28 : memref<1x640x128xf32, #tpu.memory_space<hbm>> -> memref<640x128xf32, #tpu.memory_space<hbm>>
      %dma_wait3A_30 = arith.constant 0 : i32
      %dma_wait3A_31 = tpu.memref_slice %arg12[%mul3A_2, %dma_wait3A_30] : memref<10240x128xf32, #tpu.memory_space<vmem_shared>> -> memref<640x128xf32, #tpu.memory_space<vmem_shared>>
      tpu.wait_dma2 semaphore(%run_scoped3A : memref<!tpu.dma_semaphore, #tpu.memory_space<semaphore_mem>>) src(%dma_wait3A_31 : memref<640x128xf32, #tpu.memory_space<vmem_shared>>) dst(%dma_wait3A_29 : memref<640x128xf32, #tpu.memory_space<hbm>>)
      tpu.yield
    }) : () -> ()
    return
  }
}

module attributes {stable_mosaic.version = 14 : i64} {
  func.func @_tc_first_body(%arg0: i32, %arg1: memref<1280x128xf32, #tpu.memory_space<vmem>>, %arg2: memref<1280x1xf32, #tpu.memory_space<vmem>>, %arg3: memref<1280x1xf32, #tpu.memory_space<vmem>>, %arg4: memref<128x128xf32, #tpu.memory_space<vmem>>, %arg5: memref<1280x1xf32, #tpu.memory_space<vmem>>, %arg6: memref<1280x128xf32, #tpu.memory_space<vmem>>) attributes {dimension_semantics = [#tpu.dimension_semantics<arbitrary>], iteration_bounds = array<i64: 8>, scalar_prefetch = 0 : i64, scratch_operands = 0 : i64, tpu.core_type = #tpu.core_type<tc>, window_params = [{transform_indices = @transform_0, window_bounds = array<i64: 1280, 128>}, {transform_indices = @transform_1, window_bounds = array<i64: 1280, 1>}, {transform_indices = @transform_2, window_bounds = array<i64: 1280, 1>}, {pipeline_mode = #tpu.pipeline_mode<synchronous>, transform_indices = @transform_3, window_bounds = array<i64: 128, 128>}, {transform_indices = @transform_4, window_bounds = array<i64: 1280, 1>}, {transform_indices = @transform_5, window_bounds = array<i64: 1280, 128>}]} {
    %get3A = arith.constant 0 : index
    %get3A_0 = arith.constant 0 : index
    %get3A_1 = vector.load %arg2[%get3A, %get3A_0] : memref<1280x1xf32, #tpu.memory_space<vmem>>, vector<1280x1xf32>
    %get3A_2 = arith.constant 0 : index
    %get3A_3 = arith.constant 0 : index
    %get3A_4 = vector.load %arg3[%get3A_2, %get3A_3] : memref<1280x1xf32, #tpu.memory_space<vmem>>, vector<1280x1xf32>
    %add3A = arith.addf %get3A_1, %get3A_4 : vector<1280x1xf32>
    %add3A_5 = arith.constant 1.000000e+00 : f32
    %add3A_6 = vector.broadcast %add3A_5 : f32 to vector<1280x1xf32>
    %add3A_7 = arith.addf %add3A, %add3A_6 : vector<1280x1xf32>
    %rsqrt3A = math.rsqrt %add3A_7 : vector<1280x1xf32>
    %swap3A = arith.constant 0 : index
    %swap3A_8 = arith.constant 0 : index
    %swap3A_9 = vector.load %arg5[%swap3A, %swap3A_8] : memref<1280x1xf32, #tpu.memory_space<vmem>>, vector<1280x1xf32>
    tpu.vector_store %arg5[%swap3A, %swap3A_8], %rsqrt3A {strides = array<i32>} : memref<1280x1xf32, #tpu.memory_space<vmem>>, vector<1280x1xf32>,
    %get3A_10 = arith.constant 0 : index
    %get3A_11 = arith.constant 0 : index
    %get3A_12 = vector.load %arg1[%get3A_10, %get3A_11] : memref<1280x128xf32, #tpu.memory_space<vmem>>, vector<1280x128xf32>
    %get3A_13 = arith.constant 0 : index
    %get3A_14 = arith.constant 0 : index
    %get3A_15 = vector.load %arg4[%get3A_13, %get3A_14] : memref<128x128xf32, #tpu.memory_space<vmem>>, vector<128x128xf32>
    %dot_general3A = arith.constant dense<0.000000e+00> : vector<1280x128xf32>
    %dot_general3A_16 = tpu.matmul %get3A_12, %get3A_15, %dot_general3A {dimension_numbers = #tpu.dot_dimension_numbers<[1], [0], [0], [1], [0, 0, 1, 1], [], []>, transpose_lhs_hint = false} : vector<1280x128xf32>, vector<128x128xf32>, vector<1280x128xf32> -> vector<1280x128xf32>
    %mul3A = vector.broadcast %rsqrt3A : vector<1280x1xf32> to vector<1280x128xf32>
    %mul3A_17 = arith.mulf %dot_general3A_16, %mul3A : vector<1280x128xf32>
    %swap3A_18 = arith.constant 0 : index
    %swap3A_19 = arith.constant 0 : index
    %swap3A_20 = vector.load %arg6[%swap3A_18, %swap3A_19] : memref<1280x128xf32, #tpu.memory_space<vmem>>, vector<1280x128xf32>
    tpu.vector_store %arg6[%swap3A_18, %swap3A_19], %mul3A_17 {strides = array<i32>} : memref<1280x128xf32, #tpu.memory_space<vmem>>, vector<1280x128xf32>,
    return
  }
  func.func @transform_0(%arg0: i32) -> (i32, i32) {
    %c0_i32 = arith.constant 0 : i32
    %c0_i32_0 = arith.constant 0 : i32
    return %arg0, %c0_i32 : i32, i32
  }
  func.func @transform_1(%arg0: i32) -> (i32, i32) {
    %c0_i32 = arith.constant 0 : i32
    %c0_i32_0 = arith.constant 0 : i32
    return %arg0, %c0_i32 : i32, i32
  }
  func.func @transform_2(%arg0: i32) -> (i32, i32) {
    %c0_i32 = arith.constant 0 : i32
    %c0_i32_0 = arith.constant 0 : i32
    return %arg0, %c0_i32 : i32, i32
  }
  func.func @transform_3(%arg0: i32) -> (i32, i32) {
    %c0_i32 = arith.constant 0 : i32
    %c0_i32_0 = arith.constant 0 : i32
    %c0_i32_1 = arith.constant 0 : i32
    return %c0_i32, %c0_i32_0 : i32, i32
  }
  func.func @transform_4(%arg0: i32) -> (i32, i32) {
    %c0_i32 = arith.constant 0 : i32
    %c0_i32_0 = arith.constant 0 : i32
    return %arg0, %c0_i32 : i32, i32
  }
  func.func @transform_5(%arg0: i32) -> (i32, i32) {
    %c0_i32 = arith.constant 0 : i32
    %c0_i32_0 = arith.constant 0 : i32
    return %arg0, %c0_i32 : i32, i32
  }
}

module attributes {stable_mosaic.version = 14 : i64} {
  func.func @_tc_mid_body(%arg0: i32, %arg1: memref<1280x128xf32, #tpu.memory_space<vmem>>, %arg2: memref<1280x128xf32, #tpu.memory_space<vmem>>, %arg3: memref<1280x128xf32, #tpu.memory_space<vmem>>, %arg4: memref<1280x1xf32, #tpu.memory_space<vmem>>, %arg5: memref<1x128xf32, #tpu.memory_space<vmem>>, %arg6: memref<1x128xf32, #tpu.memory_space<vmem>>, %arg7: memref<1x128xf32, #tpu.memory_space<vmem>>, %arg8: memref<128x128xf32, #tpu.memory_space<vmem>>, %arg9: memref<1280x128xf32, #tpu.memory_space<vmem>>) attributes {dimension_semantics = [#tpu.dimension_semantics<arbitrary>], iteration_bounds = array<i64: 8>, scalar_prefetch = 0 : i64, scratch_operands = 0 : i64, tpu.core_type = #tpu.core_type<tc>, window_params = [{transform_indices = @transform_0, window_bounds = array<i64: 1280, 128>}, {transform_indices = @transform_1, window_bounds = array<i64: 1280, 128>}, {transform_indices = @transform_2, window_bounds = array<i64: 1280, 128>}, {transform_indices = @transform_3, window_bounds = array<i64: 1280, 1>}, {pipeline_mode = #tpu.pipeline_mode<synchronous>, transform_indices = @transform_4, window_bounds = array<i64: 1, 128>}, {pipeline_mode = #tpu.pipeline_mode<synchronous>, transform_indices = @transform_5, window_bounds = array<i64: 1, 128>}, {pipeline_mode = #tpu.pipeline_mode<synchronous>, transform_indices = @transform_6, window_bounds = array<i64: 1, 128>}, {pipeline_mode = #tpu.pipeline_mode<synchronous>, transform_indices = @transform_7, window_bounds = array<i64: 128, 128>}, {transform_indices = @transform_8, window_bounds = array<i64: 1280, 128>}]} {
    %get3A = arith.constant 0 : index
    %get3A_0 = arith.constant 0 : index
    %get3A_1 = vector.load %arg4[%get3A, %get3A_0] : memref<1280x1xf32, #tpu.memory_space<vmem>>, vector<1280x1xf32>
    %get3A_2 = arith.constant 0 : index
    %get3A_3 = arith.constant 0 : index
    %get3A_4 = vector.load %arg1[%get3A_2, %get3A_3] : memref<1280x128xf32, #tpu.memory_space<vmem>>, vector<1280x128xf32>
    %get3A_5 = arith.constant 0 : index
    %get3A_6 = arith.constant 0 : index
    %get3A_7 = vector.load %arg2[%get3A_5, %get3A_6] : memref<1280x128xf32, #tpu.memory_space<vmem>>, vector<1280x128xf32>
    %add3A = arith.addf %get3A_4, %get3A_7 : vector<1280x128xf32>
    %get3A_8 = arith.constant 0 : index
    %get3A_9 = arith.constant 0 : index
    %get3A_10 = vector.load %arg3[%get3A_8, %get3A_9] : memref<1280x128xf32, #tpu.memory_space<vmem>>, vector<1280x128xf32>
    %add3A_11 = arith.addf %add3A, %get3A_10 : vector<1280x128xf32>
    %mul3A = vector.broadcast %get3A_1 : vector<1280x1xf32> to vector<1280x128xf32>
    %mul3A_12 = arith.mulf %add3A_11, %mul3A : vector<1280x128xf32>
    %get3A_13 = arith.constant 0 : index
    %get3A_14 = arith.constant 0 : index
    %get3A_15 = vector.load %arg5[%get3A_13, %get3A_14] : memref<1x128xf32, #tpu.memory_space<vmem>>, vector<1x128xf32>
    %add3A_16 = vector.broadcast %get3A_15 : vector<1x128xf32> to vector<1280x128xf32>
    %add3A_17 = arith.addf %mul3A_12, %add3A_16 : vector<1280x128xf32>
    %max3A = arith.constant 0.000000e+00 : f32
    %max3A_18 = vector.broadcast %max3A : f32 to vector<1280x128xf32>
    %max3A_19 = arith.maximumf %add3A_17, %max3A_18 : vector<1280x128xf32>
    %reduce_sum3A = arith.constant dense<0.000000e+00> : vector<1280xf32>
    %reduce_sum3A_20 = vector.multi_reduction <add>, %max3A_19, %reduce_sum3A [1] : vector<1280x128xf32> to vector<1280xf32>
    %broadcast_in_dim3A = vector.shape_cast %reduce_sum3A_20 : vector<1280xf32> to vector<1280x1xf32>
    %div3A = arith.constant 1.280000e+02 : f32
    %div3A_21 = vector.broadcast %div3A : f32 to vector<1280x1xf32>
    %div3A_22 = arith.divf %broadcast_in_dim3A, %div3A_21 : vector<1280x1xf32>
    %sub3A = vector.broadcast %div3A_22 : vector<1280x1xf32> to vector<1280x128xf32>
    %sub3A_23 = arith.subf %max3A_19, %sub3A : vector<1280x128xf32>
    %integer_pow3A = arith.mulf %sub3A_23, %sub3A_23 : vector<1280x128xf32>
    %reduce_sum3A_24 = arith.constant dense<0.000000e+00> : vector<1280xf32>
    %reduce_sum3A_25 = vector.multi_reduction <add>, %integer_pow3A, %reduce_sum3A_24 [1] : vector<1280x128xf32> to vector<1280xf32>
    %broadcast_in_dim3A_26 = vector.shape_cast %reduce_sum3A_25 : vector<1280xf32> to vector<1280x1xf32>
    %div3A_27 = arith.constant 1.280000e+02 : f32
    %div3A_28 = vector.broadcast %div3A_27 : f32 to vector<1280x1xf32>
    %div3A_29 = arith.divf %broadcast_in_dim3A_26, %div3A_28 : vector<1280x1xf32>
    %sub3A_30 = vector.broadcast %div3A_22 : vector<1280x1xf32> to vector<1280x128xf32>
    %sub3A_31 = arith.subf %max3A_19, %sub3A_30 : vector<1280x128xf32>
    %add3A_32 = arith.constant 9.99999974E-6 : f32
    %add3A_33 = vector.broadcast %add3A_32 : f32 to vector<1280x1xf32>
    %add3A_34 = arith.addf %div3A_29, %add3A_33 : vector<1280x1xf32>
    %rsqrt3A = math.rsqrt %add3A_34 : vector<1280x1xf32>
    %mul3A_35 = vector.broadcast %rsqrt3A : vector<1280x1xf32> to vector<1280x128xf32>
    %mul3A_36 = arith.mulf %sub3A_31, %mul3A_35 : vector<1280x128xf32>
    %get3A_37 = arith.constant 0 : index
    %get3A_38 = arith.constant 0 : index
    %get3A_39 = vector.load %arg6[%get3A_37, %get3A_38] : memref<1x128xf32, #tpu.memory_space<vmem>>, vector<1x128xf32>
    %mul3A_40 = vector.broadcast %get3A_39 : vector<1x128xf32> to vector<1280x128xf32>
    %mul3A_41 = arith.mulf %mul3A_36, %mul3A_40 : vector<1280x128xf32>
    %get3A_42 = arith.constant 0 : index
    %get3A_43 = arith.constant 0 : index
    %get3A_44 = vector.load %arg7[%get3A_42, %get3A_43] : memref<1x128xf32, #tpu.memory_space<vmem>>, vector<1x128xf32>
    %add3A_45 = vector.broadcast %get3A_44 : vector<1x128xf32> to vector<1280x128xf32>
    %add3A_46 = arith.addf %mul3A_41, %add3A_45 : vector<1280x128xf32>
    %get3A_47 = arith.constant 0 : index
    %get3A_48 = arith.constant 0 : index
    %get3A_49 = vector.load %arg8[%get3A_47, %get3A_48] : memref<128x128xf32, #tpu.memory_space<vmem>>, vector<128x128xf32>
    %dot_general3A = arith.constant dense<0.000000e+00> : vector<1280x128xf32>
    %dot_general3A_50 = tpu.matmul %add3A_46, %get3A_49, %dot_general3A {dimension_numbers = #tpu.dot_dimension_numbers<[1], [0], [0], [1], [0, 0, 1, 1], [], []>, transpose_lhs_hint = false} : vector<1280x128xf32>, vector<128x128xf32>, vector<1280x128xf32> -> vector<1280x128xf32>
    %mul3A_51 = vector.broadcast %get3A_1 : vector<1280x1xf32> to vector<1280x128xf32>
    %mul3A_52 = arith.mulf %dot_general3A_50, %mul3A_51 : vector<1280x128xf32>
    %swap3A = arith.constant 0 : index
    %swap3A_53 = arith.constant 0 : index
    %swap3A_54 = vector.load %arg9[%swap3A, %swap3A_53] : memref<1280x128xf32, #tpu.memory_space<vmem>>, vector<1280x128xf32>
    tpu.vector_store %arg9[%swap3A, %swap3A_53], %mul3A_52 {strides = array<i32>} : memref<1280x128xf32, #tpu.memory_space<vmem>>, vector<1280x128xf32>,
    return
  }
  func.func @transform_0(%arg0: i32) -> (i32, i32) {
    %c0_i32 = arith.constant 0 : i32
    %c0_i32_0 = arith.constant 0 : i32
    return %arg0, %c0_i32 : i32, i32
  }
  func.func @transform_1(%arg0: i32) -> (i32, i32) {
    %c0_i32 = arith.constant 0 : i32
    %c0_i32_0 = arith.constant 0 : i32
    return %arg0, %c0_i32 : i32, i32
  }
  func.func @transform_2(%arg0: i32) -> (i32, i32) {
    %c0_i32 = arith.constant 0 : i32
    %c0_i32_0 = arith.constant 0 : i32
    return %arg0, %c0_i32 : i32, i32
  }
  func.func @transform_3(%arg0: i32) -> (i32, i32) {
    %c0_i32 = arith.constant 0 : i32
    %c0_i32_0 = arith.constant 0 : i32
    return %arg0, %c0_i32 : i32, i32
  }
  func.func @transform_4(%arg0: i32) -> (i32, i32) {
    %c0_i32 = arith.constant 0 : i32
    %c0_i32_0 = arith.constant 0 : i32
    %c0_i32_1 = arith.constant 0 : i32
    return %c0_i32, %c0_i32_0 : i32, i32
  }
  func.func @transform_5(%arg0: i32) -> (i32, i32) {
    %c0_i32 = arith.constant 0 : i32
    %c0_i32_0 = arith.constant 0 : i32
    %c0_i32_1 = arith.constant 0 : i32
    return %c0_i32, %c0_i32_0 : i32, i32
  }
  func.func @transform_6(%arg0: i32) -> (i32, i32) {
    %c0_i32 = arith.constant 0 : i32
    %c0_i32_0 = arith.constant 0 : i32
    %c0_i32_1 = arith.constant 0 : i32
    return %c0_i32, %c0_i32_0 : i32, i32
  }
  func.func @transform_7(%arg0: i32) -> (i32, i32) {
    %c0_i32 = arith.constant 0 : i32
    %c0_i32_0 = arith.constant 0 : i32
    %c0_i32_1 = arith.constant 0 : i32
    return %c0_i32, %c0_i32_0 : i32, i32
  }
  func.func @transform_8(%arg0: i32) -> (i32, i32) {
    %c0_i32 = arith.constant 0 : i32
    %c0_i32_0 = arith.constant 0 : i32
    return %arg0, %c0_i32 : i32, i32
  }
}

module attributes {stable_mosaic.version = 14 : i64} {
  func.func @_tc_last_body(%arg0: i32, %arg1: memref<1280x128xf32, #tpu.memory_space<vmem>>, %arg2: memref<1280x128xf32, #tpu.memory_space<vmem>>, %arg3: memref<1280x128xf32, #tpu.memory_space<vmem>>, %arg4: memref<1280x1xf32, #tpu.memory_space<vmem>>, %arg5: memref<1x128xf32, #tpu.memory_space<vmem>>, %arg6: memref<1x128xf32, #tpu.memory_space<vmem>>, %arg7: memref<1x128xf32, #tpu.memory_space<vmem>>, %arg8: memref<128x4xf32, #tpu.memory_space<vmem>>, %arg9: memref<1x4xf32, #tpu.memory_space<vmem>>, %arg10: memref<1280x4xf32, #tpu.memory_space<vmem>>) attributes {dimension_semantics = [#tpu.dimension_semantics<arbitrary>], iteration_bounds = array<i64: 8>, scalar_prefetch = 0 : i64, scratch_operands = 0 : i64, tpu.core_type = #tpu.core_type<tc>, window_params = [{transform_indices = @transform_0, window_bounds = array<i64: 1280, 128>}, {transform_indices = @transform_1, window_bounds = array<i64: 1280, 128>}, {transform_indices = @transform_2, window_bounds = array<i64: 1280, 128>}, {transform_indices = @transform_3, window_bounds = array<i64: 1280, 1>}, {pipeline_mode = #tpu.pipeline_mode<synchronous>, transform_indices = @transform_4, window_bounds = array<i64: 1, 128>}, {pipeline_mode = #tpu.pipeline_mode<synchronous>, transform_indices = @transform_5, window_bounds = array<i64: 1, 128>}, {pipeline_mode = #tpu.pipeline_mode<synchronous>, transform_indices = @transform_6, window_bounds = array<i64: 1, 128>}, {pipeline_mode = #tpu.pipeline_mode<synchronous>, transform_indices = @transform_7, window_bounds = array<i64: 128, 4>}, {pipeline_mode = #tpu.pipeline_mode<synchronous>, transform_indices = @transform_8, window_bounds = array<i64: 1, 4>}, {transform_indices = @transform_9, window_bounds = array<i64: 1280, 4>}]} {
    %get3A = arith.constant 0 : index
    %get3A_0 = arith.constant 0 : index
    %get3A_1 = vector.load %arg4[%get3A, %get3A_0] : memref<1280x1xf32, #tpu.memory_space<vmem>>, vector<1280x1xf32>
    %get3A_2 = arith.constant 0 : index
    %get3A_3 = arith.constant 0 : index
    %get3A_4 = vector.load %arg1[%get3A_2, %get3A_3] : memref<1280x128xf32, #tpu.memory_space<vmem>>, vector<1280x128xf32>
    %get3A_5 = arith.constant 0 : index
    %get3A_6 = arith.constant 0 : index
    %get3A_7 = vector.load %arg2[%get3A_5, %get3A_6] : memref<1280x128xf32, #tpu.memory_space<vmem>>, vector<1280x128xf32>
    %add3A = arith.addf %get3A_4, %get3A_7 : vector<1280x128xf32>
    %get3A_8 = arith.constant 0 : index
    %get3A_9 = arith.constant 0 : index
    %get3A_10 = vector.load %arg3[%get3A_8, %get3A_9] : memref<1280x128xf32, #tpu.memory_space<vmem>>, vector<1280x128xf32>
    %add3A_11 = arith.addf %add3A, %get3A_10 : vector<1280x128xf32>
    %mul3A = vector.broadcast %get3A_1 : vector<1280x1xf32> to vector<1280x128xf32>
    %mul3A_12 = arith.mulf %add3A_11, %mul3A : vector<1280x128xf32>
    %get3A_13 = arith.constant 0 : index
    %get3A_14 = arith.constant 0 : index
    %get3A_15 = vector.load %arg5[%get3A_13, %get3A_14] : memref<1x128xf32, #tpu.memory_space<vmem>>, vector<1x128xf32>
    %add3A_16 = vector.broadcast %get3A_15 : vector<1x128xf32> to vector<1280x128xf32>
    %add3A_17 = arith.addf %mul3A_12, %add3A_16 : vector<1280x128xf32>
    %max3A = arith.constant 0.000000e+00 : f32
    %max3A_18 = vector.broadcast %max3A : f32 to vector<1280x128xf32>
    %max3A_19 = arith.maximumf %add3A_17, %max3A_18 : vector<1280x128xf32>
    %reduce_sum3A = arith.constant dense<0.000000e+00> : vector<1280xf32>
    %reduce_sum3A_20 = vector.multi_reduction <add>, %max3A_19, %reduce_sum3A [1] : vector<1280x128xf32> to vector<1280xf32>
    %broadcast_in_dim3A = vector.shape_cast %reduce_sum3A_20 : vector<1280xf32> to vector<1280x1xf32>
    %div3A = arith.constant 1.280000e+02 : f32
    %div3A_21 = vector.broadcast %div3A : f32 to vector<1280x1xf32>
    %div3A_22 = arith.divf %broadcast_in_dim3A, %div3A_21 : vector<1280x1xf32>
    %sub3A = vector.broadcast %div3A_22 : vector<1280x1xf32> to vector<1280x128xf32>
    %sub3A_23 = arith.subf %max3A_19, %sub3A : vector<1280x128xf32>
    %integer_pow3A = arith.mulf %sub3A_23, %sub3A_23 : vector<1280x128xf32>
    %reduce_sum3A_24 = arith.constant dense<0.000000e+00> : vector<1280xf32>
    %reduce_sum3A_25 = vector.multi_reduction <add>, %integer_pow3A, %reduce_sum3A_24 [1] : vector<1280x128xf32> to vector<1280xf32>
    %broadcast_in_dim3A_26 = vector.shape_cast %reduce_sum3A_25 : vector<1280xf32> to vector<1280x1xf32>
    %div3A_27 = arith.constant 1.280000e+02 : f32
    %div3A_28 = vector.broadcast %div3A_27 : f32 to vector<1280x1xf32>
    %div3A_29 = arith.divf %broadcast_in_dim3A_26, %div3A_28 : vector<1280x1xf32>
    %sub3A_30 = vector.broadcast %div3A_22 : vector<1280x1xf32> to vector<1280x128xf32>
    %sub3A_31 = arith.subf %max3A_19, %sub3A_30 : vector<1280x128xf32>
    %add3A_32 = arith.constant 9.99999974E-6 : f32
    %add3A_33 = vector.broadcast %add3A_32 : f32 to vector<1280x1xf32>
    %add3A_34 = arith.addf %div3A_29, %add3A_33 : vector<1280x1xf32>
    %rsqrt3A = math.rsqrt %add3A_34 : vector<1280x1xf32>
    %mul3A_35 = vector.broadcast %rsqrt3A : vector<1280x1xf32> to vector<1280x128xf32>
    %mul3A_36 = arith.mulf %sub3A_31, %mul3A_35 : vector<1280x128xf32>
    %get3A_37 = arith.constant 0 : index
    %get3A_38 = arith.constant 0 : index
    %get3A_39 = vector.load %arg6[%get3A_37, %get3A_38] : memref<1x128xf32, #tpu.memory_space<vmem>>, vector<1x128xf32>
    %mul3A_40 = vector.broadcast %get3A_39 : vector<1x128xf32> to vector<1280x128xf32>
    %mul3A_41 = arith.mulf %mul3A_36, %mul3A_40 : vector<1280x128xf32>
    %get3A_42 = arith.constant 0 : index
    %get3A_43 = arith.constant 0 : index
    %get3A_44 = vector.load %arg7[%get3A_42, %get3A_43] : memref<1x128xf32, #tpu.memory_space<vmem>>, vector<1x128xf32>
    %add3A_45 = vector.broadcast %get3A_44 : vector<1x128xf32> to vector<1280x128xf32>
    %add3A_46 = arith.addf %mul3A_41, %add3A_45 : vector<1280x128xf32>
    %get3A_47 = arith.constant 0 : index
    %get3A_48 = arith.constant 0 : index
    %get3A_49 = vector.load %arg8[%get3A_47, %get3A_48] : memref<128x4xf32, #tpu.memory_space<vmem>>, vector<128x4xf32>
    %dot_general3A = arith.constant dense<0.000000e+00> : vector<1280x4xf32>
    %dot_general3A_50 = tpu.matmul %add3A_46, %get3A_49, %dot_general3A {dimension_numbers = #tpu.dot_dimension_numbers<[1], [0], [0], [1], [0, 0, 1, 1], [], []>, transpose_lhs_hint = false} : vector<1280x128xf32>, vector<128x4xf32>, vector<1280x4xf32> -> vector<1280x4xf32>
    %get3A_51 = arith.constant 0 : index
    %get3A_52 = arith.constant 0 : index
    %get3A_53 = vector.load %arg9[%get3A_51, %get3A_52] : memref<1x4xf32, #tpu.memory_space<vmem>>, vector<1x4xf32>
    %add3A_54 = vector.broadcast %get3A_53 : vector<1x4xf32> to vector<1280x4xf32>
    %add3A_55 = arith.addf %dot_general3A_50, %add3A_54 : vector<1280x4xf32>
    %swap3A = arith.constant 0 : index
    %swap3A_56 = arith.constant 0 : index
    %swap3A_57 = vector.load %arg10[%swap3A, %swap3A_56] : memref<1280x4xf32, #tpu.memory_space<vmem>>, vector<1280x4xf32>
    tpu.vector_store %arg10[%swap3A, %swap3A_56], %add3A_55 {strides = array<i32>} : memref<1280x4xf32, #tpu.memory_space<vmem>>, vector<1280x4xf32>,
    return
  }
  func.func @transform_0(%arg0: i32) -> (i32, i32) {
    %c0_i32 = arith.constant 0 : i32
    %c0_i32_0 = arith.constant 0 : i32
    return %arg0, %c0_i32 : i32, i32
  }
  func.func @transform_1(%arg0: i32) -> (i32, i32) {
    %c0_i32 = arith.constant 0 : i32
    %c0_i32_0 = arith.constant 0 : i32
    return %arg0, %c0_i32 : i32, i32
  }
  func.func @transform_2(%arg0: i32) -> (i32, i32) {
    %c0_i32 = arith.constant 0 : i32
    %c0_i32_0 = arith.constant 0 : i32
    return %arg0, %c0_i32 : i32, i32
  }
  func.func @transform_3(%arg0: i32) -> (i32, i32) {
    %c0_i32 = arith.constant 0 : i32
    %c0_i32_0 = arith.constant 0 : i32
    return %arg0, %c0_i32 : i32, i32
  }
  func.func @transform_4(%arg0: i32) -> (i32, i32) {
    %c0_i32 = arith.constant 0 : i32
    %c0_i32_0 = arith.constant 0 : i32
    %c0_i32_1 = arith.constant 0 : i32
    return %c0_i32, %c0_i32_0 : i32, i32
  }
  func.func @transform_5(%arg0: i32) -> (i32, i32) {
    %c0_i32 = arith.constant 0 : i32
    %c0_i32_0 = arith.constant 0 : i32
    %c0_i32_1 = arith.constant 0 : i32
    return %c0_i32, %c0_i32_0 : i32, i32
  }
  func.func @transform_6(%arg0: i32) -> (i32, i32) {
    %c0_i32 = arith.constant 0 : i32
    %c0_i32_0 = arith.constant 0 : i32
    %c0_i32_1 = arith.constant 0 : i32
    return %c0_i32, %c0_i32_0 : i32, i32
  }
  func.func @transform_7(%arg0: i32) -> (i32, i32) {
    %c0_i32 = arith.constant 0 : i32
    %c0_i32_0 = arith.constant 0 : i32
    %c0_i32_1 = arith.constant 0 : i32
    return %c0_i32, %c0_i32_0 : i32, i32
  }
  func.func @transform_8(%arg0: i32) -> (i32, i32) {
    %c0_i32 = arith.constant 0 : i32
    %c0_i32_0 = arith.constant 0 : i32
    %c0_i32_1 = arith.constant 0 : i32
    return %c0_i32, %c0_i32_0 : i32, i32
  }
  func.func @transform_9(%arg0: i32) -> (i32, i32) {
    %c0_i32 = arith.constant 0 : i32
    %c0_i32_0 = arith.constant 0 : i32
    return %arg0, %c0_i32 : i32, i32
  }
}

</mosaic_0001>

<sc_bundles>
// kernel: kernel.10.cloned.1.call-start
scs
__scs_entry_jumppad:
0x0: {  	(pc) =	sbr.rel $0x88, $3  }
0x1: {  	(tag) =	ssettag $0x0;
	lr =	simm.s32 $0x1  }
0x2: {  	[smem:$0x3F95] =	sst lr;
	_ =	strace $0xD0000000  }
0x3: {  	_ = 	snop  }
0x4: {  	_ = 	snop  }
0x5: {  	_ = 	snop  }
0x6: {  	_ = 	snop  }
0x7: {  	_ = 	snop  }
__scs_overlays_trampoline_lowered:
0x8: {  	[smem:$0x3FA4] =	sst s0  }
0x9: {  	[smem:$0x3FA5] =	sst s1  }
0xa: {  	[smem:$0x3FA6] =	sst s2  }
0xb: {  	[smem:$0x3FA7] =	sst s3  }
0xc: {  	[smem:$0x3FA8] =	sst s4  }
0xd: {  	[smem:$0x3FA9] =	sst s5  }
0xe: {  	[smem:$0x3FAA] =	sst s6  }
0xf: {  	[smem:$0x3FAB] =	sst s7  }
0x10: {  	[smem:$0x3FAC] =	sst s8  }
0x11: {  	[smem:$0x3FAD] =	sst s9;
	s0 =	simm.s32 @!p0 $0x0  }
0x12: {  	s1 =	sld [smem:$0x3F93];
	s0 =	simm.s32 @p0 $0x1  }
0x13: {  	[smem:$0x3FAE] =	sst s0;
	s0 =	simm.s32 @!p1 $0x0  }
0x14: {  	s2 =	sld [smem:$0x3F92];
	s0 =	simm.s32 @p1 $0x1  }
0x15: {  	[smem:$0x3FAF] =	sst s0;
	s0 =	simm.s32 @!p2 $0x0  }
0x16: {  	s3 =	sld [smem:$0x3FDB];
	s0 =	simm.s32 @p2 $0x1  }
0x17: {  	s4 =	simm.s32 $0x1BF5;
	[smem:$0x3FB1] =	sst s0  }
0x18: {  	s0 =	sld [smem:$0x3F94];
	_ =	swait.ge [sflag:s4], $0x0  }
0x19: {  	s7 =	sld [smem:$0x3F95]  }
0x1a: {  	s8 =	sadd.s32 $0xFFFFE003, lr  }
0x1b: {  	s9 =	sadd.s32 $0xFFFFFEF7, lr;
	s5 =	simm.s32 $0xFFFFFFFF;
	p2 =	slt.u32 s8, $0xFFFFF086  }
0x1c: {  	p1 =	slt.u32 s9, $0xF7A;
	s5 =	simm.s32 @!p2 $0x0  }
0x1d: {  	s5 =	simm.s32 @p1 $0x1;
	p0 =	seq.s32 s7, s2  }
0x1e: {  	s7 =	smul.u32 @!p0 $0xF7A, s2;
	p2 =	seq.s32 @!p0 s5, $0x0  }
0x1f: {  	s9 =	smul.u32 $0xF7A, s1;
	s8 =	simm.s32 @!p0 $0x1BF5;
	p2 =	por !p2, p0  }
0x20: {  	[sflag:s8] =	ssyncset.s32 @!p0 $0xFFFFF086;
	s6 =	sadd.s32 @!p0 s3, s7;
	s7 =	simm.s32 @!p0 $0x108  }
0x21: {  	s3 =	sadd.s32 s3, s9;
	s6 =	sadd.s32 @!p0 $0x88, s6;
	s7 =	simm.s32 @p2 $0x1082  }
0x22: {  	[simem:s7], [sflag:s8] =	dma.local @!p0 [hbm:s6], $0xF7A  }
0x23: {  	s9 =	sor.u32 $0xD0000000, s2;
	s6 =	simm.s32 $0x108;
	_ =	swait.ge @!p0 [sflag:s8], $0x0  }
0x24: {  	s3 =	sadd.s32 $0x88, s3;
	s6 =	simm.s32 @!p1 $0x1082;
	[sflag:s4] =	ssyncset.s32 $0xFFFFF086  }
0x25: {  	[simem:s6], [sflag:s4] =	dma.local [hbm:s3], $0xF7A  }
0x26: {  	[smem:$0x3F95] =	sst s1;
	(tag) =	ssettag s2;
	_ =	strace s9  }
0x27: {  	s1 =	sld [smem:$0x3FA5]  }
0x28: {  	s2 =	sld [smem:$0x3FA6]  }
0x29: {  	s4 =	sld [smem:$0x3FA8]  }
0x2a: {  	p0 =	seq.s32 s5, $0x0;
	s5 =	sld [smem:$0x3FA9]  }
0x2b: {  	s6 =	sld [smem:$0x3FAA]  }
0x2c: {  	s7 =	sld [smem:$0x3FAB]  }
0x2d: {  	s3 =	simm.s32 $0x108;
	s8 =	sld [smem:$0x3FAC]  }
0x2e: {  	s3 =	simm.s32 @!p0 $0x1082;
	s9 =	sld [smem:$0x3FAD]  }
0x2f: {  	lr =	sadd.s32 s0, s3;
	s0 =	sld [smem:$0x3FA4]  }
0x30: {  	s3 =	sld [smem:$0x3FA7]  }
0x31: {  	[smem:$0x3FB0] =	sst s10  }
0x32: {  	s10 =	sld [smem:$0x3FAE];
	_ =	sdelay $0x3  }
0x33: {  	p0 =	seq.s32 s10, $0x1;
	s10 =	sld [smem:$0x3FB0];
	_ =	sdelay $0x3  }
0x34: {  	[smem:$0x3FB0] =	sst s10  }
0x35: {  	s10 =	sld [smem:$0x3FAF];
	_ =	sdelay $0x3  }
0x36: {  	p1 =	seq.s32 s10, $0x1;
	s10 =	sld [smem:$0x3FB0];
	_ =	sdelay $0x3  }
0x37: {  	[smem:$0x3FB0] =	sst s10  }
0x38: {  	s10 =	sld [smem:$0x3FB1]  }
0x39: {  	_ = 	snop;
	(pc) =	sbr.ind lr, $3  }
0x3a: {  	_ = 	snop  }
0x3b: {  	_ = 	snop  }
0x3c: {  	p2 =	seq.s32 s10, $0x1;
	s10 =	sld [smem:$0x3FB0]  }
0x3d: {  	_ =	shalt  }
0x3e: {  	_ =	shalt  }
0x3f: {  	_ =	shalt  }
0x40: {  	_ =	shalt  }
0x41: {  	_ =	shalt  }
0x42: {  	_ =	shalt  }
0x43: {  	_ =	shalt  }
0x44: {  	_ =	shalt  }
0x45: {  	_ =	shalt  }
0x46: {  	_ =	shalt  }
0x47: {  	_ =	shalt  }
0x48: {  	_ =	shalt  }
0x49: {  	_ =	shalt  }
0x4a: {  	_ =	shalt  }
0x4b: {  	_ =	shalt  }
0x4c: {  	_ =	shalt  }
0x4d: {  	_ =	shalt  }
0x4e: {  	_ =	shalt  }
0x4f: {  	_ =	shalt  }
0x50: {  	_ =	shalt  }
0x51: {  	_ =	shalt  }
0x52: {  	_ =	shalt  }
0x53: {  	_ =	shalt  }
0x54: {  	_ =	shalt  }
0x55: {  	_ =	shalt  }
0x56: {  	_ =	shalt  }
0x57: {  	_ =	shalt  }
0x58: {  	_ =	shalt  }
0x59: {  	_ =	shalt  }
0x5a: {  	_ =	shalt  }
0x5b: {  	_ =	shalt  }
0x5c: {  	_ =	shalt  }
0x5d: {  	_ =	shalt  }
0x5e: {  	_ =	shalt  }
0x5f: {  	_ =	shalt  }
0x60: {  	_ =	shalt  }
0x61: {  	_ =	shalt  }
0x62: {  	_ =	shalt  }
0x63: {  	_ =	shalt  }
0x64: {  	_ =	shalt  }
0x65: {  	_ =	shalt  }
0x66: {  	_ =	shalt  }
0x67: {  	_ =	shalt  }
0x68: {  	_ =	shalt  }
0x69: {  	_ =	shalt  }
0x6a: {  	_ =	shalt  }
0x6b: {  	_ =	shalt  }
0x6c: {  	_ =	shalt  }
0x6d: {  	_ =	shalt  }
0x6e: {  	_ =	shalt  }
0x6f: {  	_ =	shalt  }
0x70: {  	_ =	shalt  }
0x71: {  	_ =	shalt  }
0x72: {  	_ =	shalt  }
0x73: {  	_ =	shalt  }
0x74: {  	_ =	shalt  }
0x75: {  	_ =	shalt  }
0x76: {  	_ =	shalt  }
0x77: {  	_ =	shalt  }
0x78: {  	_ =	shalt  }
0x79: {  	_ =	shalt  }
0x7a: {  	_ =	shalt  }
0x7b: {  	_ =	shalt  }
0x7c: {  	_ =	shalt  }
0x7d: {  	_ =	shalt  }
0x7e: {  	_ =	shalt  }
0x7f: {  	_ =	shalt  }
0x80: {  	_ =	shalt  }
0x81: {  	_ =	shalt  }
0x82: {  	_ =	shalt  }
0x83: {  	_ =	shalt  }
0x84: {  	_ =	shalt  }
0x85: {  	_ =	shalt  }
0x86: {  	_ =	shalt  }
0x87: {  	_ =	shalt  }
.Lfunc_end0:
.L_simem_size_0:
called_computation_lowered:
.L_overlay_start_0:
0x88: {  	s2 =	sld [smem:$0x3FD9]  }
0x89: {  	s3 =	sld [smem:$0x3FFE];
	_ =	sdelay $0x1  }
0x8a: {  	s1 =	srdreg.scid  }
0x8b: {  	s0 =	sand.u32 $0x1, s1  }
0x8c: {  	s17 =	sshll.u32 s0, $0xA;
	s2 =	sadd.s32 s3, s2  }
0x8d: {  	s2 =	sadd.s32 s2, s17  }
0x8e: {  	[smem:$0x3FBC] =	sst s2  }
0x8f: {  	_ = 	snop  }
0x90: {  	s2 =	sld [smem:$0x3FD0];
	(tm) =	ssettm $0x1  }
0x91: {  	s18 =	sld [smem:$0x3FFB];
	_ =	sdelay $0x3  }
0x92: {  	_ =	strace s18  }
0x93: {  	s3 =	sld [smem:$0x3FFC];
	_ =	sdelay $0x3  }
0x94: {  	_ =	strace s3  }
0x95: {  	s3 =	sld [smem:$0x3FFD];
	_ =	sdelay $0x3  }
0x96: {  	_ =	strace s3  }
0x97: {  	_ =	strace $0x8FFFFFFF  }
0x98: {  	s19 =	sld [smem:$0x3FDB];
	_ =	sdelay $0x1  }
0x99: {  	s4 =	simm.s32 $_scs_section_size  }
0x9a: {  	s5 =	simm.s32 $_size__tile_overlayer_lowered;
	s6 =	simm.s32 $_tile_overlayer_lowered  }
0x9b: {  	s22 =	simm.s32 $0x1BFF;
	s21 =	sshll.u32 s6, $0x1;
	s3 =	sadd.s32 s4, s19  }
0x9c: {  	s7 =	simm.s32 $0x0;
	s20 =	sshll.u32 s5, $0x1;
	s5 =	sadd.s32 s21, s3  }
0x9d: {  	[timem:s7], [sflag:s22] =	dma.local [hbm:s5], s20  }
0x9e: {  	_ =	swait.ge [sflag:s22], s20  }
0x9f: {  	s4 =	ssub.s32 $0x0, s20;
	[sflag:s22] =	ssyncset.done $0x0  }
0xa0: {  	[sflag:s22] =	ssyncadd.s32 s4;
	_ =	sdelay $0x1  }
0xa1: {  	s23 =	simm.s32 $0x1B8B  }
0xa2: {  	_ =	swait.ge [sflag:s23], $0x1  }
0xa3: {  	[sflag:s23] =	ssyncset.done $0x0  }
0xa4: {  	s25 =	simm.s32 $0x1B8E;
	s24 =	sld [smem:$0x3FFE];
	[sflag:s23] =	ssyncadd.s32 $0xFFFFFFFF  }
0xa5: {  	s26 =	simm.s32 $execute0_lowered;
	[smem:$0x3FD2] =	sst s25  }
0xa6: {  	s5 =	sshll.u32 s26, $0x1;
	_ =	strace $0x80000046;
	[dreg:$0x1] =	wrdreg $0xFFFFFFFF  }
0xa7: {  	s28 =	simm.s32 $_size_execute0_lowered;
	s3 =	sadd.s32 s3, s5;
	[dreg:$0x0] =	wrdreg $0x0  }
0xa8: {  	s5 =	sshll.u32 s28, $0x1;
	[dreg:$0x2] =	wrdreg s3  }
0xa9: {  	[dreg:$0x3] =	wrdreg s5  }
0xaa: {  	[dreg:$0x4] =	wrdreg $0xC0  }
0xab: {  	_ =	task [dreg:s7], $0x5FFFF  }
0xac: {  	[dreg:$0x1] =	wrdreg $0xFFFFFFFF  }
0xad: {  	[dreg:$0x0] =	wrdreg $0x60  }
0xae: {  	[dreg:$0x2] =	wrdreg s24  }
0xaf: {  	[dreg:$0x3] =	wrdreg s2  }
0xb0: {  	[dreg:$0x4] =	wrdreg $0x43000  }
0xb1: {  	[dreg:$0x5] =	wrdreg $0x9  }
0xb2: {  	_ =	task.clear_ibuf [dreg:s7], $0x6FFFF;
	_ =	strace $0x90000046  }
0xb3: {  	s29 =	simm.s32 $0x9;
	_ =	strace $0x80000048  }
0xb4: {  	_ =	swait.ge [sflag:s29], $0x1  }
0xb5: {  	[sflag:s29] =	ssyncadd.s32 $0xFFFFFFFF  }
0xb6: {  	_ =	strace $0x90000048  }
0xb7: {  	_ =	sfence  }
0xb8: {  	s30 =	sld [smem:$0x0];
	_ =	sdelay $0x2  }
0xb9: {  	s31 =	sshll.u32 s1, $0xD;
	s1 =	sshrl.u32 s1, $0x2  }
0xba: {  	s3 =	sand.u32 $0x4000, s31;
	s1 =	sadd.s32 s1, s30  }
0xbb: {  	s0 =	sor.u32 s3, s0;
	s1 =	sshll.u32 s1, $0x11  }
0xbc: {  	s0 =	sor.u32 s1, s0  }
0xbd: {  	s0 =	sadd.s32 $0x8F2B, s0  }
0xbe: {  	[sflag:s0] =	ssyncadd.remote.s32 $0x1  }
0xbf: {  	_ =	sfence.sel $0xFFFF  }
0xc0: {  	[dreg:$0x0] =	wrdreg $0xFFFFFFFF;
	(pc) =	sbr.abs _section_cstart, $3  }
0xc1: {  	[dreg:$0x1] =	wrdreg $0xFFFFFFFF  }
0xc2: {  	_ =	task.clear_ibuf [dreg:s7], $0x2FFFF;
	_ =	strace $0x9FFFFFFF  }
0xc3: {  	(tm) =	ssettm $0x7FFFFFFF  }
tec
execute0_lowered:
.L_overlay_start_1:
0x0: {  	(tag) =	ssettag $0x1  }
0x1: {  	s4 =	rddreg [dreg:$0x0]  }
0x2: {  	s6 =	rddreg [dreg:$0x1]  }
0x3: {  	s2 =	rddreg [dreg:$0x2]  }
0x4: {  	s0 =	rddreg [dreg:$0x3];
	s3 =	simm.s32 $0x0  }
0x5: {  	s1 =	stileid.u32;
	s5 =	srdreg.scid;
	s12 =	simm.s32 $0x1  }
0x6: {  	s15 =	simm.s32 $0x20;
	s16 =	simm.s32 $0x10;
	s17 =	simm.s32 $0x0  }
0x7: {  	[smem:$0x7FF] =	sst s3;
	s7 =	sshll.u32 s1, $0xB;
	s8 =	smul.u32 $0x500, s1  }
0x8: {  	s5 =	sand.u32 $0x1, s5;
	s10 =	smul.u32 $0xA00, s1;
	s13 =	sshll.u32 s1, $0x6  }
0x9: {  	_ =	strace $0x80000047;
	s4 =	sadd.s32 s7, s4;
	s30 =	ssub.s32 $0x2, s5  }
0xa: {  	s11 =	sshll.u32 s5, $0x7;
	s5 =	sshll.u32 s5, $0xF;
	s13 =	sor.u32 $0x1C02, s13  }
0xb: {  	s9 =	sshrl.u32 s30, $0x1;
	s8 =	sor.u32 s11, s8;
	s31 =	sshrl.u32 s10, $0x2  }
0xc: {  	s5 =	sadd.s32 s5, s4;
	s10 =	simm.s32 $0x50;
	s11 =	simm.s32 $0x4000  }
0xd: {  	s7 =	ssub.s32 s30, s9;
	s8 =	sshrl.u32 s8, $0x3;
	s4 =	sadd.s32 s31, s2  }
0xe: {  	s5 =	sadd.s32 $0x4E00, s5;
	s9 =	simm.s32 $0x2;
	s6 =	sadd.s32 s6, s8  }
0xf: {  	v0 =	vimm.f32 $1.000000000e+00;
	v1 =	vimm.f32 $0.0e+00;
	s7 =	smax.u32 s7, $0x1;
	s8 =	simm.s32 $0x4080;
	s14 =	sshrl.u32 s4, $0x3  }
.LBB2_1:
0x10: {  	[tilespmem:$0x4000] =	vst v0  }
0x11: {  	[tilespmem:$0x4010] =	vst v0  }
0x12: {  	[tilespmem:$0x4020] =	vst v0  }
0x13: {  	[tilespmem:$0x4030] =	vst v0  }
0x14: {  	[tilespmem:$0x4040] =	vst v0  }
0x15: {  	[tilespmem:$0x4080] =	vst v1  }
0x16: {  	[tilespmem:$0x4090] =	vst v1  }
0x17: {  	[tilespmem:$0x40A0] =	vst v1  }
0x18: {  	[tilespmem:$0x40B0] =	vst v1  }
0x19: {  	[tilespmem:$0x40C0] =	vst v1  }
0x1a: {  	[tilespmem:$0x40D0] =	vst v1  }
0x1b: {  	[tilespmem:$0x40E0] =	vst v1  }
0x1c: {  	[tilespmem:$0x40F0] =	vst v1  }
0x1d: {  	[tilespmem:$0x4100] =	vst v1  }
0x1e: {  	[tilespmem:$0x4110] =	vst v1  }
0x1f: {  	[tilespmem:$0x4120] =	vst v1  }
0x20: {  	[tilespmem:$0x4130] =	vst v1  }
0x21: {  	[tilespmem:$0x4140] =	vst v1  }
0x22: {  	[tilespmem:$0x4150] =	vst v1  }
0x23: {  	[tilespmem:$0x4160] =	vst v1  }
0x24: {  	[tilespmem:$0x4170] =	vst v1  }
0x25: {  	[tilespmem:$0x4180] =	vst v1  }
0x26: {  	[tilespmem:$0x4190] =	vst v1  }
0x27: {  	[tilespmem:$0x41A0] =	vst v1  }
0x28: {  	[tilespmem:$0x41B0] =	vst v1  }
0x29: {  	[tilespmem:$0x41C0] =	vst v1  }
0x2a: {  	[tilespmem:$0x41D0] =	vst v1  }
0x2b: {  	[tilespmem:$0x41E0] =	vst v1  }
0x2c: {  	[tilespmem:$0x41F0] =	vst v1  }
0x2d: {  	[tilespmem:$0x4200] =	vst v1  }
0x2e: {  	[tilespmem:$0x4210] =	vst v1  }
0x2f: {  	[tilespmem:$0x4220] =	vst v1  }
0x30: {  	[tilespmem:$0x4230] =	vst v1  }
0x31: {  	[tilespmem:$0x4240] =	vst v1  }
0x32: {  	[tilespmem:$0x4250] =	vst v1  }
0x33: {  	[tilespmem:$0x4260] =	vst v1  }
0x34: {  	[tilespmem:$0x4270] =	vst v1  }
0x35: {  	[tilespmem:$0x4280] =	vst v1  }
0x36: {  	[tilespmem:$0x4290] =	vst v1  }
0x37: {  	[tilespmem:$0x42A0] =	vst v1  }
0x38: {  	[tilespmem:$0x42B0] =	vst v1  }
0x39: {  	[tilespmem:$0x42C0] =	vst v1  }
0x3a: {  	[tilespmem:$0x42D0] =	vst v1  }
0x3b: {  	[tilespmem:$0x42E0] =	vst v1  }
0x3c: {  	[tilespmem:$0x42F0] =	vst v1  }
0x3d: {  	[spmem:s4] =	stream.linear.scatter [tilespmem:s8], [sflag:$0x2], $0x280, $0x38;
	[tilespmem:$0x4580] =	vst v63  }
0x3e: {  	_ =	swait.ge [sflag:s9], $0x280  }
0x3f: {  	[sflag:s9] =	ssyncset.done $0x0  }
0x40: {  	[sflag:s9] =	ssyncadd.s32 $0xFFFFFD80  }
0x41: {  	[bflag:$0x0] =	sbarrier.arrive $0xFFFF  }
0x42: {  	[tilespmem:s3], [sflag:$0x2] =	stream.linear.gather [hbm4b:s5+s3], $0x3E80, $0x38;
	[tilespmem:$0x4580] =	vst v63  }
0x43: {  	_ =	swait.ge [sflag:s9], $0x3E80  }
0x44: {  	[sflag:s9] =	ssyncset.done $0x0  }
0x45: {  	s18 =	simm.s32 $0x0;
	[sflag:s9] =	ssyncadd.s32 $0xFFFFC180  }
0x46: {  	[spmem:s2] =	stream.indirect.scatter.add.f32 [tilespmem:s11], [sflag:$0x1], $0x1, s18, s10, $0xb8;
	[tilespmem:$0x4580] =	vst v63  }
0x47: {  	s19 =	simm.s32 $0x80  }
0x48: {  	[spmem:s2] =	stream.indirect.scatter.add.f32 [tilespmem:s11], [sflag:$0x1], $0x1, s19, s10, $0xb8;
	[tilespmem:$0x4580] =	vst v63  }
0x49: {  	s20 =	simm.s32 $0x100  }
0x4a: {  	[spmem:s2] =	stream.indirect.scatter.add.f32 [tilespmem:s11], [sflag:$0x1], $0x1, s20, s10, $0xb8;
	[tilespmem:$0x4580] =	vst v63  }
0x4b: {  	s21 =	simm.s32 $0x180  }
0x4c: {  	[spmem:s2] =	stream.indirect.scatter.add.f32 [tilespmem:s11], [sflag:$0x1], $0x1, s21, s10, $0xb8;
	[tilespmem:$0x4580] =	vst v63  }
0x4d: {  	s22 =	simm.s32 $0x200  }
0x4e: {  	[spmem:s2] =	stream.indirect.scatter.add.f32 [tilespmem:s11], [sflag:$0x1], $0x1, s22, s10, $0xb8;
	[tilespmem:$0x4580] =	vst v63  }
0x4f: {  	s23 =	simm.s32 $0x280  }
0x50: {  	[spmem:s2] =	stream.indirect.scatter.add.f32 [tilespmem:s11], [sflag:$0x1], $0x1, s23, s10, $0xb8;
	[tilespmem:$0x4580] =	vst v63  }
0x51: {  	s24 =	simm.s32 $0x300  }
0x52: {  	[spmem:s2] =	stream.indirect.scatter.add.f32 [tilespmem:s11], [sflag:$0x1], $0x1, s24, s10, $0xb8;
	[tilespmem:$0x4580] =	vst v63  }
0x53: {  	s25 =	simm.s32 $0x380  }
0x54: {  	[spmem:s2] =	stream.indirect.scatter.add.f32 [tilespmem:s11], [sflag:$0x1], $0x1, s25, s10, $0xb8;
	[tilespmem:$0x4580] =	vst v63  }
0x55: {  	s26 =	simm.s32 $0x400  }
0x56: {  	[spmem:s2] =	stream.indirect.scatter.add.f32 [tilespmem:s11], [sflag:$0x1], $0x1, s26, s10, $0xb8;
	[tilespmem:$0x4580] =	vst v63  }
0x57: {  	s28 =	simm.s32 $0x480  }
0x58: {  	[spmem:s2] =	stream.indirect.scatter.add.f32 [tilespmem:s11], [sflag:$0x1], $0x1, s28, s10, $0xb8;
	[tilespmem:$0x4580] =	vst v63  }
0x59: {  	s29 =	simm.s32 $0x500  }
0x5a: {  	[spmem:s2] =	stream.indirect.scatter.add.f32 [tilespmem:s11], [sflag:$0x1], $0x1, s29, s10, $0xb8;
	[tilespmem:$0x4580] =	vst v63  }
0x5b: {  	s30 =	simm.s32 $0x580  }
0x5c: {  	[spmem:s2] =	stream.indirect.scatter.add.f32 [tilespmem:s11], [sflag:$0x1], $0x1, s30, s10, $0xb8;
	[tilespmem:$0x4580] =	vst v63  }
0x5d: {  	s31 =	simm.s32 $0x600  }
0x5e: {  	[spmem:s2] =	stream.indirect.scatter.add.f32 [tilespmem:s11], [sflag:$0x1], $0x1, s31, s10, $0xb8;
	[tilespmem:$0x4580] =	vst v63  }
0x5f: {  	s19 =	simm.s32 $0x680  }
0x60: {  	[spmem:s2] =	stream.indirect.scatter.add.f32 [tilespmem:s11], [sflag:$0x1], $0x1, s19, s10, $0xb8;
	[tilespmem:$0x4580] =	vst v63  }
0x61: {  	s20 =	simm.s32 $0x700  }
0x62: {  	[spmem:s2] =	stream.indirect.scatter.add.f32 [tilespmem:s11], [sflag:$0x1], $0x1, s20, s10, $0xb8;
	[tilespmem:$0x4580] =	vst v63  }
0x63: {  	s21 =	simm.s32 $0x780  }
0x64: {  	[spmem:s2] =	stream.indirect.scatter.add.f32 [tilespmem:s11], [sflag:$0x1], $0x1, s21, s10, $0xb8;
	[tilespmem:$0x4580] =	vst v63  }
0x65: {  	s22 =	simm.s32 $0x800  }
0x66: {  	[spmem:s2] =	stream.indirect.scatter.add.f32 [tilespmem:s11], [sflag:$0x1], $0x1, s22, s10, $0xb8;
	[tilespmem:$0x4580] =	vst v63  }
0x67: {  	s23 =	simm.s32 $0x880  }
0x68: {  	[spmem:s2] =	stream.indirect.scatter.add.f32 [tilespmem:s11], [sflag:$0x1], $0x1, s23, s10, $0xb8;
	[tilespmem:$0x4580] =	vst v63  }
0x69: {  	s24 =	simm.s32 $0x900  }
0x6a: {  	[spmem:s2] =	stream.indirect.scatter.add.f32 [tilespmem:s11], [sflag:$0x1], $0x1, s24, s10, $0xb8;
	[tilespmem:$0x4580] =	vst v63  }
0x6b: {  	s25 =	simm.s32 $0x980  }
0x6c: {  	[spmem:s2] =	stream.indirect.scatter.add.f32 [tilespmem:s11], [sflag:$0x1], $0x1, s25, s10, $0xb8;
	[tilespmem:$0x4580] =	vst v63  }
0x6d: {  	s26 =	simm.s32 $0xA00  }
0x6e: {  	[spmem:s2] =	stream.indirect.scatter.add.f32 [tilespmem:s11], [sflag:$0x1], $0x1, s26, s10, $0xb8;
	[tilespmem:$0x4580] =	vst v63  }
0x6f: {  	s28 =	simm.s32 $0xA80  }
0x70: {  	[spmem:s2] =	stream.indirect.scatter.add.f32 [tilespmem:s11], [sflag:$0x1], $0x1, s28, s10, $0xb8;
	[tilespmem:$0x4580] =	vst v63  }
0x71: {  	s29 =	simm.s32 $0xB00  }
0x72: {  	[spmem:s2] =	stream.indirect.scatter.add.f32 [tilespmem:s11], [sflag:$0x1], $0x1, s29, s10, $0xb8;
	[tilespmem:$0x4580] =	vst v63  }
0x73: {  	s30 =	simm.s32 $0xB80  }
0x74: {  	[spmem:s2] =	stream.indirect.scatter.add.f32 [tilespmem:s11], [sflag:$0x1], $0x1, s30, s10, $0xb8;
	[tilespmem:$0x4580] =	vst v63  }
0x75: {  	s31 =	simm.s32 $0xC00  }
0x76: {  	[spmem:s2] =	stream.indirect.scatter.add.f32 [tilespmem:s11], [sflag:$0x1], $0x1, s31, s10, $0xb8;
	[tilespmem:$0x4580] =	vst v63  }
0x77: {  	_ =	swait.ge [sflag:s12], $0x50  }
0x78: {  	[sflag:s12] =	ssyncset.done $0x0  }
0x79: {  	[sflag:s12] =	ssyncadd.s32 $0xFFFFFFB0  }
0x7a: {  	_ =	swait.ge [sflag:s12], $0x50  }
0x7b: {  	[sflag:s12] =	ssyncset.done $0x0  }
0x7c: {  	[sflag:s12] =	ssyncadd.s32 $0xFFFFFFB0  }
0x7d: {  	_ =	swait.ge [sflag:s12], $0x50  }
0x7e: {  	[sflag:s12] =	ssyncset.done $0x0  }
0x7f: {  	[sflag:s12] =	ssyncadd.s32 $0xFFFFFFB0  }
0x80: {  	_ =	swait.ge [sflag:s12], $0x50  }
0x81: {  	[sflag:s12] =	ssyncset.done $0x0  }
0x82: {  	[sflag:s12] =	ssyncadd.s32 $0xFFFFFFB0  }
0x83: {  	_ =	swait.ge [sflag:s12], $0x50  }
0x84: {  	[sflag:s12] =	ssyncset.done $0x0  }
0x85: {  	[sflag:s12] =	ssyncadd.s32 $0xFFFFFFB0  }
0x86: {  	_ =	swait.ge [sflag:s12], $0x50  }
0x87: {  	[sflag:s12] =	ssyncset.done $0x0  }
0x88: {  	[sflag:s12] =	ssyncadd.s32 $0xFFFFFFB0  }
0x89: {  	_ =	swait.ge [sflag:s12], $0x50  }
0x8a: {  	[sflag:s12] =	ssyncset.done $0x0  }
0x8b: {  	[sflag:s12] =	ssyncadd.s32 $0xFFFFFFB0  }
0x8c: {  	_ =	swait.ge [sflag:s12], $0x50  }
0x8d: {  	[sflag:s12] =	ssyncset.done $0x0  }
0x8e: {  	[sflag:s12] =	ssyncadd.s32 $0xFFFFFFB0  }
0x8f: {  	_ =	swait.ge [sflag:s12], $0x50  }
0x90: {  	[sflag:s12] =	ssyncset.done $0x0  }
0x91: {  	[sflag:s12] =	ssyncadd.s32 $0xFFFFFFB0  }
0x92: {  	_ =	swait.ge [sflag:s12], $0x50  }
0x93: {  	[sflag:s12] =	ssyncset.done $0x0  }
0x94: {  	[sflag:s12] =	ssyncadd.s32 $0xFFFFFFB0  }
0x95: {  	_ =	swait.ge [sflag:s12], $0x50  }
0x96: {  	[sflag:s12] =	ssyncset.done $0x0  }
0x97: {  	[sflag:s12] =	ssyncadd.s32 $0xFFFFFFB0  }
0x98: {  	_ =	swait.ge [sflag:s12], $0x50  }
0x99: {  	[sflag:s12] =	ssyncset.done $0x0  }
0x9a: {  	[sflag:s12] =	ssyncadd.s32 $0xFFFFFFB0  }
0x9b: {  	_ =	swait.ge [sflag:s12], $0x50  }
0x9c: {  	[sflag:s12] =	ssyncset.done $0x0  }
0x9d: {  	[sflag:s12] =	ssyncadd.s32 $0xFFFFFFB0  }
0x9e: {  	_ =	swait.ge [sflag:s12], $0x50  }
0x9f: {  	[sflag:s12] =	ssyncset.done $0x0  }
0xa0: {  	[sflag:s12] =	ssyncadd.s32 $0xFFFFFFB0  }
0xa1: {  	_ =	swait.ge [sflag:s12], $0x50  }
0xa2: {  	[sflag:s12] =	ssyncset.done $0x0  }
0xa3: {  	[sflag:s12] =	ssyncadd.s32 $0xFFFFFFB0  }
0xa4: {  	_ =	swait.ge [sflag:s12], $0x50  }
0xa5: {  	[sflag:s12] =	ssyncset.done $0x0  }
0xa6: {  	[sflag:s12] =	ssyncadd.s32 $0xFFFFFFB0  }
0xa7: {  	_ =	swait.ge [sflag:s12], $0x50  }
0xa8: {  	[sflag:s12] =	ssyncset.done $0x0  }
0xa9: {  	[sflag:s12] =	ssyncadd.s32 $0xFFFFFFB0  }
0xaa: {  	_ =	swait.ge [sflag:s12], $0x50  }
0xab: {  	[sflag:s12] =	ssyncset.done $0x0  }
0xac: {  	[sflag:s12] =	ssyncadd.s32 $0xFFFFFFB0  }
0xad: {  	_ =	swait.ge [sflag:s12], $0x50  }
0xae: {  	[sflag:s12] =	ssyncset.done $0x0  }
0xaf: {  	[sflag:s12] =	ssyncadd.s32 $0xFFFFFFB0  }
0xb0: {  	_ =	swait.ge [sflag:s12], $0x50  }
0xb1: {  	[sflag:s12] =	ssyncset.done $0x0  }
0xb2: {  	[sflag:s12] =	ssyncadd.s32 $0xFFFFFFB0  }
0xb3: {  	_ =	swait.ge [sflag:s12], $0x50  }
0xb4: {  	[sflag:s12] =	ssyncset.done $0x0  }
0xb5: {  	[sflag:s12] =	ssyncadd.s32 $0xFFFFFFB0  }
0xb6: {  	_ =	swait.ge [sflag:s12], $0x50  }
0xb7: {  	[sflag:s12] =	ssyncset.done $0x0  }
0xb8: {  	[sflag:s12] =	ssyncadd.s32 $0xFFFFFFB0  }
0xb9: {  	_ =	swait.ge [sflag:s12], $0x50  }
0xba: {  	[sflag:s12] =	ssyncset.done $0x0  }
0xbb: {  	[sflag:s12] =	ssyncadd.s32 $0xFFFFFFB0  }
0xbc: {  	_ =	swait.ge [sflag:s12], $0x50  }
0xbd: {  	[sflag:s12] =	ssyncset.done $0x0  }
0xbe: {  	[sflag:s12] =	ssyncadd.s32 $0xFFFFFFB0  }
0xbf: {  	_ =	swait.ge [sflag:s12], $0x50  }
0xc0: {  	s18 =	simm.s32 $0x3200;
	s21 =	simm.s32 $0x6400;
	[sflag:s12] =	ssyncset.done $0x0  }
.LBB2_2:
0xc1: {  	s20 =	sshra.s32 s18, $0x2  }
0xc2: {  	[sflag:s12] =	ssyncadd.s32 $0xFFFFFFB0;
	s18 =	smov.u32 s21;
	s19 =	sadd.s32 $0x3200, s21  }
0xc3: {  	[spmem:s2] =	stream.indirect.scatter.add.f32 [tilespmem:s11], [sflag:$0x1], $0x1, s20, s10, $0xb8;
	[tilespmem:$0x4580] =	vst v63  }
0xc4: {  	p0 =	sne.s32 s21, $0xC800;
	s21 =	sadd.s32 $0x80, s20  }
0xc5: {  	[spmem:s2] =	stream.indirect.scatter.add.f32 [tilespmem:s11], [sflag:$0x1], $0x1, s21, s10, $0xb8;
	[tilespmem:$0x4580] =	vst v63  }
0xc6: {  	s21 =	sadd.s32 $0x100, s20  }
0xc7: {  	[spmem:s2] =	stream.indirect.scatter.add.f32 [tilespmem:s11], [sflag:$0x1], $0x1, s21, s10, $0xb8;
	[tilespmem:$0x4580] =	vst v63  }
0xc8: {  	s21 =	sadd.s32 $0x180, s20  }
0xc9: {  	[spmem:s2] =	stream.indirect.scatter.add.f32 [tilespmem:s11], [sflag:$0x1], $0x1, s21, s10, $0xb8;
	[tilespmem:$0x4580] =	vst v63  }
0xca: {  	s21 =	sadd.s32 $0x200, s20  }
0xcb: {  	[spmem:s2] =	stream.indirect.scatter.add.f32 [tilespmem:s11], [sflag:$0x1], $0x1, s21, s10, $0xb8;
	[tilespmem:$0x4580] =	vst v63  }
0xcc: {  	s21 =	sadd.s32 $0x280, s20  }
0xcd: {  	[spmem:s2] =	stream.indirect.scatter.add.f32 [tilespmem:s11], [sflag:$0x1], $0x1, s21, s10, $0xb8;
	[tilespmem:$0x4580] =	vst v63  }
0xce: {  	s21 =	sadd.s32 $0x300, s20  }
0xcf: {  	[spmem:s2] =	stream.indirect.scatter.add.f32 [tilespmem:s11], [sflag:$0x1], $0x1, s21, s10, $0xb8;
	[tilespmem:$0x4580] =	vst v63  }
0xd0: {  	s21 =	sadd.s32 $0x380, s20  }
0xd1: {  	[spmem:s2] =	stream.indirect.scatter.add.f32 [tilespmem:s11], [sflag:$0x1], $0x1, s21, s10, $0xb8;
	[tilespmem:$0x4580] =	vst v63  }
0xd2: {  	s21 =	sadd.s32 $0x400, s20  }
0xd3: {  	[spmem:s2] =	stream.indirect.scatter.add.f32 [tilespmem:s11], [sflag:$0x1], $0x1, s21, s10, $0xb8;
	[tilespmem:$0x4580] =	vst v63  }
0xd4: {  	s21 =	sadd.s32 $0x480, s20  }
0xd5: {  	[spmem:s2] =	stream.indirect.scatter.add.f32 [tilespmem:s11], [sflag:$0x1], $0x1, s21, s10, $0xb8;
	[tilespmem:$0x4580] =	vst v63  }
0xd6: {  	s21 =	sadd.s32 $0x500, s20  }
0xd7: {  	[spmem:s2] =	stream.indirect.scatter.add.f32 [tilespmem:s11], [sflag:$0x1], $0x1, s21, s10, $0xb8;
	[tilespmem:$0x4580] =	vst v63  }
0xd8: {  	s21 =	sadd.s32 $0x580, s20  }
0xd9: {  	[spmem:s2] =	stream.indirect.scatter.add.f32 [tilespmem:s11], [sflag:$0x1], $0x1, s21, s10, $0xb8;
	[tilespmem:$0x4580] =	vst v63  }
0xda: {  	s21 =	sadd.s32 $0x600, s20  }
0xdb: {  	[spmem:s2] =	stream.indirect.scatter.add.f32 [tilespmem:s11], [sflag:$0x1], $0x1, s21, s10, $0xb8;
	[tilespmem:$0x4580] =	vst v63  }
0xdc: {  	s21 =	sadd.s32 $0x680, s20  }
0xdd: {  	[spmem:s2] =	stream.indirect.scatter.add.f32 [tilespmem:s11], [sflag:$0x1], $0x1, s21, s10, $0xb8;
	[tilespmem:$0x4580] =	vst v63  }
0xde: {  	s21 =	sadd.s32 $0x700, s20  }
0xdf: {  	[spmem:s2] =	stream.indirect.scatter.add.f32 [tilespmem:s11], [sflag:$0x1], $0x1, s21, s10, $0xb8;
	[tilespmem:$0x4580] =	vst v63  }
0xe0: {  	s21 =	sadd.s32 $0x780, s20  }
0xe1: {  	[spmem:s2] =	stream.indirect.scatter.add.f32 [tilespmem:s11], [sflag:$0x1], $0x1, s21, s10, $0xb8;
	[tilespmem:$0x4580] =	vst v63  }
0xe2: {  	s21 =	sadd.s32 $0x800, s20  }
0xe3: {  	[spmem:s2] =	stream.indirect.scatter.add.f32 [tilespmem:s11], [sflag:$0x1], $0x1, s21, s10, $0xb8;
	[tilespmem:$0x4580] =	vst v63  }
0xe4: {  	s21 =	sadd.s32 $0x880, s20  }
0xe5: {  	[spmem:s2] =	stream.indirect.scatter.add.f32 [tilespmem:s11], [sflag:$0x1], $0x1, s21, s10, $0xb8;
	[tilespmem:$0x4580] =	vst v63  }
0xe6: {  	s21 =	sadd.s32 $0x900, s20  }
0xe7: {  	[spmem:s2] =	stream.indirect.scatter.add.f32 [tilespmem:s11], [sflag:$0x1], $0x1, s21, s10, $0xb8;
	[tilespmem:$0x4580] =	vst v63  }
0xe8: {  	s21 =	sadd.s32 $0x980, s20  }
0xe9: {  	[spmem:s2] =	stream.indirect.scatter.add.f32 [tilespmem:s11], [sflag:$0x1], $0x1, s21, s10, $0xb8;
	[tilespmem:$0x4580] =	vst v63  }
0xea: {  	s21 =	sadd.s32 $0xA00, s20  }
0xeb: {  	[spmem:s2] =	stream.indirect.scatter.add.f32 [tilespmem:s11], [sflag:$0x1], $0x1, s21, s10, $0xb8;
	[tilespmem:$0x4580] =	vst v63  }
0xec: {  	s21 =	sadd.s32 $0xA80, s20  }
0xed: {  	[spmem:s2] =	stream.indirect.scatter.add.f32 [tilespmem:s11], [sflag:$0x1], $0x1, s21, s10, $0xb8;
	[tilespmem:$0x4580] =	vst v63  }
0xee: {  	s21 =	sadd.s32 $0xB00, s20  }
0xef: {  	[spmem:s2] =	stream.indirect.scatter.add.f32 [tilespmem:s11], [sflag:$0x1], $0x1, s21, s10, $0xb8;
	[tilespmem:$0x4580] =	vst v63  }
0xf0: {  	s21 =	sadd.s32 $0xB80, s20  }
0xf1: {  	[spmem:s2] =	stream.indirect.scatter.add.f32 [tilespmem:s11], [sflag:$0x1], $0x1, s21, s10, $0xb8;
	[tilespmem:$0x4580] =	vst v63  }
0xf2: {  	s20 =	sadd.s32 $0xC00, s20  }
0xf3: {  	[spmem:s2] =	stream.indirect.scatter.add.f32 [tilespmem:s11], [sflag:$0x1], $0x1, s20, s10, $0xb8;
	[tilespmem:$0x4580] =	vst v63  }
0xf4: {  	_ =	swait.ge [sflag:s12], $0x50  }
0xf5: {  	[sflag:s12] =	ssyncset.done $0x0  }
0xf6: {  	[sflag:s12] =	ssyncadd.s32 $0xFFFFFFB0  }
0xf7: {  	_ =	swait.ge [sflag:s12], $0x50  }
0xf8: {  	[sflag:s12] =	ssyncset.done $0x0  }
0xf9: {  	[sflag:s12] =	ssyncadd.s32 $0xFFFFFFB0  }
0xfa: {  	_ =	swait.ge [sflag:s12], $0x50  }
0xfb: {  	[sflag:s12] =	ssyncset.done $0x0  }
0xfc: {  	[sflag:s12] =	ssyncadd.s32 $0xFFFFFFB0  }
0xfd: {  	_ =	swait.ge [sflag:s12], $0x50  }
0xfe: {  	[sflag:s12] =	ssyncset.done $0x0  }
0xff: {  	[sflag:s12] =	ssyncadd.s32 $0xFFFFFFB0  }
0x100: {  	_ =	swait.ge [sflag:s12], $0x50  }
0x101: {  	[sflag:s12] =	ssyncset.done $0x0  }
0x102: {  	[sflag:s12] =	ssyncadd.s32 $0xFFFFFFB0  }
0x103: {  	_ =	swait.ge [sflag:s12], $0x50  }
0x104: {  	[sflag:s12] =	ssyncset.done $0x0  }
0x105: {  	[sflag:s12] =	ssyncadd.s32 $0xFFFFFFB0  }
0x106: {  	_ =	swait.ge [sflag:s12], $0x50  }
0x107: {  	[sflag:s12] =	ssyncset.done $0x0  }
0x108: {  	[sflag:s12] =	ssyncadd.s32 $0xFFFFFFB0  }
0x109: {  	_ =	swait.ge [sflag:s12], $0x50  }
0x10a: {  	[sflag:s12] =	ssyncset.done $0x0  }
0x10b: {  	[sflag:s12] =	ssyncadd.s32 $0xFFFFFFB0  }
0x10c: {  	_ =	swait.ge [sflag:s12], $0x50  }
0x10d: {  	[sflag:s12] =	ssyncset.done $0x0  }
0x10e: {  	[sflag:s12] =	ssyncadd.s32 $0xFFFFFFB0  }
0x10f: {  	_ =	swait.ge [sflag:s12], $0x50  }
0x110: {  	[sflag:s12] =	ssyncset.done $0x0  }
0x111: {  	[sflag:s12] =	ssyncadd.s32 $0xFFFFFFB0  }
0x112: {  	_ =	swait.ge [sflag:s12], $0x50  }
0x113: {  	[sflag:s12] =	ssyncset.done $0x0  }
0x114: {  	[sflag:s12] =	ssyncadd.s32 $0xFFFFFFB0  }
0x115: {  	_ =	swait.ge [sflag:s12], $0x50  }
0x116: {  	[sflag:s12] =	ssyncset.done $0x0  }
0x117: {  	[sflag:s12] =	ssyncadd.s32 $0xFFFFFFB0  }
0x118: {  	_ =	swait.ge [sflag:s12], $0x50  }
0x119: {  	[sflag:s12] =	ssyncset.done $0x0  }
0x11a: {  	[sflag:s12] =	ssyncadd.s32 $0xFFFFFFB0  }
0x11b: {  	_ =	swait.ge [sflag:s12], $0x50  }
0x11c: {  	[sflag:s12] =	ssyncset.done $0x0  }
0x11d: {  	[sflag:s12] =	ssyncadd.s32 $0xFFFFFFB0  }
0x11e: {  	_ =	swait.ge [sflag:s12], $0x50  }
0x11f: {  	[sflag:s12] =	ssyncset.done $0x0  }
0x120: {  	[sflag:s12] =	ssyncadd.s32 $0xFFFFFFB0  }
0x121: {  	_ =	swait.ge [sflag:s12], $0x50  }
0x122: {  	[sflag:s12] =	ssyncset.done $0x0  }
0x123: {  	[sflag:s12] =	ssyncadd.s32 $0xFFFFFFB0  }
0x124: {  	_ =	swait.ge [sflag:s12], $0x50  }
0x125: {  	[sflag:s12] =	ssyncset.done $0x0  }
0x126: {  	[sflag:s12] =	ssyncadd.s32 $0xFFFFFFB0  }
0x127: {  	_ =	swait.ge [sflag:s12], $0x50  }
0x128: {  	[sflag:s12] =	ssyncset.done $0x0  }
0x129: {  	[sflag:s12] =	ssyncadd.s32 $0xFFFFFFB0  }
0x12a: {  	_ =	swait.ge [sflag:s12], $0x50  }
0x12b: {  	[sflag:s12] =	ssyncset.done $0x0  }
0x12c: {  	[sflag:s12] =	ssyncadd.s32 $0xFFFFFFB0  }
0x12d: {  	_ =	swait.ge [sflag:s12], $0x50  }
0x12e: {  	[sflag:s12] =	ssyncset.done $0x0  }
0x12f: {  	[sflag:s12] =	ssyncadd.s32 $0xFFFFFFB0  }
0x130: {  	_ =	swait.ge [sflag:s12], $0x50  }
0x131: {  	[sflag:s12] =	ssyncset.done $0x0  }
0x132: {  	[sflag:s12] =	ssyncadd.s32 $0xFFFFFFB0  }
0x133: {  	_ =	swait.ge [sflag:s12], $0x50  }
0x134: {  	[sflag:s12] =	ssyncset.done $0x0  }
0x135: {  	[sflag:s12] =	ssyncadd.s32 $0xFFFFFFB0  }
0x136: {  	_ =	swait.ge [sflag:s12], $0x50  }
0x137: {  	[sflag:s12] =	ssyncset.done $0x0  }
0x138: {  	[sflag:s12] =	ssyncadd.s32 $0xFFFFFFB0  }
.Ltmp0:
0x139: {  	_ =	swait.ge [sflag:s12], $0x50;
	(pc) =	sbr.rel @p0 .LBB2_2-.Ltmp0, $4  }
0x13a: {  	[sflag:s12] =	ssyncset.done $0x0  }
0x13b: {  	[sflag:s12] =	ssyncadd.s32 $0xFFFFFFB0  }
0x13c: {  	_ =	swait.ge [sflag:s12], $0x50  }
0x13d: {  	s21 =	smov.u32 s19;
	[sflag:s12] =	ssyncset.done $0x0  }
0x13e: {  	s18 =	sshra.s32 s18, $0x2;
	[sflag:s12] =	ssyncadd.s32 $0xFFFFFFB0  }
0x13f: {  	[spmem:s2] =	stream.indirect.scatter.add.f32 [tilespmem:s11], [sflag:$0x1], $0x1, s18, s10, $0xb8;
	[tilespmem:$0x4580] =	vst v63  }
0x140: {  	s19 =	sadd.s32 $0x80, s18  }
0x141: {  	[spmem:s2] =	stream.indirect.scatter.add.f32 [tilespmem:s11], [sflag:$0x1], $0x1, s19, s10, $0xb8;
	[tilespmem:$0x4580] =	vst v63  }
0x142: {  	s20 =	sadd.s32 $0x100, s18  }
0x143: {  	[spmem:s2] =	stream.indirect.scatter.add.f32 [tilespmem:s11], [sflag:$0x1], $0x1, s20, s10, $0xb8;
	[tilespmem:$0x4580] =	vst v63  }
0x144: {  	s21 =	sadd.s32 $0x180, s18  }
0x145: {  	[spmem:s2] =	stream.indirect.scatter.add.f32 [tilespmem:s11], [sflag:$0x1], $0x1, s21, s10, $0xb8;
	[tilespmem:$0x4580] =	vst v63  }
0x146: {  	s22 =	sadd.s32 $0x200, s18  }
0x147: {  	[spmem:s2] =	stream.indirect.scatter.add.f32 [tilespmem:s11], [sflag:$0x1], $0x1, s22, s10, $0xb8;
	[tilespmem:$0x4580] =	vst v63  }
0x148: {  	s23 =	sadd.s32 $0x280, s18  }
0x149: {  	[spmem:s2] =	stream.indirect.scatter.add.f32 [tilespmem:s11], [sflag:$0x1], $0x1, s23, s10, $0xb8;
	[tilespmem:$0x4580] =	vst v63  }
0x14a: {  	s24 =	sadd.s32 $0x300, s18  }
0x14b: {  	[spmem:s2] =	stream.indirect.scatter.add.f32 [tilespmem:s11], [sflag:$0x1], $0x1, s24, s10, $0xb8;
	[tilespmem:$0x4580] =	vst v63  }
0x14c: {  	s25 =	sadd.s32 $0x380, s18  }
0x14d: {  	[spmem:s2] =	stream.indirect.scatter.add.f32 [tilespmem:s11], [sflag:$0x1], $0x1, s25, s10, $0xb8;
	[tilespmem:$0x4580] =	vst v63  }
0x14e: {  	s26 =	sadd.s32 $0x400, s18  }
0x14f: {  	[spmem:s2] =	stream.indirect.scatter.add.f32 [tilespmem:s11], [sflag:$0x1], $0x1, s26, s10, $0xb8;
	[tilespmem:$0x4580] =	vst v63  }
0x150: {  	s28 =	sadd.s32 $0x480, s18  }
0x151: {  	[spmem:s2] =	stream.indirect.scatter.add.f32 [tilespmem:s11], [sflag:$0x1], $0x1, s28, s10, $0xb8;
	[tilespmem:$0x4580] =	vst v63  }
0x152: {  	s29 =	sadd.s32 $0x500, s18  }
0x153: {  	[spmem:s2] =	stream.indirect.scatter.add.f32 [tilespmem:s11], [sflag:$0x1], $0x1, s29, s10, $0xb8;
	[tilespmem:$0x4580] =	vst v63  }
0x154: {  	s30 =	sadd.s32 $0x580, s18  }
0x155: {  	[spmem:s2] =	stream.indirect.scatter.add.f32 [tilespmem:s11], [sflag:$0x1], $0x1, s30, s10, $0xb8;
	[tilespmem:$0x4580] =	vst v63  }
0x156: {  	s31 =	sadd.s32 $0x600, s18  }
0x157: {  	[spmem:s2] =	stream.indirect.scatter.add.f32 [tilespmem:s11], [sflag:$0x1], $0x1, s31, s10, $0xb8;
	[tilespmem:$0x4580] =	vst v63  }
0x158: {  	s20 =	sadd.s32 $0x680, s18  }
0x159: {  	[spmem:s2] =	stream.indirect.scatter.add.f32 [tilespmem:s11], [sflag:$0x1], $0x1, s20, s10, $0xb8;
	[tilespmem:$0x4580] =	vst v63  }
0x15a: {  	s21 =	sadd.s32 $0x700, s18  }
0x15b: {  	[spmem:s2] =	stream.indirect.scatter.add.f32 [tilespmem:s11], [sflag:$0x1], $0x1, s21, s10, $0xb8;
	[tilespmem:$0x4580] =	vst v63  }
0x15c: {  	s22 =	sadd.s32 $0x780, s18  }
0x15d: {  	[spmem:s2] =	stream.indirect.scatter.add.f32 [tilespmem:s11], [sflag:$0x1], $0x1, s22, s10, $0xb8;
	[tilespmem:$0x4580] =	vst v63  }
0x15e: {  	s23 =	sadd.s32 $0x800, s18  }
0x15f: {  	[spmem:s2] =	stream.indirect.scatter.add.f32 [tilespmem:s11], [sflag:$0x1], $0x1, s23, s10, $0xb8;
	[tilespmem:$0x4580] =	vst v63  }
0x160: {  	s24 =	sadd.s32 $0x880, s18  }
0x161: {  	[spmem:s2] =	stream.indirect.scatter.add.f32 [tilespmem:s11], [sflag:$0x1], $0x1, s24, s10, $0xb8;
	[tilespmem:$0x4580] =	vst v63  }
0x162: {  	s25 =	sadd.s32 $0x900, s18  }
0x163: {  	[spmem:s2] =	stream.indirect.scatter.add.f32 [tilespmem:s11], [sflag:$0x1], $0x1, s25, s10, $0xb8;
	[tilespmem:$0x4580] =	vst v63  }
0x164: {  	s26 =	sadd.s32 $0x980, s18  }
0x165: {  	[spmem:s2] =	stream.indirect.scatter.add.f32 [tilespmem:s11], [sflag:$0x1], $0x1, s26, s10, $0xb8;
	[tilespmem:$0x4580] =	vst v63  }
0x166: {  	s28 =	sadd.s32 $0xA00, s18  }
0x167: {  	[spmem:s2] =	stream.indirect.scatter.add.f32 [tilespmem:s11], [sflag:$0x1], $0x1, s28, s10, $0xb8;
	[tilespmem:$0x4580] =	vst v63  }
0x168: {  	s29 =	sadd.s32 $0xA80, s18  }
0x169: {  	[spmem:s2] =	stream.indirect.scatter.add.f32 [tilespmem:s11], [sflag:$0x1], $0x1, s29, s10, $0xb8;
	[tilespmem:$0x4580] =	vst v63  }
0x16a: {  	s30 =	sadd.s32 $0xB00, s18  }
0x16b: {  	[spmem:s2] =	stream.indirect.scatter.add.f32 [tilespmem:s11], [sflag:$0x1], $0x1, s30, s10, $0xb8;
	[tilespmem:$0x4580] =	vst v63  }
0x16c: {  	s31 =	sadd.s32 $0xB80, s18  }
0x16d: {  	[spmem:s2] =	stream.indirect.scatter.add.f32 [tilespmem:s11], [sflag:$0x1], $0x1, s31, s10, $0xb8;
	[tilespmem:$0x4580] =	vst v63  }
0x16e: {  	s18 =	sadd.s32 $0xC00, s18  }
0x16f: {  	[spmem:s2] =	stream.indirect.scatter.add.f32 [tilespmem:s11], [sflag:$0x1], $0x1, s18, s10, $0xb8;
	[tilespmem:$0x4580] =	vst v63  }
0x170: {  	_ =	swait.ge [sflag:s12], $0x50  }
0x171: {  	[sflag:s12] =	ssyncset.done $0x0  }
0x172: {  	[sflag:s12] =	ssyncadd.s32 $0xFFFFFFB0  }
0x173: {  	_ =	swait.ge [sflag:s12], $0x50  }
0x174: {  	[sflag:s12] =	ssyncset.done $0x0  }
0x175: {  	[sflag:s12] =	ssyncadd.s32 $0xFFFFFFB0  }
0x176: {  	_ =	swait.ge [sflag:s12], $0x50  }
0x177: {  	[sflag:s12] =	ssyncset.done $0x0  }
0x178: {  	[sflag:s12] =	ssyncadd.s32 $0xFFFFFFB0  }
0x179: {  	_ =	swait.ge [sflag:s12], $0x50  }
0x17a: {  	[sflag:s12] =	ssyncset.done $0x0  }
0x17b: {  	[sflag:s12] =	ssyncadd.s32 $0xFFFFFFB0  }
0x17c: {  	_ =	swait.ge [sflag:s12], $0x50  }
0x17d: {  	[sflag:s12] =	ssyncset.done $0x0  }
0x17e: {  	[sflag:s12] =	ssyncadd.s32 $0xFFFFFFB0  }
0x17f: {  	_ =	swait.ge [sflag:s12], $0x50  }
0x180: {  	[sflag:s12] =	ssyncset.done $0x0  }
0x181: {  	[sflag:s12] =	ssyncadd.s32 $0xFFFFFFB0  }
0x182: {  	_ =	swait.ge [sflag:s12], $0x50  }
0x183: {  	[sflag:s12] =	ssyncset.done $0x0  }
0x184: {  	[sflag:s12] =	ssyncadd.s32 $0xFFFFFFB0  }
0x185: {  	_ =	swait.ge [sflag:s12], $0x50  }
0x186: {  	[sflag:s12] =	ssyncset.done $0x0  }
0x187: {  	[sflag:s12] =	ssyncadd.s32 $0xFFFFFFB0  }
0x188: {  	_ =	swait.ge [sflag:s12], $0x50  }
0x189: {  	[sflag:s12] =	ssyncset.done $0x0  }
0x18a: {  	[sflag:s12] =	ssyncadd.s32 $0xFFFFFFB0  }
0x18b: {  	_ =	swait.ge [sflag:s12], $0x50  }
0x18c: {  	[sflag:s12] =	ssyncset.done $0x0  }
0x18d: {  	[sflag:s12] =	ssyncadd.s32 $0xFFFFFFB0  }
0x18e: {  	_ =	swait.ge [sflag:s12], $0x50  }
0x18f: {  	[sflag:s12] =	ssyncset.done $0x0  }
0x190: {  	[sflag:s12] =	ssyncadd.s32 $0xFFFFFFB0  }
0x191: {  	_ =	swait.ge [sflag:s12], $0x50  }
0x192: {  	[sflag:s12] =	ssyncset.done $0x0  }
0x193: {  	[sflag:s12] =	ssyncadd.s32 $0xFFFFFFB0  }
0x194: {  	_ =	swait.ge [sflag:s12], $0x50  }
0x195: {  	[sflag:s12] =	ssyncset.done $0x0  }
0x196: {  	[sflag:s12] =	ssyncadd.s32 $0xFFFFFFB0  }
0x197: {  	_ =	swait.ge [sflag:s12], $0x50  }
0x198: {  	[sflag:s12] =	ssyncset.done $0x0  }
0x199: {  	[sflag:s12] =	ssyncadd.s32 $0xFFFFFFB0  }
0x19a: {  	_ =	swait.ge [sflag:s12], $0x50  }
0x19b: {  	[sflag:s12] =	ssyncset.done $0x0  }
0x19c: {  	[sflag:s12] =	ssyncadd.s32 $0xFFFFFFB0  }
0x19d: {  	_ =	swait.ge [sflag:s12], $0x50  }
0x19e: {  	[sflag:s12] =	ssyncset.done $0x0  }
0x19f: {  	[sflag:s12] =	ssyncadd.s32 $0xFFFFFFB0  }
0x1a0: {  	_ =	swait.ge [sflag:s12], $0x50  }
0x1a1: {  	[sflag:s12] =	ssyncset.done $0x0  }
0x1a2: {  	[sflag:s12] =	ssyncadd.s32 $0xFFFFFFB0  }
0x1a3: {  	_ =	swait.ge [sflag:s12], $0x50  }
0x1a4: {  	[sflag:s12] =	ssyncset.done $0x0  }
0x1a5: {  	[sflag:s12] =	ssyncadd.s32 $0xFFFFFFB0  }
0x1a6: {  	_ =	swait.ge [sflag:s12], $0x50  }
0x1a7: {  	[sflag:s12] =	ssyncset.done $0x0  }
0x1a8: {  	[sflag:s12] =	ssyncadd.s32 $0xFFFFFFB0  }
0x1a9: {  	_ =	swait.ge [sflag:s12], $0x50  }
0x1aa: {  	[sflag:s12] =	ssyncset.done $0x0  }
0x1ab: {  	[sflag:s12] =	ssyncadd.s32 $0xFFFFFFB0  }
0x1ac: {  	_ =	swait.ge [sflag:s12], $0x50  }
0x1ad: {  	[sflag:s12] =	ssyncset.done $0x0  }
0x1ae: {  	[sflag:s12] =	ssyncadd.s32 $0xFFFFFFB0  }
0x1af: {  	_ =	swait.ge [sflag:s12], $0x50  }
0x1b0: {  	[sflag:s12] =	ssyncset.done $0x0  }
0x1b1: {  	[sflag:s12] =	ssyncadd.s32 $0xFFFFFFB0  }
0x1b2: {  	_ =	swait.ge [sflag:s12], $0x50  }
0x1b3: {  	[sflag:s12] =	ssyncset.done $0x0  }
0x1b4: {  	[sflag:s12] =	ssyncadd.s32 $0xFFFFFFB0  }
0x1b5: {  	_ =	swait.ge [sflag:s12], $0x50  }
0x1b6: {  	[sflag:s12] =	ssyncset.done $0x0  }
0x1b7: {  	[sflag:s12] =	ssyncadd.s32 $0xFFFFFFB0  }
0x1b8: {  	_ =	swait.ge [sflag:s12], $0x50  }
0x1b9: {  	s17 =	sadd.s32 $0x1, s17;
	[sflag:s12] =	ssyncset.done $0x0  }
0x1ba: {  	p0 =	sne.s32 s17, s7;
	[sflag:s12] =	ssyncadd.s32 $0xFFFFFFB0  }
.Ltmp1:
0x1bb: {  	[bflag:$0x0] =	sbarrier.arrive $0xFFFF;
	(pc) =	sbr.rel @p0 .LBB2_1-.Ltmp1, $4  }
0x1bc: {  	[hbm:s6@s15], [sflag:s13] =	dma.strided [spmem:s14@s16], $0x50, s12, $0x10   }
0x1bd: {  	_ =	swait.ge [sflag:s9], $0x50  }
0x1be: {  	[sflag:s9] =	ssyncset.done $0x0  }
0x1bf: {  	[sflag:s9] =	ssyncadd.s32 $0xFFFFFFB0  }
0x1c0: {  	_ =	sfence.sel $0x180000  }
0x1c1: {  	[bflag:$0x0] =	sbarrier.arrive $0xFFFF  }
0x1c2: {  	p0 =	sne.s32 s1, $0x0;
	_ =	strace $0x90000047  }
0x1c3: {  	s0 =	sadd.s32 @!p0 $0x100000, s0;
	[bflag:$0x2] =	sbarrier.arrive $0xFFFF  }
0x1c4: {  	[sflag:s0] =	ssyncadd.tile.s32 @!p0 $0x1;
	_ =	shalt  }
.Lfunc_end2:
_tile_overlayer_lowered:
.L_overlay_start_2:
0x1c5: {  	(tag) =	ssettag $0x2  }
0x1c6: {  	s0 =	rddreg [dreg:$0x0];
	s2 =	stileid.u32  }
0x1c7: {  	s1 =	rddreg [dreg:$0x1];
	p0 =	sne.s32 s2, $0x0  }
0x1c8: {  	s3 =	rddreg [dreg:$0x2];
	[bflag:$0x3] =	sbarrier.arrive $0xFFFF;
	s2 =	simm.s32 @!p0 $0x1C02  }
0x1c9: {  	[timem:s3], [sflag:s2] =	dma.local @!p0 [hbm:s0], s1  }
0x1ca: {  	s0 =	simm.s32 @!p0 $0x2  }
0x1cb: {  	_ =	swait.ge @!p0 [sflag:s0], s1  }
0x1cc: {  	s1 =	ssub.s32 @!p0 $0x0, s1;
	[sflag:s0] =	ssyncset.done @!p0 $0x0  }
0x1cd: {  	[sflag:s0] =	ssyncadd.s32 @!p0 s1  }
0x1ce: {  	[bflag:$0x3] =	sbarrier.arrive $0xFFFF  }
0x1cf: {  	_ =	shalt  }

// kernel: kernel.13.cloned.1.call-start
scs
__scs_entry_jumppad:
0x0: {  	(pc) =	sbr.rel $0x88, $3  }
0x1: {  	(tag) =	ssettag $0x0;
	lr =	simm.s32 $0x1  }
0x2: {  	[smem:$0x3F95] =	sst lr;
	_ =	strace $0xD0000000  }
0x3: {  	_ = 	snop  }
0x4: {  	_ = 	snop  }
0x5: {  	_ = 	snop  }
0x6: {  	_ = 	snop  }
0x7: {  	_ = 	snop  }
__scs_overlays_trampoline_lowered:
0x8: {  	[smem:$0x3FA4] =	sst s0  }
0x9: {  	[smem:$0x3FA5] =	sst s1  }
0xa: {  	[smem:$0x3FA6] =	sst s2  }
0xb: {  	[smem:$0x3FA7] =	sst s3  }
0xc: {  	[smem:$0x3FA8] =	sst s4  }
0xd: {  	[smem:$0x3FA9] =	sst s5  }
0xe: {  	[smem:$0x3FAA] =	sst s6  }
0xf: {  	[smem:$0x3FAB] =	sst s7  }
0x10: {  	[smem:$0x3FAC] =	sst s8  }
0x11: {  	[smem:$0x3FAD] =	sst s9;
	s0 =	simm.s32 @!p0 $0x0  }
0x12: {  	s1 =	sld [smem:$0x3F93];
	s0 =	simm.s32 @p0 $0x1  }
0x13: {  	[smem:$0x3FAE] =	sst s0;
	s0 =	simm.s32 @!p1 $0x0  }
0x14: {  	s2 =	sld [smem:$0x3F92];
	s0 =	simm.s32 @p1 $0x1  }
0x15: {  	[smem:$0x3FAF] =	sst s0;
	s0 =	simm.s32 @!p2 $0x0  }
0x16: {  	s3 =	sld [smem:$0x3FDB];
	s0 =	simm.s32 @p2 $0x1  }
0x17: {  	s4 =	simm.s32 $0x1BF5;
	[smem:$0x3FB1] =	sst s0  }
0x18: {  	s0 =	sld [smem:$0x3F94];
	_ =	swait.ge [sflag:s4], $0x0  }
0x19: {  	s7 =	sld [smem:$0x3F95]  }
0x1a: {  	s8 =	sadd.s32 $0xFFFFE003, lr  }
0x1b: {  	s9 =	sadd.s32 $0xFFFFFEF7, lr;
	s5 =	simm.s32 $0xFFFFFFFF;
	p2 =	slt.u32 s8, $0xFFFFF086  }
0x1c: {  	p1 =	slt.u32 s9, $0xF7A;
	s5 =	simm.s32 @!p2 $0x0  }
0x1d: {  	s5 =	simm.s32 @p1 $0x1;
	p0 =	seq.s32 s7, s2  }
0x1e: {  	s7 =	smul.u32 @!p0 $0xF7A, s2;
	p2 =	seq.s32 @!p0 s5, $0x0  }
0x1f: {  	s9 =	smul.u32 $0xF7A, s1;
	s8 =	simm.s32 @!p0 $0x1BF5;
	p2 =	por !p2, p0  }
0x20: {  	[sflag:s8] =	ssyncset.s32 @!p0 $0xFFFFF086;
	s6 =	sadd.s32 @!p0 s3, s7;
	s7 =	simm.s32 @!p0 $0x108  }
0x21: {  	s3 =	sadd.s32 s3, s9;
	s6 =	sadd.s32 @!p0 $0x88, s6;
	s7 =	simm.s32 @p2 $0x1082  }
0x22: {  	[simem:s7], [sflag:s8] =	dma.local @!p0 [hbm:s6], $0xF7A  }
0x23: {  	s9 =	sor.u32 $0xD0000000, s2;
	s6 =	simm.s32 $0x108;
	_ =	swait.ge @!p0 [sflag:s8], $0x0  }
0x24: {  	s3 =	sadd.s32 $0x88, s3;
	s6 =	simm.s32 @!p1 $0x1082;
	[sflag:s4] =	ssyncset.s32 $0xFFFFF086  }
0x25: {  	[simem:s6], [sflag:s4] =	dma.local [hbm:s3], $0xF7A  }
0x26: {  	[smem:$0x3F95] =	sst s1;
	(tag) =	ssettag s2;
	_ =	strace s9  }
0x27: {  	s1 =	sld [smem:$0x3FA5]  }
0x28: {  	s2 =	sld [smem:$0x3FA6]  }
0x29: {  	s4 =	sld [smem:$0x3FA8]  }
0x2a: {  	p0 =	seq.s32 s5, $0x0;
	s5 =	sld [smem:$0x3FA9]  }
0x2b: {  	s6 =	sld [smem:$0x3FAA]  }
0x2c: {  	s7 =	sld [smem:$0x3FAB]  }
0x2d: {  	s3 =	simm.s32 $0x108;
	s8 =	sld [smem:$0x3FAC]  }
0x2e: {  	s3 =	simm.s32 @!p0 $0x1082;
	s9 =	sld [smem:$0x3FAD]  }
0x2f: {  	lr =	sadd.s32 s0, s3;
	s0 =	sld [smem:$0x3FA4]  }
0x30: {  	s3 =	sld [smem:$0x3FA7]  }
0x31: {  	[smem:$0x3FB0] =	sst s10  }
0x32: {  	s10 =	sld [smem:$0x3FAE];
	_ =	sdelay $0x3  }
0x33: {  	p0 =	seq.s32 s10, $0x1;
	s10 =	sld [smem:$0x3FB0];
	_ =	sdelay $0x3  }
0x34: {  	[smem:$0x3FB0] =	sst s10  }
0x35: {  	s10 =	sld [smem:$0x3FAF];
	_ =	sdelay $0x3  }
0x36: {  	p1 =	seq.s32 s10, $0x1;
	s10 =	sld [smem:$0x3FB0];
	_ =	sdelay $0x3  }
0x37: {  	[smem:$0x3FB0] =	sst s10  }
0x38: {  	s10 =	sld [smem:$0x3FB1]  }
0x39: {  	_ = 	snop;
	(pc) =	sbr.ind lr, $3  }
0x3a: {  	_ = 	snop  }
0x3b: {  	_ = 	snop  }
0x3c: {  	p2 =	seq.s32 s10, $0x1;
	s10 =	sld [smem:$0x3FB0]  }
0x3d: {  	_ =	shalt  }
0x3e: {  	_ =	shalt  }
0x3f: {  	_ =	shalt  }
0x40: {  	_ =	shalt  }
0x41: {  	_ =	shalt  }
0x42: {  	_ =	shalt  }
0x43: {  	_ =	shalt  }
0x44: {  	_ =	shalt  }
0x45: {  	_ =	shalt  }
0x46: {  	_ =	shalt  }
0x47: {  	_ =	shalt  }
0x48: {  	_ =	shalt  }
0x49: {  	_ =	shalt  }
0x4a: {  	_ =	shalt  }
0x4b: {  	_ =	shalt  }
0x4c: {  	_ =	shalt  }
0x4d: {  	_ =	shalt  }
0x4e: {  	_ =	shalt  }
0x4f: {  	_ =	shalt  }
0x50: {  	_ =	shalt  }
0x51: {  	_ =	shalt  }
0x52: {  	_ =	shalt  }
0x53: {  	_ =	shalt  }
0x54: {  	_ =	shalt  }
0x55: {  	_ =	shalt  }
0x56: {  	_ =	shalt  }
0x57: {  	_ =	shalt  }
0x58: {  	_ =	shalt  }
0x59: {  	_ =	shalt  }
0x5a: {  	_ =	shalt  }
0x5b: {  	_ =	shalt  }
0x5c: {  	_ =	shalt  }
0x5d: {  	_ =	shalt  }
0x5e: {  	_ =	shalt  }
0x5f: {  	_ =	shalt  }
0x60: {  	_ =	shalt  }
0x61: {  	_ =	shalt  }
0x62: {  	_ =	shalt  }
0x63: {  	_ =	shalt  }
0x64: {  	_ =	shalt  }
0x65: {  	_ =	shalt  }
0x66: {  	_ =	shalt  }
0x67: {  	_ =	shalt  }
0x68: {  	_ =	shalt  }
0x69: {  	_ =	shalt  }
0x6a: {  	_ =	shalt  }
0x6b: {  	_ =	shalt  }
0x6c: {  	_ =	shalt  }
0x6d: {  	_ =	shalt  }
0x6e: {  	_ =	shalt  }
0x6f: {  	_ =	shalt  }
0x70: {  	_ =	shalt  }
0x71: {  	_ =	shalt  }
0x72: {  	_ =	shalt  }
0x73: {  	_ =	shalt  }
0x74: {  	_ =	shalt  }
0x75: {  	_ =	shalt  }
0x76: {  	_ =	shalt  }
0x77: {  	_ =	shalt  }
0x78: {  	_ =	shalt  }
0x79: {  	_ =	shalt  }
0x7a: {  	_ =	shalt  }
0x7b: {  	_ =	shalt  }
0x7c: {  	_ =	shalt  }
0x7d: {  	_ =	shalt  }
0x7e: {  	_ =	shalt  }
0x7f: {  	_ =	shalt  }
0x80: {  	_ =	shalt  }
0x81: {  	_ =	shalt  }
0x82: {  	_ =	shalt  }
0x83: {  	_ =	shalt  }
0x84: {  	_ =	shalt  }
0x85: {  	_ =	shalt  }
0x86: {  	_ =	shalt  }
0x87: {  	_ =	shalt  }
.Lfunc_end0:
.L_simem_size_0:
called_computation.1_lowered:
.L_overlay_start_0:
0x88: {  	s2 =	sld [smem:$0x3FD9]  }
0x89: {  	s3 =	sld [smem:$0x3FFE];
	_ =	sdelay $0x1  }
0x8a: {  	s1 =	srdreg.scid  }
0x8b: {  	s0 =	sand.u32 $0x1, s1  }
0x8c: {  	s16 =	sshll.u32 s0, $0xA;
	s2 =	sadd.s32 s3, s2  }
0x8d: {  	s2 =	sadd.s32 s2, s16  }
0x8e: {  	[smem:$0x3FBC] =	sst s2  }
0x8f: {  	_ = 	snop  }
0x90: {  	(tm) =	ssettm $0x1  }
0x91: {  	s17 =	sld [smem:$0x3FFB];
	_ =	sdelay $0x3  }
0x92: {  	_ =	strace s17  }
0x93: {  	s2 =	sld [smem:$0x3FFC];
	_ =	sdelay $0x3  }
0x94: {  	_ =	strace s2  }
0x95: {  	s2 =	sld [smem:$0x3FFD];
	_ =	sdelay $0x3  }
0x96: {  	_ =	strace s2  }
0x97: {  	_ =	strace $0x8FFFFFFF  }
0x98: {  	s18 =	sld [smem:$0x3FDB];
	_ =	sdelay $0x1  }
0x99: {  	s19 =	simm.s32 $_scs_section_size  }
0x9a: {  	s4 =	simm.s32 $_size__tile_overlayer_lowered;
	s5 =	simm.s32 $_tile_overlayer_lowered  }
0x9b: {  	s22 =	simm.s32 $0x1BFF;
	s21 =	sshll.u32 s5, $0x1;
	s2 =	sadd.s32 s19, s18  }
0x9c: {  	s6 =	simm.s32 $0x0;
	s20 =	sshll.u32 s4, $0x1;
	s4 =	sadd.s32 s21, s2  }
0x9d: {  	[timem:s6], [sflag:s22] =	dma.local [hbm:s4], s20  }
0x9e: {  	_ =	swait.ge [sflag:s22], s20  }
0x9f: {  	s3 =	ssub.s32 $0x0, s20;
	[sflag:s22] =	ssyncset.done $0x0  }
0xa0: {  	[sflag:s22] =	ssyncadd.s32 s3;
	_ =	sdelay $0x1  }
0xa1: {  	s23 =	simm.s32 $0x1B8B  }
0xa2: {  	_ =	swait.ge [sflag:s23], $0x1  }
0xa3: {  	[sflag:s23] =	ssyncset.done $0x0  }
0xa4: {  	s25 =	simm.s32 $0x1B8E;
	s24 =	sld [smem:$0x3FFE];
	[sflag:s23] =	ssyncadd.s32 $0xFFFFFFFF  }
0xa5: {  	s26 =	simm.s32 $execute0_lowered;
	[smem:$0x3FD2] =	sst s25  }
0xa6: {  	s4 =	sshll.u32 s26, $0x1;
	_ =	strace $0x80000049;
	[dreg:$0x1] =	wrdreg $0xFFFFFFFF  }
0xa7: {  	s28 =	simm.s32 $_size_execute0_lowered;
	s2 =	sadd.s32 s2, s4;
	[dreg:$0x0] =	wrdreg $0x0  }
0xa8: {  	s4 =	sshll.u32 s28, $0x1;
	[dreg:$0x2] =	wrdreg s2  }
0xa9: {  	[dreg:$0x3] =	wrdreg s4  }
0xaa: {  	[dreg:$0x4] =	wrdreg $0xC0  }
0xab: {  	_ =	task [dreg:s6], $0x5FFFF  }
0xac: {  	[dreg:$0x1] =	wrdreg $0xFFFFFFFF  }
0xad: {  	[dreg:$0x0] =	wrdreg $0x60  }
0xae: {  	[dreg:$0x2] =	wrdreg s24  }
0xaf: {  	[dreg:$0x3] =	wrdreg $0x9C000  }
0xb0: {  	[dreg:$0x4] =	wrdreg $0x9  }
0xb1: {  	_ =	task.clear_ibuf [dreg:s6], $0x5FFFF;
	_ =	strace $0x90000049  }
0xb2: {  	s29 =	simm.s32 $0x9;
	_ =	strace $0x8000004B  }
0xb3: {  	_ =	swait.ge [sflag:s29], $0x1  }
0xb4: {  	[sflag:s29] =	ssyncadd.s32 $0xFFFFFFFF  }
0xb5: {  	_ =	strace $0x9000004B  }
0xb6: {  	_ =	sfence  }
0xb7: {  	s30 =	sld [smem:$0x0];
	_ =	sdelay $0x2  }
0xb8: {  	s31 =	sshll.u32 s1, $0xD;
	s1 =	sshrl.u32 s1, $0x2  }
0xb9: {  	s3 =	sand.u32 $0x4000, s31;
	s1 =	sadd.s32 s1, s30  }
0xba: {  	s0 =	sor.u32 s3, s0;
	s1 =	sshll.u32 s1, $0x11  }
0xbb: {  	s0 =	sor.u32 s1, s0  }
0xbc: {  	s0 =	sadd.s32 $0x8F2B, s0  }
0xbd: {  	[sflag:s0] =	ssyncadd.remote.s32 $0x1  }
0xbe: {  	_ =	sfence.sel $0xFFFF  }
0xbf: {  	[dreg:$0x0] =	wrdreg $0xFFFFFFFF;
	(pc) =	sbr.abs _section_cstart, $3  }
0xc0: {  	[dreg:$0x1] =	wrdreg $0xFFFFFFFF  }
0xc1: {  	_ =	task.clear_ibuf [dreg:s6], $0x2FFFF;
	_ =	strace $0x9FFFFFFF  }
0xc2: {  	(tm) =	ssettm $0x7FFFFFFF  }
0xc3: {  	_ =	shalt  }
tec
execute0_lowered:
.L_overlay_start_1:
0x0: {  	(tag) =	ssettag $0x1  }
0x1: {  	s0 =	srdreg.scid;
	s8 =	stileid.u32  }
0x2: {  	s0 =	sand.u32 $0x1, s0;
	s3 =	smul.u32 $0x5000, s8  }
0x3: {  	s1 =	smul.u32 $0x50000, s0  }
0x4: {  	s5 =	rddreg [dreg:$0x0]  }
0x5: {  	s2 =	rddreg [dreg:$0x1];
	s1 =	sadd.s32 s3, s1;
	s3 =	simm.s32 $0x0  }
0x6: {  	s6 =	simm.s32 $0x80;
	[smem:$0x7FF] =	sst s3  }
0x7: {  	s7 =	simm.s32 $0x100;
	_ =	strace $0x8000004A;
	[dreg:$0x5] =	wrdreg s6  }
0x8: {  	s9 =	simm.s32 $0x1080;
	[dreg:$0x6] =	wrdreg s7  }
0x9: {  	s10 =	simm.s32 $0x180;
	[dreg:$0x7] =	wrdreg s9  }
0xa: {  	s11 =	simm.s32 $0x1100;
	[dreg:$0x8] =	wrdreg s10  }
0xb: {  	s12 =	simm.s32 $0x200;
	[dreg:$0x9] =	wrdreg s11  }
0xc: {  	s13 =	simm.s32 $0x1180;
	[dreg:$0xa] =	wrdreg s12  }
0xd: {  	s14 =	simm.s32 $0x280;
	[dreg:$0xb] =	wrdreg s13  }
0xe: {  	s15 =	simm.s32 $0x1200;
	[dreg:$0xc] =	wrdreg s14  }
0xf: {  	s16 =	simm.s32 $0x300;
	[dreg:$0xd] =	wrdreg s15  }
0x10: {  	s17 =	simm.s32 $0x1280;
	s18 =	simm.s32 $0x380;
	[dreg:$0xe] =	wrdreg s16  }
0x11: {  	s19 =	simm.s32 $0x1300;
	s20 =	simm.s32 $0x400;
	[dreg:$0xf] =	wrdreg s17  }
0x12: {  	s21 =	simm.s32 $0x1380;
	s22 =	simm.s32 $0x480;
	[dreg:$0x10] =	wrdreg s18  }
0x13: {  	s23 =	simm.s32 $0x1400;
	s25 =	simm.s32 $0x500;
	[dreg:$0x11] =	wrdreg s19  }
0x14: {  	s28 =	simm.s32 $0x1A80;
	s29 =	simm.s32 $0xB80;
	[dreg:$0x12] =	wrdreg s20  }
0x15: {  	s30 =	simm.s32 $0x1B00;
	s31 =	simm.s32 $0xC00;
	[dreg:$0x13] =	wrdreg s21  }
0x16: {  	s26 =	smul.u32 $0x50000, s8;
	s1 =	sshrl.u32 s1, $0x3;
	[dreg:$0x14] =	wrdreg s22  }
0x17: {  	s1 =	sadd.s32 s1, s5;
	s6 =	smul.u32 $0x140000, s0;
	[dreg:$0x15] =	wrdreg s23  }
0x18: {  	s7 =	smul.u32 $0x14000, s8;
	[dreg:$0x16] =	wrdreg s25;
	s8 =	simm.s32 $0x1480  }
0x19: {  	s0 =	ssub.s32 $0x2, s0;
	s9 =	simm.s32 $0x580;
	[dreg:$0x17] =	wrdreg s8  }
0x1a: {  	s10 =	sshrl.u32 s26, $0x2;
	s11 =	simm.s32 $0x1500;
	[dreg:$0x18] =	wrdreg s9  }
0x1b: {  	s12 =	simm.s32 $0x600;
	s13 =	simm.s32 $0x1580;
	[dreg:$0x19] =	wrdreg s11  }
0x1c: {  	s14 =	simm.s32 $0x680;
	s15 =	simm.s32 $0x1600;
	[dreg:$0x1a] =	wrdreg s12  }
0x1d: {  	s16 =	simm.s32 $0x700;
	s17 =	simm.s32 $0x1680;
	[dreg:$0x1b] =	wrdreg s13  }
0x1e: {  	s18 =	simm.s32 $0x780;
	s19 =	simm.s32 $0x1700;
	[dreg:$0x1c] =	wrdreg s14  }
0x1f: {  	s20 =	simm.s32 $0x800;
	s21 =	simm.s32 $0x1780;
	[dreg:$0x1d] =	wrdreg s15  }
0x20: {  	s22 =	simm.s32 $0x880;
	s23 =	simm.s32 $0x1800;
	[dreg:$0x1e] =	wrdreg s16  }
0x21: {  	s25 =	simm.s32 $0x1880;
	s26 =	simm.s32 $0x980;
	[dreg:$0x1f] =	wrdreg s17  }
0x22: {  	s4 =	sadd.s32 $0x14E00, s1;
	s1 =	sadd.s32 $0x28E00, s1;
	[smem:$0x7F5] =	sst s18  }
0x23: {  	s24 =	sshrl.u32 s0, $0x1;
	s9 =	simm.s32 $0x7;
	[smem:$0x7F6] =	sst s19  }
0x24: {  	s11 =	simm.s32 $0x50;
	s12 =	simm.s32 $0x2000;
	[smem:$0x7F7] =	sst s20  }
0x25: {  	s13 =	simm.s32 $0x4800;
	s14 =	simm.s32 $0x1;
	[smem:$0x7F8] =	sst s21  }
0x26: {  	s15 =	simm.s32 $0x7000;
	s16 =	simm.s32 $0x2;
	[smem:$0x7F9] =	sst s22  }
0x27: {  	s17 =	simm.s32 $0x4;
	[smem:$0x7FA] =	sst s23;
	s18 =	simm.s32 $0x3  }
0x28: {  	s19 =	simm.s32 $0x5;
	[smem:$0x7FC] =	sst s25;
	s20 =	simm.s32 $0x6  }
0x29: {  	[smem:$0x7FD] =	sst s26;
	s22 =	simm.s32 $0xA00;
	s23 =	simm.s32 $0x1980  }
0x2a: {  	s25 =	simm.s32 $0x1A00;
	s26 =	simm.s32 $0xB00;
	[dreg:$0x3] =	wrdreg s4  }
0x2b: {  	[dreg:$0x4] =	wrdreg s1;
	s4 =	sadd.s32 $0x3CE00, s5;
	s6 =	sadd.s32 s7, s6  }
0x2c: {  	s0 =	ssub.s32 s0, s24;
	s24 =	simm.s32 $0x900;
	s1 =	simm.s32 $0x1B80  }
0x2d: {  	s7 =	simm.s32 $0x0;
	s6 =	sshrl.u32 s6, $0x3;
	s0 =	smax.u32 s0, $0x1  }
0x2e: {  	[smem:$0x7FB] =	sst s24;
	s24 =	simm.s32 $0xA80;
	s6 =	sadd.s32 s6, s5  }
0x2f: {  	s5 =	sadd.s32 s10, s2;
	[smem:$0x7F4] =	sst s0;
	s6 =	sadd.s32 $0x8CE00, s6  }
0x30: {  	v0 =	vimm.f32 $0.0e+00;
	s10 =	simm.s32 $0x1000;
	s0 =	simm.s32 $0x1C00;
	[smem:$0x7F3] =	sst s6  }
.LBB2_1:
0x31: {  	[smem:$0x7F2] =	sst s7;
	s6 =	simm.s32 $0x0;
	s7 =	simm.s32 $0x0  }
.LBB2_2:
0x32: {  	p0 =	sne.s32 s7, $0xFC0  }
.Ltmp0:
0x33: {  	_ = 	snop;
	(pc) =	sbr.rel @p0 .LBB2_2-.Ltmp0, $4  }
0x34: {  	s8 =	sand.u32 $0xE00, s7  }
0x35: {  	s21 =	sand.u32 $0x70, s6;
	s8 =	sshrl.u32 s8, $0x2  }
0x36: {  	s8 =	sor.u32 s21, s8  }
0x37: {  	s6 =	sadd.s32 $0x10, s6;
	s7 =	sadd.s32 $0x40, s7;
	[tilespmem:s8+$0x9800] =	vst v0  }
0x38: {  	s6 =	sadd.s32 $0x0, s5;
	s8 =	simm.s32 $0x9800  }
0x39: {  	[spmem:s6] =	stream.linear.scatter [tilespmem:s8], [sflag:$0x7], $0x400, $0x38;
	[tilespmem:$0x1DC00] =	vst v63  }
0x3a: {  	s6 =	simm.s32 $0x1000;
	_ =	swait.ge [sflag:s9], $0x400  }
.LBB2_4:
0x3b: {  	s7 =	sshra.s32 s6, $0x2;
	[sflag:s9] =	ssyncset.done $0x0;
	p0 =	sne.s32 s6, $0x4F000  }
.Ltmp1:
0x3c: {  	s7 =	sadd.s32 s7, s5;
	[sflag:s9] =	ssyncadd.s32 $0xFFFFFC00;
	(pc) =	sbr.rel @p0 .LBB2_4-.Ltmp1, $3  }
0x3d: {  	[spmem:s7] =	stream.linear.scatter [tilespmem:s8], [sflag:$0x7], $0x400, $0x38;
	[tilespmem:$0x1DC00] =	vst v63  }
0x3e: {  	s6 =	sadd.s32 $0x1000, s6;
	_ =	sdelay $0x1  }
0x3f: {  	_ =	swait.ge [sflag:s9], $0x400  }
0x40: {  	[sflag:s9] =	ssyncset.done $0x0  }
0x41: {  	[sflag:s9] =	ssyncadd.s32 $0xFFFFFC00  }
0x42: {  	[bflag:$0x0] =	sbarrier.arrive $0xFFFF  }
0x43: {  	s6 =	rddreg [dreg:$0x4]  }
0x44: {  	s6 =	sadd.s32 $0x0, s6  }
0x45: {  	[tilespmem:s3], [sflag:$0x7] =	stream.linear.gather [hbm4b:s6+s3], $0xC80, $0x38;
	[tilespmem:$0x1DC00] =	vst v63  }
0x46: {  	_ =	swait.ge [sflag:s9], $0xC80  }
0x47: {  	s8 =	rddreg [dreg:$0x3];
	[sflag:s9] =	ssyncset.done $0x0  }
0x48: {  	[sflag:s9] =	ssyncadd.s32 $0xFFFFF380;
	s6 =	sadd.s32 $0x0, s8  }
0x49: {  	[tilespmem:s10], [sflag:$0x7] =	stream.linear.gather [hbm4b:s6+s3], $0xC80, $0x38;
	[tilespmem:$0x1DC00] =	vst v63  }
0x4a: {  	_ =	swait.ge [sflag:s9], $0xC80  }
0x4b: {  	[sflag:s9] =	ssyncset.done $0x0  }
0x4c: {  	[sflag:s9] =	ssyncadd.s32 $0xFFFFF380  }
0x4d: {  	[tilespmem:s12], [sflag:$0x1] =	stream.indirect.gather [hbm4b:s4+s11], $0x80, s3, s11, $0xb8;
	[tilespmem:$0x1DC00] =	vst v63  }
0x4e: {  	s21 =	rddreg [dreg:$0x5]  }
0x4f: {  	[tilespmem:s13], [sflag:$0x2] =	stream.indirect.gather [hbm4b:s4+s11], $0x80, s21, s11, $0xb8;
	[tilespmem:$0x1DC00] =	vst v63  }
0x50: {  	_ =	swait.ge [sflag:s14], $0x2800  }
0x51: {  	[sflag:s14] =	ssyncset.done $0x0  }
0x52: {  	[sflag:s14] =	ssyncadd.s32 $0xFFFFD800  }
0x53: {  	[spmem:s2] =	stream.indirect.scatter.add.f32 [tilespmem:s12], [sflag:$0x4], $0x80, s10, s11, $0xb8;
	[tilespmem:$0x1DC00] =	vst v63  }
0x54: {  	s7 =	rddreg [dreg:$0x6]  }
0x55: {  	[tilespmem:s15], [sflag:$0x3] =	stream.indirect.gather [hbm4b:s4+s11], $0x80, s7, s11, $0xb8;
	[tilespmem:$0x1DC00] =	vst v63  }
0x56: {  	_ =	swait.ge [sflag:s16], $0x2800  }
0x57: {  	[sflag:s16] =	ssyncset.done $0x0  }
0x58: {  	s8 =	rddreg [dreg:$0x7];
	[sflag:s16] =	ssyncadd.s32 $0xFFFFD800  }
0x59: {  	[spmem:s2] =	stream.indirect.scatter.add.f32 [tilespmem:s13], [sflag:$0x5], $0x80, s8, s11, $0xb8;
	[tilespmem:$0x1DC00] =	vst v63  }
0x5a: {  	_ =	swait.ge [sflag:s17], $0x2800  }
0x5b: {  	[sflag:s17] =	ssyncset.done $0x0  }
0x5c: {  	s21 =	rddreg [dreg:$0x8];
	[sflag:s17] =	ssyncadd.s32 $0xFFFFD800  }
0x5d: {  	[tilespmem:s12], [sflag:$0x1] =	stream.indirect.gather [hbm4b:s4+s11], $0x80, s21, s11, $0xb8;
	[tilespmem:$0x1DC00] =	vst v63  }
0x5e: {  	_ =	swait.ge [sflag:s18], $0x2800  }
0x5f: {  	[sflag:s18] =	ssyncset.done $0x0  }
0x60: {  	s7 =	rddreg [dreg:$0x9];
	[sflag:s18] =	ssyncadd.s32 $0xFFFFD800  }
0x61: {  	[spmem:s2] =	stream.indirect.scatter.add.f32 [tilespmem:s15], [sflag:$0x6], $0x80, s7, s11, $0xb8;
	[tilespmem:$0x1DC00] =	vst v63  }
0x62: {  	_ =	swait.ge [sflag:s19], $0x2800  }
0x63: {  	[sflag:s19] =	ssyncset.done $0x0  }
0x64: {  	s8 =	rddreg [dreg:$0xa];
	[sflag:s19] =	ssyncadd.s32 $0xFFFFD800  }
0x65: {  	[tilespmem:s13], [sflag:$0x2] =	stream.indirect.gather [hbm4b:s4+s11], $0x80, s8, s11, $0xb8;
	[tilespmem:$0x1DC00] =	vst v63  }
0x66: {  	_ =	swait.ge [sflag:s14], $0x2800  }
0x67: {  	[sflag:s14] =	ssyncset.done $0x0  }
0x68: {  	s21 =	rddreg [dreg:$0xb];
	[sflag:s14] =	ssyncadd.s32 $0xFFFFD800  }
0x69: {  	[spmem:s2] =	stream.indirect.scatter.add.f32 [tilespmem:s12], [sflag:$0x4], $0x80, s21, s11, $0xb8;
	[tilespmem:$0x1DC00] =	vst v63  }
0x6a: {  	_ =	swait.ge [sflag:s20], $0x2800  }
0x6b: {  	[sflag:s20] =	ssyncset.done $0x0  }
0x6c: {  	s7 =	rddreg [dreg:$0xc];
	[sflag:s20] =	ssyncadd.s32 $0xFFFFD800  }
0x6d: {  	[tilespmem:s15], [sflag:$0x3] =	stream.indirect.gather [hbm4b:s4+s11], $0x80, s7, s11, $0xb8;
	[tilespmem:$0x1DC00] =	vst v63  }
0x6e: {  	_ =	swait.ge [sflag:s16], $0x2800  }
0x6f: {  	[sflag:s16] =	ssyncset.done $0x0  }
0x70: {  	s8 =	rddreg [dreg:$0xd];
	[sflag:s16] =	ssyncadd.s32 $0xFFFFD800  }
0x71: {  	[spmem:s2] =	stream.indirect.scatter.add.f32 [tilespmem:s13], [sflag:$0x5], $0x80, s8, s11, $0xb8;
	[tilespmem:$0x1DC00] =	vst v63  }
0x72: {  	_ =	swait.ge [sflag:s17], $0x2800  }
0x73: {  	[sflag:s17] =	ssyncset.done $0x0  }
0x74: {  	s21 =	rddreg [dreg:$0xe];
	[sflag:s17] =	ssyncadd.s32 $0xFFFFD800  }
0x75: {  	[tilespmem:s12], [sflag:$0x1] =	stream.indirect.gather [hbm4b:s4+s11], $0x80, s21, s11, $0xb8;
	[tilespmem:$0x1DC00] =	vst v63  }
0x76: {  	_ =	swait.ge [sflag:s18], $0x2800  }
0x77: {  	[sflag:s18] =	ssyncset.done $0x0  }
0x78: {  	s7 =	rddreg [dreg:$0xf];
	[sflag:s18] =	ssyncadd.s32 $0xFFFFD800  }
0x79: {  	[spmem:s2] =	stream.indirect.scatter.add.f32 [tilespmem:s15], [sflag:$0x6], $0x80, s7, s11, $0xb8;
	[tilespmem:$0x1DC00] =	vst v63  }
0x7a: {  	_ =	swait.ge [sflag:s19], $0x2800  }
0x7b: {  	[sflag:s19] =	ssyncset.done $0x0  }
0x7c: {  	s8 =	rddreg [dreg:$0x10];
	[sflag:s19] =	ssyncadd.s32 $0xFFFFD800  }
0x7d: {  	[tilespmem:s13], [sflag:$0x2] =	stream.indirect.gather [hbm4b:s4+s11], $0x80, s8, s11, $0xb8;
	[tilespmem:$0x1DC00] =	vst v63  }
0x7e: {  	_ =	swait.ge [sflag:s14], $0x2800  }
0x7f: {  	[sflag:s14] =	ssyncset.done $0x0  }
0x80: {  	s21 =	rddreg [dreg:$0x11];
	[sflag:s14] =	ssyncadd.s32 $0xFFFFD800  }
0x81: {  	[spmem:s2] =	stream.indirect.scatter.add.f32 [tilespmem:s12], [sflag:$0x4], $0x80, s21, s11, $0xb8;
	[tilespmem:$0x1DC00] =	vst v63  }
0x82: {  	_ =	swait.ge [sflag:s20], $0x2800  }
0x83: {  	[sflag:s20] =	ssyncset.done $0x0  }
0x84: {  	s7 =	rddreg [dreg:$0x12];
	[sflag:s20] =	ssyncadd.s32 $0xFFFFD800  }
0x85: {  	[tilespmem:s15], [sflag:$0x3] =	stream.indirect.gather [hbm4b:s4+s11], $0x80, s7, s11, $0xb8;
	[tilespmem:$0x1DC00] =	vst v63  }
0x86: {  	_ =	swait.ge [sflag:s16], $0x2800  }
0x87: {  	[sflag:s16] =	ssyncset.done $0x0  }
0x88: {  	s8 =	rddreg [dreg:$0x13];
	[sflag:s16] =	ssyncadd.s32 $0xFFFFD800  }
0x89: {  	[spmem:s2] =	stream.indirect.scatter.add.f32 [tilespmem:s13], [sflag:$0x5], $0x80, s8, s11, $0xb8;
	[tilespmem:$0x1DC00] =	vst v63  }
0x8a: {  	_ =	swait.ge [sflag:s17], $0x2800  }
0x8b: {  	[sflag:s17] =	ssyncset.done $0x0  }
0x8c: {  	s21 =	rddreg [dreg:$0x14];
	[sflag:s17] =	ssyncadd.s32 $0xFFFFD800  }
0x8d: {  	[tilespmem:s12], [sflag:$0x1] =	stream.indirect.gather [hbm4b:s4+s11], $0x80, s21, s11, $0xb8;
	[tilespmem:$0x1DC00] =	vst v63  }
0x8e: {  	_ =	swait.ge [sflag:s18], $0x2800  }
0x8f: {  	[sflag:s18] =	ssyncset.done $0x0  }
0x90: {  	s7 =	rddreg [dreg:$0x15];
	[sflag:s18] =	ssyncadd.s32 $0xFFFFD800  }
0x91: {  	[spmem:s2] =	stream.indirect.scatter.add.f32 [tilespmem:s15], [sflag:$0x6], $0x80, s7, s11, $0xb8;
	[tilespmem:$0x1DC00] =	vst v63  }
0x92: {  	_ =	swait.ge [sflag:s19], $0x2800  }
0x93: {  	[sflag:s19] =	ssyncset.done $0x0  }
0x94: {  	s8 =	rddreg [dreg:$0x16];
	[sflag:s19] =	ssyncadd.s32 $0xFFFFD800  }
0x95: {  	[tilespmem:s13], [sflag:$0x2] =	stream.indirect.gather [hbm4b:s4+s11], $0x80, s8, s11, $0xb8;
	[tilespmem:$0x1DC00] =	vst v63  }
0x96: {  	_ =	swait.ge [sflag:s14], $0x2800  }
0x97: {  	[sflag:s14] =	ssyncset.done $0x0  }
0x98: {  	s21 =	rddreg [dreg:$0x17];
	[sflag:s14] =	ssyncadd.s32 $0xFFFFD800  }
0x99: {  	[spmem:s2] =	stream.indirect.scatter.add.f32 [tilespmem:s12], [sflag:$0x4], $0x80, s21, s11, $0xb8;
	[tilespmem:$0x1DC00] =	vst v63  }
0x9a: {  	_ =	swait.ge [sflag:s20], $0x2800  }
0x9b: {  	[sflag:s20] =	ssyncset.done $0x0  }
0x9c: {  	s7 =	rddreg [dreg:$0x18];
	[sflag:s20] =	ssyncadd.s32 $0xFFFFD800  }
0x9d: {  	[tilespmem:s15], [sflag:$0x3] =	stream.indirect.gather [hbm4b:s4+s11], $0x80, s7, s11, $0xb8;
	[tilespmem:$0x1DC00] =	vst v63  }
0x9e: {  	_ =	swait.ge [sflag:s16], $0x2800  }
0x9f: {  	[sflag:s16] =	ssyncset.done $0x0  }
0xa0: {  	s8 =	rddreg [dreg:$0x19];
	[sflag:s16] =	ssyncadd.s32 $0xFFFFD800  }
0xa1: {  	[spmem:s2] =	stream.indirect.scatter.add.f32 [tilespmem:s13], [sflag:$0x5], $0x80, s8, s11, $0xb8;
	[tilespmem:$0x1DC00] =	vst v63  }
0xa2: {  	_ =	swait.ge [sflag:s17], $0x2800  }
0xa3: {  	[sflag:s17] =	ssyncset.done $0x0  }
0xa4: {  	s21 =	rddreg [dreg:$0x1a];
	[sflag:s17] =	ssyncadd.s32 $0xFFFFD800  }
0xa5: {  	[tilespmem:s12], [sflag:$0x1] =	stream.indirect.gather [hbm4b:s4+s11], $0x80, s21, s11, $0xb8;
	[tilespmem:$0x1DC00] =	vst v63  }
0xa6: {  	_ =	swait.ge [sflag:s18], $0x2800  }
0xa7: {  	[sflag:s18] =	ssyncset.done $0x0  }
0xa8: {  	s7 =	rddreg [dreg:$0x1b];
	[sflag:s18] =	ssyncadd.s32 $0xFFFFD800  }
0xa9: {  	[spmem:s2] =	stream.indirect.scatter.add.f32 [tilespmem:s15], [sflag:$0x6], $0x80, s7, s11, $0xb8;
	[tilespmem:$0x1DC00] =	vst v63  }
0xaa: {  	_ =	swait.ge [sflag:s19], $0x2800  }
0xab: {  	[sflag:s19] =	ssyncset.done $0x0  }
0xac: {  	s8 =	rddreg [dreg:$0x1c];
	[sflag:s19] =	ssyncadd.s32 $0xFFFFD800  }
0xad: {  	[tilespmem:s13], [sflag:$0x2] =	stream.indirect.gather [hbm4b:s4+s11], $0x80, s8, s11, $0xb8;
	[tilespmem:$0x1DC00] =	vst v63  }
0xae: {  	_ =	swait.ge [sflag:s14], $0x2800  }
0xaf: {  	[sflag:s14] =	ssyncset.done $0x0  }
0xb0: {  	s21 =	rddreg [dreg:$0x1d];
	[sflag:s14] =	ssyncadd.s32 $0xFFFFD800  }
0xb1: {  	[spmem:s2] =	stream.indirect.scatter.add.f32 [tilespmem:s12], [sflag:$0x4], $0x80, s21, s11, $0xb8;
	[tilespmem:$0x1DC00] =	vst v63  }
0xb2: {  	_ =	swait.ge [sflag:s20], $0x2800  }
0xb3: {  	[sflag:s20] =	ssyncset.done $0x0  }
0xb4: {  	s7 =	rddreg [dreg:$0x1e];
	[sflag:s20] =	ssyncadd.s32 $0xFFFFD800  }
0xb5: {  	[tilespmem:s15], [sflag:$0x3] =	stream.indirect.gather [hbm4b:s4+s11], $0x80, s7, s11, $0xb8;
	[tilespmem:$0x1DC00] =	vst v63  }
0xb6: {  	_ =	swait.ge [sflag:s16], $0x2800  }
0xb7: {  	[sflag:s16] =	ssyncset.done $0x0  }
0xb8: {  	s8 =	rddreg [dreg:$0x1f];
	[sflag:s16] =	ssyncadd.s32 $0xFFFFD800  }
0xb9: {  	[spmem:s2] =	stream.indirect.scatter.add.f32 [tilespmem:s13], [sflag:$0x5], $0x80, s8, s11, $0xb8;
	[tilespmem:$0x1DC00] =	vst v63  }
0xba: {  	_ =	swait.ge [sflag:s17], $0x2800  }
0xbb: {  	s21 =	sld [smem:$0x7F5]  }
0xbc: {  	[sflag:s17] =	ssyncset.done $0x0  }
0xbd: {  	[sflag:s17] =	ssyncadd.s32 $0xFFFFD800  }
0xbe: {  	[tilespmem:s12], [sflag:$0x1] =	stream.indirect.gather [hbm4b:s4+s11], $0x80, s21, s11, $0xb8;
	[tilespmem:$0x1DC00] =	vst v63  }
0xbf: {  	_ =	swait.ge [sflag:s18], $0x2800  }
0xc0: {  	s7 =	sld [smem:$0x7F6]  }
0xc1: {  	[sflag:s18] =	ssyncset.done $0x0  }
0xc2: {  	[sflag:s18] =	ssyncadd.s32 $0xFFFFD800  }
0xc3: {  	[spmem:s2] =	stream.indirect.scatter.add.f32 [tilespmem:s15], [sflag:$0x6], $0x80, s7, s11, $0xb8;
	[tilespmem:$0x1DC00] =	vst v63  }
0xc4: {  	_ =	swait.ge [sflag:s19], $0x2800  }
0xc5: {  	s8 =	sld [smem:$0x7F7]  }
0xc6: {  	[sflag:s19] =	ssyncset.done $0x0  }
0xc7: {  	[sflag:s19] =	ssyncadd.s32 $0xFFFFD800  }
0xc8: {  	[tilespmem:s13], [sflag:$0x2] =	stream.indirect.gather [hbm4b:s4+s11], $0x80, s8, s11, $0xb8;
	[tilespmem:$0x1DC00] =	vst v63  }
0xc9: {  	_ =	swait.ge [sflag:s14], $0x2800  }
0xca: {  	s21 =	sld [smem:$0x7F8]  }
0xcb: {  	[sflag:s14] =	ssyncset.done $0x0  }
0xcc: {  	[sflag:s14] =	ssyncadd.s32 $0xFFFFD800  }
0xcd: {  	[spmem:s2] =	stream.indirect.scatter.add.f32 [tilespmem:s12], [sflag:$0x4], $0x80, s21, s11, $0xb8;
	[tilespmem:$0x1DC00] =	vst v63  }
0xce: {  	_ =	swait.ge [sflag:s20], $0x2800  }
0xcf: {  	s7 =	sld [smem:$0x7F9]  }
0xd0: {  	[sflag:s20] =	ssyncset.done $0x0  }
0xd1: {  	[sflag:s20] =	ssyncadd.s32 $0xFFFFD800  }
0xd2: {  	[tilespmem:s15], [sflag:$0x3] =	stream.indirect.gather [hbm4b:s4+s11], $0x80, s7, s11, $0xb8;
	[tilespmem:$0x1DC00] =	vst v63  }
0xd3: {  	_ =	swait.ge [sflag:s16], $0x2800  }
0xd4: {  	s8 =	sld [smem:$0x7FA]  }
0xd5: {  	[sflag:s16] =	ssyncset.done $0x0  }
0xd6: {  	[sflag:s16] =	ssyncadd.s32 $0xFFFFD800  }
0xd7: {  	[spmem:s2] =	stream.indirect.scatter.add.f32 [tilespmem:s13], [sflag:$0x5], $0x80, s8, s11, $0xb8;
	[tilespmem:$0x1DC00] =	vst v63  }
0xd8: {  	_ =	swait.ge [sflag:s17], $0x2800  }
0xd9: {  	s21 =	sld [smem:$0x7FB]  }
0xda: {  	[sflag:s17] =	ssyncset.done $0x0  }
0xdb: {  	[sflag:s17] =	ssyncadd.s32 $0xFFFFD800  }
0xdc: {  	[tilespmem:s12], [sflag:$0x1] =	stream.indirect.gather [hbm4b:s4+s11], $0x80, s21, s11, $0xb8;
	[tilespmem:$0x1DC00] =	vst v63  }
0xdd: {  	_ =	swait.ge [sflag:s18], $0x2800  }
0xde: {  	s7 =	sld [smem:$0x7FC]  }
0xdf: {  	[sflag:s18] =	ssyncset.done $0x0  }
0xe0: {  	[sflag:s18] =	ssyncadd.s32 $0xFFFFD800  }
0xe1: {  	[spmem:s2] =	stream.indirect.scatter.add.f32 [tilespmem:s15], [sflag:$0x6], $0x80, s7, s11, $0xb8;
	[tilespmem:$0x1DC00] =	vst v63  }
0xe2: {  	_ =	swait.ge [sflag:s19], $0x2800  }
0xe3: {  	s8 =	sld [smem:$0x7FD]  }
0xe4: {  	[sflag:s19] =	ssyncset.done $0x0  }
0xe5: {  	[sflag:s19] =	ssyncadd.s32 $0xFFFFD800  }
0xe6: {  	[tilespmem:s13], [sflag:$0x2] =	stream.indirect.gather [hbm4b:s4+s11], $0x80, s8, s11, $0xb8;
	[tilespmem:$0x1DC00] =	vst v63  }
0xe7: {  	_ =	swait.ge [sflag:s14], $0x2800  }
0xe8: {  	[sflag:s14] =	ssyncset.done $0x0  }
0xe9: {  	s21 =	simm.s32 $0x1900;
	[sflag:s14] =	ssyncadd.s32 $0xFFFFD800  }
0xea: {  	[spmem:s2] =	stream.indirect.scatter.add.f32 [tilespmem:s12], [sflag:$0x4], $0x80, s21, s11, $0xb8;
	[tilespmem:$0x1DC00] =	vst v63  }
0xeb: {  	_ =	swait.ge [sflag:s20], $0x2800  }
0xec: {  	[sflag:s20] =	ssyncset.done $0x0  }
0xed: {  	[sflag:s20] =	ssyncadd.s32 $0xFFFFD800  }
0xee: {  	[tilespmem:s15], [sflag:$0x3] =	stream.indirect.gather [hbm4b:s4+s11], $0x80, s22, s11, $0xb8;
	[tilespmem:$0x1DC00] =	vst v63  }
0xef: {  	_ =	swait.ge [sflag:s16], $0x2800  }
0xf0: {  	[sflag:s16] =	ssyncset.done $0x0  }
0xf1: {  	[sflag:s16] =	ssyncadd.s32 $0xFFFFD800  }
0xf2: {  	[spmem:s2] =	stream.indirect.scatter.add.f32 [tilespmem:s13], [sflag:$0x5], $0x80, s23, s11, $0xb8;
	[tilespmem:$0x1DC00] =	vst v63  }
0xf3: {  	_ =	swait.ge [sflag:s17], $0x2800  }
0xf4: {  	[sflag:s17] =	ssyncset.done $0x0  }
0xf5: {  	[sflag:s17] =	ssyncadd.s32 $0xFFFFD800  }
0xf6: {  	[tilespmem:s12], [sflag:$0x1] =	stream.indirect.gather [hbm4b:s4+s11], $0x80, s24, s11, $0xb8;
	[tilespmem:$0x1DC00] =	vst v63  }
0xf7: {  	_ =	swait.ge [sflag:s18], $0x2800  }
0xf8: {  	[sflag:s18] =	ssyncset.done $0x0  }
0xf9: {  	[sflag:s18] =	ssyncadd.s32 $0xFFFFD800  }
0xfa: {  	[spmem:s2] =	stream.indirect.scatter.add.f32 [tilespmem:s15], [sflag:$0x6], $0x80, s25, s11, $0xb8;
	[tilespmem:$0x1DC00] =	vst v63  }
0xfb: {  	_ =	swait.ge [sflag:s19], $0x2800  }
0xfc: {  	[sflag:s19] =	ssyncset.done $0x0  }
0xfd: {  	[sflag:s19] =	ssyncadd.s32 $0xFFFFD800  }
0xfe: {  	[tilespmem:s13], [sflag:$0x2] =	stream.indirect.gather [hbm4b:s4+s11], $0x80, s26, s11, $0xb8;
	[tilespmem:$0x1DC00] =	vst v63  }
0xff: {  	_ =	swait.ge [sflag:s14], $0x2800  }
0x100: {  	[sflag:s14] =	ssyncset.done $0x0  }
0x101: {  	[sflag:s14] =	ssyncadd.s32 $0xFFFFD800  }
0x102: {  	[spmem:s2] =	stream.indirect.scatter.add.f32 [tilespmem:s12], [sflag:$0x4], $0x80, s28, s11, $0xb8;
	[tilespmem:$0x1DC00] =	vst v63  }
0x103: {  	_ =	swait.ge [sflag:s20], $0x2800  }
0x104: {  	[sflag:s20] =	ssyncset.done $0x0  }
0x105: {  	[sflag:s20] =	ssyncadd.s32 $0xFFFFD800  }
0x106: {  	[tilespmem:s15], [sflag:$0x3] =	stream.indirect.gather [hbm4b:s4+s11], $0x80, s29, s11, $0xb8;
	[tilespmem:$0x1DC00] =	vst v63  }
0x107: {  	_ =	swait.ge [sflag:s16], $0x2800  }
0x108: {  	[sflag:s16] =	ssyncset.done $0x0  }
0x109: {  	[sflag:s16] =	ssyncadd.s32 $0xFFFFD800  }
0x10a: {  	[spmem:s2] =	stream.indirect.scatter.add.f32 [tilespmem:s13], [sflag:$0x5], $0x80, s30, s11, $0xb8;
	[tilespmem:$0x1DC00] =	vst v63  }
0x10b: {  	_ =	swait.ge [sflag:s17], $0x2800  }
0x10c: {  	[sflag:s17] =	ssyncset.done $0x0  }
0x10d: {  	[sflag:s17] =	ssyncadd.s32 $0xFFFFD800  }
0x10e: {  	[tilespmem:s12], [sflag:$0x1] =	stream.indirect.gather [hbm4b:s4+s11], $0x80, s31, s11, $0xb8;
	[tilespmem:$0x1DC00] =	vst v63  }
0x10f: {  	_ =	swait.ge [sflag:s18], $0x2800  }
0x110: {  	[sflag:s18] =	ssyncset.done $0x0  }
0x111: {  	[sflag:s18] =	ssyncadd.s32 $0xFFFFD800  }
0x112: {  	[spmem:s2] =	stream.indirect.scatter.add.f32 [tilespmem:s15], [sflag:$0x6], $0x80, s1, s11, $0xb8;
	[tilespmem:$0x1DC00] =	vst v63  }
0x113: {  	_ =	swait.ge [sflag:s14], $0x2800  }
0x114: {  	[sflag:s14] =	ssyncset.done $0x0  }
0x115: {  	[sflag:s14] =	ssyncadd.s32 $0xFFFFD800  }
0x116: {  	[spmem:s2] =	stream.indirect.scatter.add.f32 [tilespmem:s12], [sflag:$0x4], $0x80, s0, s11, $0xb8;
	[tilespmem:$0x1DC00] =	vst v63  }
0x117: {  	_ =	swait.ge [sflag:s19], $0x2800  }
0x118: {  	[sflag:s19] =	ssyncset.done $0x0  }
0x119: {  	[sflag:s19] =	ssyncadd.s32 $0xFFFFD800  }
0x11a: {  	_ =	swait.ge [sflag:s20], $0x2800  }
0x11b: {  	[sflag:s20] =	ssyncset.done $0x0  }
0x11c: {  	[sflag:s20] =	ssyncadd.s32 $0xFFFFD800  }
0x11d: {  	s6 =	simm.s32 $0x400;
	_ =	swait.ge [sflag:s17], $0x2800  }
0x11e: {  	s7 =	simm.s32 $0x200;
	s8 =	rddreg [dreg:$0x4];
	[sflag:s17] =	ssyncset.done $0x0  }
.LBB2_6:
0x11f: {  	[sflag:s17] =	ssyncadd.s32 $0xFFFFD800;
	s8 =	sadd.s32 s7, s8  }
0x120: {  	[tilespmem:s3], [sflag:$0x7] =	stream.linear.gather [hbm4b:s8+s3], $0xC80, $0x38;
	[tilespmem:$0x1DC00] =	vst v63  }
0x121: {  	_ =	swait.ge [sflag:s9], $0xC80  }
0x122: {  	s8 =	rddreg [dreg:$0x3];
	[sflag:s9] =	ssyncset.done $0x0  }
0x123: {  	[sflag:s9] =	ssyncadd.s32 $0xFFFFF380;
	s8 =	sadd.s32 s7, s8  }
0x124: {  	[tilespmem:s10], [sflag:$0x7] =	stream.linear.gather [hbm4b:s8+s3], $0xC80, $0x38;
	[tilespmem:$0x1DC00] =	vst v63  }
0x125: {  	_ =	swait.ge [sflag:s9], $0xC80  }
0x126: {  	[sflag:s9] =	ssyncset.done $0x0  }
0x127: {  	[sflag:s9] =	ssyncadd.s32 $0xFFFFF380  }
0x128: {  	[tilespmem:s12], [sflag:$0x1] =	stream.indirect.gather [hbm4b:s4+s11], $0x80, s3, s11, $0xb8;
	[tilespmem:$0x1DC00] =	vst v63  }
0x129: {  	s8 =	rddreg [dreg:$0x5]  }
0x12a: {  	[tilespmem:s13], [sflag:$0x2] =	stream.indirect.gather [hbm4b:s4+s11], $0x80, s8, s11, $0xb8;
	[tilespmem:$0x1DC00] =	vst v63  }
0x12b: {  	_ =	swait.ge [sflag:s14], $0x2800  }
0x12c: {  	[sflag:s14] =	ssyncset.done $0x0  }
0x12d: {  	[sflag:s14] =	ssyncadd.s32 $0xFFFFD800  }
0x12e: {  	[spmem:s2] =	stream.indirect.scatter.add.f32 [tilespmem:s12], [sflag:$0x4], $0x80, s10, s11, $0xb8;
	[tilespmem:$0x1DC00] =	vst v63  }
0x12f: {  	s8 =	rddreg [dreg:$0x6]  }
0x130: {  	[tilespmem:s15], [sflag:$0x3] =	stream.indirect.gather [hbm4b:s4+s11], $0x80, s8, s11, $0xb8;
	[tilespmem:$0x1DC00] =	vst v63  }
0x131: {  	_ =	swait.ge [sflag:s16], $0x2800  }
0x132: {  	[sflag:s16] =	ssyncset.done $0x0  }
0x133: {  	s8 =	rddreg [dreg:$0x7];
	[sflag:s16] =	ssyncadd.s32 $0xFFFFD800  }
0x134: {  	[spmem:s2] =	stream.indirect.scatter.add.f32 [tilespmem:s13], [sflag:$0x5], $0x80, s8, s11, $0xb8;
	[tilespmem:$0x1DC00] =	vst v63  }
0x135: {  	_ =	swait.ge [sflag:s17], $0x2800  }
0x136: {  	[sflag:s17] =	ssyncset.done $0x0  }
0x137: {  	s8 =	rddreg [dreg:$0x8];
	[sflag:s17] =	ssyncadd.s32 $0xFFFFD800  }
0x138: {  	[tilespmem:s12], [sflag:$0x1] =	stream.indirect.gather [hbm4b:s4+s11], $0x80, s8, s11, $0xb8;
	[tilespmem:$0x1DC00] =	vst v63  }
0x139: {  	_ =	swait.ge [sflag:s18], $0x2800  }
0x13a: {  	[sflag:s18] =	ssyncset.done $0x0  }
0x13b: {  	s8 =	rddreg [dreg:$0x9];
	[sflag:s18] =	ssyncadd.s32 $0xFFFFD800  }
0x13c: {  	[spmem:s2] =	stream.indirect.scatter.add.f32 [tilespmem:s15], [sflag:$0x6], $0x80, s8, s11, $0xb8;
	[tilespmem:$0x1DC00] =	vst v63  }
0x13d: {  	_ =	swait.ge [sflag:s19], $0x2800  }
0x13e: {  	[sflag:s19] =	ssyncset.done $0x0  }
0x13f: {  	s8 =	rddreg [dreg:$0xa];
	[sflag:s19] =	ssyncadd.s32 $0xFFFFD800  }
0x140: {  	[tilespmem:s13], [sflag:$0x2] =	stream.indirect.gather [hbm4b:s4+s11], $0x80, s8, s11, $0xb8;
	[tilespmem:$0x1DC00] =	vst v63  }
0x141: {  	_ =	swait.ge [sflag:s14], $0x2800  }
0x142: {  	[sflag:s14] =	ssyncset.done $0x0  }
0x143: {  	s8 =	rddreg [dreg:$0xb];
	[sflag:s14] =	ssyncadd.s32 $0xFFFFD800  }
0x144: {  	[spmem:s2] =	stream.indirect.scatter.add.f32 [tilespmem:s12], [sflag:$0x4], $0x80, s8, s11, $0xb8;
	[tilespmem:$0x1DC00] =	vst v63  }
0x145: {  	_ =	swait.ge [sflag:s20], $0x2800  }
0x146: {  	[sflag:s20] =	ssyncset.done $0x0  }
0x147: {  	s8 =	rddreg [dreg:$0xc];
	[sflag:s20] =	ssyncadd.s32 $0xFFFFD800  }
0x148: {  	[tilespmem:s15], [sflag:$0x3] =	stream.indirect.gather [hbm4b:s4+s11], $0x80, s8, s11, $0xb8;
	[tilespmem:$0x1DC00] =	vst v63  }
0x149: {  	_ =	swait.ge [sflag:s16], $0x2800  }
0x14a: {  	[sflag:s16] =	ssyncset.done $0x0  }
0x14b: {  	s8 =	rddreg [dreg:$0xd];
	[sflag:s16] =	ssyncadd.s32 $0xFFFFD800  }
0x14c: {  	[spmem:s2] =	stream.indirect.scatter.add.f32 [tilespmem:s13], [sflag:$0x5], $0x80, s8, s11, $0xb8;
	[tilespmem:$0x1DC00] =	vst v63  }
0x14d: {  	_ =	swait.ge [sflag:s17], $0x2800  }
0x14e: {  	[sflag:s17] =	ssyncset.done $0x0  }
0x14f: {  	s8 =	rddreg [dreg:$0xe];
	[sflag:s17] =	ssyncadd.s32 $0xFFFFD800  }
0x150: {  	[tilespmem:s12], [sflag:$0x1] =	stream.indirect.gather [hbm4b:s4+s11], $0x80, s8, s11, $0xb8;
	[tilespmem:$0x1DC00] =	vst v63  }
0x151: {  	_ =	swait.ge [sflag:s18], $0x2800  }
0x152: {  	[sflag:s18] =	ssyncset.done $0x0  }
0x153: {  	s8 =	rddreg [dreg:$0xf];
	[sflag:s18] =	ssyncadd.s32 $0xFFFFD800  }
0x154: {  	[spmem:s2] =	stream.indirect.scatter.add.f32 [tilespmem:s15], [sflag:$0x6], $0x80, s8, s11, $0xb8;
	[tilespmem:$0x1DC00] =	vst v63  }
0x155: {  	_ =	swait.ge [sflag:s19], $0x2800  }
0x156: {  	[sflag:s19] =	ssyncset.done $0x0  }
0x157: {  	s8 =	rddreg [dreg:$0x10];
	[sflag:s19] =	ssyncadd.s32 $0xFFFFD800  }
0x158: {  	[tilespmem:s13], [sflag:$0x2] =	stream.indirect.gather [hbm4b:s4+s11], $0x80, s8, s11, $0xb8;
	[tilespmem:$0x1DC00] =	vst v63  }
0x159: {  	_ =	swait.ge [sflag:s14], $0x2800  }
0x15a: {  	[sflag:s14] =	ssyncset.done $0x0  }
0x15b: {  	s8 =	rddreg [dreg:$0x11];
	[sflag:s14] =	ssyncadd.s32 $0xFFFFD800  }
0x15c: {  	[spmem:s2] =	stream.indirect.scatter.add.f32 [tilespmem:s12], [sflag:$0x4], $0x80, s8, s11, $0xb8;
	[tilespmem:$0x1DC00] =	vst v63  }
0x15d: {  	_ =	swait.ge [sflag:s20], $0x2800  }
0x15e: {  	[sflag:s20] =	ssyncset.done $0x0  }
0x15f: {  	s8 =	rddreg [dreg:$0x12];
	[sflag:s20] =	ssyncadd.s32 $0xFFFFD800  }
0x160: {  	[tilespmem:s15], [sflag:$0x3] =	stream.indirect.gather [hbm4b:s4+s11], $0x80, s8, s11, $0xb8;
	[tilespmem:$0x1DC00] =	vst v63  }
0x161: {  	_ =	swait.ge [sflag:s16], $0x2800  }
0x162: {  	[sflag:s16] =	ssyncset.done $0x0  }
0x163: {  	s8 =	rddreg [dreg:$0x13];
	[sflag:s16] =	ssyncadd.s32 $0xFFFFD800  }
0x164: {  	[spmem:s2] =	stream.indirect.scatter.add.f32 [tilespmem:s13], [sflag:$0x5], $0x80, s8, s11, $0xb8;
	[tilespmem:$0x1DC00] =	vst v63  }
0x165: {  	_ =	swait.ge [sflag:s17], $0x2800  }
0x166: {  	[sflag:s17] =	ssyncset.done $0x0  }
0x167: {  	s8 =	rddreg [dreg:$0x14];
	[sflag:s17] =	ssyncadd.s32 $0xFFFFD800  }
0x168: {  	[tilespmem:s12], [sflag:$0x1] =	stream.indirect.gather [hbm4b:s4+s11], $0x80, s8, s11, $0xb8;
	[tilespmem:$0x1DC00] =	vst v63  }
0x169: {  	_ =	swait.ge [sflag:s18], $0x2800  }
0x16a: {  	[sflag:s18] =	ssyncset.done $0x0  }
0x16b: {  	s8 =	rddreg [dreg:$0x15];
	[sflag:s18] =	ssyncadd.s32 $0xFFFFD800  }
0x16c: {  	[spmem:s2] =	stream.indirect.scatter.add.f32 [tilespmem:s15], [sflag:$0x6], $0x80, s8, s11, $0xb8;
	[tilespmem:$0x1DC00] =	vst v63  }
0x16d: {  	_ =	swait.ge [sflag:s19], $0x2800  }
0x16e: {  	[sflag:s19] =	ssyncset.done $0x0  }
0x16f: {  	s8 =	rddreg [dreg:$0x16];
	[sflag:s19] =	ssyncadd.s32 $0xFFFFD800  }
0x170: {  	[tilespmem:s13], [sflag:$0x2] =	stream.indirect.gather [hbm4b:s4+s11], $0x80, s8, s11, $0xb8;
	[tilespmem:$0x1DC00] =	vst v63  }
0x171: {  	_ =	swait.ge [sflag:s14], $0x2800  }
0x172: {  	[sflag:s14] =	ssyncset.done $0x0  }
0x173: {  	s8 =	rddreg [dreg:$0x17];
	[sflag:s14] =	ssyncadd.s32 $0xFFFFD800  }
0x174: {  	[spmem:s2] =	stream.indirect.scatter.add.f32 [tilespmem:s12], [sflag:$0x4], $0x80, s8, s11, $0xb8;
	[tilespmem:$0x1DC00] =	vst v63  }
0x175: {  	_ =	swait.ge [sflag:s20], $0x2800  }
0x176: {  	[sflag:s20] =	ssyncset.done $0x0  }
0x177: {  	s8 =	rddreg [dreg:$0x18];
	[sflag:s20] =	ssyncadd.s32 $0xFFFFD800  }
0x178: {  	[tilespmem:s15], [sflag:$0x3] =	stream.indirect.gather [hbm4b:s4+s11], $0x80, s8, s11, $0xb8;
	[tilespmem:$0x1DC00] =	vst v63  }
0x179: {  	_ =	swait.ge [sflag:s16], $0x2800  }
0x17a: {  	[sflag:s16] =	ssyncset.done $0x0  }
0x17b: {  	s8 =	rddreg [dreg:$0x19];
	[sflag:s16] =	ssyncadd.s32 $0xFFFFD800  }
0x17c: {  	[spmem:s2] =	stream.indirect.scatter.add.f32 [tilespmem:s13], [sflag:$0x5], $0x80, s8, s11, $0xb8;
	[tilespmem:$0x1DC00] =	vst v63  }
0x17d: {  	_ =	swait.ge [sflag:s17], $0x2800  }
0x17e: {  	[sflag:s17] =	ssyncset.done $0x0  }
0x17f: {  	s8 =	rddreg [dreg:$0x1a];
	[sflag:s17] =	ssyncadd.s32 $0xFFFFD800  }
0x180: {  	[tilespmem:s12], [sflag:$0x1] =	stream.indirect.gather [hbm4b:s4+s11], $0x80, s8, s11, $0xb8;
	[tilespmem:$0x1DC00] =	vst v63  }
0x181: {  	_ =	swait.ge [sflag:s18], $0x2800  }
0x182: {  	[sflag:s18] =	ssyncset.done $0x0  }
0x183: {  	s8 =	rddreg [dreg:$0x1b];
	[sflag:s18] =	ssyncadd.s32 $0xFFFFD800  }
0x184: {  	[spmem:s2] =	stream.indirect.scatter.add.f32 [tilespmem:s15], [sflag:$0x6], $0x80, s8, s11, $0xb8;
	[tilespmem:$0x1DC00] =	vst v63  }
0x185: {  	_ =	swait.ge [sflag:s19], $0x2800  }
0x186: {  	[sflag:s19] =	ssyncset.done $0x0  }
0x187: {  	s8 =	rddreg [dreg:$0x1c];
	[sflag:s19] =	ssyncadd.s32 $0xFFFFD800  }
0x188: {  	[tilespmem:s13], [sflag:$0x2] =	stream.indirect.gather [hbm4b:s4+s11], $0x80, s8, s11, $0xb8;
	[tilespmem:$0x1DC00] =	vst v63  }
0x189: {  	_ =	swait.ge [sflag:s14], $0x2800  }
0x18a: {  	[sflag:s14] =	ssyncset.done $0x0  }
0x18b: {  	s8 =	rddreg [dreg:$0x1d];
	[sflag:s14] =	ssyncadd.s32 $0xFFFFD800  }
0x18c: {  	[spmem:s2] =	stream.indirect.scatter.add.f32 [tilespmem:s12], [sflag:$0x4], $0x80, s8, s11, $0xb8;
	[tilespmem:$0x1DC00] =	vst v63  }
0x18d: {  	_ =	swait.ge [sflag:s20], $0x2800  }
0x18e: {  	[sflag:s20] =	ssyncset.done $0x0  }
0x18f: {  	s8 =	rddreg [dreg:$0x1e];
	[sflag:s20] =	ssyncadd.s32 $0xFFFFD800  }
0x190: {  	[tilespmem:s15], [sflag:$0x3] =	stream.indirect.gather [hbm4b:s4+s11], $0x80, s8, s11, $0xb8;
	[tilespmem:$0x1DC00] =	vst v63  }
0x191: {  	_ =	swait.ge [sflag:s16], $0x2800  }
0x192: {  	[sflag:s16] =	ssyncset.done $0x0  }
0x193: {  	s8 =	rddreg [dreg:$0x1f];
	[sflag:s16] =	ssyncadd.s32 $0xFFFFD800  }
0x194: {  	[spmem:s2] =	stream.indirect.scatter.add.f32 [tilespmem:s13], [sflag:$0x5], $0x80, s8, s11, $0xb8;
	[tilespmem:$0x1DC00] =	vst v63  }
0x195: {  	_ =	swait.ge [sflag:s17], $0x2800  }
0x196: {  	s8 =	sld [smem:$0x7F5]  }
0x197: {  	[sflag:s17] =	ssyncset.done $0x0  }
0x198: {  	[sflag:s17] =	ssyncadd.s32 $0xFFFFD800  }
0x199: {  	[tilespmem:s12], [sflag:$0x1] =	stream.indirect.gather [hbm4b:s4+s11], $0x80, s8, s11, $0xb8;
	[tilespmem:$0x1DC00] =	vst v63  }
0x19a: {  	_ =	swait.ge [sflag:s18], $0x2800  }
0x19b: {  	s8 =	sld [smem:$0x7F6]  }
0x19c: {  	[sflag:s18] =	ssyncset.done $0x0  }
0x19d: {  	[sflag:s18] =	ssyncadd.s32 $0xFFFFD800  }
0x19e: {  	[spmem:s2] =	stream.indirect.scatter.add.f32 [tilespmem:s15], [sflag:$0x6], $0x80, s8, s11, $0xb8;
	[tilespmem:$0x1DC00] =	vst v63  }
0x19f: {  	_ =	swait.ge [sflag:s19], $0x2800  }
0x1a0: {  	s8 =	sld [smem:$0x7F7]  }
0x1a1: {  	[sflag:s19] =	ssyncset.done $0x0  }
0x1a2: {  	[sflag:s19] =	ssyncadd.s32 $0xFFFFD800  }
0x1a3: {  	[tilespmem:s13], [sflag:$0x2] =	stream.indirect.gather [hbm4b:s4+s11], $0x80, s8, s11, $0xb8;
	[tilespmem:$0x1DC00] =	vst v63  }
0x1a4: {  	_ =	swait.ge [sflag:s14], $0x2800  }
0x1a5: {  	s8 =	sld [smem:$0x7F8]  }
0x1a6: {  	[sflag:s14] =	ssyncset.done $0x0  }
0x1a7: {  	[sflag:s14] =	ssyncadd.s32 $0xFFFFD800  }
0x1a8: {  	[spmem:s2] =	stream.indirect.scatter.add.f32 [tilespmem:s12], [sflag:$0x4], $0x80, s8, s11, $0xb8;
	[tilespmem:$0x1DC00] =	vst v63  }
0x1a9: {  	_ =	swait.ge [sflag:s20], $0x2800  }
0x1aa: {  	s8 =	sld [smem:$0x7F9]  }
0x1ab: {  	[sflag:s20] =	ssyncset.done $0x0  }
0x1ac: {  	[sflag:s20] =	ssyncadd.s32 $0xFFFFD800  }
0x1ad: {  	[tilespmem:s15], [sflag:$0x3] =	stream.indirect.gather [hbm4b:s4+s11], $0x80, s8, s11, $0xb8;
	[tilespmem:$0x1DC00] =	vst v63  }
0x1ae: {  	_ =	swait.ge [sflag:s16], $0x2800  }
0x1af: {  	s8 =	sld [smem:$0x7FA]  }
0x1b0: {  	[sflag:s16] =	ssyncset.done $0x0  }
0x1b1: {  	[sflag:s16] =	ssyncadd.s32 $0xFFFFD800  }
0x1b2: {  	[spmem:s2] =	stream.indirect.scatter.add.f32 [tilespmem:s13], [sflag:$0x5], $0x80, s8, s11, $0xb8;
	[tilespmem:$0x1DC00] =	vst v63  }
0x1b3: {  	_ =	swait.ge [sflag:s17], $0x2800  }
0x1b4: {  	s8 =	sld [smem:$0x7FB]  }
0x1b5: {  	[sflag:s17] =	ssyncset.done $0x0  }
0x1b6: {  	[sflag:s17] =	ssyncadd.s32 $0xFFFFD800  }
0x1b7: {  	[tilespmem:s12], [sflag:$0x1] =	stream.indirect.gather [hbm4b:s4+s11], $0x80, s8, s11, $0xb8;
	[tilespmem:$0x1DC00] =	vst v63  }
0x1b8: {  	_ =	swait.ge [sflag:s18], $0x2800  }
0x1b9: {  	s8 =	sld [smem:$0x7FC]  }
0x1ba: {  	[sflag:s18] =	ssyncset.done $0x0  }
0x1bb: {  	[sflag:s18] =	ssyncadd.s32 $0xFFFFD800  }
0x1bc: {  	[spmem:s2] =	stream.indirect.scatter.add.f32 [tilespmem:s15], [sflag:$0x6], $0x80, s8, s11, $0xb8;
	[tilespmem:$0x1DC00] =	vst v63  }
0x1bd: {  	_ =	swait.ge [sflag:s19], $0x2800  }
0x1be: {  	s8 =	sld [smem:$0x7FD]  }
0x1bf: {  	[sflag:s19] =	ssyncset.done $0x0  }
0x1c0: {  	[sflag:s19] =	ssyncadd.s32 $0xFFFFD800  }
0x1c1: {  	[tilespmem:s13], [sflag:$0x2] =	stream.indirect.gather [hbm4b:s4+s11], $0x80, s8, s11, $0xb8;
	[tilespmem:$0x1DC00] =	vst v63  }
0x1c2: {  	_ =	swait.ge [sflag:s14], $0x2800  }
0x1c3: {  	s21 =	smov.u32 s6;
	[sflag:s14] =	ssyncset.done $0x0  }
0x1c4: {  	s7 =	smov.u32 s21;
	s21 =	simm.s32 $0x1900;
	[sflag:s14] =	ssyncadd.s32 $0xFFFFD800  }
0x1c5: {  	[spmem:s2] =	stream.indirect.scatter.add.f32 [tilespmem:s12], [sflag:$0x4], $0x80, s21, s11, $0xb8;
	[tilespmem:$0x1DC00] =	vst v63  }
0x1c6: {  	_ =	swait.ge [sflag:s20], $0x2800  }
0x1c7: {  	[sflag:s20] =	ssyncset.done $0x0  }
0x1c8: {  	[sflag:s20] =	ssyncadd.s32 $0xFFFFD800  }
0x1c9: {  	[tilespmem:s15], [sflag:$0x3] =	stream.indirect.gather [hbm4b:s4+s11], $0x80, s22, s11, $0xb8;
	[tilespmem:$0x1DC00] =	vst v63  }
0x1ca: {  	_ =	swait.ge [sflag:s16], $0x2800  }
0x1cb: {  	[sflag:s16] =	ssyncset.done $0x0  }
0x1cc: {  	[sflag:s16] =	ssyncadd.s32 $0xFFFFD800  }
0x1cd: {  	[spmem:s2] =	stream.indirect.scatter.add.f32 [tilespmem:s13], [sflag:$0x5], $0x80, s23, s11, $0xb8;
	[tilespmem:$0x1DC00] =	vst v63  }
0x1ce: {  	_ =	swait.ge [sflag:s17], $0x2800  }
0x1cf: {  	[sflag:s17] =	ssyncset.done $0x0  }
0x1d0: {  	[sflag:s17] =	ssyncadd.s32 $0xFFFFD800  }
0x1d1: {  	[tilespmem:s12], [sflag:$0x1] =	stream.indirect.gather [hbm4b:s4+s11], $0x80, s24, s11, $0xb8;
	[tilespmem:$0x1DC00] =	vst v63  }
0x1d2: {  	_ =	swait.ge [sflag:s18], $0x2800  }
0x1d3: {  	[sflag:s18] =	ssyncset.done $0x0  }
0x1d4: {  	[sflag:s18] =	ssyncadd.s32 $0xFFFFD800  }
0x1d5: {  	[spmem:s2] =	stream.indirect.scatter.add.f32 [tilespmem:s15], [sflag:$0x6], $0x80, s25, s11, $0xb8;
	[tilespmem:$0x1DC00] =	vst v63  }
0x1d6: {  	_ =	swait.ge [sflag:s19], $0x2800  }
0x1d7: {  	[sflag:s19] =	ssyncset.done $0x0  }
0x1d8: {  	[sflag:s19] =	ssyncadd.s32 $0xFFFFD800  }
0x1d9: {  	[tilespmem:s13], [sflag:$0x2] =	stream.indirect.gather [hbm4b:s4+s11], $0x80, s26, s11, $0xb8;
	[tilespmem:$0x1DC00] =	vst v63  }
0x1da: {  	_ =	swait.ge [sflag:s14], $0x2800  }
0x1db: {  	[sflag:s14] =	ssyncset.done $0x0  }
0x1dc: {  	[sflag:s14] =	ssyncadd.s32 $0xFFFFD800  }
0x1dd: {  	[spmem:s2] =	stream.indirect.scatter.add.f32 [tilespmem:s12], [sflag:$0x4], $0x80, s28, s11, $0xb8;
	[tilespmem:$0x1DC00] =	vst v63  }
0x1de: {  	_ =	swait.ge [sflag:s20], $0x2800  }
0x1df: {  	[sflag:s20] =	ssyncset.done $0x0  }
0x1e0: {  	[sflag:s20] =	ssyncadd.s32 $0xFFFFD800  }
0x1e1: {  	[tilespmem:s15], [sflag:$0x3] =	stream.indirect.gather [hbm4b:s4+s11], $0x80, s29, s11, $0xb8;
	[tilespmem:$0x1DC00] =	vst v63  }
0x1e2: {  	_ =	swait.ge [sflag:s16], $0x2800  }
0x1e3: {  	[sflag:s16] =	ssyncset.done $0x0  }
0x1e4: {  	[sflag:s16] =	ssyncadd.s32 $0xFFFFD800  }
0x1e5: {  	[spmem:s2] =	stream.indirect.scatter.add.f32 [tilespmem:s13], [sflag:$0x5], $0x80, s30, s11, $0xb8;
	[tilespmem:$0x1DC00] =	vst v63  }
0x1e6: {  	_ =	swait.ge [sflag:s17], $0x2800  }
0x1e7: {  	[sflag:s17] =	ssyncset.done $0x0  }
0x1e8: {  	[sflag:s17] =	ssyncadd.s32 $0xFFFFD800  }
0x1e9: {  	[tilespmem:s12], [sflag:$0x1] =	stream.indirect.gather [hbm4b:s4+s11], $0x80, s31, s11, $0xb8;
	[tilespmem:$0x1DC00] =	vst v63  }
0x1ea: {  	_ =	swait.ge [sflag:s18], $0x2800  }
0x1eb: {  	[sflag:s18] =	ssyncset.done $0x0  }
0x1ec: {  	[sflag:s18] =	ssyncadd.s32 $0xFFFFD800  }
0x1ed: {  	[spmem:s2] =	stream.indirect.scatter.add.f32 [tilespmem:s15], [sflag:$0x6], $0x80, s1, s11, $0xb8;
	[tilespmem:$0x1DC00] =	vst v63  }
0x1ee: {  	_ =	swait.ge [sflag:s14], $0x2800  }
0x1ef: {  	[sflag:s14] =	ssyncset.done $0x0  }
0x1f0: {  	[sflag:s14] =	ssyncadd.s32 $0xFFFFD800  }
0x1f1: {  	[spmem:s2] =	stream.indirect.scatter.add.f32 [tilespmem:s12], [sflag:$0x4], $0x80, s0, s11, $0xb8;
	[tilespmem:$0x1DC00] =	vst v63  }
0x1f2: {  	_ =	swait.ge [sflag:s19], $0x2800  }
0x1f3: {  	[sflag:s19] =	ssyncset.done $0x0  }
0x1f4: {  	p0 =	sne.s32 s6, $0x800;
	[sflag:s19] =	ssyncadd.s32 $0xFFFFD800  }
.Ltmp2:
0x1f5: {  	_ =	swait.ge [sflag:s20], $0x2800;
	(pc) =	sbr.rel @p0 .LBB2_6-.Ltmp2, $4  }
0x1f6: {  	[sflag:s20] =	ssyncset.done $0x0  }
0x1f7: {  	[sflag:s20] =	ssyncadd.s32 $0xFFFFD800  }
0x1f8: {  	_ =	swait.ge [sflag:s17], $0x2800  }
0x1f9: {  	s6 =	sadd.s32 $0x200, s6;
	s8 =	rddreg [dreg:$0x4];
	[sflag:s17] =	ssyncset.done $0x0  }
0x1fa: {  	[sflag:s17] =	ssyncadd.s32 $0xFFFFD800;
	s6 =	sadd.s32 s7, s8  }
0x1fb: {  	[tilespmem:s3], [sflag:$0x7] =	stream.linear.gather [hbm4b:s6+s3], $0xC80, $0x38;
	[tilespmem:$0x1DC00] =	vst v63  }
0x1fc: {  	_ =	swait.ge [sflag:s9], $0xC80  }
0x1fd: {  	s8 =	rddreg [dreg:$0x3];
	[sflag:s9] =	ssyncset.done $0x0  }
0x1fe: {  	[sflag:s9] =	ssyncadd.s32 $0xFFFFF380;
	s6 =	sadd.s32 s7, s8  }
0x1ff: {  	[tilespmem:s10], [sflag:$0x7] =	stream.linear.gather [hbm4b:s6+s3], $0xC80, $0x38;
	[tilespmem:$0x1DC00] =	vst v63  }
0x200: {  	_ =	swait.ge [sflag:s9], $0xC80  }
0x201: {  	[sflag:s9] =	ssyncset.done $0x0  }
0x202: {  	[sflag:s9] =	ssyncadd.s32 $0xFFFFF380  }
0x203: {  	[tilespmem:s12], [sflag:$0x1] =	stream.indirect.gather [hbm4b:s4+s11], $0x80, s3, s11, $0xb8;
	[tilespmem:$0x1DC00] =	vst v63  }
0x204: {  	s7 =	rddreg [dreg:$0x5]  }
0x205: {  	[tilespmem:s13], [sflag:$0x2] =	stream.indirect.gather [hbm4b:s4+s11], $0x80, s7, s11, $0xb8;
	[tilespmem:$0x1DC00] =	vst v63  }
0x206: {  	_ =	swait.ge [sflag:s14], $0x2800  }
0x207: {  	[sflag:s14] =	ssyncset.done $0x0  }
0x208: {  	[sflag:s14] =	ssyncadd.s32 $0xFFFFD800  }
0x209: {  	[spmem:s2] =	stream.indirect.scatter.add.f32 [tilespmem:s12], [sflag:$0x4], $0x80, s10, s11, $0xb8;
	[tilespmem:$0x1DC00] =	vst v63  }
0x20a: {  	s8 =	rddreg [dreg:$0x6]  }
0x20b: {  	[tilespmem:s15], [sflag:$0x3] =	stream.indirect.gather [hbm4b:s4+s11], $0x80, s8, s11, $0xb8;
	[tilespmem:$0x1DC00] =	vst v63  }
0x20c: {  	_ =	swait.ge [sflag:s16], $0x2800  }
0x20d: {  	[sflag:s16] =	ssyncset.done $0x0  }
0x20e: {  	s7 =	rddreg [dreg:$0x7];
	[sflag:s16] =	ssyncadd.s32 $0xFFFFD800  }
0x20f: {  	[spmem:s2] =	stream.indirect.scatter.add.f32 [tilespmem:s13], [sflag:$0x5], $0x80, s7, s11, $0xb8;
	[tilespmem:$0x1DC00] =	vst v63  }
0x210: {  	_ =	swait.ge [sflag:s17], $0x2800  }
0x211: {  	[sflag:s17] =	ssyncset.done $0x0  }
0x212: {  	s8 =	rddreg [dreg:$0x8];
	[sflag:s17] =	ssyncadd.s32 $0xFFFFD800  }
0x213: {  	[tilespmem:s12], [sflag:$0x1] =	stream.indirect.gather [hbm4b:s4+s11], $0x80, s8, s11, $0xb8;
	[tilespmem:$0x1DC00] =	vst v63  }
0x214: {  	_ =	swait.ge [sflag:s18], $0x2800  }
0x215: {  	[sflag:s18] =	ssyncset.done $0x0  }
0x216: {  	s7 =	rddreg [dreg:$0x9];
	[sflag:s18] =	ssyncadd.s32 $0xFFFFD800  }
0x217: {  	[spmem:s2] =	stream.indirect.scatter.add.f32 [tilespmem:s15], [sflag:$0x6], $0x80, s7, s11, $0xb8;
	[tilespmem:$0x1DC00] =	vst v63  }
0x218: {  	_ =	swait.ge [sflag:s19], $0x2800  }
0x219: {  	[sflag:s19] =	ssyncset.done $0x0  }
0x21a: {  	s8 =	rddreg [dreg:$0xa];
	[sflag:s19] =	ssyncadd.s32 $0xFFFFD800  }
0x21b: {  	[tilespmem:s13], [sflag:$0x2] =	stream.indirect.gather [hbm4b:s4+s11], $0x80, s8, s11, $0xb8;
	[tilespmem:$0x1DC00] =	vst v63  }
0x21c: {  	_ =	swait.ge [sflag:s14], $0x2800  }
0x21d: {  	[sflag:s14] =	ssyncset.done $0x0  }
0x21e: {  	s7 =	rddreg [dreg:$0xb];
	[sflag:s14] =	ssyncadd.s32 $0xFFFFD800  }
0x21f: {  	[spmem:s2] =	stream.indirect.scatter.add.f32 [tilespmem:s12], [sflag:$0x4], $0x80, s7, s11, $0xb8;
	[tilespmem:$0x1DC00] =	vst v63  }
0x220: {  	_ =	swait.ge [sflag:s20], $0x2800  }
0x221: {  	[sflag:s20] =	ssyncset.done $0x0  }
0x222: {  	s8 =	rddreg [dreg:$0xc];
	[sflag:s20] =	ssyncadd.s32 $0xFFFFD800  }
0x223: {  	[tilespmem:s15], [sflag:$0x3] =	stream.indirect.gather [hbm4b:s4+s11], $0x80, s8, s11, $0xb8;
	[tilespmem:$0x1DC00] =	vst v63  }
0x224: {  	_ =	swait.ge [sflag:s16], $0x2800  }
0x225: {  	[sflag:s16] =	ssyncset.done $0x0  }
0x226: {  	s7 =	rddreg [dreg:$0xd];
	[sflag:s16] =	ssyncadd.s32 $0xFFFFD800  }
0x227: {  	[spmem:s2] =	stream.indirect.scatter.add.f32 [tilespmem:s13], [sflag:$0x5], $0x80, s7, s11, $0xb8;
	[tilespmem:$0x1DC00] =	vst v63  }
0x228: {  	_ =	swait.ge [sflag:s17], $0x2800  }
0x229: {  	[sflag:s17] =	ssyncset.done $0x0  }
0x22a: {  	s8 =	rddreg [dreg:$0xe];
	[sflag:s17] =	ssyncadd.s32 $0xFFFFD800  }
0x22b: {  	[tilespmem:s12], [sflag:$0x1] =	stream.indirect.gather [hbm4b:s4+s11], $0x80, s8, s11, $0xb8;
	[tilespmem:$0x1DC00] =	vst v63  }
0x22c: {  	_ =	swait.ge [sflag:s18], $0x2800  }
0x22d: {  	[sflag:s18] =	ssyncset.done $0x0  }
0x22e: {  	s7 =	rddreg [dreg:$0xf];
	[sflag:s18] =	ssyncadd.s32 $0xFFFFD800  }
0x22f: {  	[spmem:s2] =	stream.indirect.scatter.add.f32 [tilespmem:s15], [sflag:$0x6], $0x80, s7, s11, $0xb8;
	[tilespmem:$0x1DC00] =	vst v63  }
0x230: {  	_ =	swait.ge [sflag:s19], $0x2800  }
0x231: {  	[sflag:s19] =	ssyncset.done $0x0  }
0x232: {  	s8 =	rddreg [dreg:$0x10];
	[sflag:s19] =	ssyncadd.s32 $0xFFFFD800  }
0x233: {  	[tilespmem:s13], [sflag:$0x2] =	stream.indirect.gather [hbm4b:s4+s11], $0x80, s8, s11, $0xb8;
	[tilespmem:$0x1DC00] =	vst v63  }
0x234: {  	_ =	swait.ge [sflag:s14], $0x2800  }
0x235: {  	[sflag:s14] =	ssyncset.done $0x0  }
0x236: {  	s7 =	rddreg [dreg:$0x11];
	[sflag:s14] =	ssyncadd.s32 $0xFFFFD800  }
0x237: {  	[spmem:s2] =	stream.indirect.scatter.add.f32 [tilespmem:s12], [sflag:$0x4], $0x80, s7, s11, $0xb8;
	[tilespmem:$0x1DC00] =	vst v63  }
0x238: {  	_ =	swait.ge [sflag:s20], $0x2800  }
0x239: {  	[sflag:s20] =	ssyncset.done $0x0  }
0x23a: {  	s8 =	rddreg [dreg:$0x12];
	[sflag:s20] =	ssyncadd.s32 $0xFFFFD800  }
0x23b: {  	[tilespmem:s15], [sflag:$0x3] =	stream.indirect.gather [hbm4b:s4+s11], $0x80, s8, s11, $0xb8;
	[tilespmem:$0x1DC00] =	vst v63  }
0x23c: {  	_ =	swait.ge [sflag:s16], $0x2800  }
0x23d: {  	[sflag:s16] =	ssyncset.done $0x0  }
0x23e: {  	s7 =	rddreg [dreg:$0x13];
	[sflag:s16] =	ssyncadd.s32 $0xFFFFD800  }
0x23f: {  	[spmem:s2] =	stream.indirect.scatter.add.f32 [tilespmem:s13], [sflag:$0x5], $0x80, s7, s11, $0xb8;
	[tilespmem:$0x1DC00] =	vst v63  }
0x240: {  	_ =	swait.ge [sflag:s17], $0x2800  }
0x241: {  	[sflag:s17] =	ssyncset.done $0x0  }
0x242: {  	s8 =	rddreg [dreg:$0x14];
	[sflag:s17] =	ssyncadd.s32 $0xFFFFD800  }
0x243: {  	[tilespmem:s12], [sflag:$0x1] =	stream.indirect.gather [hbm4b:s4+s11], $0x80, s8, s11, $0xb8;
	[tilespmem:$0x1DC00] =	vst v63  }
0x244: {  	_ =	swait.ge [sflag:s18], $0x2800  }
0x245: {  	[sflag:s18] =	ssyncset.done $0x0  }
0x246: {  	s7 =	rddreg [dreg:$0x15];
	[sflag:s18] =	ssyncadd.s32 $0xFFFFD800  }
0x247: {  	[spmem:s2] =	stream.indirect.scatter.add.f32 [tilespmem:s15], [sflag:$0x6], $0x80, s7, s11, $0xb8;
	[tilespmem:$0x1DC00] =	vst v63  }
0x248: {  	_ =	swait.ge [sflag:s19], $0x2800  }
0x249: {  	[sflag:s19] =	ssyncset.done $0x0  }
0x24a: {  	s8 =	rddreg [dreg:$0x16];
	[sflag:s19] =	ssyncadd.s32 $0xFFFFD800  }
0x24b: {  	[tilespmem:s13], [sflag:$0x2] =	stream.indirect.gather [hbm4b:s4+s11], $0x80, s8, s11, $0xb8;
	[tilespmem:$0x1DC00] =	vst v63  }
0x24c: {  	_ =	swait.ge [sflag:s14], $0x2800  }
0x24d: {  	[sflag:s14] =	ssyncset.done $0x0  }
0x24e: {  	s7 =	rddreg [dreg:$0x17];
	[sflag:s14] =	ssyncadd.s32 $0xFFFFD800  }
0x24f: {  	[spmem:s2] =	stream.indirect.scatter.add.f32 [tilespmem:s12], [sflag:$0x4], $0x80, s7, s11, $0xb8;
	[tilespmem:$0x1DC00] =	vst v63  }
0x250: {  	_ =	swait.ge [sflag:s20], $0x2800  }
0x251: {  	[sflag:s20] =	ssyncset.done $0x0  }
0x252: {  	s8 =	rddreg [dreg:$0x18];
	[sflag:s20] =	ssyncadd.s32 $0xFFFFD800  }
0x253: {  	[tilespmem:s15], [sflag:$0x3] =	stream.indirect.gather [hbm4b:s4+s11], $0x80, s8, s11, $0xb8;
	[tilespmem:$0x1DC00] =	vst v63  }
0x254: {  	_ =	swait.ge [sflag:s16], $0x2800  }
0x255: {  	[sflag:s16] =	ssyncset.done $0x0  }
0x256: {  	s7 =	rddreg [dreg:$0x19];
	[sflag:s16] =	ssyncadd.s32 $0xFFFFD800  }
0x257: {  	[spmem:s2] =	stream.indirect.scatter.add.f32 [tilespmem:s13], [sflag:$0x5], $0x80, s7, s11, $0xb8;
	[tilespmem:$0x1DC00] =	vst v63  }
0x258: {  	_ =	swait.ge [sflag:s17], $0x2800  }
0x259: {  	[sflag:s17] =	ssyncset.done $0x0  }
0x25a: {  	s8 =	rddreg [dreg:$0x1a];
	[sflag:s17] =	ssyncadd.s32 $0xFFFFD800  }
0x25b: {  	[tilespmem:s12], [sflag:$0x1] =	stream.indirect.gather [hbm4b:s4+s11], $0x80, s8, s11, $0xb8;
	[tilespmem:$0x1DC00] =	vst v63  }
0x25c: {  	_ =	swait.ge [sflag:s18], $0x2800  }
0x25d: {  	[sflag:s18] =	ssyncset.done $0x0  }
0x25e: {  	s7 =	rddreg [dreg:$0x1b];
	[sflag:s18] =	ssyncadd.s32 $0xFFFFD800  }
0x25f: {  	[spmem:s2] =	stream.indirect.scatter.add.f32 [tilespmem:s15], [sflag:$0x6], $0x80, s7, s11, $0xb8;
	[tilespmem:$0x1DC00] =	vst v63  }
0x260: {  	_ =	swait.ge [sflag:s19], $0x2800  }
0x261: {  	[sflag:s19] =	ssyncset.done $0x0  }
0x262: {  	s8 =	rddreg [dreg:$0x1c];
	[sflag:s19] =	ssyncadd.s32 $0xFFFFD800  }
0x263: {  	[tilespmem:s13], [sflag:$0x2] =	stream.indirect.gather [hbm4b:s4+s11], $0x80, s8, s11, $0xb8;
	[tilespmem:$0x1DC00] =	vst v63  }
0x264: {  	_ =	swait.ge [sflag:s14], $0x2800  }
0x265: {  	[sflag:s14] =	ssyncset.done $0x0  }
0x266: {  	s7 =	rddreg [dreg:$0x1d];
	[sflag:s14] =	ssyncadd.s32 $0xFFFFD800  }
0x267: {  	[spmem:s2] =	stream.indirect.scatter.add.f32 [tilespmem:s12], [sflag:$0x4], $0x80, s7, s11, $0xb8;
	[tilespmem:$0x1DC00] =	vst v63  }
0x268: {  	_ =	swait.ge [sflag:s20], $0x2800  }
0x269: {  	[sflag:s20] =	ssyncset.done $0x0  }
0x26a: {  	s8 =	rddreg [dreg:$0x1e];
	[sflag:s20] =	ssyncadd.s32 $0xFFFFD800  }
0x26b: {  	[tilespmem:s15], [sflag:$0x3] =	stream.indirect.gather [hbm4b:s4+s11], $0x80, s8, s11, $0xb8;
	[tilespmem:$0x1DC00] =	vst v63  }
0x26c: {  	_ =	swait.ge [sflag:s16], $0x2800  }
0x26d: {  	[sflag:s16] =	ssyncset.done $0x0  }
0x26e: {  	s7 =	rddreg [dreg:$0x1f];
	[sflag:s16] =	ssyncadd.s32 $0xFFFFD800  }
0x26f: {  	[spmem:s2] =	stream.indirect.scatter.add.f32 [tilespmem:s13], [sflag:$0x5], $0x80, s7, s11, $0xb8;
	[tilespmem:$0x1DC00] =	vst v63  }
0x270: {  	_ =	swait.ge [sflag:s17], $0x2800  }
0x271: {  	s8 =	sld [smem:$0x7F5]  }
0x272: {  	[sflag:s17] =	ssyncset.done $0x0  }
0x273: {  	[sflag:s17] =	ssyncadd.s32 $0xFFFFD800  }
0x274: {  	[tilespmem:s12], [sflag:$0x1] =	stream.indirect.gather [hbm4b:s4+s11], $0x80, s8, s11, $0xb8;
	[tilespmem:$0x1DC00] =	vst v63  }
0x275: {  	_ =	swait.ge [sflag:s18], $0x2800  }
0x276: {  	s7 =	sld [smem:$0x7F6]  }
0x277: {  	[sflag:s18] =	ssyncset.done $0x0  }
0x278: {  	[sflag:s18] =	ssyncadd.s32 $0xFFFFD800  }
0x279: {  	[spmem:s2] =	stream.indirect.scatter.add.f32 [tilespmem:s15], [sflag:$0x6], $0x80, s7, s11, $0xb8;
	[tilespmem:$0x1DC00] =	vst v63  }
0x27a: {  	_ =	swait.ge [sflag:s19], $0x2800  }
0x27b: {  	s8 =	sld [smem:$0x7F7]  }
0x27c: {  	[sflag:s19] =	ssyncset.done $0x0  }
0x27d: {  	[sflag:s19] =	ssyncadd.s32 $0xFFFFD800  }
0x27e: {  	[tilespmem:s13], [sflag:$0x2] =	stream.indirect.gather [hbm4b:s4+s11], $0x80, s8, s11, $0xb8;
	[tilespmem:$0x1DC00] =	vst v63  }
0x27f: {  	_ =	swait.ge [sflag:s14], $0x2800  }
0x280: {  	s7 =	sld [smem:$0x7F8]  }
0x281: {  	[sflag:s14] =	ssyncset.done $0x0  }
0x282: {  	[sflag:s14] =	ssyncadd.s32 $0xFFFFD800  }
0x283: {  	[spmem:s2] =	stream.indirect.scatter.add.f32 [tilespmem:s12], [sflag:$0x4], $0x80, s7, s11, $0xb8;
	[tilespmem:$0x1DC00] =	vst v63  }
0x284: {  	_ =	swait.ge [sflag:s20], $0x2800  }
0x285: {  	s8 =	sld [smem:$0x7F9]  }
0x286: {  	[sflag:s20] =	ssyncset.done $0x0  }
0x287: {  	[sflag:s20] =	ssyncadd.s32 $0xFFFFD800  }
0x288: {  	[tilespmem:s15], [sflag:$0x3] =	stream.indirect.gather [hbm4b:s4+s11], $0x80, s8, s11, $0xb8;
	[tilespmem:$0x1DC00] =	vst v63  }
0x289: {  	_ =	swait.ge [sflag:s16], $0x2800  }
0x28a: {  	s7 =	sld [smem:$0x7FA]  }
0x28b: {  	[sflag:s16] =	ssyncset.done $0x0  }
0x28c: {  	[sflag:s16] =	ssyncadd.s32 $0xFFFFD800  }
0x28d: {  	[spmem:s2] =	stream.indirect.scatter.add.f32 [tilespmem:s13], [sflag:$0x5], $0x80, s7, s11, $0xb8;
	[tilespmem:$0x1DC00] =	vst v63  }
0x28e: {  	_ =	swait.ge [sflag:s17], $0x2800  }
0x28f: {  	s8 =	sld [smem:$0x7FB]  }
0x290: {  	[sflag:s17] =	ssyncset.done $0x0  }
0x291: {  	[sflag:s17] =	ssyncadd.s32 $0xFFFFD800  }
0x292: {  	[tilespmem:s12], [sflag:$0x1] =	stream.indirect.gather [hbm4b:s4+s11], $0x80, s8, s11, $0xb8;
	[tilespmem:$0x1DC00] =	vst v63  }
0x293: {  	_ =	swait.ge [sflag:s18], $0x2800  }
0x294: {  	s7 =	sld [smem:$0x7FC]  }
0x295: {  	[sflag:s18] =	ssyncset.done $0x0  }
0x296: {  	[sflag:s18] =	ssyncadd.s32 $0xFFFFD800  }
0x297: {  	[spmem:s2] =	stream.indirect.scatter.add.f32 [tilespmem:s15], [sflag:$0x6], $0x80, s7, s11, $0xb8;
	[tilespmem:$0x1DC00] =	vst v63  }
0x298: {  	_ =	swait.ge [sflag:s19], $0x2800  }
0x299: {  	s8 =	sld [smem:$0x7FD]  }
0x29a: {  	[sflag:s19] =	ssyncset.done $0x0  }
0x29b: {  	[sflag:s19] =	ssyncadd.s32 $0xFFFFD800  }
0x29c: {  	[tilespmem:s13], [sflag:$0x2] =	stream.indirect.gather [hbm4b:s4+s11], $0x80, s8, s11, $0xb8;
	[tilespmem:$0x1DC00] =	vst v63  }
0x29d: {  	_ =	swait.ge [sflag:s14], $0x2800  }
0x29e: {  	[sflag:s14] =	ssyncset.done $0x0  }
0x29f: {  	[sflag:s14] =	ssyncadd.s32 $0xFFFFD800  }
0x2a0: {  	[spmem:s2] =	stream.indirect.scatter.add.f32 [tilespmem:s12], [sflag:$0x4], $0x80, s21, s11, $0xb8;
	[tilespmem:$0x1DC00] =	vst v63  }
0x2a1: {  	_ =	swait.ge [sflag:s20], $0x2800  }
0x2a2: {  	[sflag:s20] =	ssyncset.done $0x0  }
0x2a3: {  	[sflag:s20] =	ssyncadd.s32 $0xFFFFD800  }
0x2a4: {  	[tilespmem:s15], [sflag:$0x3] =	stream.indirect.gather [hbm4b:s4+s11], $0x80, s22, s11, $0xb8;
	[tilespmem:$0x1DC00] =	vst v63  }
0x2a5: {  	_ =	swait.ge [sflag:s16], $0x2800  }
0x2a6: {  	[sflag:s16] =	ssyncset.done $0x0  }
0x2a7: {  	[sflag:s16] =	ssyncadd.s32 $0xFFFFD800  }
0x2a8: {  	[spmem:s2] =	stream.indirect.scatter.add.f32 [tilespmem:s13], [sflag:$0x5], $0x80, s23, s11, $0xb8;
	[tilespmem:$0x1DC00] =	vst v63  }
0x2a9: {  	_ =	swait.ge [sflag:s17], $0x2800  }
0x2aa: {  	[sflag:s17] =	ssyncset.done $0x0  }
0x2ab: {  	[sflag:s17] =	ssyncadd.s32 $0xFFFFD800  }
0x2ac: {  	[tilespmem:s12], [sflag:$0x1] =	stream.indirect.gather [hbm4b:s4+s11], $0x80, s24, s11, $0xb8;
	[tilespmem:$0x1DC00] =	vst v63  }
0x2ad: {  	_ =	swait.ge [sflag:s18], $0x2800  }
0x2ae: {  	[sflag:s18] =	ssyncset.done $0x0  }
0x2af: {  	[sflag:s18] =	ssyncadd.s32 $0xFFFFD800  }
0x2b0: {  	[spmem:s2] =	stream.indirect.scatter.add.f32 [tilespmem:s15], [sflag:$0x6], $0x80, s25, s11, $0xb8;
	[tilespmem:$0x1DC00] =	vst v63  }
0x2b1: {  	_ =	swait.ge [sflag:s19], $0x2800  }
0x2b2: {  	[sflag:s19] =	ssyncset.done $0x0  }
0x2b3: {  	[sflag:s19] =	ssyncadd.s32 $0xFFFFD800  }
0x2b4: {  	[tilespmem:s13], [sflag:$0x2] =	stream.indirect.gather [hbm4b:s4+s11], $0x80, s26, s11, $0xb8;
	[tilespmem:$0x1DC00] =	vst v63  }
0x2b5: {  	_ =	swait.ge [sflag:s14], $0x2800  }
0x2b6: {  	[sflag:s14] =	ssyncset.done $0x0  }
0x2b7: {  	[sflag:s14] =	ssyncadd.s32 $0xFFFFD800  }
0x2b8: {  	[spmem:s2] =	stream.indirect.scatter.add.f32 [tilespmem:s12], [sflag:$0x4], $0x80, s28, s11, $0xb8;
	[tilespmem:$0x1DC00] =	vst v63  }
0x2b9: {  	_ =	swait.ge [sflag:s20], $0x2800  }
0x2ba: {  	[sflag:s20] =	ssyncset.done $0x0  }
0x2bb: {  	[sflag:s20] =	ssyncadd.s32 $0xFFFFD800  }
0x2bc: {  	[tilespmem:s15], [sflag:$0x3] =	stream.indirect.gather [hbm4b:s4+s11], $0x80, s29, s11, $0xb8;
	[tilespmem:$0x1DC00] =	vst v63  }
0x2bd: {  	_ =	swait.ge [sflag:s16], $0x2800  }
0x2be: {  	[sflag:s16] =	ssyncset.done $0x0  }
0x2bf: {  	[sflag:s16] =	ssyncadd.s32 $0xFFFFD800  }
0x2c0: {  	[spmem:s2] =	stream.indirect.scatter.add.f32 [tilespmem:s13], [sflag:$0x5], $0x80, s30, s11, $0xb8;
	[tilespmem:$0x1DC00] =	vst v63  }
0x2c1: {  	_ =	swait.ge [sflag:s17], $0x2800  }
0x2c2: {  	[sflag:s17] =	ssyncset.done $0x0  }
0x2c3: {  	[sflag:s17] =	ssyncadd.s32 $0xFFFFD800  }
0x2c4: {  	[tilespmem:s12], [sflag:$0x1] =	stream.indirect.gather [hbm4b:s4+s11], $0x80, s31, s11, $0xb8;
	[tilespmem:$0x1DC00] =	vst v63  }
0x2c5: {  	_ =	swait.ge [sflag:s18], $0x2800  }
0x2c6: {  	[sflag:s18] =	ssyncset.done $0x0  }
0x2c7: {  	[sflag:s18] =	ssyncadd.s32 $0xFFFFD800  }
0x2c8: {  	[spmem:s2] =	stream.indirect.scatter.add.f32 [tilespmem:s15], [sflag:$0x6], $0x80, s1, s11, $0xb8;
	[tilespmem:$0x1DC00] =	vst v63  }
0x2c9: {  	_ =	swait.ge [sflag:s14], $0x2800  }
0x2ca: {  	[sflag:s14] =	ssyncset.done $0x0  }
0x2cb: {  	[sflag:s14] =	ssyncadd.s32 $0xFFFFD800  }
0x2cc: {  	[spmem:s2] =	stream.indirect.scatter.add.f32 [tilespmem:s12], [sflag:$0x4], $0x80, s0, s11, $0xb8;
	[tilespmem:$0x1DC00] =	vst v63  }
0x2cd: {  	_ =	swait.ge [sflag:s19], $0x2800  }
0x2ce: {  	[sflag:s19] =	ssyncset.done $0x0  }
0x2cf: {  	[sflag:s19] =	ssyncadd.s32 $0xFFFFD800  }
0x2d0: {  	_ =	swait.ge [sflag:s20], $0x2800  }
0x2d1: {  	[sflag:s20] =	ssyncset.done $0x0  }
0x2d2: {  	[sflag:s20] =	ssyncadd.s32 $0xFFFFD800  }
0x2d3: {  	_ =	swait.ge [sflag:s17], $0x2800  }
0x2d4: {  	[sflag:s17] =	ssyncset.done $0x0  }
0x2d5: {  	[sflag:s17] =	ssyncadd.s32 $0xFFFFD800  }
0x2d6: {  	[bflag:$0x0] =	sbarrier.arrive $0xFFFF  }
0x2d7: {  	s7 =	stileid.u32;
	s21 =	sld [smem:$0x7F3]  }
0x2d8: {  	s6 =	sshll.u32 s7, $0x6  }
0x2d9: {  	s6 =	sor.u32 $0x1C07, s6;
	s8 =	sshrl.u32 s5, $0x3  }
0x2da: {  	[hbm:s21], [sflag:s6] =	dma.local [spmem:s8], $0x2800  }
0x2db: {  	_ =	swait.ge [sflag:s9], $0x2800  }
0x2dc: {  	s8 =	sld [smem:$0x7F2]  }
0x2dd: {  	s21 =	sld [smem:$0x7F4];
	_ =	sdelay $0x1  }
0x2de: {  	s7 =	sadd.s32 $0x1, s8  }
0x2df: {  	p0 =	sne.s32 s7, s21  }
.Ltmp3:
0x2e0: {  	_ = 	snop;
	(pc) =	sbr.rel @p0 .LBB2_1-.Ltmp3, $3  }
0x2e1: {  	_ =	sdelay $0x1  }
0x2e2: {  	[sflag:s9] =	ssyncset.done $0x0  }
0x2e3: {  	[sflag:s9] =	ssyncadd.s32 $0xFFFFD800  }
0x2e4: {  	_ =	sfence.sel $0x180000  }
0x2e5: {  	[bflag:$0x0] =	sbarrier.arrive $0xFFFF  }
0x2e6: {  	_ =	strace $0x9000004A  }
0x2e7: {  	s0 =	stileid.u32;
	[bflag:$0x2] =	sbarrier.arrive $0xFFFF  }
0x2e8: {  	p0 =	sne.s32 s0, $0x0;
	s0 =	rddreg [dreg:$0x2]  }
0x2e9: {  	s0 =	sadd.s32 @!p0 $0x100000, s0  }
0x2ea: {  	[sflag:s0] =	ssyncadd.tile.s32 @!p0 $0x1;
	_ =	shalt  }
.Lfunc_end2:
_tile_overlayer_lowered:
.L_overlay_start_2:
0x2eb: {  	(tag) =	ssettag $0x2  }
0x2ec: {  	s0 =	rddreg [dreg:$0x0];
	s2 =	stileid.u32  }
0x2ed: {  	s1 =	rddreg [dreg:$0x1];
	p0 =	sne.s32 s2, $0x0  }
0x2ee: {  	s3 =	rddreg [dreg:$0x2];
	[bflag:$0x3] =	sbarrier.arrive $0xFFFF;
	s2 =	simm.s32 @!p0 $0x1C07  }
0x2ef: {  	[timem:s3], [sflag:s2] =	dma.local @!p0 [hbm:s0], s1  }
0x2f0: {  	s0 =	simm.s32 @!p0 $0x7  }
0x2f1: {  	_ =	swait.ge @!p0 [sflag:s0], s1  }
0x2f2: {  	s1 =	ssub.s32 @!p0 $0x0, s1;
	[sflag:s0] =	ssyncset.done @!p0 $0x0  }
0x2f3: {  	[sflag:s0] =	ssyncadd.s32 @!p0 s1  }
0x2f4: {  	[bflag:$0x3] =	sbarrier.arrive $0xFFFF  }
0x2f5: {  	_ =	shalt  }

// kernel: kernel.16.cloned.1.call-start
scs
__scs_entry_jumppad:
0x0: {  	(pc) =	sbr.rel $0x88, $3  }
0x1: {  	(tag) =	ssettag $0x0;
	lr =	simm.s32 $0x1  }
0x2: {  	[smem:$0x3F95] =	sst lr;
	_ =	strace $0xD0000000  }
0x3: {  	_ = 	snop  }
0x4: {  	_ = 	snop  }
0x5: {  	_ = 	snop  }
0x6: {  	_ = 	snop  }
0x7: {  	_ = 	snop  }
__scs_overlays_trampoline_lowered:
0x8: {  	[smem:$0x3FA4] =	sst s0  }
0x9: {  	[smem:$0x3FA5] =	sst s1  }
0xa: {  	[smem:$0x3FA6] =	sst s2  }
0xb: {  	[smem:$0x3FA7] =	sst s3  }
0xc: {  	[smem:$0x3FA8] =	sst s4  }
0xd: {  	[smem:$0x3FA9] =	sst s5  }
0xe: {  	[smem:$0x3FAA] =	sst s6  }
0xf: {  	[smem:$0x3FAB] =	sst s7  }
0x10: {  	[smem:$0x3FAC] =	sst s8  }
0x11: {  	[smem:$0x3FAD] =	sst s9;
	s0 =	simm.s32 @!p0 $0x0  }
0x12: {  	s1 =	sld [smem:$0x3F93];
	s0 =	simm.s32 @p0 $0x1  }
0x13: {  	[smem:$0x3FAE] =	sst s0;
	s0 =	simm.s32 @!p1 $0x0  }
0x14: {  	s2 =	sld [smem:$0x3F92];
	s0 =	simm.s32 @p1 $0x1  }
0x15: {  	[smem:$0x3FAF] =	sst s0;
	s0 =	simm.s32 @!p2 $0x0  }
0x16: {  	s3 =	sld [smem:$0x3FDB];
	s0 =	simm.s32 @p2 $0x1  }
0x17: {  	s4 =	simm.s32 $0x1BF5;
	[smem:$0x3FB1] =	sst s0  }
0x18: {  	s0 =	sld [smem:$0x3F94];
	_ =	swait.ge [sflag:s4], $0x0  }
0x19: {  	s7 =	sld [smem:$0x3F95]  }
0x1a: {  	s8 =	sadd.s32 $0xFFFFE003, lr  }
0x1b: {  	s9 =	sadd.s32 $0xFFFFFEF7, lr;
	s5 =	simm.s32 $0xFFFFFFFF;
	p2 =	slt.u32 s8, $0xFFFFF086  }
0x1c: {  	p1 =	slt.u32 s9, $0xF7A;
	s5 =	simm.s32 @!p2 $0x0  }
0x1d: {  	s5 =	simm.s32 @p1 $0x1;
	p0 =	seq.s32 s7, s2  }
0x1e: {  	s7 =	smul.u32 @!p0 $0xF7A, s2;
	p2 =	seq.s32 @!p0 s5, $0x0  }
0x1f: {  	s9 =	smul.u32 $0xF7A, s1;
	s8 =	simm.s32 @!p0 $0x1BF5;
	p2 =	por !p2, p0  }
0x20: {  	[sflag:s8] =	ssyncset.s32 @!p0 $0xFFFFF086;
	s6 =	sadd.s32 @!p0 s3, s7;
	s7 =	simm.s32 @!p0 $0x108  }
0x21: {  	s3 =	sadd.s32 s3, s9;
	s6 =	sadd.s32 @!p0 $0x88, s6;
	s7 =	simm.s32 @p2 $0x1082  }
0x22: {  	[simem:s7], [sflag:s8] =	dma.local @!p0 [hbm:s6], $0xF7A  }
0x23: {  	s9 =	sor.u32 $0xD0000000, s2;
	s6 =	simm.s32 $0x108;
	_ =	swait.ge @!p0 [sflag:s8], $0x0  }
0x24: {  	s3 =	sadd.s32 $0x88, s3;
	s6 =	simm.s32 @!p1 $0x1082;
	[sflag:s4] =	ssyncset.s32 $0xFFFFF086  }
0x25: {  	[simem:s6], [sflag:s4] =	dma.local [hbm:s3], $0xF7A  }
0x26: {  	[smem:$0x3F95] =	sst s1;
	(tag) =	ssettag s2;
	_ =	strace s9  }
0x27: {  	s1 =	sld [smem:$0x3FA5]  }
0x28: {  	s2 =	sld [smem:$0x3FA6]  }
0x29: {  	s4 =	sld [smem:$0x3FA8]  }
0x2a: {  	p0 =	seq.s32 s5, $0x0;
	s5 =	sld [smem:$0x3FA9]  }
0x2b: {  	s6 =	sld [smem:$0x3FAA]  }
0x2c: {  	s7 =	sld [smem:$0x3FAB]  }
0x2d: {  	s3 =	simm.s32 $0x108;
	s8 =	sld [smem:$0x3FAC]  }
0x2e: {  	s3 =	simm.s32 @!p0 $0x1082;
	s9 =	sld [smem:$0x3FAD]  }
0x2f: {  	lr =	sadd.s32 s0, s3;
	s0 =	sld [smem:$0x3FA4]  }
0x30: {  	s3 =	sld [smem:$0x3FA7]  }
0x31: {  	[smem:$0x3FB0] =	sst s10  }
0x32: {  	s10 =	sld [smem:$0x3FAE];
	_ =	sdelay $0x3  }
0x33: {  	p0 =	seq.s32 s10, $0x1;
	s10 =	sld [smem:$0x3FB0];
	_ =	sdelay $0x3  }
0x34: {  	[smem:$0x3FB0] =	sst s10  }
0x35: {  	s10 =	sld [smem:$0x3FAF];
	_ =	sdelay $0x3  }
0x36: {  	p1 =	seq.s32 s10, $0x1;
	s10 =	sld [smem:$0x3FB0];
	_ =	sdelay $0x3  }
0x37: {  	[smem:$0x3FB0] =	sst s10  }
0x38: {  	s10 =	sld [smem:$0x3FB1]  }
0x39: {  	_ = 	snop;
	(pc) =	sbr.ind lr, $3  }
0x3a: {  	_ = 	snop  }
0x3b: {  	_ = 	snop  }
0x3c: {  	p2 =	seq.s32 s10, $0x1;
	s10 =	sld [smem:$0x3FB0]  }
0x3d: {  	_ =	shalt  }
0x3e: {  	_ =	shalt  }
0x3f: {  	_ =	shalt  }
0x40: {  	_ =	shalt  }
0x41: {  	_ =	shalt  }
0x42: {  	_ =	shalt  }
0x43: {  	_ =	shalt  }
0x44: {  	_ =	shalt  }
0x45: {  	_ =	shalt  }
0x46: {  	_ =	shalt  }
0x47: {  	_ =	shalt  }
0x48: {  	_ =	shalt  }
0x49: {  	_ =	shalt  }
0x4a: {  	_ =	shalt  }
0x4b: {  	_ =	shalt  }
0x4c: {  	_ =	shalt  }
0x4d: {  	_ =	shalt  }
0x4e: {  	_ =	shalt  }
0x4f: {  	_ =	shalt  }
0x50: {  	_ =	shalt  }
0x51: {  	_ =	shalt  }
0x52: {  	_ =	shalt  }
0x53: {  	_ =	shalt  }
0x54: {  	_ =	shalt  }
0x55: {  	_ =	shalt  }
0x56: {  	_ =	shalt  }
0x57: {  	_ =	shalt  }
0x58: {  	_ =	shalt  }
0x59: {  	_ =	shalt  }
0x5a: {  	_ =	shalt  }
0x5b: {  	_ =	shalt  }
0x5c: {  	_ =	shalt  }
0x5d: {  	_ =	shalt  }
0x5e: {  	_ =	shalt  }
0x5f: {  	_ =	shalt  }
0x60: {  	_ =	shalt  }
0x61: {  	_ =	shalt  }
0x62: {  	_ =	shalt  }
0x63: {  	_ =	shalt  }
0x64: {  	_ =	shalt  }
0x65: {  	_ =	shalt  }
0x66: {  	_ =	shalt  }
0x67: {  	_ =	shalt  }
0x68: {  	_ =	shalt  }
0x69: {  	_ =	shalt  }
0x6a: {  	_ =	shalt  }
0x6b: {  	_ =	shalt  }
0x6c: {  	_ =	shalt  }
0x6d: {  	_ =	shalt  }
0x6e: {  	_ =	shalt  }
0x6f: {  	_ =	shalt  }
0x70: {  	_ =	shalt  }
0x71: {  	_ =	shalt  }
0x72: {  	_ =	shalt  }
0x73: {  	_ =	shalt  }
0x74: {  	_ =	shalt  }
0x75: {  	_ =	shalt  }
0x76: {  	_ =	shalt  }
0x77: {  	_ =	shalt  }
0x78: {  	_ =	shalt  }
0x79: {  	_ =	shalt  }
0x7a: {  	_ =	shalt  }
0x7b: {  	_ =	shalt  }
0x7c: {  	_ =	shalt  }
0x7d: {  	_ =	shalt  }
0x7e: {  	_ =	shalt  }
0x7f: {  	_ =	shalt  }
0x80: {  	_ =	shalt  }
0x81: {  	_ =	shalt  }
0x82: {  	_ =	shalt  }
0x83: {  	_ =	shalt  }
0x84: {  	_ =	shalt  }
0x85: {  	_ =	shalt  }
0x86: {  	_ =	shalt  }
0x87: {  	_ =	shalt  }
.Lfunc_end0:
.L_simem_size_0:
called_computation.2_lowered:
.L_overlay_start_0:
0x88: {  	s2 =	sld [smem:$0x3FD9]  }
0x89: {  	s3 =	sld [smem:$0x3FFE];
	_ =	sdelay $0x1  }
0x8a: {  	s1 =	srdreg.scid  }
0x8b: {  	s0 =	sand.u32 $0x1, s1  }
0x8c: {  	s16 =	sshll.u32 s0, $0xA;
	s2 =	sadd.s32 s3, s2  }
0x8d: {  	s2 =	sadd.s32 s2, s16  }
0x8e: {  	[smem:$0x3FBC] =	sst s2  }
0x8f: {  	_ = 	snop  }
0x90: {  	(tm) =	ssettm $0x1  }
0x91: {  	s17 =	sld [smem:$0x3FFB];
	_ =	sdelay $0x3  }
0x92: {  	_ =	strace s17  }
0x93: {  	s2 =	sld [smem:$0x3FFC];
	_ =	sdelay $0x3  }
0x94: {  	_ =	strace s2  }
0x95: {  	s2 =	sld [smem:$0x3FFD];
	_ =	sdelay $0x3  }
0x96: {  	_ =	strace s2  }
0x97: {  	_ =	strace $0x8FFFFFFF  }
0x98: {  	s18 =	sld [smem:$0x3FDB];
	_ =	sdelay $0x1  }
0x99: {  	s19 =	simm.s32 $_scs_section_size  }
0x9a: {  	s4 =	simm.s32 $_size__tile_overlayer_lowered;
	s5 =	simm.s32 $_tile_overlayer_lowered  }
0x9b: {  	s22 =	simm.s32 $0x1BFF;
	s21 =	sshll.u32 s5, $0x1;
	s2 =	sadd.s32 s19, s18  }
0x9c: {  	s6 =	simm.s32 $0x0;
	s20 =	sshll.u32 s4, $0x1;
	s4 =	sadd.s32 s21, s2  }
0x9d: {  	[timem:s6], [sflag:s22] =	dma.local [hbm:s4], s20  }
0x9e: {  	_ =	swait.ge [sflag:s22], s20  }
0x9f: {  	s3 =	ssub.s32 $0x0, s20;
	[sflag:s22] =	ssyncset.done $0x0  }
0xa0: {  	[sflag:s22] =	ssyncadd.s32 s3;
	_ =	sdelay $0x1  }
0xa1: {  	s23 =	simm.s32 $0x1B8B  }
0xa2: {  	_ =	swait.ge [sflag:s23], $0x1  }
0xa3: {  	[sflag:s23] =	ssyncset.done $0x0  }
0xa4: {  	s25 =	simm.s32 $0x1B8E;
	s24 =	sld [smem:$0x3FFE];
	[sflag:s23] =	ssyncadd.s32 $0xFFFFFFFF  }
0xa5: {  	s26 =	simm.s32 $execute0_lowered;
	[smem:$0x3FD2] =	sst s25  }
0xa6: {  	s4 =	sshll.u32 s26, $0x1;
	_ =	strace $0x8000004C;
	[dreg:$0x1] =	wrdreg $0xFFFFFFFF  }
0xa7: {  	s28 =	simm.s32 $_size_execute0_lowered;
	s2 =	sadd.s32 s2, s4;
	[dreg:$0x0] =	wrdreg $0x0  }
0xa8: {  	s4 =	sshll.u32 s28, $0x1;
	[dreg:$0x2] =	wrdreg s2  }
0xa9: {  	[dreg:$0x3] =	wrdreg s4  }
0xaa: {  	[dreg:$0x4] =	wrdreg $0xC0  }
0xab: {  	_ =	task [dreg:s6], $0x5FFFF  }
0xac: {  	[dreg:$0x1] =	wrdreg $0xFFFFFFFF  }
0xad: {  	[dreg:$0x0] =	wrdreg $0x60  }
0xae: {  	[dreg:$0x2] =	wrdreg s24  }
0xaf: {  	[dreg:$0x3] =	wrdreg $0x9C000  }
0xb0: {  	[dreg:$0x4] =	wrdreg $0x9  }
0xb1: {  	_ =	task.clear_ibuf [dreg:s6], $0x5FFFF;
	_ =	strace $0x9000004C  }
0xb2: {  	s29 =	simm.s32 $0x9;
	_ =	strace $0x8000004E  }
0xb3: {  	_ =	swait.ge [sflag:s29], $0x1  }
0xb4: {  	[sflag:s29] =	ssyncadd.s32 $0xFFFFFFFF  }
0xb5: {  	_ =	strace $0x9000004E  }
0xb6: {  	_ =	sfence  }
0xb7: {  	s30 =	sld [smem:$0x0];
	_ =	sdelay $0x2  }
0xb8: {  	s31 =	sshll.u32 s1, $0xD;
	s1 =	sshrl.u32 s1, $0x2  }
0xb9: {  	s3 =	sand.u32 $0x4000, s31;
	s1 =	sadd.s32 s1, s30  }
0xba: {  	s0 =	sor.u32 s3, s0;
	s1 =	sshll.u32 s1, $0x11  }
0xbb: {  	s0 =	sor.u32 s1, s0  }
0xbc: {  	s0 =	sadd.s32 $0x8F2B, s0  }
0xbd: {  	[sflag:s0] =	ssyncadd.remote.s32 $0x1  }
0xbe: {  	_ =	sfence.sel $0xFFFF  }
0xbf: {  	[dreg:$0x0] =	wrdreg $0xFFFFFFFF;
	(pc) =	sbr.abs _section_cstart, $3  }
0xc0: {  	[dreg:$0x1] =	wrdreg $0xFFFFFFFF  }
0xc1: {  	_ =	task.clear_ibuf [dreg:s6], $0x2FFFF;
	_ =	strace $0x9FFFFFFF  }
0xc2: {  	(tm) =	ssettm $0x7FFFFFFF  }
0xc3: {  	_ =	shalt  }
tec
execute0_lowered:
.L_overlay_start_1:
0x0: {  	(tag) =	ssettag $0x1  }
0x1: {  	s0 =	srdreg.scid;
	s8 =	stileid.u32  }
0x2: {  	s0 =	sand.u32 $0x1, s0;
	s3 =	smul.u32 $0x5000, s8  }
0x3: {  	s1 =	smul.u32 $0x50000, s0  }
0x4: {  	s5 =	rddreg [dreg:$0x0]  }
0x5: {  	s2 =	rddreg [dreg:$0x1];
	s1 =	sadd.s32 s3, s1;
	s3 =	simm.s32 $0x0  }
0x6: {  	s6 =	simm.s32 $0x80;
	[smem:$0x7FF] =	sst s3  }
0x7: {  	s7 =	simm.s32 $0x100;
	_ =	strace $0x8000004D;
	[dreg:$0x5] =	wrdreg s6  }
0x8: {  	s9 =	simm.s32 $0x1080;
	[dreg:$0x6] =	wrdreg s7  }
0x9: {  	s10 =	simm.s32 $0x180;
	[dreg:$0x7] =	wrdreg s9  }
0xa: {  	s11 =	simm.s32 $0x1100;
	[dreg:$0x8] =	wrdreg s10  }
0xb: {  	s12 =	simm.s32 $0x200;
	[dreg:$0x9] =	wrdreg s11  }
0xc: {  	s13 =	simm.s32 $0x1180;
	[dreg:$0xa] =	wrdreg s12  }
0xd: {  	s14 =	simm.s32 $0x280;
	[dreg:$0xb] =	wrdreg s13  }
0xe: {  	s15 =	simm.s32 $0x1200;
	[dreg:$0xc] =	wrdreg s14  }
0xf: {  	s16 =	simm.s32 $0x300;
	[dreg:$0xd] =	wrdreg s15  }
0x10: {  	s17 =	simm.s32 $0x1280;
	s18 =	simm.s32 $0x380;
	[dreg:$0xe] =	wrdreg s16  }
0x11: {  	s19 =	simm.s32 $0x1300;
	s20 =	simm.s32 $0x400;
	[dreg:$0xf] =	wrdreg s17  }
0x12: {  	s21 =	simm.s32 $0x1380;
	s22 =	simm.s32 $0x480;
	[dreg:$0x10] =	wrdreg s18  }
0x13: {  	s23 =	simm.s32 $0x1400;
	s25 =	simm.s32 $0x500;
	[dreg:$0x11] =	wrdreg s19  }
0x14: {  	s28 =	simm.s32 $0x1A80;
	s29 =	simm.s32 $0xB80;
	[dreg:$0x12] =	wrdreg s20  }
0x15: {  	s30 =	simm.s32 $0x1B00;
	s31 =	simm.s32 $0xC00;
	[dreg:$0x13] =	wrdreg s21  }
0x16: {  	s26 =	smul.u32 $0x50000, s8;
	s1 =	sshrl.u32 s1, $0x3;
	[dreg:$0x14] =	wrdreg s22  }
0x17: {  	s1 =	sadd.s32 s1, s5;
	s6 =	smul.u32 $0x140000, s0;
	[dreg:$0x15] =	wrdreg s23  }
0x18: {  	s7 =	smul.u32 $0x14000, s8;
	[dreg:$0x16] =	wrdreg s25;
	s8 =	simm.s32 $0x1480  }
0x19: {  	s0 =	ssub.s32 $0x2, s0;
	s9 =	simm.s32 $0x580;
	[dreg:$0x17] =	wrdreg s8  }
0x1a: {  	s10 =	sshrl.u32 s26, $0x2;
	s11 =	simm.s32 $0x1500;
	[dreg:$0x18] =	wrdreg s9  }
0x1b: {  	s12 =	simm.s32 $0x600;
	s13 =	simm.s32 $0x1580;
	[dreg:$0x19] =	wrdreg s11  }
0x1c: {  	s14 =	simm.s32 $0x680;
	s15 =	simm.s32 $0x1600;
	[dreg:$0x1a] =	wrdreg s12  }
0x1d: {  	s16 =	simm.s32 $0x700;
	s17 =	simm.s32 $0x1680;
	[dreg:$0x1b] =	wrdreg s13  }
0x1e: {  	s18 =	simm.s32 $0x780;
	s19 =	simm.s32 $0x1700;
	[dreg:$0x1c] =	wrdreg s14  }
0x1f: {  	s20 =	simm.s32 $0x800;
	s21 =	simm.s32 $0x1780;
	[dreg:$0x1d] =	wrdreg s15  }
0x20: {  	s22 =	simm.s32 $0x880;
	s23 =	simm.s32 $0x1800;
	[dreg:$0x1e] =	wrdreg s16  }
0x21: {  	s25 =	simm.s32 $0x1880;
	s26 =	simm.s32 $0x980;
	[dreg:$0x1f] =	wrdreg s17  }
0x22: {  	s4 =	sadd.s32 $0x14E00, s1;
	s1 =	sadd.s32 $0x28E00, s1;
	[smem:$0x7F5] =	sst s18  }
0x23: {  	s24 =	sshrl.u32 s0, $0x1;
	s9 =	simm.s32 $0x7;
	[smem:$0x7F6] =	sst s19  }
0x24: {  	s11 =	simm.s32 $0x50;
	s12 =	simm.s32 $0x2000;
	[smem:$0x7F7] =	sst s20  }
0x25: {  	s13 =	simm.s32 $0x4800;
	s14 =	simm.s32 $0x1;
	[smem:$0x7F8] =	sst s21  }
0x26: {  	s15 =	simm.s32 $0x7000;
	s16 =	simm.s32 $0x2;
	[smem:$0x7F9] =	sst s22  }
0x27: {  	s17 =	simm.s32 $0x4;
	[smem:$0x7FA] =	sst s23;
	s18 =	simm.s32 $0x3  }
0x28: {  	s19 =	simm.s32 $0x5;
	[smem:$0x7FC] =	sst s25;
	s20 =	simm.s32 $0x6  }
0x29: {  	[smem:$0x7FD] =	sst s26;
	s22 =	simm.s32 $0xA00;
	s23 =	simm.s32 $0x1980  }
0x2a: {  	s25 =	simm.s32 $0x1A00;
	s26 =	simm.s32 $0xB00;
	[dreg:$0x3] =	wrdreg s4  }
0x2b: {  	[dreg:$0x4] =	wrdreg s1;
	s4 =	sadd.s32 $0x3CE00, s5;
	s6 =	sadd.s32 s7, s6  }
0x2c: {  	s0 =	ssub.s32 s0, s24;
	s24 =	simm.s32 $0x900;
	s1 =	simm.s32 $0x1B80  }
0x2d: {  	s7 =	simm.s32 $0x0;
	s6 =	sshrl.u32 s6, $0x3;
	s0 =	smax.u32 s0, $0x1  }
0x2e: {  	[smem:$0x7FB] =	sst s24;
	s24 =	simm.s32 $0xA80;
	s6 =	sadd.s32 s6, s5  }
0x2f: {  	s5 =	sadd.s32 s10, s2;
	[smem:$0x7F4] =	sst s0;
	s6 =	sadd.s32 $0x8CE00, s6  }
0x30: {  	v0 =	vimm.f32 $0.0e+00;
	s10 =	simm.s32 $0x1000;
	s0 =	simm.s32 $0x1C00;
	[smem:$0x7F3] =	sst s6  }
.LBB2_1:
0x31: {  	[smem:$0x7F2] =	sst s7;
	s6 =	simm.s32 $0x0;
	s7 =	simm.s32 $0x0  }
.LBB2_2:
0x32: {  	p0 =	sne.s32 s7, $0xFC0  }
.Ltmp0:
0x33: {  	_ = 	snop;
	(pc) =	sbr.rel @p0 .LBB2_2-.Ltmp0, $4  }
0x34: {  	s8 =	sand.u32 $0xE00, s7  }
0x35: {  	s21 =	sand.u32 $0x70, s6;
	s8 =	sshrl.u32 s8, $0x2  }
0x36: {  	s8 =	sor.u32 s21, s8  }
0x37: {  	s6 =	sadd.s32 $0x10, s6;
	s7 =	sadd.s32 $0x40, s7;
	[tilespmem:s8+$0x9800] =	vst v0  }
0x38: {  	s6 =	sadd.s32 $0x0, s5;
	s8 =	simm.s32 $0x9800  }
0x39: {  	[spmem:s6] =	stream.linear.scatter [tilespmem:s8], [sflag:$0x7], $0x400, $0x38;
	[tilespmem:$0x1DC00] =	vst v63  }
0x3a: {  	s6 =	simm.s32 $0x1000;
	_ =	swait.ge [sflag:s9], $0x400  }
.LBB2_4:
0x3b: {  	s7 =	sshra.s32 s6, $0x2;
	[sflag:s9] =	ssyncset.done $0x0;
	p0 =	sne.s32 s6, $0x4F000  }
.Ltmp1:
0x3c: {  	s7 =	sadd.s32 s7, s5;
	[sflag:s9] =	ssyncadd.s32 $0xFFFFFC00;
	(pc) =	sbr.rel @p0 .LBB2_4-.Ltmp1, $3  }
0x3d: {  	[spmem:s7] =	stream.linear.scatter [tilespmem:s8], [sflag:$0x7], $0x400, $0x38;
	[tilespmem:$0x1DC00] =	vst v63  }
0x3e: {  	s6 =	sadd.s32 $0x1000, s6;
	_ =	sdelay $0x1  }
0x3f: {  	_ =	swait.ge [sflag:s9], $0x400  }
0x40: {  	[sflag:s9] =	ssyncset.done $0x0  }
0x41: {  	[sflag:s9] =	ssyncadd.s32 $0xFFFFFC00  }
0x42: {  	[bflag:$0x0] =	sbarrier.arrive $0xFFFF  }
0x43: {  	s6 =	rddreg [dreg:$0x4]  }
0x44: {  	s6 =	sadd.s32 $0x0, s6  }
0x45: {  	[tilespmem:s3], [sflag:$0x7] =	stream.linear.gather [hbm4b:s6+s3], $0xC80, $0x38;
	[tilespmem:$0x1DC00] =	vst v63  }
0x46: {  	_ =	swait.ge [sflag:s9], $0xC80  }
0x47: {  	s8 =	rddreg [dreg:$0x3];
	[sflag:s9] =	ssyncset.done $0x0  }
0x48: {  	[sflag:s9] =	ssyncadd.s32 $0xFFFFF380;
	s6 =	sadd.s32 $0x0, s8  }
0x49: {  	[tilespmem:s10], [sflag:$0x7] =	stream.linear.gather [hbm4b:s6+s3], $0xC80, $0x38;
	[tilespmem:$0x1DC00] =	vst v63  }
0x4a: {  	_ =	swait.ge [sflag:s9], $0xC80  }
0x4b: {  	[sflag:s9] =	ssyncset.done $0x0  }
0x4c: {  	[sflag:s9] =	ssyncadd.s32 $0xFFFFF380  }
0x4d: {  	[tilespmem:s12], [sflag:$0x1] =	stream.indirect.gather [hbm4b:s4+s11], $0x80, s3, s11, $0xb8;
	[tilespmem:$0x1DC00] =	vst v63  }
0x4e: {  	s21 =	rddreg [dreg:$0x5]  }
0x4f: {  	[tilespmem:s13], [sflag:$0x2] =	stream.indirect.gather [hbm4b:s4+s11], $0x80, s21, s11, $0xb8;
	[tilespmem:$0x1DC00] =	vst v63  }
0x50: {  	_ =	swait.ge [sflag:s14], $0x2800  }
0x51: {  	[sflag:s14] =	ssyncset.done $0x0  }
0x52: {  	[sflag:s14] =	ssyncadd.s32 $0xFFFFD800  }
0x53: {  	[spmem:s2] =	stream.indirect.scatter.add.f32 [tilespmem:s12], [sflag:$0x4], $0x80, s10, s11, $0xb8;
	[tilespmem:$0x1DC00] =	vst v63  }
0x54: {  	s7 =	rddreg [dreg:$0x6]  }
0x55: {  	[tilespmem:s15], [sflag:$0x3] =	stream.indirect.gather [hbm4b:s4+s11], $0x80, s7, s11, $0xb8;
	[tilespmem:$0x1DC00] =	vst v63  }
0x56: {  	_ =	swait.ge [sflag:s16], $0x2800  }
0x57: {  	[sflag:s16] =	ssyncset.done $0x0  }
0x58: {  	s8 =	rddreg [dreg:$0x7];
	[sflag:s16] =	ssyncadd.s32 $0xFFFFD800  }
0x59: {  	[spmem:s2] =	stream.indirect.scatter.add.f32 [tilespmem:s13], [sflag:$0x5], $0x80, s8, s11, $0xb8;
	[tilespmem:$0x1DC00] =	vst v63  }
0x5a: {  	_ =	swait.ge [sflag:s17], $0x2800  }
0x5b: {  	[sflag:s17] =	ssyncset.done $0x0  }
0x5c: {  	s21 =	rddreg [dreg:$0x8];
	[sflag:s17] =	ssyncadd.s32 $0xFFFFD800  }
0x5d: {  	[tilespmem:s12], [sflag:$0x1] =	stream.indirect.gather [hbm4b:s4+s11], $0x80, s21, s11, $0xb8;
	[tilespmem:$0x1DC00] =	vst v63  }
0x5e: {  	_ =	swait.ge [sflag:s18], $0x2800  }
0x5f: {  	[sflag:s18] =	ssyncset.done $0x0  }
0x60: {  	s7 =	rddreg [dreg:$0x9];
	[sflag:s18] =	ssyncadd.s32 $0xFFFFD800  }
0x61: {  	[spmem:s2] =	stream.indirect.scatter.add.f32 [tilespmem:s15], [sflag:$0x6], $0x80, s7, s11, $0xb8;
	[tilespmem:$0x1DC00] =	vst v63  }
0x62: {  	_ =	swait.ge [sflag:s19], $0x2800  }
0x63: {  	[sflag:s19] =	ssyncset.done $0x0  }
0x64: {  	s8 =	rddreg [dreg:$0xa];
	[sflag:s19] =	ssyncadd.s32 $0xFFFFD800  }
0x65: {  	[tilespmem:s13], [sflag:$0x2] =	stream.indirect.gather [hbm4b:s4+s11], $0x80, s8, s11, $0xb8;
	[tilespmem:$0x1DC00] =	vst v63  }
0x66: {  	_ =	swait.ge [sflag:s14], $0x2800  }
0x67: {  	[sflag:s14] =	ssyncset.done $0x0  }
0x68: {  	s21 =	rddreg [dreg:$0xb];
	[sflag:s14] =	ssyncadd.s32 $0xFFFFD800  }
0x69: {  	[spmem:s2] =	stream.indirect.scatter.add.f32 [tilespmem:s12], [sflag:$0x4], $0x80, s21, s11, $0xb8;
	[tilespmem:$0x1DC00] =	vst v63  }
0x6a: {  	_ =	swait.ge [sflag:s20], $0x2800  }
0x6b: {  	[sflag:s20] =	ssyncset.done $0x0  }
0x6c: {  	s7 =	rddreg [dreg:$0xc];
	[sflag:s20] =	ssyncadd.s32 $0xFFFFD800  }
0x6d: {  	[tilespmem:s15], [sflag:$0x3] =	stream.indirect.gather [hbm4b:s4+s11], $0x80, s7, s11, $0xb8;
	[tilespmem:$0x1DC00] =	vst v63  }
0x6e: {  	_ =	swait.ge [sflag:s16], $0x2800  }
0x6f: {  	[sflag:s16] =	ssyncset.done $0x0  }
0x70: {  	s8 =	rddreg [dreg:$0xd];
	[sflag:s16] =	ssyncadd.s32 $0xFFFFD800  }
0x71: {  	[spmem:s2] =	stream.indirect.scatter.add.f32 [tilespmem:s13], [sflag:$0x5], $0x80, s8, s11, $0xb8;
	[tilespmem:$0x1DC00] =	vst v63  }
0x72: {  	_ =	swait.ge [sflag:s17], $0x2800  }
0x73: {  	[sflag:s17] =	ssyncset.done $0x0  }
0x74: {  	s21 =	rddreg [dreg:$0xe];
	[sflag:s17] =	ssyncadd.s32 $0xFFFFD800  }
0x75: {  	[tilespmem:s12], [sflag:$0x1] =	stream.indirect.gather [hbm4b:s4+s11], $0x80, s21, s11, $0xb8;
	[tilespmem:$0x1DC00] =	vst v63  }
0x76: {  	_ =	swait.ge [sflag:s18], $0x2800  }
0x77: {  	[sflag:s18] =	ssyncset.done $0x0  }
0x78: {  	s7 =	rddreg [dreg:$0xf];
	[sflag:s18] =	ssyncadd.s32 $0xFFFFD800  }
0x79: {  	[spmem:s2] =	stream.indirect.scatter.add.f32 [tilespmem:s15], [sflag:$0x6], $0x80, s7, s11, $0xb8;
	[tilespmem:$0x1DC00] =	vst v63  }
0x7a: {  	_ =	swait.ge [sflag:s19], $0x2800  }
0x7b: {  	[sflag:s19] =	ssyncset.done $0x0  }
0x7c: {  	s8 =	rddreg [dreg:$0x10];
	[sflag:s19] =	ssyncadd.s32 $0xFFFFD800  }
0x7d: {  	[tilespmem:s13], [sflag:$0x2] =	stream.indirect.gather [hbm4b:s4+s11], $0x80, s8, s11, $0xb8;
	[tilespmem:$0x1DC00] =	vst v63  }
0x7e: {  	_ =	swait.ge [sflag:s14], $0x2800  }
0x7f: {  	[sflag:s14] =	ssyncset.done $0x0  }
0x80: {  	s21 =	rddreg [dreg:$0x11];
	[sflag:s14] =	ssyncadd.s32 $0xFFFFD800  }
0x81: {  	[spmem:s2] =	stream.indirect.scatter.add.f32 [tilespmem:s12], [sflag:$0x4], $0x80, s21, s11, $0xb8;
	[tilespmem:$0x1DC00] =	vst v63  }
0x82: {  	_ =	swait.ge [sflag:s20], $0x2800  }
0x83: {  	[sflag:s20] =	ssyncset.done $0x0  }
0x84: {  	s7 =	rddreg [dreg:$0x12];
	[sflag:s20] =	ssyncadd.s32 $0xFFFFD800  }
0x85: {  	[tilespmem:s15], [sflag:$0x3] =	stream.indirect.gather [hbm4b:s4+s11], $0x80, s7, s11, $0xb8;
	[tilespmem:$0x1DC00] =	vst v63  }
0x86: {  	_ =	swait.ge [sflag:s16], $0x2800  }
0x87: {  	[sflag:s16] =	ssyncset.done $0x0  }
0x88: {  	s8 =	rddreg [dreg:$0x13];
	[sflag:s16] =	ssyncadd.s32 $0xFFFFD800  }
0x89: {  	[spmem:s2] =	stream.indirect.scatter.add.f32 [tilespmem:s13], [sflag:$0x5], $0x80, s8, s11, $0xb8;
	[tilespmem:$0x1DC00] =	vst v63  }
0x8a: {  	_ =	swait.ge [sflag:s17], $0x2800  }
0x8b: {  	[sflag:s17] =	ssyncset.done $0x0  }
0x8c: {  	s21 =	rddreg [dreg:$0x14];
	[sflag:s17] =	ssyncadd.s32 $0xFFFFD800  }
0x8d: {  	[tilespmem:s12], [sflag:$0x1] =	stream.indirect.gather [hbm4b:s4+s11], $0x80, s21, s11, $0xb8;
	[tilespmem:$0x1DC00] =	vst v63  }
0x8e: {  	_ =	swait.ge [sflag:s18], $0x2800  }
0x8f: {  	[sflag:s18] =	ssyncset.done $0x0  }
0x90: {  	s7 =	rddreg [dreg:$0x15];
	[sflag:s18] =	ssyncadd.s32 $0xFFFFD800  }
0x91: {  	[spmem:s2] =	stream.indirect.scatter.add.f32 [tilespmem:s15], [sflag:$0x6], $0x80, s7, s11, $0xb8;
	[tilespmem:$0x1DC00] =	vst v63  }
0x92: {  	_ =	swait.ge [sflag:s19], $0x2800  }
0x93: {  	[sflag:s19] =	ssyncset.done $0x0  }
0x94: {  	s8 =	rddreg [dreg:$0x16];
	[sflag:s19] =	ssyncadd.s32 $0xFFFFD800  }
0x95: {  	[tilespmem:s13], [sflag:$0x2] =	stream.indirect.gather [hbm4b:s4+s11], $0x80, s8, s11, $0xb8;
	[tilespmem:$0x1DC00] =	vst v63  }
0x96: {  	_ =	swait.ge [sflag:s14], $0x2800  }
0x97: {  	[sflag:s14] =	ssyncset.done $0x0  }
0x98: {  	s21 =	rddreg [dreg:$0x17];
	[sflag:s14] =	ssyncadd.s32 $0xFFFFD800  }
0x99: {  	[spmem:s2] =	stream.indirect.scatter.add.f32 [tilespmem:s12], [sflag:$0x4], $0x80, s21, s11, $0xb8;
	[tilespmem:$0x1DC00] =	vst v63  }
0x9a: {  	_ =	swait.ge [sflag:s20], $0x2800  }
0x9b: {  	[sflag:s20] =	ssyncset.done $0x0  }
0x9c: {  	s7 =	rddreg [dreg:$0x18];
	[sflag:s20] =	ssyncadd.s32 $0xFFFFD800  }
0x9d: {  	[tilespmem:s15], [sflag:$0x3] =	stream.indirect.gather [hbm4b:s4+s11], $0x80, s7, s11, $0xb8;
	[tilespmem:$0x1DC00] =	vst v63  }
0x9e: {  	_ =	swait.ge [sflag:s16], $0x2800  }
0x9f: {  	[sflag:s16] =	ssyncset.done $0x0  }
0xa0: {  	s8 =	rddreg [dreg:$0x19];
	[sflag:s16] =	ssyncadd.s32 $0xFFFFD800  }
0xa1: {  	[spmem:s2] =	stream.indirect.scatter.add.f32 [tilespmem:s13], [sflag:$0x5], $0x80, s8, s11, $0xb8;
	[tilespmem:$0x1DC00] =	vst v63  }
0xa2: {  	_ =	swait.ge [sflag:s17], $0x2800  }
0xa3: {  	[sflag:s17] =	ssyncset.done $0x0  }
0xa4: {  	s21 =	rddreg [dreg:$0x1a];
	[sflag:s17] =	ssyncadd.s32 $0xFFFFD800  }
0xa5: {  	[tilespmem:s12], [sflag:$0x1] =	stream.indirect.gather [hbm4b:s4+s11], $0x80, s21, s11, $0xb8;
	[tilespmem:$0x1DC00] =	vst v63  }
0xa6: {  	_ =	swait.ge [sflag:s18], $0x2800  }
0xa7: {  	[sflag:s18] =	ssyncset.done $0x0  }
0xa8: {  	s7 =	rddreg [dreg:$0x1b];
	[sflag:s18] =	ssyncadd.s32 $0xFFFFD800  }
0xa9: {  	[spmem:s2] =	stream.indirect.scatter.add.f32 [tilespmem:s15], [sflag:$0x6], $0x80, s7, s11, $0xb8;
	[tilespmem:$0x1DC00] =	vst v63  }
0xaa: {  	_ =	swait.ge [sflag:s19], $0x2800  }
0xab: {  	[sflag:s19] =	ssyncset.done $0x0  }
0xac: {  	s8 =	rddreg [dreg:$0x1c];
	[sflag:s19] =	ssyncadd.s32 $0xFFFFD800  }
0xad: {  	[tilespmem:s13], [sflag:$0x2] =	stream.indirect.gather [hbm4b:s4+s11], $0x80, s8, s11, $0xb8;
	[tilespmem:$0x1DC00] =	vst v63  }
0xae: {  	_ =	swait.ge [sflag:s14], $0x2800  }
0xaf: {  	[sflag:s14] =	ssyncset.done $0x0  }
0xb0: {  	s21 =	rddreg [dreg:$0x1d];
	[sflag:s14] =	ssyncadd.s32 $0xFFFFD800  }
0xb1: {  	[spmem:s2] =	stream.indirect.scatter.add.f32 [tilespmem:s12], [sflag:$0x4], $0x80, s21, s11, $0xb8;
	[tilespmem:$0x1DC00] =	vst v63  }
0xb2: {  	_ =	swait.ge [sflag:s20], $0x2800  }
0xb3: {  	[sflag:s20] =	ssyncset.done $0x0  }
0xb4: {  	s7 =	rddreg [dreg:$0x1e];
	[sflag:s20] =	ssyncadd.s32 $0xFFFFD800  }
0xb5: {  	[tilespmem:s15], [sflag:$0x3] =	stream.indirect.gather [hbm4b:s4+s11], $0x80, s7, s11, $0xb8;
	[tilespmem:$0x1DC00] =	vst v63  }
0xb6: {  	_ =	swait.ge [sflag:s16], $0x2800  }
0xb7: {  	[sflag:s16] =	ssyncset.done $0x0  }
0xb8: {  	s8 =	rddreg [dreg:$0x1f];
	[sflag:s16] =	ssyncadd.s32 $0xFFFFD800  }
0xb9: {  	[spmem:s2] =	stream.indirect.scatter.add.f32 [tilespmem:s13], [sflag:$0x5], $0x80, s8, s11, $0xb8;
	[tilespmem:$0x1DC00] =	vst v63  }
0xba: {  	_ =	swait.ge [sflag:s17], $0x2800  }
0xbb: {  	s21 =	sld [smem:$0x7F5]  }
0xbc: {  	[sflag:s17] =	ssyncset.done $0x0  }
0xbd: {  	[sflag:s17] =	ssyncadd.s32 $0xFFFFD800  }
0xbe: {  	[tilespmem:s12], [sflag:$0x1] =	stream.indirect.gather [hbm4b:s4+s11], $0x80, s21, s11, $0xb8;
	[tilespmem:$0x1DC00] =	vst v63  }
0xbf: {  	_ =	swait.ge [sflag:s18], $0x2800  }
0xc0: {  	s7 =	sld [smem:$0x7F6]  }
0xc1: {  	[sflag:s18] =	ssyncset.done $0x0  }
0xc2: {  	[sflag:s18] =	ssyncadd.s32 $0xFFFFD800  }
0xc3: {  	[spmem:s2] =	stream.indirect.scatter.add.f32 [tilespmem:s15], [sflag:$0x6], $0x80, s7, s11, $0xb8;
	[tilespmem:$0x1DC00] =	vst v63  }
0xc4: {  	_ =	swait.ge [sflag:s19], $0x2800  }
0xc5: {  	s8 =	sld [smem:$0x7F7]  }
0xc6: {  	[sflag:s19] =	ssyncset.done $0x0  }
0xc7: {  	[sflag:s19] =	ssyncadd.s32 $0xFFFFD800  }
0xc8: {  	[tilespmem:s13], [sflag:$0x2] =	stream.indirect.gather [hbm4b:s4+s11], $0x80, s8, s11, $0xb8;
	[tilespmem:$0x1DC00] =	vst v63  }
0xc9: {  	_ =	swait.ge [sflag:s14], $0x2800  }
0xca: {  	s21 =	sld [smem:$0x7F8]  }
0xcb: {  	[sflag:s14] =	ssyncset.done $0x0  }
0xcc: {  	[sflag:s14] =	ssyncadd.s32 $0xFFFFD800  }
0xcd: {  	[spmem:s2] =	stream.indirect.scatter.add.f32 [tilespmem:s12], [sflag:$0x4], $0x80, s21, s11, $0xb8;
	[tilespmem:$0x1DC00] =	vst v63  }
0xce: {  	_ =	swait.ge [sflag:s20], $0x2800  }
0xcf: {  	s7 =	sld [smem:$0x7F9]  }
0xd0: {  	[sflag:s20] =	ssyncset.done $0x0  }
0xd1: {  	[sflag:s20] =	ssyncadd.s32 $0xFFFFD800  }
0xd2: {  	[tilespmem:s15], [sflag:$0x3] =	stream.indirect.gather [hbm4b:s4+s11], $0x80, s7, s11, $0xb8;
	[tilespmem:$0x1DC00] =	vst v63  }
0xd3: {  	_ =	swait.ge [sflag:s16], $0x2800  }
0xd4: {  	s8 =	sld [smem:$0x7FA]  }
0xd5: {  	[sflag:s16] =	ssyncset.done $0x0  }
0xd6: {  	[sflag:s16] =	ssyncadd.s32 $0xFFFFD800  }
0xd7: {  	[spmem:s2] =	stream.indirect.scatter.add.f32 [tilespmem:s13], [sflag:$0x5], $0x80, s8, s11, $0xb8;
	[tilespmem:$0x1DC00] =	vst v63  }
0xd8: {  	_ =	swait.ge [sflag:s17], $0x2800  }
0xd9: {  	s21 =	sld [smem:$0x7FB]  }
0xda: {  	[sflag:s17] =	ssyncset.done $0x0  }
0xdb: {  	[sflag:s17] =	ssyncadd.s32 $0xFFFFD800  }
0xdc: {  	[tilespmem:s12], [sflag:$0x1] =	stream.indirect.gather [hbm4b:s4+s11], $0x80, s21, s11, $0xb8;
	[tilespmem:$0x1DC00] =	vst v63  }
0xdd: {  	_ =	swait.ge [sflag:s18], $0x2800  }
0xde: {  	s7 =	sld [smem:$0x7FC]  }
0xdf: {  	[sflag:s18] =	ssyncset.done $0x0  }
0xe0: {  	[sflag:s18] =	ssyncadd.s32 $0xFFFFD800  }
0xe1: {  	[spmem:s2] =	stream.indirect.scatter.add.f32 [tilespmem:s15], [sflag:$0x6], $0x80, s7, s11, $0xb8;
	[tilespmem:$0x1DC00] =	vst v63  }
0xe2: {  	_ =	swait.ge [sflag:s19], $0x2800  }
0xe3: {  	s8 =	sld [smem:$0x7FD]  }
0xe4: {  	[sflag:s19] =	ssyncset.done $0x0  }
0xe5: {  	[sflag:s19] =	ssyncadd.s32 $0xFFFFD800  }
0xe6: {  	[tilespmem:s13], [sflag:$0x2] =	stream.indirect.gather [hbm4b:s4+s11], $0x80, s8, s11, $0xb8;
	[tilespmem:$0x1DC00] =	vst v63  }
0xe7: {  	_ =	swait.ge [sflag:s14], $0x2800  }
0xe8: {  	[sflag:s14] =	ssyncset.done $0x0  }
0xe9: {  	s21 =	simm.s32 $0x1900;
	[sflag:s14] =	ssyncadd.s32 $0xFFFFD800  }
0xea: {  	[spmem:s2] =	stream.indirect.scatter.add.f32 [tilespmem:s12], [sflag:$0x4], $0x80, s21, s11, $0xb8;
	[tilespmem:$0x1DC00] =	vst v63  }
0xeb: {  	_ =	swait.ge [sflag:s20], $0x2800  }
0xec: {  	[sflag:s20] =	ssyncset.done $0x0  }
0xed: {  	[sflag:s20] =	ssyncadd.s32 $0xFFFFD800  }
0xee: {  	[tilespmem:s15], [sflag:$0x3] =	stream.indirect.gather [hbm4b:s4+s11], $0x80, s22, s11, $0xb8;
	[tilespmem:$0x1DC00] =	vst v63  }
0xef: {  	_ =	swait.ge [sflag:s16], $0x2800  }
0xf0: {  	[sflag:s16] =	ssyncset.done $0x0  }
0xf1: {  	[sflag:s16] =	ssyncadd.s32 $0xFFFFD800  }
0xf2: {  	[spmem:s2] =	stream.indirect.scatter.add.f32 [tilespmem:s13], [sflag:$0x5], $0x80, s23, s11, $0xb8;
	[tilespmem:$0x1DC00] =	vst v63  }
0xf3: {  	_ =	swait.ge [sflag:s17], $0x2800  }
0xf4: {  	[sflag:s17] =	ssyncset.done $0x0  }
0xf5: {  	[sflag:s17] =	ssyncadd.s32 $0xFFFFD800  }
0xf6: {  	[tilespmem:s12], [sflag:$0x1] =	stream.indirect.gather [hbm4b:s4+s11], $0x80, s24, s11, $0xb8;
	[tilespmem:$0x1DC00] =	vst v63  }
0xf7: {  	_ =	swait.ge [sflag:s18], $0x2800  }
0xf8: {  	[sflag:s18] =	ssyncset.done $0x0  }
0xf9: {  	[sflag:s18] =	ssyncadd.s32 $0xFFFFD800  }
0xfa: {  	[spmem:s2] =	stream.indirect.scatter.add.f32 [tilespmem:s15], [sflag:$0x6], $0x80, s25, s11, $0xb8;
	[tilespmem:$0x1DC00] =	vst v63  }
0xfb: {  	_ =	swait.ge [sflag:s19], $0x2800  }
0xfc: {  	[sflag:s19] =	ssyncset.done $0x0  }
0xfd: {  	[sflag:s19] =	ssyncadd.s32 $0xFFFFD800  }
0xfe: {  	[tilespmem:s13], [sflag:$0x2] =	stream.indirect.gather [hbm4b:s4+s11], $0x80, s26, s11, $0xb8;
	[tilespmem:$0x1DC00] =	vst v63  }
0xff: {  	_ =	swait.ge [sflag:s14], $0x2800  }
0x100: {  	[sflag:s14] =	ssyncset.done $0x0  }
0x101: {  	[sflag:s14] =	ssyncadd.s32 $0xFFFFD800  }
0x102: {  	[spmem:s2] =	stream.indirect.scatter.add.f32 [tilespmem:s12], [sflag:$0x4], $0x80, s28, s11, $0xb8;
	[tilespmem:$0x1DC00] =	vst v63  }
0x103: {  	_ =	swait.ge [sflag:s20], $0x2800  }
0x104: {  	[sflag:s20] =	ssyncset.done $0x0  }
0x105: {  	[sflag:s20] =	ssyncadd.s32 $0xFFFFD800  }
0x106: {  	[tilespmem:s15], [sflag:$0x3] =	stream.indirect.gather [hbm4b:s4+s11], $0x80, s29, s11, $0xb8;
	[tilespmem:$0x1DC00] =	vst v63  }
0x107: {  	_ =	swait.ge [sflag:s16], $0x2800  }
0x108: {  	[sflag:s16] =	ssyncset.done $0x0  }
0x109: {  	[sflag:s16] =	ssyncadd.s32 $0xFFFFD800  }
0x10a: {  	[spmem:s2] =	stream.indirect.scatter.add.f32 [tilespmem:s13], [sflag:$0x5], $0x80, s30, s11, $0xb8;
	[tilespmem:$0x1DC00] =	vst v63  }
0x10b: {  	_ =	swait.ge [sflag:s17], $0x2800  }
0x10c: {  	[sflag:s17] =	ssyncset.done $0x0  }
0x10d: {  	[sflag:s17] =	ssyncadd.s32 $0xFFFFD800  }
0x10e: {  	[tilespmem:s12], [sflag:$0x1] =	stream.indirect.gather [hbm4b:s4+s11], $0x80, s31, s11, $0xb8;
	[tilespmem:$0x1DC00] =	vst v63  }
0x10f: {  	_ =	swait.ge [sflag:s18], $0x2800  }
0x110: {  	[sflag:s18] =	ssyncset.done $0x0  }
0x111: {  	[sflag:s18] =	ssyncadd.s32 $0xFFFFD800  }
0x112: {  	[spmem:s2] =	stream.indirect.scatter.add.f32 [tilespmem:s15], [sflag:$0x6], $0x80, s1, s11, $0xb8;
	[tilespmem:$0x1DC00] =	vst v63  }
0x113: {  	_ =	swait.ge [sflag:s14], $0x2800  }
0x114: {  	[sflag:s14] =	ssyncset.done $0x0  }
0x115: {  	[sflag:s14] =	ssyncadd.s32 $0xFFFFD800  }
0x116: {  	[spmem:s2] =	stream.indirect.scatter.add.f32 [tilespmem:s12], [sflag:$0x4], $0x80, s0, s11, $0xb8;
	[tilespmem:$0x1DC00] =	vst v63  }
0x117: {  	_ =	swait.ge [sflag:s19], $0x2800  }
0x118: {  	[sflag:s19] =	ssyncset.done $0x0  }
0x119: {  	[sflag:s19] =	ssyncadd.s32 $0xFFFFD800  }
0x11a: {  	_ =	swait.ge [sflag:s20], $0x2800  }
0x11b: {  	[sflag:s20] =	ssyncset.done $0x0  }
0x11c: {  	[sflag:s20] =	ssyncadd.s32 $0xFFFFD800  }
0x11d: {  	s6 =	simm.s32 $0x400;
	_ =	swait.ge [sflag:s17], $0x2800  }
0x11e: {  	s7 =	simm.s32 $0x200;
	s8 =	rddreg [dreg:$0x4];
	[sflag:s17] =	ssyncset.done $0x0  }
.LBB2_6:
0x11f: {  	[sflag:s17] =	ssyncadd.s32 $0xFFFFD800;
	s8 =	sadd.s32 s7, s8  }
0x120: {  	[tilespmem:s3], [sflag:$0x7] =	stream.linear.gather [hbm4b:s8+s3], $0xC80, $0x38;
	[tilespmem:$0x1DC00] =	vst v63  }
0x121: {  	_ =	swait.ge [sflag:s9], $0xC80  }
0x122: {  	s8 =	rddreg [dreg:$0x3];
	[sflag:s9] =	ssyncset.done $0x0  }
0x123: {  	[sflag:s9] =	ssyncadd.s32 $0xFFFFF380;
	s8 =	sadd.s32 s7, s8  }
0x124: {  	[tilespmem:s10], [sflag:$0x7] =	stream.linear.gather [hbm4b:s8+s3], $0xC80, $0x38;
	[tilespmem:$0x1DC00] =	vst v63  }
0x125: {  	_ =	swait.ge [sflag:s9], $0xC80  }
0x126: {  	[sflag:s9] =	ssyncset.done $0x0  }
0x127: {  	[sflag:s9] =	ssyncadd.s32 $0xFFFFF380  }
0x128: {  	[tilespmem:s12], [sflag:$0x1] =	stream.indirect.gather [hbm4b:s4+s11], $0x80, s3, s11, $0xb8;
	[tilespmem:$0x1DC00] =	vst v63  }
0x129: {  	s8 =	rddreg [dreg:$0x5]  }
0x12a: {  	[tilespmem:s13], [sflag:$0x2] =	stream.indirect.gather [hbm4b:s4+s11], $0x80, s8, s11, $0xb8;
	[tilespmem:$0x1DC00] =	vst v63  }
0x12b: {  	_ =	swait.ge [sflag:s14], $0x2800  }
0x12c: {  	[sflag:s14] =	ssyncset.done $0x0  }
0x12d: {  	[sflag:s14] =	ssyncadd.s32 $0xFFFFD800  }
0x12e: {  	[spmem:s2] =	stream.indirect.scatter.add.f32 [tilespmem:s12], [sflag:$0x4], $0x80, s10, s11, $0xb8;
	[tilespmem:$0x1DC00] =	vst v63  }
0x12f: {  	s8 =	rddreg [dreg:$0x6]  }
0x130: {  	[tilespmem:s15], [sflag:$0x3] =	stream.indirect.gather [hbm4b:s4+s11], $0x80, s8, s11, $0xb8;
	[tilespmem:$0x1DC00] =	vst v63  }
0x131: {  	_ =	swait.ge [sflag:s16], $0x2800  }
0x132: {  	[sflag:s16] =	ssyncset.done $0x0  }
0x133: {  	s8 =	rddreg [dreg:$0x7];
	[sflag:s16] =	ssyncadd.s32 $0xFFFFD800  }
0x134: {  	[spmem:s2] =	stream.indirect.scatter.add.f32 [tilespmem:s13], [sflag:$0x5], $0x80, s8, s11, $0xb8;
	[tilespmem:$0x1DC00] =	vst v63  }
0x135: {  	_ =	swait.ge [sflag:s17], $0x2800  }
0x136: {  	[sflag:s17] =	ssyncset.done $0x0  }
0x137: {  	s8 =	rddreg [dreg:$0x8];
	[sflag:s17] =	ssyncadd.s32 $0xFFFFD800  }
0x138: {  	[tilespmem:s12], [sflag:$0x1] =	stream.indirect.gather [hbm4b:s4+s11], $0x80, s8, s11, $0xb8;
	[tilespmem:$0x1DC00] =	vst v63  }
0x139: {  	_ =	swait.ge [sflag:s18], $0x2800  }
0x13a: {  	[sflag:s18] =	ssyncset.done $0x0  }
0x13b: {  	s8 =	rddreg [dreg:$0x9];
	[sflag:s18] =	ssyncadd.s32 $0xFFFFD800  }
0x13c: {  	[spmem:s2] =	stream.indirect.scatter.add.f32 [tilespmem:s15], [sflag:$0x6], $0x80, s8, s11, $0xb8;
	[tilespmem:$0x1DC00] =	vst v63  }
0x13d: {  	_ =	swait.ge [sflag:s19], $0x2800  }
0x13e: {  	[sflag:s19] =	ssyncset.done $0x0  }
0x13f: {  	s8 =	rddreg [dreg:$0xa];
	[sflag:s19] =	ssyncadd.s32 $0xFFFFD800  }
0x140: {  	[tilespmem:s13], [sflag:$0x2] =	stream.indirect.gather [hbm4b:s4+s11], $0x80, s8, s11, $0xb8;
	[tilespmem:$0x1DC00] =	vst v63  }
0x141: {  	_ =	swait.ge [sflag:s14], $0x2800  }
0x142: {  	[sflag:s14] =	ssyncset.done $0x0  }
0x143: {  	s8 =	rddreg [dreg:$0xb];
	[sflag:s14] =	ssyncadd.s32 $0xFFFFD800  }
0x144: {  	[spmem:s2] =	stream.indirect.scatter.add.f32 [tilespmem:s12], [sflag:$0x4], $0x80, s8, s11, $0xb8;
	[tilespmem:$0x1DC00] =	vst v63  }
0x145: {  	_ =	swait.ge [sflag:s20], $0x2800  }
0x146: {  	[sflag:s20] =	ssyncset.done $0x0  }
0x147: {  	s8 =	rddreg [dreg:$0xc];
	[sflag:s20] =	ssyncadd.s32 $0xFFFFD800  }
0x148: {  	[tilespmem:s15], [sflag:$0x3] =	stream.indirect.gather [hbm4b:s4+s11], $0x80, s8, s11, $0xb8;
	[tilespmem:$0x1DC00] =	vst v63  }
0x149: {  	_ =	swait.ge [sflag:s16], $0x2800  }
0x14a: {  	[sflag:s16] =	ssyncset.done $0x0  }
0x14b: {  	s8 =	rddreg [dreg:$0xd];
	[sflag:s16] =	ssyncadd.s32 $0xFFFFD800  }
0x14c: {  	[spmem:s2] =	stream.indirect.scatter.add.f32 [tilespmem:s13], [sflag:$0x5], $0x80, s8, s11, $0xb8;
	[tilespmem:$0x1DC00] =	vst v63  }
0x14d: {  	_ =	swait.ge [sflag:s17], $0x2800  }
0x14e: {  	[sflag:s17] =	ssyncset.done $0x0  }
0x14f: {  	s8 =	rddreg [dreg:$0xe];
	[sflag:s17] =	ssyncadd.s32 $0xFFFFD800  }
0x150: {  	[tilespmem:s12], [sflag:$0x1] =	stream.indirect.gather [hbm4b:s4+s11], $0x80, s8, s11, $0xb8;
	[tilespmem:$0x1DC00] =	vst v63  }
0x151: {  	_ =	swait.ge [sflag:s18], $0x2800  }
0x152: {  	[sflag:s18] =	ssyncset.done $0x0  }
0x153: {  	s8 =	rddreg [dreg:$0xf];
	[sflag:s18] =	ssyncadd.s32 $0xFFFFD800  }
0x154: {  	[spmem:s2] =	stream.indirect.scatter.add.f32 [tilespmem:s15], [sflag:$0x6], $0x80, s8, s11, $0xb8;
	[tilespmem:$0x1DC00] =	vst v63  }
0x155: {  	_ =	swait.ge [sflag:s19], $0x2800  }
0x156: {  	[sflag:s19] =	ssyncset.done $0x0  }
0x157: {  	s8 =	rddreg [dreg:$0x10];
	[sflag:s19] =	ssyncadd.s32 $0xFFFFD800  }
0x158: {  	[tilespmem:s13], [sflag:$0x2] =	stream.indirect.gather [hbm4b:s4+s11], $0x80, s8, s11, $0xb8;
	[tilespmem:$0x1DC00] =	vst v63  }
0x159: {  	_ =	swait.ge [sflag:s14], $0x2800  }
0x15a: {  	[sflag:s14] =	ssyncset.done $0x0  }
0x15b: {  	s8 =	rddreg [dreg:$0x11];
	[sflag:s14] =	ssyncadd.s32 $0xFFFFD800  }
0x15c: {  	[spmem:s2] =	stream.indirect.scatter.add.f32 [tilespmem:s12], [sflag:$0x4], $0x80, s8, s11, $0xb8;
	[tilespmem:$0x1DC00] =	vst v63  }
0x15d: {  	_ =	swait.ge [sflag:s20], $0x2800  }
0x15e: {  	[sflag:s20] =	ssyncset.done $0x0  }
0x15f: {  	s8 =	rddreg [dreg:$0x12];
	[sflag:s20] =	ssyncadd.s32 $0xFFFFD800  }
0x160: {  	[tilespmem:s15], [sflag:$0x3] =	stream.indirect.gather [hbm4b:s4+s11], $0x80, s8, s11, $0xb8;
	[tilespmem:$0x1DC00] =	vst v63  }
0x161: {  	_ =	swait.ge [sflag:s16], $0x2800  }
0x162: {  	[sflag:s16] =	ssyncset.done $0x0  }
0x163: {  	s8 =	rddreg [dreg:$0x13];
	[sflag:s16] =	ssyncadd.s32 $0xFFFFD800  }
0x164: {  	[spmem:s2] =	stream.indirect.scatter.add.f32 [tilespmem:s13], [sflag:$0x5], $0x80, s8, s11, $0xb8;
	[tilespmem:$0x1DC00] =	vst v63  }
0x165: {  	_ =	swait.ge [sflag:s17], $0x2800  }
0x166: {  	[sflag:s17] =	ssyncset.done $0x0  }
0x167: {  	s8 =	rddreg [dreg:$0x14];
	[sflag:s17] =	ssyncadd.s32 $0xFFFFD800  }
0x168: {  	[tilespmem:s12], [sflag:$0x1] =	stream.indirect.gather [hbm4b:s4+s11], $0x80, s8, s11, $0xb8;
	[tilespmem:$0x1DC00] =	vst v63  }
0x169: {  	_ =	swait.ge [sflag:s18], $0x2800  }
0x16a: {  	[sflag:s18] =	ssyncset.done $0x0  }
0x16b: {  	s8 =	rddreg [dreg:$0x15];
	[sflag:s18] =	ssyncadd.s32 $0xFFFFD800  }
0x16c: {  	[spmem:s2] =	stream.indirect.scatter.add.f32 [tilespmem:s15], [sflag:$0x6], $0x80, s8, s11, $0xb8;
	[tilespmem:$0x1DC00] =	vst v63  }
0x16d: {  	_ =	swait.ge [sflag:s19], $0x2800  }
0x16e: {  	[sflag:s19] =	ssyncset.done $0x0  }
0x16f: {  	s8 =	rddreg [dreg:$0x16];
	[sflag:s19] =	ssyncadd.s32 $0xFFFFD800  }
0x170: {  	[tilespmem:s13], [sflag:$0x2] =	stream.indirect.gather [hbm4b:s4+s11], $0x80, s8, s11, $0xb8;
	[tilespmem:$0x1DC00] =	vst v63  }
0x171: {  	_ =	swait.ge [sflag:s14], $0x2800  }
0x172: {  	[sflag:s14] =	ssyncset.done $0x0  }
0x173: {  	s8 =	rddreg [dreg:$0x17];
	[sflag:s14] =	ssyncadd.s32 $0xFFFFD800  }
0x174: {  	[spmem:s2] =	stream.indirect.scatter.add.f32 [tilespmem:s12], [sflag:$0x4], $0x80, s8, s11, $0xb8;
	[tilespmem:$0x1DC00] =	vst v63  }
0x175: {  	_ =	swait.ge [sflag:s20], $0x2800  }
0x176: {  	[sflag:s20] =	ssyncset.done $0x0  }
0x177: {  	s8 =	rddreg [dreg:$0x18];
	[sflag:s20] =	ssyncadd.s32 $0xFFFFD800  }
0x178: {  	[tilespmem:s15], [sflag:$0x3] =	stream.indirect.gather [hbm4b:s4+s11], $0x80, s8, s11, $0xb8;
	[tilespmem:$0x1DC00] =	vst v63  }
0x179: {  	_ =	swait.ge [sflag:s16], $0x2800  }
0x17a: {  	[sflag:s16] =	ssyncset.done $0x0  }
0x17b: {  	s8 =	rddreg [dreg:$0x19];
	[sflag:s16] =	ssyncadd.s32 $0xFFFFD800  }
0x17c: {  	[spmem:s2] =	stream.indirect.scatter.add.f32 [tilespmem:s13], [sflag:$0x5], $0x80, s8, s11, $0xb8;
	[tilespmem:$0x1DC00] =	vst v63  }
0x17d: {  	_ =	swait.ge [sflag:s17], $0x2800  }
0x17e: {  	[sflag:s17] =	ssyncset.done $0x0  }
0x17f: {  	s8 =	rddreg [dreg:$0x1a];
	[sflag:s17] =	ssyncadd.s32 $0xFFFFD800  }
0x180: {  	[tilespmem:s12], [sflag:$0x1] =	stream.indirect.gather [hbm4b:s4+s11], $0x80, s8, s11, $0xb8;
	[tilespmem:$0x1DC00] =	vst v63  }
0x181: {  	_ =	swait.ge [sflag:s18], $0x2800  }
0x182: {  	[sflag:s18] =	ssyncset.done $0x0  }
0x183: {  	s8 =	rddreg [dreg:$0x1b];
	[sflag:s18] =	ssyncadd.s32 $0xFFFFD800  }
0x184: {  	[spmem:s2] =	stream.indirect.scatter.add.f32 [tilespmem:s15], [sflag:$0x6], $0x80, s8, s11, $0xb8;
	[tilespmem:$0x1DC00] =	vst v63  }
0x185: {  	_ =	swait.ge [sflag:s19], $0x2800  }
0x186: {  	[sflag:s19] =	ssyncset.done $0x0  }
0x187: {  	s8 =	rddreg [dreg:$0x1c];
	[sflag:s19] =	ssyncadd.s32 $0xFFFFD800  }
0x188: {  	[tilespmem:s13], [sflag:$0x2] =	stream.indirect.gather [hbm4b:s4+s11], $0x80, s8, s11, $0xb8;
	[tilespmem:$0x1DC00] =	vst v63  }
0x189: {  	_ =	swait.ge [sflag:s14], $0x2800  }
0x18a: {  	[sflag:s14] =	ssyncset.done $0x0  }
0x18b: {  	s8 =	rddreg [dreg:$0x1d];
	[sflag:s14] =	ssyncadd.s32 $0xFFFFD800  }
0x18c: {  	[spmem:s2] =	stream.indirect.scatter.add.f32 [tilespmem:s12], [sflag:$0x4], $0x80, s8, s11, $0xb8;
	[tilespmem:$0x1DC00] =	vst v63  }
0x18d: {  	_ =	swait.ge [sflag:s20], $0x2800  }
0x18e: {  	[sflag:s20] =	ssyncset.done $0x0  }
0x18f: {  	s8 =	rddreg [dreg:$0x1e];
	[sflag:s20] =	ssyncadd.s32 $0xFFFFD800  }
0x190: {  	[tilespmem:s15], [sflag:$0x3] =	stream.indirect.gather [hbm4b:s4+s11], $0x80, s8, s11, $0xb8;
	[tilespmem:$0x1DC00] =	vst v63  }
0x191: {  	_ =	swait.ge [sflag:s16], $0x2800  }
0x192: {  	[sflag:s16] =	ssyncset.done $0x0  }
0x193: {  	s8 =	rddreg [dreg:$0x1f];
	[sflag:s16] =	ssyncadd.s32 $0xFFFFD800  }
0x194: {  	[spmem:s2] =	stream.indirect.scatter.add.f32 [tilespmem:s13], [sflag:$0x5], $0x80, s8, s11, $0xb8;
	[tilespmem:$0x1DC00] =	vst v63  }
0x195: {  	_ =	swait.ge [sflag:s17], $0x2800  }
0x196: {  	s8 =	sld [smem:$0x7F5]  }
0x197: {  	[sflag:s17] =	ssyncset.done $0x0  }
0x198: {  	[sflag:s17] =	ssyncadd.s32 $0xFFFFD800  }
0x199: {  	[tilespmem:s12], [sflag:$0x1] =	stream.indirect.gather [hbm4b:s4+s11], $0x80, s8, s11, $0xb8;
	[tilespmem:$0x1DC00] =	vst v63  }
0x19a: {  	_ =	swait.ge [sflag:s18], $0x2800  }
0x19b: {  	s8 =	sld [smem:$0x7F6]  }
0x19c: {  	[sflag:s18] =	ssyncset.done $0x0  }
0x19d: {  	[sflag:s18] =	ssyncadd.s32 $0xFFFFD800  }
0x19e: {  	[spmem:s2] =	stream.indirect.scatter.add.f32 [tilespmem:s15], [sflag:$0x6], $0x80, s8, s11, $0xb8;
	[tilespmem:$0x1DC00] =	vst v63  }
0x19f: {  	_ =	swait.ge [sflag:s19], $0x2800  }
0x1a0: {  	s8 =	sld [smem:$0x7F7]  }
0x1a1: {  	[sflag:s19] =	ssyncset.done $0x0  }
0x1a2: {  	[sflag:s19] =	ssyncadd.s32 $0xFFFFD800  }
0x1a3: {  	[tilespmem:s13], [sflag:$0x2] =	stream.indirect.gather [hbm4b:s4+s11], $0x80, s8, s11, $0xb8;
	[tilespmem:$0x1DC00] =	vst v63  }
0x1a4: {  	_ =	swait.ge [sflag:s14], $0x2800  }
0x1a5: {  	s8 =	sld [smem:$0x7F8]  }
0x1a6: {  	[sflag:s14] =	ssyncset.done $0x0  }
0x1a7: {  	[sflag:s14] =	ssyncadd.s32 $0xFFFFD800  }
0x1a8: {  	[spmem:s2] =	stream.indirect.scatter.add.f32 [tilespmem:s12], [sflag:$0x4], $0x80, s8, s11, $0xb8;
	[tilespmem:$0x1DC00] =	vst v63  }
0x1a9: {  	_ =	swait.ge [sflag:s20], $0x2800  }
0x1aa: {  	s8 =	sld [smem:$0x7F9]  }
0x1ab: {  	[sflag:s20] =	ssyncset.done $0x0  }
0x1ac: {  	[sflag:s20] =	ssyncadd.s32 $0xFFFFD800  }
0x1ad: {  	[tilespmem:s15], [sflag:$0x3] =	stream.indirect.gather [hbm4b:s4+s11], $0x80, s8, s11, $0xb8;
	[tilespmem:$0x1DC00] =	vst v63  }
0x1ae: {  	_ =	swait.ge [sflag:s16], $0x2800  }
0x1af: {  	s8 =	sld [smem:$0x7FA]  }
0x1b0: {  	[sflag:s16] =	ssyncset.done $0x0  }
0x1b1: {  	[sflag:s16] =	ssyncadd.s32 $0xFFFFD800  }
0x1b2: {  	[spmem:s2] =	stream.indirect.scatter.add.f32 [tilespmem:s13], [sflag:$0x5], $0x80, s8, s11, $0xb8;
	[tilespmem:$0x1DC00] =	vst v63  }
0x1b3: {  	_ =	swait.ge [sflag:s17], $0x2800  }
0x1b4: {  	s8 =	sld [smem:$0x7FB]  }
0x1b5: {  	[sflag:s17] =	ssyncset.done $0x0  }
0x1b6: {  	[sflag:s17] =	ssyncadd.s32 $0xFFFFD800  }
0x1b7: {  	[tilespmem:s12], [sflag:$0x1] =	stream.indirect.gather [hbm4b:s4+s11], $0x80, s8, s11, $0xb8;
	[tilespmem:$0x1DC00] =	vst v63  }
0x1b8: {  	_ =	swait.ge [sflag:s18], $0x2800  }
0x1b9: {  	s8 =	sld [smem:$0x7FC]  }
0x1ba: {  	[sflag:s18] =	ssyncset.done $0x0  }
0x1bb: {  	[sflag:s18] =	ssyncadd.s32 $0xFFFFD800  }
0x1bc: {  	[spmem:s2] =	stream.indirect.scatter.add.f32 [tilespmem:s15], [sflag:$0x6], $0x80, s8, s11, $0xb8;
	[tilespmem:$0x1DC00] =	vst v63  }
0x1bd: {  	_ =	swait.ge [sflag:s19], $0x2800  }
0x1be: {  	s8 =	sld [smem:$0x7FD]  }
0x1bf: {  	[sflag:s19] =	ssyncset.done $0x0  }
0x1c0: {  	[sflag:s19] =	ssyncadd.s32 $0xFFFFD800  }
0x1c1: {  	[tilespmem:s13], [sflag:$0x2] =	stream.indirect.gather [hbm4b:s4+s11], $0x80, s8, s11, $0xb8;
	[tilespmem:$0x1DC00] =	vst v63  }
0x1c2: {  	_ =	swait.ge [sflag:s14], $0x2800  }
0x1c3: {  	s21 =	smov.u32 s6;
	[sflag:s14] =	ssyncset.done $0x0  }
0x1c4: {  	s7 =	smov.u32 s21;
	s21 =	simm.s32 $0x1900;
	[sflag:s14] =	ssyncadd.s32 $0xFFFFD800  }
0x1c5: {  	[spmem:s2] =	stream.indirect.scatter.add.f32 [tilespmem:s12], [sflag:$0x4], $0x80, s21, s11, $0xb8;
	[tilespmem:$0x1DC00] =	vst v63  }
0x1c6: {  	_ =	swait.ge [sflag:s20], $0x2800  }
0x1c7: {  	[sflag:s20] =	ssyncset.done $0x0  }
0x1c8: {  	[sflag:s20] =	ssyncadd.s32 $0xFFFFD800  }
0x1c9: {  	[tilespmem:s15], [sflag:$0x3] =	stream.indirect.gather [hbm4b:s4+s11], $0x80, s22, s11, $0xb8;
	[tilespmem:$0x1DC00] =	vst v63  }
0x1ca: {  	_ =	swait.ge [sflag:s16], $0x2800  }
0x1cb: {  	[sflag:s16] =	ssyncset.done $0x0  }
0x1cc: {  	[sflag:s16] =	ssyncadd.s32 $0xFFFFD800  }
0x1cd: {  	[spmem:s2] =	stream.indirect.scatter.add.f32 [tilespmem:s13], [sflag:$0x5], $0x80, s23, s11, $0xb8;
	[tilespmem:$0x1DC00] =	vst v63  }
0x1ce: {  	_ =	swait.ge [sflag:s17], $0x2800  }
0x1cf: {  	[sflag:s17] =	ssyncset.done $0x0  }
0x1d0: {  	[sflag:s17] =	ssyncadd.s32 $0xFFFFD800  }
0x1d1: {  	[tilespmem:s12], [sflag:$0x1] =	stream.indirect.gather [hbm4b:s4+s11], $0x80, s24, s11, $0xb8;
	[tilespmem:$0x1DC00] =	vst v63  }
0x1d2: {  	_ =	swait.ge [sflag:s18], $0x2800  }
0x1d3: {  	[sflag:s18] =	ssyncset.done $0x0  }
0x1d4: {  	[sflag:s18] =	ssyncadd.s32 $0xFFFFD800  }
0x1d5: {  	[spmem:s2] =	stream.indirect.scatter.add.f32 [tilespmem:s15], [sflag:$0x6], $0x80, s25, s11, $0xb8;
	[tilespmem:$0x1DC00] =	vst v63  }
0x1d6: {  	_ =	swait.ge [sflag:s19], $0x2800  }
0x1d7: {  	[sflag:s19] =	ssyncset.done $0x0  }
0x1d8: {  	[sflag:s19] =	ssyncadd.s32 $0xFFFFD800  }
0x1d9: {  	[tilespmem:s13], [sflag:$0x2] =	stream.indirect.gather [hbm4b:s4+s11], $0x80, s26, s11, $0xb8;
	[tilespmem:$0x1DC00] =	vst v63  }
0x1da: {  	_ =	swait.ge [sflag:s14], $0x2800  }
0x1db: {  	[sflag:s14] =	ssyncset.done $0x0  }
0x1dc: {  	[sflag:s14] =	ssyncadd.s32 $0xFFFFD800  }
0x1dd: {  	[spmem:s2] =	stream.indirect.scatter.add.f32 [tilespmem:s12], [sflag:$0x4], $0x80, s28, s11, $0xb8;
	[tilespmem:$0x1DC00] =	vst v63  }
0x1de: {  	_ =	swait.ge [sflag:s20], $0x2800  }
0x1df: {  	[sflag:s20] =	ssyncset.done $0x0  }
0x1e0: {  	[sflag:s20] =	ssyncadd.s32 $0xFFFFD800  }
0x1e1: {  	[tilespmem:s15], [sflag:$0x3] =	stream.indirect.gather [hbm4b:s4+s11], $0x80, s29, s11, $0xb8;
	[tilespmem:$0x1DC00] =	vst v63  }
0x1e2: {  	_ =	swait.ge [sflag:s16], $0x2800  }
0x1e3: {  	[sflag:s16] =	ssyncset.done $0x0  }
0x1e4: {  	[sflag:s16] =	ssyncadd.s32 $0xFFFFD800  }
0x1e5: {  	[spmem:s2] =	stream.indirect.scatter.add.f32 [tilespmem:s13], [sflag:$0x5], $0x80, s30, s11, $0xb8;
	[tilespmem:$0x1DC00] =	vst v63  }
0x1e6: {  	_ =	swait.ge [sflag:s17], $0x2800  }
0x1e7: {  	[sflag:s17] =	ssyncset.done $0x0  }
0x1e8: {  	[sflag:s17] =	ssyncadd.s32 $0xFFFFD800  }
0x1e9: {  	[tilespmem:s12], [sflag:$0x1] =	stream.indirect.gather [hbm4b:s4+s11], $0x80, s31, s11, $0xb8;
	[tilespmem:$0x1DC00] =	vst v63  }
0x1ea: {  	_ =	swait.ge [sflag:s18], $0x2800  }
0x1eb: {  	[sflag:s18] =	ssyncset.done $0x0  }
0x1ec: {  	[sflag:s18] =	ssyncadd.s32 $0xFFFFD800  }
0x1ed: {  	[spmem:s2] =	stream.indirect.scatter.add.f32 [tilespmem:s15], [sflag:$0x6], $0x80, s1, s11, $0xb8;
	[tilespmem:$0x1DC00] =	vst v63  }
0x1ee: {  	_ =	swait.ge [sflag:s14], $0x2800  }
0x1ef: {  	[sflag:s14] =	ssyncset.done $0x0  }
0x1f0: {  	[sflag:s14] =	ssyncadd.s32 $0xFFFFD800  }
0x1f1: {  	[spmem:s2] =	stream.indirect.scatter.add.f32 [tilespmem:s12], [sflag:$0x4], $0x80, s0, s11, $0xb8;
	[tilespmem:$0x1DC00] =	vst v63  }
0x1f2: {  	_ =	swait.ge [sflag:s19], $0x2800  }
0x1f3: {  	[sflag:s19] =	ssyncset.done $0x0  }
0x1f4: {  	p0 =	sne.s32 s6, $0x800;
	[sflag:s19] =	ssyncadd.s32 $0xFFFFD800  }
.Ltmp2:
0x1f5: {  	_ =	swait.ge [sflag:s20], $0x2800;
	(pc) =	sbr.rel @p0 .LBB2_6-.Ltmp2, $4  }
0x1f6: {  	[sflag:s20] =	ssyncset.done $0x0  }
0x1f7: {  	[sflag:s20] =	ssyncadd.s32 $0xFFFFD800  }
0x1f8: {  	_ =	swait.ge [sflag:s17], $0x2800  }
0x1f9: {  	s6 =	sadd.s32 $0x200, s6;
	s8 =	rddreg [dreg:$0x4];
	[sflag:s17] =	ssyncset.done $0x0  }
0x1fa: {  	[sflag:s17] =	ssyncadd.s32 $0xFFFFD800;
	s6 =	sadd.s32 s7, s8  }
0x1fb: {  	[tilespmem:s3], [sflag:$0x7] =	stream.linear.gather [hbm4b:s6+s3], $0xC80, $0x38;
	[tilespmem:$0x1DC00] =	vst v63  }
0x1fc: {  	_ =	swait.ge [sflag:s9], $0xC80  }
0x1fd: {  	s8 =	rddreg [dreg:$0x3];
	[sflag:s9] =	ssyncset.done $0x0  }
0x1fe: {  	[sflag:s9] =	ssyncadd.s32 $0xFFFFF380;
	s6 =	sadd.s32 s7, s8  }
0x1ff: {  	[tilespmem:s10], [sflag:$0x7] =	stream.linear.gather [hbm4b:s6+s3], $0xC80, $0x38;
	[tilespmem:$0x1DC00] =	vst v63  }
0x200: {  	_ =	swait.ge [sflag:s9], $0xC80  }
0x201: {  	[sflag:s9] =	ssyncset.done $0x0  }
0x202: {  	[sflag:s9] =	ssyncadd.s32 $0xFFFFF380  }
0x203: {  	[tilespmem:s12], [sflag:$0x1] =	stream.indirect.gather [hbm4b:s4+s11], $0x80, s3, s11, $0xb8;
	[tilespmem:$0x1DC00] =	vst v63  }
0x204: {  	s7 =	rddreg [dreg:$0x5]  }
0x205: {  	[tilespmem:s13], [sflag:$0x2] =	stream.indirect.gather [hbm4b:s4+s11], $0x80, s7, s11, $0xb8;
	[tilespmem:$0x1DC00] =	vst v63  }
0x206: {  	_ =	swait.ge [sflag:s14], $0x2800  }
0x207: {  	[sflag:s14] =	ssyncset.done $0x0  }
0x208: {  	[sflag:s14] =	ssyncadd.s32 $0xFFFFD800  }
0x209: {  	[spmem:s2] =	stream.indirect.scatter.add.f32 [tilespmem:s12], [sflag:$0x4], $0x80, s10, s11, $0xb8;
	[tilespmem:$0x1DC00] =	vst v63  }
0x20a: {  	s8 =	rddreg [dreg:$0x6]  }
0x20b: {  	[tilespmem:s15], [sflag:$0x3] =	stream.indirect.gather [hbm4b:s4+s11], $0x80, s8, s11, $0xb8;
	[tilespmem:$0x1DC00] =	vst v63  }
0x20c: {  	_ =	swait.ge [sflag:s16], $0x2800  }
0x20d: {  	[sflag:s16] =	ssyncset.done $0x0  }
0x20e: {  	s7 =	rddreg [dreg:$0x7];
	[sflag:s16] =	ssyncadd.s32 $0xFFFFD800  }
0x20f: {  	[spmem:s2] =	stream.indirect.scatter.add.f32 [tilespmem:s13], [sflag:$0x5], $0x80, s7, s11, $0xb8;
	[tilespmem:$0x1DC00] =	vst v63  }
0x210: {  	_ =	swait.ge [sflag:s17], $0x2800  }
0x211: {  	[sflag:s17] =	ssyncset.done $0x0  }
0x212: {  	s8 =	rddreg [dreg:$0x8];
	[sflag:s17] =	ssyncadd.s32 $0xFFFFD800  }
0x213: {  	[tilespmem:s12], [sflag:$0x1] =	stream.indirect.gather [hbm4b:s4+s11], $0x80, s8, s11, $0xb8;
	[tilespmem:$0x1DC00] =	vst v63  }
0x214: {  	_ =	swait.ge [sflag:s18], $0x2800  }
0x215: {  	[sflag:s18] =	ssyncset.done $0x0  }
0x216: {  	s7 =	rddreg [dreg:$0x9];
	[sflag:s18] =	ssyncadd.s32 $0xFFFFD800  }
0x217: {  	[spmem:s2] =	stream.indirect.scatter.add.f32 [tilespmem:s15], [sflag:$0x6], $0x80, s7, s11, $0xb8;
	[tilespmem:$0x1DC00] =	vst v63  }
0x218: {  	_ =	swait.ge [sflag:s19], $0x2800  }
0x219: {  	[sflag:s19] =	ssyncset.done $0x0  }
0x21a: {  	s8 =	rddreg [dreg:$0xa];
	[sflag:s19] =	ssyncadd.s32 $0xFFFFD800  }
0x21b: {  	[tilespmem:s13], [sflag:$0x2] =	stream.indirect.gather [hbm4b:s4+s11], $0x80, s8, s11, $0xb8;
	[tilespmem:$0x1DC00] =	vst v63  }
0x21c: {  	_ =	swait.ge [sflag:s14], $0x2800  }
0x21d: {  	[sflag:s14] =	ssyncset.done $0x0  }
0x21e: {  	s7 =	rddreg [dreg:$0xb];
	[sflag:s14] =	ssyncadd.s32 $0xFFFFD800  }
0x21f: {  	[spmem:s2] =	stream.indirect.scatter.add.f32 [tilespmem:s12], [sflag:$0x4], $0x80, s7, s11, $0xb8;
	[tilespmem:$0x1DC00] =	vst v63  }
0x220: {  	_ =	swait.ge [sflag:s20], $0x2800  }
0x221: {  	[sflag:s20] =	ssyncset.done $0x0  }
0x222: {  	s8 =	rddreg [dreg:$0xc];
	[sflag:s20] =	ssyncadd.s32 $0xFFFFD800  }
0x223: {  	[tilespmem:s15], [sflag:$0x3] =	stream.indirect.gather [hbm4b:s4+s11], $0x80, s8, s11, $0xb8;
	[tilespmem:$0x1DC00] =	vst v63  }
0x224: {  	_ =	swait.ge [sflag:s16], $0x2800  }
0x225: {  	[sflag:s16] =	ssyncset.done $0x0  }
0x226: {  	s7 =	rddreg [dreg:$0xd];
	[sflag:s16] =	ssyncadd.s32 $0xFFFFD800  }
0x227: {  	[spmem:s2] =	stream.indirect.scatter.add.f32 [tilespmem:s13], [sflag:$0x5], $0x80, s7, s11, $0xb8;
	[tilespmem:$0x1DC00] =	vst v63  }
0x228: {  	_ =	swait.ge [sflag:s17], $0x2800  }
0x229: {  	[sflag:s17] =	ssyncset.done $0x0  }
0x22a: {  	s8 =	rddreg [dreg:$0xe];
	[sflag:s17] =	ssyncadd.s32 $0xFFFFD800  }
0x22b: {  	[tilespmem:s12], [sflag:$0x1] =	stream.indirect.gather [hbm4b:s4+s11], $0x80, s8, s11, $0xb8;
	[tilespmem:$0x1DC00] =	vst v63  }
0x22c: {  	_ =	swait.ge [sflag:s18], $0x2800  }
0x22d: {  	[sflag:s18] =	ssyncset.done $0x0  }
0x22e: {  	s7 =	rddreg [dreg:$0xf];
	[sflag:s18] =	ssyncadd.s32 $0xFFFFD800  }
0x22f: {  	[spmem:s2] =	stream.indirect.scatter.add.f32 [tilespmem:s15], [sflag:$0x6], $0x80, s7, s11, $0xb8;
	[tilespmem:$0x1DC00] =	vst v63  }
0x230: {  	_ =	swait.ge [sflag:s19], $0x2800  }
0x231: {  	[sflag:s19] =	ssyncset.done $0x0  }
0x232: {  	s8 =	rddreg [dreg:$0x10];
	[sflag:s19] =	ssyncadd.s32 $0xFFFFD800  }
0x233: {  	[tilespmem:s13], [sflag:$0x2] =	stream.indirect.gather [hbm4b:s4+s11], $0x80, s8, s11, $0xb8;
	[tilespmem:$0x1DC00] =	vst v63  }
0x234: {  	_ =	swait.ge [sflag:s14], $0x2800  }
0x235: {  	[sflag:s14] =	ssyncset.done $0x0  }
0x236: {  	s7 =	rddreg [dreg:$0x11];
	[sflag:s14] =	ssyncadd.s32 $0xFFFFD800  }
0x237: {  	[spmem:s2] =	stream.indirect.scatter.add.f32 [tilespmem:s12], [sflag:$0x4], $0x80, s7, s11, $0xb8;
	[tilespmem:$0x1DC00] =	vst v63  }
0x238: {  	_ =	swait.ge [sflag:s20], $0x2800  }
0x239: {  	[sflag:s20] =	ssyncset.done $0x0  }
0x23a: {  	s8 =	rddreg [dreg:$0x12];
	[sflag:s20] =	ssyncadd.s32 $0xFFFFD800  }
0x23b: {  	[tilespmem:s15], [sflag:$0x3] =	stream.indirect.gather [hbm4b:s4+s11], $0x80, s8, s11, $0xb8;
	[tilespmem:$0x1DC00] =	vst v63  }
0x23c: {  	_ =	swait.ge [sflag:s16], $0x2800  }
0x23d: {  	[sflag:s16] =	ssyncset.done $0x0  }
0x23e: {  	s7 =	rddreg [dreg:$0x13];
	[sflag:s16] =	ssyncadd.s32 $0xFFFFD800  }
0x23f: {  	[spmem:s2] =	stream.indirect.scatter.add.f32 [tilespmem:s13], [sflag:$0x5], $0x80, s7, s11, $0xb8;
	[tilespmem:$0x1DC00] =	vst v63  }
0x240: {  	_ =	swait.ge [sflag:s17], $0x2800  }
0x241: {  	[sflag:s17] =	ssyncset.done $0x0  }
0x242: {  	s8 =	rddreg [dreg:$0x14];
	[sflag:s17] =	ssyncadd.s32 $0xFFFFD800  }
0x243: {  	[tilespmem:s12], [sflag:$0x1] =	stream.indirect.gather [hbm4b:s4+s11], $0x80, s8, s11, $0xb8;
	[tilespmem:$0x1DC00] =	vst v63  }
0x244: {  	_ =	swait.ge [sflag:s18], $0x2800  }
0x245: {  	[sflag:s18] =	ssyncset.done $0x0  }
0x246: {  	s7 =	rddreg [dreg:$0x15];
	[sflag:s18] =	ssyncadd.s32 $0xFFFFD800  }
0x247: {  	[spmem:s2] =	stream.indirect.scatter.add.f32 [tilespmem:s15], [sflag:$0x6], $0x80, s7, s11, $0xb8;
	[tilespmem:$0x1DC00] =	vst v63  }
0x248: {  	_ =	swait.ge [sflag:s19], $0x2800  }
0x249: {  	[sflag:s19] =	ssyncset.done $0x0  }
0x24a: {  	s8 =	rddreg [dreg:$0x16];
	[sflag:s19] =	ssyncadd.s32 $0xFFFFD800  }
0x24b: {  	[tilespmem:s13], [sflag:$0x2] =	stream.indirect.gather [hbm4b:s4+s11], $0x80, s8, s11, $0xb8;
	[tilespmem:$0x1DC00] =	vst v63  }
0x24c: {  	_ =	swait.ge [sflag:s14], $0x2800  }
0x24d: {  	[sflag:s14] =	ssyncset.done $0x0  }
0x24e: {  	s7 =	rddreg [dreg:$0x17];
	[sflag:s14] =	ssyncadd.s32 $0xFFFFD800  }
0x24f: {  	[spmem:s2] =	stream.indirect.scatter.add.f32 [tilespmem:s12], [sflag:$0x4], $0x80, s7, s11, $0xb8;
	[tilespmem:$0x1DC00] =	vst v63  }
0x250: {  	_ =	swait.ge [sflag:s20], $0x2800  }
0x251: {  	[sflag:s20] =	ssyncset.done $0x0  }
0x252: {  	s8 =	rddreg [dreg:$0x18];
	[sflag:s20] =	ssyncadd.s32 $0xFFFFD800  }
0x253: {  	[tilespmem:s15], [sflag:$0x3] =	stream.indirect.gather [hbm4b:s4+s11], $0x80, s8, s11, $0xb8;
	[tilespmem:$0x1DC00] =	vst v63  }
0x254: {  	_ =	swait.ge [sflag:s16], $0x2800  }
0x255: {  	[sflag:s16] =	ssyncset.done $0x0  }
0x256: {  	s7 =	rddreg [dreg:$0x19];
	[sflag:s16] =	ssyncadd.s32 $0xFFFFD800  }
0x257: {  	[spmem:s2] =	stream.indirect.scatter.add.f32 [tilespmem:s13], [sflag:$0x5], $0x80, s7, s11, $0xb8;
	[tilespmem:$0x1DC00] =	vst v63  }
0x258: {  	_ =	swait.ge [sflag:s17], $0x2800  }
0x259: {  	[sflag:s17] =	ssyncset.done $0x0  }
0x25a: {  	s8 =	rddreg [dreg:$0x1a];
	[sflag:s17] =	ssyncadd.s32 $0xFFFFD800  }
0x25b: {  	[tilespmem:s12], [sflag:$0x1] =	stream.indirect.gather [hbm4b:s4+s11], $0x80, s8, s11, $0xb8;
	[tilespmem:$0x1DC00] =	vst v63  }
0x25c: {  	_ =	swait.ge [sflag:s18], $0x2800  }
0x25d: {  	[sflag:s18] =	ssyncset.done $0x0  }
0x25e: {  	s7 =	rddreg [dreg:$0x1b];
	[sflag:s18] =	ssyncadd.s32 $0xFFFFD800  }
0x25f: {  	[spmem:s2] =	stream.indirect.scatter.add.f32 [tilespmem:s15], [sflag:$0x6], $0x80, s7, s11, $0xb8;
	[tilespmem:$0x1DC00] =	vst v63  }
0x260: {  	_ =	swait.ge [sflag:s19], $0x2800  }
0x261: {  	[sflag:s19] =	ssyncset.done $0x0  }
0x262: {  	s8 =	rddreg [dreg:$0x1c];
	[sflag:s19] =	ssyncadd.s32 $0xFFFFD800  }
0x263: {  	[tilespmem:s13], [sflag:$0x2] =	stream.indirect.gather [hbm4b:s4+s11], $0x80, s8, s11, $0xb8;
	[tilespmem:$0x1DC00] =	vst v63  }
0x264: {  	_ =	swait.ge [sflag:s14], $0x2800  }
0x265: {  	[sflag:s14] =	ssyncset.done $0x0  }
0x266: {  	s7 =	rddreg [dreg:$0x1d];
	[sflag:s14] =	ssyncadd.s32 $0xFFFFD800  }
0x267: {  	[spmem:s2] =	stream.indirect.scatter.add.f32 [tilespmem:s12], [sflag:$0x4], $0x80, s7, s11, $0xb8;
	[tilespmem:$0x1DC00] =	vst v63  }
0x268: {  	_ =	swait.ge [sflag:s20], $0x2800  }
0x269: {  	[sflag:s20] =	ssyncset.done $0x0  }
0x26a: {  	s8 =	rddreg [dreg:$0x1e];
	[sflag:s20] =	ssyncadd.s32 $0xFFFFD800  }
0x26b: {  	[tilespmem:s15], [sflag:$0x3] =	stream.indirect.gather [hbm4b:s4+s11], $0x80, s8, s11, $0xb8;
	[tilespmem:$0x1DC00] =	vst v63  }
0x26c: {  	_ =	swait.ge [sflag:s16], $0x2800  }
0x26d: {  	[sflag:s16] =	ssyncset.done $0x0  }
0x26e: {  	s7 =	rddreg [dreg:$0x1f];
	[sflag:s16] =	ssyncadd.s32 $0xFFFFD800  }
0x26f: {  	[spmem:s2] =	stream.indirect.scatter.add.f32 [tilespmem:s13], [sflag:$0x5], $0x80, s7, s11, $0xb8;
	[tilespmem:$0x1DC00] =	vst v63  }
0x270: {  	_ =	swait.ge [sflag:s17], $0x2800  }
0x271: {  	s8 =	sld [smem:$0x7F5]  }
0x272: {  	[sflag:s17] =	ssyncset.done $0x0  }
0x273: {  	[sflag:s17] =	ssyncadd.s32 $0xFFFFD800  }
0x274: {  	[tilespmem:s12], [sflag:$0x1] =	stream.indirect.gather [hbm4b:s4+s11], $0x80, s8, s11, $0xb8;
	[tilespmem:$0x1DC00] =	vst v63  }
0x275: {  	_ =	swait.ge [sflag:s18], $0x2800  }
0x276: {  	s7 =	sld [smem:$0x7F6]  }
0x277: {  	[sflag:s18] =	ssyncset.done $0x0  }
0x278: {  	[sflag:s18] =	ssyncadd.s32 $0xFFFFD800  }
0x279: {  	[spmem:s2] =	stream.indirect.scatter.add.f32 [tilespmem:s15], [sflag:$0x6], $0x80, s7, s11, $0xb8;
	[tilespmem:$0x1DC00] =	vst v63  }
0x27a: {  	_ =	swait.ge [sflag:s19], $0x2800  }
0x27b: {  	s8 =	sld [smem:$0x7F7]  }
0x27c: {  	[sflag:s19] =	ssyncset.done $0x0  }
0x27d: {  	[sflag:s19] =	ssyncadd.s32 $0xFFFFD800  }
0x27e: {  	[tilespmem:s13], [sflag:$0x2] =	stream.indirect.gather [hbm4b:s4+s11], $0x80, s8, s11, $0xb8;
	[tilespmem:$0x1DC00] =	vst v63  }
0x27f: {  	_ =	swait.ge [sflag:s14], $0x2800  }
0x280: {  	s7 =	sld [smem:$0x7F8]  }
0x281: {  	[sflag:s14] =	ssyncset.done $0x0  }
0x282: {  	[sflag:s14] =	ssyncadd.s32 $0xFFFFD800  }
0x283: {  	[spmem:s2] =	stream.indirect.scatter.add.f32 [tilespmem:s12], [sflag:$0x4], $0x80, s7, s11, $0xb8;
	[tilespmem:$0x1DC00] =	vst v63  }
0x284: {  	_ =	swait.ge [sflag:s20], $0x2800  }
0x285: {  	s8 =	sld [smem:$0x7F9]  }
0x286: {  	[sflag:s20] =	ssyncset.done $0x0  }
0x287: {  	[sflag:s20] =	ssyncadd.s32 $0xFFFFD800  }
0x288: {  	[tilespmem:s15], [sflag:$0x3] =	stream.indirect.gather [hbm4b:s4+s11], $0x80, s8, s11, $0xb8;
	[tilespmem:$0x1DC00] =	vst v63  }
0x289: {  	_ =	swait.ge [sflag:s16], $0x2800  }
0x28a: {  	s7 =	sld [smem:$0x7FA]  }
0x28b: {  	[sflag:s16] =	ssyncset.done $0x0  }
0x28c: {  	[sflag:s16] =	ssyncadd.s32 $0xFFFFD800  }
0x28d: {  	[spmem:s2] =	stream.indirect.scatter.add.f32 [tilespmem:s13], [sflag:$0x5], $0x80, s7, s11, $0xb8;
	[tilespmem:$0x1DC00] =	vst v63  }
0x28e: {  	_ =	swait.ge [sflag:s17], $0x2800  }
0x28f: {  	s8 =	sld [smem:$0x7FB]  }
0x290: {  	[sflag:s17] =	ssyncset.done $0x0  }
0x291: {  	[sflag:s17] =	ssyncadd.s32 $0xFFFFD800  }
0x292: {  	[tilespmem:s12], [sflag:$0x1] =	stream.indirect.gather [hbm4b:s4+s11], $0x80, s8, s11, $0xb8;
	[tilespmem:$0x1DC00] =	vst v63  }
0x293: {  	_ =	swait.ge [sflag:s18], $0x2800  }
0x294: {  	s7 =	sld [smem:$0x7FC]  }
0x295: {  	[sflag:s18] =	ssyncset.done $0x0  }
0x296: {  	[sflag:s18] =	ssyncadd.s32 $0xFFFFD800  }
0x297: {  	[spmem:s2] =	stream.indirect.scatter.add.f32 [tilespmem:s15], [sflag:$0x6], $0x80, s7, s11, $0xb8;
	[tilespmem:$0x1DC00] =	vst v63  }
0x298: {  	_ =	swait.ge [sflag:s19], $0x2800  }
0x299: {  	s8 =	sld [smem:$0x7FD]  }
0x29a: {  	[sflag:s19] =	ssyncset.done $0x0  }
0x29b: {  	[sflag:s19] =	ssyncadd.s32 $0xFFFFD800  }
0x29c: {  	[tilespmem:s13], [sflag:$0x2] =	stream.indirect.gather [hbm4b:s4+s11], $0x80, s8, s11, $0xb8;
	[tilespmem:$0x1DC00] =	vst v63  }
0x29d: {  	_ =	swait.ge [sflag:s14], $0x2800  }
0x29e: {  	[sflag:s14] =	ssyncset.done $0x0  }
0x29f: {  	[sflag:s14] =	ssyncadd.s32 $0xFFFFD800  }
0x2a0: {  	[spmem:s2] =	stream.indirect.scatter.add.f32 [tilespmem:s12], [sflag:$0x4], $0x80, s21, s11, $0xb8;
	[tilespmem:$0x1DC00] =	vst v63  }
0x2a1: {  	_ =	swait.ge [sflag:s20], $0x2800  }
0x2a2: {  	[sflag:s20] =	ssyncset.done $0x0  }
0x2a3: {  	[sflag:s20] =	ssyncadd.s32 $0xFFFFD800  }
0x2a4: {  	[tilespmem:s15], [sflag:$0x3] =	stream.indirect.gather [hbm4b:s4+s11], $0x80, s22, s11, $0xb8;
	[tilespmem:$0x1DC00] =	vst v63  }
0x2a5: {  	_ =	swait.ge [sflag:s16], $0x2800  }
0x2a6: {  	[sflag:s16] =	ssyncset.done $0x0  }
0x2a7: {  	[sflag:s16] =	ssyncadd.s32 $0xFFFFD800  }
0x2a8: {  	[spmem:s2] =	stream.indirect.scatter.add.f32 [tilespmem:s13], [sflag:$0x5], $0x80, s23, s11, $0xb8;
	[tilespmem:$0x1DC00] =	vst v63  }
0x2a9: {  	_ =	swait.ge [sflag:s17], $0x2800  }
0x2aa: {  	[sflag:s17] =	ssyncset.done $0x0  }
0x2ab: {  	[sflag:s17] =	ssyncadd.s32 $0xFFFFD800  }
0x2ac: {  	[tilespmem:s12], [sflag:$0x1] =	stream.indirect.gather [hbm4b:s4+s11], $0x80, s24, s11, $0xb8;
	[tilespmem:$0x1DC00] =	vst v63  }
0x2ad: {  	_ =	swait.ge [sflag:s18], $0x2800  }
0x2ae: {  	[sflag:s18] =	ssyncset.done $0x0  }
0x2af: {  	[sflag:s18] =	ssyncadd.s32 $0xFFFFD800  }
0x2b0: {  	[spmem:s2] =	stream.indirect.scatter.add.f32 [tilespmem:s15], [sflag:$0x6], $0x80, s25, s11, $0xb8;
	[tilespmem:$0x1DC00] =	vst v63  }
0x2b1: {  	_ =	swait.ge [sflag:s19], $0x2800  }
0x2b2: {  	[sflag:s19] =	ssyncset.done $0x0  }
0x2b3: {  	[sflag:s19] =	ssyncadd.s32 $0xFFFFD800  }
0x2b4: {  	[tilespmem:s13], [sflag:$0x2] =	stream.indirect.gather [hbm4b:s4+s11], $0x80, s26, s11, $0xb8;
	[tilespmem:$0x1DC00] =	vst v63  }
0x2b5: {  	_ =	swait.ge [sflag:s14], $0x2800  }
0x2b6: {  	[sflag:s14] =	ssyncset.done $0x0  }
0x2b7: {  	[sflag:s14] =	ssyncadd.s32 $0xFFFFD800  }
0x2b8: {  	[spmem:s2] =	stream.indirect.scatter.add.f32 [tilespmem:s12], [sflag:$0x4], $0x80, s28, s11, $0xb8;
	[tilespmem:$0x1DC00] =	vst v63  }
0x2b9: {  	_ =	swait.ge [sflag:s20], $0x2800  }
0x2ba: {  	[sflag:s20] =	ssyncset.done $0x0  }
0x2bb: {  	[sflag:s20] =	ssyncadd.s32 $0xFFFFD800  }
0x2bc: {  	[tilespmem:s15], [sflag:$0x3] =	stream.indirect.gather [hbm4b:s4+s11], $0x80, s29, s11, $0xb8;
	[tilespmem:$0x1DC00] =	vst v63  }
0x2bd: {  	_ =	swait.ge [sflag:s16], $0x2800  }
0x2be: {  	[sflag:s16] =	ssyncset.done $0x0  }
0x2bf: {  	[sflag:s16] =	ssyncadd.s32 $0xFFFFD800  }
0x2c0: {  	[spmem:s2] =	stream.indirect.scatter.add.f32 [tilespmem:s13], [sflag:$0x5], $0x80, s30, s11, $0xb8;
	[tilespmem:$0x1DC00] =	vst v63  }
0x2c1: {  	_ =	swait.ge [sflag:s17], $0x2800  }
0x2c2: {  	[sflag:s17] =	ssyncset.done $0x0  }
0x2c3: {  	[sflag:s17] =	ssyncadd.s32 $0xFFFFD800  }
0x2c4: {  	[tilespmem:s12], [sflag:$0x1] =	stream.indirect.gather [hbm4b:s4+s11], $0x80, s31, s11, $0xb8;
	[tilespmem:$0x1DC00] =	vst v63  }
0x2c5: {  	_ =	swait.ge [sflag:s18], $0x2800  }
0x2c6: {  	[sflag:s18] =	ssyncset.done $0x0  }
0x2c7: {  	[sflag:s18] =	ssyncadd.s32 $0xFFFFD800  }
0x2c8: {  	[spmem:s2] =	stream.indirect.scatter.add.f32 [tilespmem:s15], [sflag:$0x6], $0x80, s1, s11, $0xb8;
	[tilespmem:$0x1DC00] =	vst v63  }
0x2c9: {  	_ =	swait.ge [sflag:s14], $0x2800  }
0x2ca: {  	[sflag:s14] =	ssyncset.done $0x0  }
0x2cb: {  	[sflag:s14] =	ssyncadd.s32 $0xFFFFD800  }
0x2cc: {  	[spmem:s2] =	stream.indirect.scatter.add.f32 [tilespmem:s12], [sflag:$0x4], $0x80, s0, s11, $0xb8;
	[tilespmem:$0x1DC00] =	vst v63  }
0x2cd: {  	_ =	swait.ge [sflag:s19], $0x2800  }
0x2ce: {  	[sflag:s19] =	ssyncset.done $0x0  }
0x2cf: {  	[sflag:s19] =	ssyncadd.s32 $0xFFFFD800  }
0x2d0: {  	_ =	swait.ge [sflag:s20], $0x2800  }
0x2d1: {  	[sflag:s20] =	ssyncset.done $0x0  }
0x2d2: {  	[sflag:s20] =	ssyncadd.s32 $0xFFFFD800  }
0x2d3: {  	_ =	swait.ge [sflag:s17], $0x2800  }
0x2d4: {  	[sflag:s17] =	ssyncset.done $0x0  }
0x2d5: {  	[sflag:s17] =	ssyncadd.s32 $0xFFFFD800  }
0x2d6: {  	[bflag:$0x0] =	sbarrier.arrive $0xFFFF  }
0x2d7: {  	s7 =	stileid.u32;
	s21 =	sld [smem:$0x7F3]  }
0x2d8: {  	s6 =	sshll.u32 s7, $0x6  }
0x2d9: {  	s6 =	sor.u32 $0x1C07, s6;
	s8 =	sshrl.u32 s5, $0x3  }
0x2da: {  	[hbm:s21], [sflag:s6] =	dma.local [spmem:s8], $0x2800  }
0x2db: {  	_ =	swait.ge [sflag:s9], $0x2800  }
0x2dc: {  	s8 =	sld [smem:$0x7F2]  }
0x2dd: {  	s21 =	sld [smem:$0x7F4];
	_ =	sdelay $0x1  }
0x2de: {  	s7 =	sadd.s32 $0x1, s8  }
0x2df: {  	p0 =	sne.s32 s7, s21  }
.Ltmp3:
0x2e0: {  	_ = 	snop;
	(pc) =	sbr.rel @p0 .LBB2_1-.Ltmp3, $3  }
0x2e1: {  	_ =	sdelay $0x1  }
0x2e2: {  	[sflag:s9] =	ssyncset.done $0x0  }
0x2e3: {  	[sflag:s9] =	ssyncadd.s32 $0xFFFFD800  }
0x2e4: {  	_ =	sfence.sel $0x180000  }
0x2e5: {  	[bflag:$0x0] =	sbarrier.arrive $0xFFFF  }
0x2e6: {  	_ =	strace $0x9000004D  }
0x2e7: {  	s0 =	stileid.u32;
	[bflag:$0x2] =	sbarrier.arrive $0xFFFF  }
0x2e8: {  	p0 =	sne.s32 s0, $0x0;
	s0 =	rddreg [dreg:$0x2]  }
0x2e9: {  	s0 =	sadd.s32 @!p0 $0x100000, s0  }
0x2ea: {  	[sflag:s0] =	ssyncadd.tile.s32 @!p0 $0x1;
	_ =	shalt  }
.Lfunc_end2:
_tile_overlayer_lowered:
.L_overlay_start_2:
0x2eb: {  	(tag) =	ssettag $0x2  }
0x2ec: {  	s0 =	rddreg [dreg:$0x0];
	s2 =	stileid.u32  }
0x2ed: {  	s1 =	rddreg [dreg:$0x1];
	p0 =	sne.s32 s2, $0x0  }
0x2ee: {  	s3 =	rddreg [dreg:$0x2];
	[bflag:$0x3] =	sbarrier.arrive $0xFFFF;
	s2 =	simm.s32 @!p0 $0x1C07  }
0x2ef: {  	[timem:s3], [sflag:s2] =	dma.local @!p0 [hbm:s0], s1  }
0x2f0: {  	s0 =	simm.s32 @!p0 $0x7  }
0x2f1: {  	_ =	swait.ge @!p0 [sflag:s0], s1  }
0x2f2: {  	s1 =	ssub.s32 @!p0 $0x0, s1;
	[sflag:s0] =	ssyncset.done @!p0 $0x0  }
0x2f3: {  	[sflag:s0] =	ssyncadd.s32 @!p0 s1  }
0x2f4: {  	[bflag:$0x3] =	sbarrier.arrive $0xFFFF  }
0x2f5: {  	_ =	shalt  }

// kernel: kernel.19.cloned.1.call-start
scs
__scs_entry_jumppad:
0x0: {  	(pc) =	sbr.rel $0x88, $3  }
0x1: {  	(tag) =	ssettag $0x0;
	lr =	simm.s32 $0x1  }
0x2: {  	[smem:$0x3F95] =	sst lr;
	_ =	strace $0xD0000000  }
0x3: {  	_ = 	snop  }
0x4: {  	_ = 	snop  }
0x5: {  	_ = 	snop  }
0x6: {  	_ = 	snop  }
0x7: {  	_ = 	snop  }
__scs_overlays_trampoline_lowered:
0x8: {  	[smem:$0x3FA4] =	sst s0  }
0x9: {  	[smem:$0x3FA5] =	sst s1  }
0xa: {  	[smem:$0x3FA6] =	sst s2  }
0xb: {  	[smem:$0x3FA7] =	sst s3  }
0xc: {  	[smem:$0x3FA8] =	sst s4  }
0xd: {  	[smem:$0x3FA9] =	sst s5  }
0xe: {  	[smem:$0x3FAA] =	sst s6  }
0xf: {  	[smem:$0x3FAB] =	sst s7  }
0x10: {  	[smem:$0x3FAC] =	sst s8  }
0x11: {  	[smem:$0x3FAD] =	sst s9;
	s0 =	simm.s32 @!p0 $0x0  }
0x12: {  	s1 =	sld [smem:$0x3F93];
	s0 =	simm.s32 @p0 $0x1  }
0x13: {  	[smem:$0x3FAE] =	sst s0;
	s0 =	simm.s32 @!p1 $0x0  }
0x14: {  	s2 =	sld [smem:$0x3F92];
	s0 =	simm.s32 @p1 $0x1  }
0x15: {  	[smem:$0x3FAF] =	sst s0;
	s0 =	simm.s32 @!p2 $0x0  }
0x16: {  	s3 =	sld [smem:$0x3FDB];
	s0 =	simm.s32 @p2 $0x1  }
0x17: {  	s4 =	simm.s32 $0x1BF5;
	[smem:$0x3FB1] =	sst s0  }
0x18: {  	s0 =	sld [smem:$0x3F94];
	_ =	swait.ge [sflag:s4], $0x0  }
0x19: {  	s7 =	sld [smem:$0x3F95]  }
0x1a: {  	s8 =	sadd.s32 $0xFFFFE003, lr  }
0x1b: {  	s9 =	sadd.s32 $0xFFFFFEF7, lr;
	s5 =	simm.s32 $0xFFFFFFFF;
	p2 =	slt.u32 s8, $0xFFFFF086  }
0x1c: {  	p1 =	slt.u32 s9, $0xF7A;
	s5 =	simm.s32 @!p2 $0x0  }
0x1d: {  	s5 =	simm.s32 @p1 $0x1;
	p0 =	seq.s32 s7, s2  }
0x1e: {  	s7 =	smul.u32 @!p0 $0xF7A, s2;
	p2 =	seq.s32 @!p0 s5, $0x0  }
0x1f: {  	s9 =	smul.u32 $0xF7A, s1;
	s8 =	simm.s32 @!p0 $0x1BF5;
	p2 =	por !p2, p0  }
0x20: {  	[sflag:s8] =	ssyncset.s32 @!p0 $0xFFFFF086;
	s6 =	sadd.s32 @!p0 s3, s7;
	s7 =	simm.s32 @!p0 $0x108  }
0x21: {  	s3 =	sadd.s32 s3, s9;
	s6 =	sadd.s32 @!p0 $0x88, s6;
	s7 =	simm.s32 @p2 $0x1082  }
0x22: {  	[simem:s7], [sflag:s8] =	dma.local @!p0 [hbm:s6], $0xF7A  }
0x23: {  	s9 =	sor.u32 $0xD0000000, s2;
	s6 =	simm.s32 $0x108;
	_ =	swait.ge @!p0 [sflag:s8], $0x0  }
0x24: {  	s3 =	sadd.s32 $0x88, s3;
	s6 =	simm.s32 @!p1 $0x1082;
	[sflag:s4] =	ssyncset.s32 $0xFFFFF086  }
0x25: {  	[simem:s6], [sflag:s4] =	dma.local [hbm:s3], $0xF7A  }
0x26: {  	[smem:$0x3F95] =	sst s1;
	(tag) =	ssettag s2;
	_ =	strace s9  }
0x27: {  	s1 =	sld [smem:$0x3FA5]  }
0x28: {  	s2 =	sld [smem:$0x3FA6]  }
0x29: {  	s4 =	sld [smem:$0x3FA8]  }
0x2a: {  	p0 =	seq.s32 s5, $0x0;
	s5 =	sld [smem:$0x3FA9]  }
0x2b: {  	s6 =	sld [smem:$0x3FAA]  }
0x2c: {  	s7 =	sld [smem:$0x3FAB]  }
0x2d: {  	s3 =	simm.s32 $0x108;
	s8 =	sld [smem:$0x3FAC]  }
0x2e: {  	s3 =	simm.s32 @!p0 $0x1082;
	s9 =	sld [smem:$0x3FAD]  }
0x2f: {  	lr =	sadd.s32 s0, s3;
	s0 =	sld [smem:$0x3FA4]  }
0x30: {  	s3 =	sld [smem:$0x3FA7]  }
0x31: {  	[smem:$0x3FB0] =	sst s10  }
0x32: {  	s10 =	sld [smem:$0x3FAE];
	_ =	sdelay $0x3  }
0x33: {  	p0 =	seq.s32 s10, $0x1;
	s10 =	sld [smem:$0x3FB0];
	_ =	sdelay $0x3  }
0x34: {  	[smem:$0x3FB0] =	sst s10  }
0x35: {  	s10 =	sld [smem:$0x3FAF];
	_ =	sdelay $0x3  }
0x36: {  	p1 =	seq.s32 s10, $0x1;
	s10 =	sld [smem:$0x3FB0];
	_ =	sdelay $0x3  }
0x37: {  	[smem:$0x3FB0] =	sst s10  }
0x38: {  	s10 =	sld [smem:$0x3FB1]  }
0x39: {  	_ = 	snop;
	(pc) =	sbr.ind lr, $3  }
0x3a: {  	_ = 	snop  }
0x3b: {  	_ = 	snop  }
0x3c: {  	p2 =	seq.s32 s10, $0x1;
	s10 =	sld [smem:$0x3FB0]  }
0x3d: {  	_ =	shalt  }
0x3e: {  	_ =	shalt  }
0x3f: {  	_ =	shalt  }
0x40: {  	_ =	shalt  }
0x41: {  	_ =	shalt  }
0x42: {  	_ =	shalt  }
0x43: {  	_ =	shalt  }
0x44: {  	_ =	shalt  }
0x45: {  	_ =	shalt  }
0x46: {  	_ =	shalt  }
0x47: {  	_ =	shalt  }
0x48: {  	_ =	shalt  }
0x49: {  	_ =	shalt  }
0x4a: {  	_ =	shalt  }
0x4b: {  	_ =	shalt  }
0x4c: {  	_ =	shalt  }
0x4d: {  	_ =	shalt  }
0x4e: {  	_ =	shalt  }
0x4f: {  	_ =	shalt  }
0x50: {  	_ =	shalt  }
0x51: {  	_ =	shalt  }
0x52: {  	_ =	shalt  }
0x53: {  	_ =	shalt  }
0x54: {  	_ =	shalt  }
0x55: {  	_ =	shalt  }
0x56: {  	_ =	shalt  }
0x57: {  	_ =	shalt  }
0x58: {  	_ =	shalt  }
0x59: {  	_ =	shalt  }
0x5a: {  	_ =	shalt  }
0x5b: {  	_ =	shalt  }
0x5c: {  	_ =	shalt  }
0x5d: {  	_ =	shalt  }
0x5e: {  	_ =	shalt  }
0x5f: {  	_ =	shalt  }
0x60: {  	_ =	shalt  }
0x61: {  	_ =	shalt  }
0x62: {  	_ =	shalt  }
0x63: {  	_ =	shalt  }
0x64: {  	_ =	shalt  }
0x65: {  	_ =	shalt  }
0x66: {  	_ =	shalt  }
0x67: {  	_ =	shalt  }
0x68: {  	_ =	shalt  }
0x69: {  	_ =	shalt  }
0x6a: {  	_ =	shalt  }
0x6b: {  	_ =	shalt  }
0x6c: {  	_ =	shalt  }
0x6d: {  	_ =	shalt  }
0x6e: {  	_ =	shalt  }
0x6f: {  	_ =	shalt  }
0x70: {  	_ =	shalt  }
0x71: {  	_ =	shalt  }
0x72: {  	_ =	shalt  }
0x73: {  	_ =	shalt  }
0x74: {  	_ =	shalt  }
0x75: {  	_ =	shalt  }
0x76: {  	_ =	shalt  }
0x77: {  	_ =	shalt  }
0x78: {  	_ =	shalt  }
0x79: {  	_ =	shalt  }
0x7a: {  	_ =	shalt  }
0x7b: {  	_ =	shalt  }
0x7c: {  	_ =	shalt  }
0x7d: {  	_ =	shalt  }
0x7e: {  	_ =	shalt  }
0x7f: {  	_ =	shalt  }
0x80: {  	_ =	shalt  }
0x81: {  	_ =	shalt  }
0x82: {  	_ =	shalt  }
0x83: {  	_ =	shalt  }
0x84: {  	_ =	shalt  }
0x85: {  	_ =	shalt  }
0x86: {  	_ =	shalt  }
0x87: {  	_ =	shalt  }
.Lfunc_end0:
.L_simem_size_0:
called_computation.3_lowered:
.L_overlay_start_0:
0x88: {  	s2 =	sld [smem:$0x3FD9]  }
0x89: {  	s3 =	sld [smem:$0x3FFE];
	_ =	sdelay $0x1  }
0x8a: {  	s1 =	srdreg.scid  }
0x8b: {  	s0 =	sand.u32 $0x1, s1  }
0x8c: {  	s16 =	sshll.u32 s0, $0xA;
	s2 =	sadd.s32 s3, s2  }
0x8d: {  	s2 =	sadd.s32 s2, s16  }
0x8e: {  	[smem:$0x3FBC] =	sst s2  }
0x8f: {  	_ = 	snop  }
0x90: {  	(tm) =	ssettm $0x1  }
0x91: {  	s17 =	sld [smem:$0x3FFB];
	_ =	sdelay $0x3  }
0x92: {  	_ =	strace s17  }
0x93: {  	s2 =	sld [smem:$0x3FFC];
	_ =	sdelay $0x3  }
0x94: {  	_ =	strace s2  }
0x95: {  	s2 =	sld [smem:$0x3FFD];
	_ =	sdelay $0x3  }
0x96: {  	_ =	strace s2  }
0x97: {  	_ =	strace $0x8FFFFFFF  }
0x98: {  	s18 =	sld [smem:$0x3FDB];
	_ =	sdelay $0x1  }
0x99: {  	s19 =	simm.s32 $_scs_section_size  }
0x9a: {  	s4 =	simm.s32 $_size__tile_overlayer_lowered;
	s5 =	simm.s32 $_tile_overlayer_lowered  }
0x9b: {  	s22 =	simm.s32 $0x1BFF;
	s21 =	sshll.u32 s5, $0x1;
	s2 =	sadd.s32 s19, s18  }
0x9c: {  	s6 =	simm.s32 $0x0;
	s20 =	sshll.u32 s4, $0x1;
	s4 =	sadd.s32 s21, s2  }
0x9d: {  	[timem:s6], [sflag:s22] =	dma.local [hbm:s4], s20  }
0x9e: {  	_ =	swait.ge [sflag:s22], s20  }
0x9f: {  	s3 =	ssub.s32 $0x0, s20;
	[sflag:s22] =	ssyncset.done $0x0  }
0xa0: {  	[sflag:s22] =	ssyncadd.s32 s3;
	_ =	sdelay $0x1  }
0xa1: {  	s23 =	simm.s32 $0x1B8B  }
0xa2: {  	_ =	swait.ge [sflag:s23], $0x1  }
0xa3: {  	[sflag:s23] =	ssyncset.done $0x0  }
0xa4: {  	s25 =	simm.s32 $0x1B8E;
	s24 =	sld [smem:$0x3FFE];
	[sflag:s23] =	ssyncadd.s32 $0xFFFFFFFF  }
0xa5: {  	s26 =	simm.s32 $execute0_lowered;
	[smem:$0x3FD2] =	sst s25  }
0xa6: {  	s4 =	sshll.u32 s26, $0x1;
	_ =	strace $0x8000004F;
	[dreg:$0x1] =	wrdreg $0xFFFFFFFF  }
0xa7: {  	s28 =	simm.s32 $_size_execute0_lowered;
	s2 =	sadd.s32 s2, s4;
	[dreg:$0x0] =	wrdreg $0x0  }
0xa8: {  	s4 =	sshll.u32 s28, $0x1;
	[dreg:$0x2] =	wrdreg s2  }
0xa9: {  	[dreg:$0x3] =	wrdreg s4  }
0xaa: {  	[dreg:$0x4] =	wrdreg $0xC0  }
0xab: {  	_ =	task [dreg:s6], $0x5FFFF  }
0xac: {  	[dreg:$0x1] =	wrdreg $0xFFFFFFFF  }
0xad: {  	[dreg:$0x0] =	wrdreg $0x60  }
0xae: {  	[dreg:$0x2] =	wrdreg s24  }
0xaf: {  	[dreg:$0x3] =	wrdreg $0x9C000  }
0xb0: {  	[dreg:$0x4] =	wrdreg $0x9  }
0xb1: {  	_ =	task.clear_ibuf [dreg:s6], $0x5FFFF;
	_ =	strace $0x9000004F  }
0xb2: {  	s29 =	simm.s32 $0x9;
	_ =	strace $0x80000051  }
0xb3: {  	_ =	swait.ge [sflag:s29], $0x1  }
0xb4: {  	[sflag:s29] =	ssyncadd.s32 $0xFFFFFFFF  }
0xb5: {  	_ =	strace $0x90000051  }
0xb6: {  	_ =	sfence  }
0xb7: {  	s30 =	sld [smem:$0x0];
	_ =	sdelay $0x2  }
0xb8: {  	s31 =	sshll.u32 s1, $0xD;
	s1 =	sshrl.u32 s1, $0x2  }
0xb9: {  	s3 =	sand.u32 $0x4000, s31;
	s1 =	sadd.s32 s1, s30  }
0xba: {  	s0 =	sor.u32 s3, s0;
	s1 =	sshll.u32 s1, $0x11  }
0xbb: {  	s0 =	sor.u32 s1, s0  }
0xbc: {  	s0 =	sadd.s32 $0x8F2B, s0  }
0xbd: {  	[sflag:s0] =	ssyncadd.remote.s32 $0x1  }
0xbe: {  	_ =	sfence.sel $0xFFFF  }
0xbf: {  	[dreg:$0x0] =	wrdreg $0xFFFFFFFF;
	(pc) =	sbr.abs _section_cstart, $3  }
0xc0: {  	[dreg:$0x1] =	wrdreg $0xFFFFFFFF  }
0xc1: {  	_ =	task.clear_ibuf [dreg:s6], $0x2FFFF;
	_ =	strace $0x9FFFFFFF  }
0xc2: {  	(tm) =	ssettm $0x7FFFFFFF  }
0xc3: {  	_ =	shalt  }
tec
execute0_lowered:
.L_overlay_start_1:
0x0: {  	(tag) =	ssettag $0x1  }
0x1: {  	s0 =	srdreg.scid;
	s8 =	stileid.u32  }
0x2: {  	s0 =	sand.u32 $0x1, s0;
	s3 =	smul.u32 $0x5000, s8  }
0x3: {  	s1 =	smul.u32 $0x50000, s0  }
0x4: {  	s5 =	rddreg [dreg:$0x0]  }
0x5: {  	s2 =	rddreg [dreg:$0x1];
	s1 =	sadd.s32 s3, s1;
	s3 =	simm.s32 $0x0  }
0x6: {  	s6 =	simm.s32 $0x80;
	[smem:$0x7FF] =	sst s3  }
0x7: {  	s7 =	simm.s32 $0x100;
	_ =	strace $0x80000050;
	[dreg:$0x5] =	wrdreg s6  }
0x8: {  	s9 =	simm.s32 $0x1080;
	[dreg:$0x6] =	wrdreg s7  }
0x9: {  	s10 =	simm.s32 $0x180;
	[dreg:$0x7] =	wrdreg s9  }
0xa: {  	s11 =	simm.s32 $0x1100;
	[dreg:$0x8] =	wrdreg s10  }
0xb: {  	s12 =	simm.s32 $0x200;
	[dreg:$0x9] =	wrdreg s11  }
0xc: {  	s13 =	simm.s32 $0x1180;
	[dreg:$0xa] =	wrdreg s12  }
0xd: {  	s14 =	simm.s32 $0x280;
	[dreg:$0xb] =	wrdreg s13  }
0xe: {  	s15 =	simm.s32 $0x1200;
	[dreg:$0xc] =	wrdreg s14  }
0xf: {  	s16 =	simm.s32 $0x300;
	[dreg:$0xd] =	wrdreg s15  }
0x10: {  	s17 =	simm.s32 $0x1280;
	s18 =	simm.s32 $0x380;
	[dreg:$0xe] =	wrdreg s16  }
0x11: {  	s19 =	simm.s32 $0x1300;
	s20 =	simm.s32 $0x400;
	[dreg:$0xf] =	wrdreg s17  }
0x12: {  	s21 =	simm.s32 $0x1380;
	s22 =	simm.s32 $0x480;
	[dreg:$0x10] =	wrdreg s18  }
0x13: {  	s23 =	simm.s32 $0x1400;
	s25 =	simm.s32 $0x500;
	[dreg:$0x11] =	wrdreg s19  }
0x14: {  	s28 =	simm.s32 $0x1A80;
	s29 =	simm.s32 $0xB80;
	[dreg:$0x12] =	wrdreg s20  }
0x15: {  	s30 =	simm.s32 $0x1B00;
	s31 =	simm.s32 $0xC00;
	[dreg:$0x13] =	wrdreg s21  }
0x16: {  	s26 =	smul.u32 $0x50000, s8;
	s1 =	sshrl.u32 s1, $0x3;
	[dreg:$0x14] =	wrdreg s22  }
0x17: {  	s1 =	sadd.s32 s1, s5;
	s6 =	smul.u32 $0x140000, s0;
	[dreg:$0x15] =	wrdreg s23  }
0x18: {  	s7 =	smul.u32 $0x14000, s8;
	[dreg:$0x16] =	wrdreg s25;
	s8 =	simm.s32 $0x1480  }
0x19: {  	s0 =	ssub.s32 $0x2, s0;
	s9 =	simm.s32 $0x580;
	[dreg:$0x17] =	wrdreg s8  }
0x1a: {  	s10 =	sshrl.u32 s26, $0x2;
	s11 =	simm.s32 $0x1500;
	[dreg:$0x18] =	wrdreg s9  }
0x1b: {  	s12 =	simm.s32 $0x600;
	s13 =	simm.s32 $0x1580;
	[dreg:$0x19] =	wrdreg s11  }
0x1c: {  	s14 =	simm.s32 $0x680;
	s15 =	simm.s32 $0x1600;
	[dreg:$0x1a] =	wrdreg s12  }
0x1d: {  	s16 =	simm.s32 $0x700;
	s17 =	simm.s32 $0x1680;
	[dreg:$0x1b] =	wrdreg s13  }
0x1e: {  	s18 =	simm.s32 $0x780;
	s19 =	simm.s32 $0x1700;
	[dreg:$0x1c] =	wrdreg s14  }
0x1f: {  	s20 =	simm.s32 $0x800;
	s21 =	simm.s32 $0x1780;
	[dreg:$0x1d] =	wrdreg s15  }
0x20: {  	s22 =	simm.s32 $0x880;
	s23 =	simm.s32 $0x1800;
	[dreg:$0x1e] =	wrdreg s16  }
0x21: {  	s25 =	simm.s32 $0x1880;
	s26 =	simm.s32 $0x980;
	[dreg:$0x1f] =	wrdreg s17  }
0x22: {  	s4 =	sadd.s32 $0x14E00, s1;
	s1 =	sadd.s32 $0x28E00, s1;
	[smem:$0x7F5] =	sst s18  }
0x23: {  	s24 =	sshrl.u32 s0, $0x1;
	s9 =	simm.s32 $0x7;
	[smem:$0x7F6] =	sst s19  }
0x24: {  	s11 =	simm.s32 $0x50;
	s12 =	simm.s32 $0x2000;
	[smem:$0x7F7] =	sst s20  }
0x25: {  	s13 =	simm.s32 $0x4800;
	s14 =	simm.s32 $0x1;
	[smem:$0x7F8] =	sst s21  }
0x26: {  	s15 =	simm.s32 $0x7000;
	s16 =	simm.s32 $0x2;
	[smem:$0x7F9] =	sst s22  }
0x27: {  	s17 =	simm.s32 $0x4;
	[smem:$0x7FA] =	sst s23;
	s18 =	simm.s32 $0x3  }
0x28: {  	s19 =	simm.s32 $0x5;
	[smem:$0x7FC] =	sst s25;
	s20 =	simm.s32 $0x6  }
0x29: {  	[smem:$0x7FD] =	sst s26;
	s22 =	simm.s32 $0xA00;
	s23 =	simm.s32 $0x1980  }
0x2a: {  	s25 =	simm.s32 $0x1A00;
	s26 =	simm.s32 $0xB00;
	[dreg:$0x3] =	wrdreg s4  }
0x2b: {  	[dreg:$0x4] =	wrdreg s1;
	s4 =	sadd.s32 $0x3CE00, s5;
	s6 =	sadd.s32 s7, s6  }
0x2c: {  	s0 =	ssub.s32 s0, s24;
	s24 =	simm.s32 $0x900;
	s1 =	simm.s32 $0x1B80  }
0x2d: {  	s7 =	simm.s32 $0x0;
	s6 =	sshrl.u32 s6, $0x3;
	s0 =	smax.u32 s0, $0x1  }
0x2e: {  	[smem:$0x7FB] =	sst s24;
	s24 =	simm.s32 $0xA80;
	s6 =	sadd.s32 s6, s5  }
0x2f: {  	s5 =	sadd.s32 s10, s2;
	[smem:$0x7F4] =	sst s0;
	s6 =	sadd.s32 $0x8CE00, s6  }
0x30: {  	v0 =	vimm.f32 $0.0e+00;
	s10 =	simm.s32 $0x1000;
	s0 =	simm.s32 $0x1C00;
	[smem:$0x7F3] =	sst s6  }
.LBB2_1:
0x31: {  	[smem:$0x7F2] =	sst s7;
	s6 =	simm.s32 $0x0;
	s7 =	simm.s32 $0x0  }
.LBB2_2:
0x32: {  	p0 =	sne.s32 s7, $0xFC0  }
.Ltmp0:
0x33: {  	_ = 	snop;
	(pc) =	sbr.rel @p0 .LBB2_2-.Ltmp0, $4  }
0x34: {  	s8 =	sand.u32 $0xE00, s7  }
0x35: {  	s21 =	sand.u32 $0x70, s6;
	s8 =	sshrl.u32 s8, $0x2  }
0x36: {  	s8 =	sor.u32 s21, s8  }
0x37: {  	s6 =	sadd.s32 $0x10, s6;
	s7 =	sadd.s32 $0x40, s7;
	[tilespmem:s8+$0x9800] =	vst v0  }
0x38: {  	s6 =	sadd.s32 $0x0, s5;
	s8 =	simm.s32 $0x9800  }
0x39: {  	[spmem:s6] =	stream.linear.scatter [tilespmem:s8], [sflag:$0x7], $0x400, $0x38;
	[tilespmem:$0x1DC00] =	vst v63  }
0x3a: {  	s6 =	simm.s32 $0x1000;
	_ =	swait.ge [sflag:s9], $0x400  }
.LBB2_4:
0x3b: {  	s7 =	sshra.s32 s6, $0x2;
	[sflag:s9] =	ssyncset.done $0x0;
	p0 =	sne.s32 s6, $0x4F000  }
.Ltmp1:
0x3c: {  	s7 =	sadd.s32 s7, s5;
	[sflag:s9] =	ssyncadd.s32 $0xFFFFFC00;
	(pc) =	sbr.rel @p0 .LBB2_4-.Ltmp1, $3  }
0x3d: {  	[spmem:s7] =	stream.linear.scatter [tilespmem:s8], [sflag:$0x7], $0x400, $0x38;
	[tilespmem:$0x1DC00] =	vst v63  }
0x3e: {  	s6 =	sadd.s32 $0x1000, s6;
	_ =	sdelay $0x1  }
0x3f: {  	_ =	swait.ge [sflag:s9], $0x400  }
0x40: {  	[sflag:s9] =	ssyncset.done $0x0  }
0x41: {  	[sflag:s9] =	ssyncadd.s32 $0xFFFFFC00  }
0x42: {  	[bflag:$0x0] =	sbarrier.arrive $0xFFFF  }
0x43: {  	s6 =	rddreg [dreg:$0x4]  }
0x44: {  	s6 =	sadd.s32 $0x0, s6  }
0x45: {  	[tilespmem:s3], [sflag:$0x7] =	stream.linear.gather [hbm4b:s6+s3], $0xC80, $0x38;
	[tilespmem:$0x1DC00] =	vst v63  }
0x46: {  	_ =	swait.ge [sflag:s9], $0xC80  }
0x47: {  	s8 =	rddreg [dreg:$0x3];
	[sflag:s9] =	ssyncset.done $0x0  }
0x48: {  	[sflag:s9] =	ssyncadd.s32 $0xFFFFF380;
	s6 =	sadd.s32 $0x0, s8  }
0x49: {  	[tilespmem:s10], [sflag:$0x7] =	stream.linear.gather [hbm4b:s6+s3], $0xC80, $0x38;
	[tilespmem:$0x1DC00] =	vst v63  }
0x4a: {  	_ =	swait.ge [sflag:s9], $0xC80  }
0x4b: {  	[sflag:s9] =	ssyncset.done $0x0  }
0x4c: {  	[sflag:s9] =	ssyncadd.s32 $0xFFFFF380  }
0x4d: {  	[tilespmem:s12], [sflag:$0x1] =	stream.indirect.gather [hbm4b:s4+s11], $0x80, s3, s11, $0xb8;
	[tilespmem:$0x1DC00] =	vst v63  }
0x4e: {  	s21 =	rddreg [dreg:$0x5]  }
0x4f: {  	[tilespmem:s13], [sflag:$0x2] =	stream.indirect.gather [hbm4b:s4+s11], $0x80, s21, s11, $0xb8;
	[tilespmem:$0x1DC00] =	vst v63  }
0x50: {  	_ =	swait.ge [sflag:s14], $0x2800  }
0x51: {  	[sflag:s14] =	ssyncset.done $0x0  }
0x52: {  	[sflag:s14] =	ssyncadd.s32 $0xFFFFD800  }
0x53: {  	[spmem:s2] =	stream.indirect.scatter.add.f32 [tilespmem:s12], [sflag:$0x4], $0x80, s10, s11, $0xb8;
	[tilespmem:$0x1DC00] =	vst v63  }
0x54: {  	s7 =	rddreg [dreg:$0x6]  }
0x55: {  	[tilespmem:s15], [sflag:$0x3] =	stream.indirect.gather [hbm4b:s4+s11], $0x80, s7, s11, $0xb8;
	[tilespmem:$0x1DC00] =	vst v63  }
0x56: {  	_ =	swait.ge [sflag:s16], $0x2800  }
0x57: {  	[sflag:s16] =	ssyncset.done $0x0  }
0x58: {  	s8 =	rddreg [dreg:$0x7];
	[sflag:s16] =	ssyncadd.s32 $0xFFFFD800  }
0x59: {  	[spmem:s2] =	stream.indirect.scatter.add.f32 [tilespmem:s13], [sflag:$0x5], $0x80, s8, s11, $0xb8;
	[tilespmem:$0x1DC00] =	vst v63  }
0x5a: {  	_ =	swait.ge [sflag:s17], $0x2800  }
0x5b: {  	[sflag:s17] =	ssyncset.done $0x0  }
0x5c: {  	s21 =	rddreg [dreg:$0x8];
	[sflag:s17] =	ssyncadd.s32 $0xFFFFD800  }
0x5d: {  	[tilespmem:s12], [sflag:$0x1] =	stream.indirect.gather [hbm4b:s4+s11], $0x80, s21, s11, $0xb8;
	[tilespmem:$0x1DC00] =	vst v63  }
0x5e: {  	_ =	swait.ge [sflag:s18], $0x2800  }
0x5f: {  	[sflag:s18] =	ssyncset.done $0x0  }
0x60: {  	s7 =	rddreg [dreg:$0x9];
	[sflag:s18] =	ssyncadd.s32 $0xFFFFD800  }
0x61: {  	[spmem:s2] =	stream.indirect.scatter.add.f32 [tilespmem:s15], [sflag:$0x6], $0x80, s7, s11, $0xb8;
	[tilespmem:$0x1DC00] =	vst v63  }
0x62: {  	_ =	swait.ge [sflag:s19], $0x2800  }
0x63: {  	[sflag:s19] =	ssyncset.done $0x0  }
0x64: {  	s8 =	rddreg [dreg:$0xa];
	[sflag:s19] =	ssyncadd.s32 $0xFFFFD800  }
0x65: {  	[tilespmem:s13], [sflag:$0x2] =	stream.indirect.gather [hbm4b:s4+s11], $0x80, s8, s11, $0xb8;
	[tilespmem:$0x1DC00] =	vst v63  }
0x66: {  	_ =	swait.ge [sflag:s14], $0x2800  }
0x67: {  	[sflag:s14] =	ssyncset.done $0x0  }
0x68: {  	s21 =	rddreg [dreg:$0xb];
	[sflag:s14] =	ssyncadd.s32 $0xFFFFD800  }
0x69: {  	[spmem:s2] =	stream.indirect.scatter.add.f32 [tilespmem:s12], [sflag:$0x4], $0x80, s21, s11, $0xb8;
	[tilespmem:$0x1DC00] =	vst v63  }
0x6a: {  	_ =	swait.ge [sflag:s20], $0x2800  }
0x6b: {  	[sflag:s20] =	ssyncset.done $0x0  }
0x6c: {  	s7 =	rddreg [dreg:$0xc];
	[sflag:s20] =	ssyncadd.s32 $0xFFFFD800  }
0x6d: {  	[tilespmem:s15], [sflag:$0x3] =	stream.indirect.gather [hbm4b:s4+s11], $0x80, s7, s11, $0xb8;
	[tilespmem:$0x1DC00] =	vst v63  }
0x6e: {  	_ =	swait.ge [sflag:s16], $0x2800  }
0x6f: {  	[sflag:s16] =	ssyncset.done $0x0  }
0x70: {  	s8 =	rddreg [dreg:$0xd];
	[sflag:s16] =	ssyncadd.s32 $0xFFFFD800  }
0x71: {  	[spmem:s2] =	stream.indirect.scatter.add.f32 [tilespmem:s13], [sflag:$0x5], $0x80, s8, s11, $0xb8;
	[tilespmem:$0x1DC00] =	vst v63  }
0x72: {  	_ =	swait.ge [sflag:s17], $0x2800  }
0x73: {  	[sflag:s17] =	ssyncset.done $0x0  }
0x74: {  	s21 =	rddreg [dreg:$0xe];
	[sflag:s17] =	ssyncadd.s32 $0xFFFFD800  }
0x75: {  	[tilespmem:s12], [sflag:$0x1] =	stream.indirect.gather [hbm4b:s4+s11], $0x80, s21, s11, $0xb8;
	[tilespmem:$0x1DC00] =	vst v63  }
0x76: {  	_ =	swait.ge [sflag:s18], $0x2800  }
0x77: {  	[sflag:s18] =	ssyncset.done $0x0  }
0x78: {  	s7 =	rddreg [dreg:$0xf];
	[sflag:s18] =	ssyncadd.s32 $0xFFFFD800  }
0x79: {  	[spmem:s2] =	stream.indirect.scatter.add.f32 [tilespmem:s15], [sflag:$0x6], $0x80, s7, s11, $0xb8;
	[tilespmem:$0x1DC00] =	vst v63  }
0x7a: {  	_ =	swait.ge [sflag:s19], $0x2800  }
0x7b: {  	[sflag:s19] =	ssyncset.done $0x0  }
0x7c: {  	s8 =	rddreg [dreg:$0x10];
	[sflag:s19] =	ssyncadd.s32 $0xFFFFD800  }
0x7d: {  	[tilespmem:s13], [sflag:$0x2] =	stream.indirect.gather [hbm4b:s4+s11], $0x80, s8, s11, $0xb8;
	[tilespmem:$0x1DC00] =	vst v63  }
0x7e: {  	_ =	swait.ge [sflag:s14], $0x2800  }
0x7f: {  	[sflag:s14] =	ssyncset.done $0x0  }
0x80: {  	s21 =	rddreg [dreg:$0x11];
	[sflag:s14] =	ssyncadd.s32 $0xFFFFD800  }
0x81: {  	[spmem:s2] =	stream.indirect.scatter.add.f32 [tilespmem:s12], [sflag:$0x4], $0x80, s21, s11, $0xb8;
	[tilespmem:$0x1DC00] =	vst v63  }
0x82: {  	_ =	swait.ge [sflag:s20], $0x2800  }
0x83: {  	[sflag:s20] =	ssyncset.done $0x0  }
0x84: {  	s7 =	rddreg [dreg:$0x12];
	[sflag:s20] =	ssyncadd.s32 $0xFFFFD800  }
0x85: {  	[tilespmem:s15], [sflag:$0x3] =	stream.indirect.gather [hbm4b:s4+s11], $0x80, s7, s11, $0xb8;
	[tilespmem:$0x1DC00] =	vst v63  }
0x86: {  	_ =	swait.ge [sflag:s16], $0x2800  }
0x87: {  	[sflag:s16] =	ssyncset.done $0x0  }
0x88: {  	s8 =	rddreg [dreg:$0x13];
	[sflag:s16] =	ssyncadd.s32 $0xFFFFD800  }
0x89: {  	[spmem:s2] =	stream.indirect.scatter.add.f32 [tilespmem:s13], [sflag:$0x5], $0x80, s8, s11, $0xb8;
	[tilespmem:$0x1DC00] =	vst v63  }
0x8a: {  	_ =	swait.ge [sflag:s17], $0x2800  }
0x8b: {  	[sflag:s17] =	ssyncset.done $0x0  }
0x8c: {  	s21 =	rddreg [dreg:$0x14];
	[sflag:s17] =	ssyncadd.s32 $0xFFFFD800  }
0x8d: {  	[tilespmem:s12], [sflag:$0x1] =	stream.indirect.gather [hbm4b:s4+s11], $0x80, s21, s11, $0xb8;
	[tilespmem:$0x1DC00] =	vst v63  }
0x8e: {  	_ =	swait.ge [sflag:s18], $0x2800  }
0x8f: {  	[sflag:s18] =	ssyncset.done $0x0  }
0x90: {  	s7 =	rddreg [dreg:$0x15];
	[sflag:s18] =	ssyncadd.s32 $0xFFFFD800  }
0x91: {  	[spmem:s2] =	stream.indirect.scatter.add.f32 [tilespmem:s15], [sflag:$0x6], $0x80, s7, s11, $0xb8;
	[tilespmem:$0x1DC00] =	vst v63  }
0x92: {  	_ =	swait.ge [sflag:s19], $0x2800  }
0x93: {  	[sflag:s19] =	ssyncset.done $0x0  }
0x94: {  	s8 =	rddreg [dreg:$0x16];
	[sflag:s19] =	ssyncadd.s32 $0xFFFFD800  }
0x95: {  	[tilespmem:s13], [sflag:$0x2] =	stream.indirect.gather [hbm4b:s4+s11], $0x80, s8, s11, $0xb8;
	[tilespmem:$0x1DC00] =	vst v63  }
0x96: {  	_ =	swait.ge [sflag:s14], $0x2800  }
0x97: {  	[sflag:s14] =	ssyncset.done $0x0  }
0x98: {  	s21 =	rddreg [dreg:$0x17];
	[sflag:s14] =	ssyncadd.s32 $0xFFFFD800  }
0x99: {  	[spmem:s2] =	stream.indirect.scatter.add.f32 [tilespmem:s12], [sflag:$0x4], $0x80, s21, s11, $0xb8;
	[tilespmem:$0x1DC00] =	vst v63  }
0x9a: {  	_ =	swait.ge [sflag:s20], $0x2800  }
0x9b: {  	[sflag:s20] =	ssyncset.done $0x0  }
0x9c: {  	s7 =	rddreg [dreg:$0x18];
	[sflag:s20] =	ssyncadd.s32 $0xFFFFD800  }
0x9d: {  	[tilespmem:s15], [sflag:$0x3] =	stream.indirect.gather [hbm4b:s4+s11], $0x80, s7, s11, $0xb8;
	[tilespmem:$0x1DC00] =	vst v63  }
0x9e: {  	_ =	swait.ge [sflag:s16], $0x2800  }
0x9f: {  	[sflag:s16] =	ssyncset.done $0x0  }
0xa0: {  	s8 =	rddreg [dreg:$0x19];
	[sflag:s16] =	ssyncadd.s32 $0xFFFFD800  }
0xa1: {  	[spmem:s2] =	stream.indirect.scatter.add.f32 [tilespmem:s13], [sflag:$0x5], $0x80, s8, s11, $0xb8;
	[tilespmem:$0x1DC00] =	vst v63  }
0xa2: {  	_ =	swait.ge [sflag:s17], $0x2800  }
0xa3: {  	[sflag:s17] =	ssyncset.done $0x0  }
0xa4: {  	s21 =	rddreg [dreg:$0x1a];
	[sflag:s17] =	ssyncadd.s32 $0xFFFFD800  }
0xa5: {  	[tilespmem:s12], [sflag:$0x1] =	stream.indirect.gather [hbm4b:s4+s11], $0x80, s21, s11, $0xb8;
	[tilespmem:$0x1DC00] =	vst v63  }
0xa6: {  	_ =	swait.ge [sflag:s18], $0x2800  }
0xa7: {  	[sflag:s18] =	ssyncset.done $0x0  }
0xa8: {  	s7 =	rddreg [dreg:$0x1b];
	[sflag:s18] =	ssyncadd.s32 $0xFFFFD800  }
0xa9: {  	[spmem:s2] =	stream.indirect.scatter.add.f32 [tilespmem:s15], [sflag:$0x6], $0x80, s7, s11, $0xb8;
	[tilespmem:$0x1DC00] =	vst v63  }
0xaa: {  	_ =	swait.ge [sflag:s19], $0x2800  }
0xab: {  	[sflag:s19] =	ssyncset.done $0x0  }
0xac: {  	s8 =	rddreg [dreg:$0x1c];
	[sflag:s19] =	ssyncadd.s32 $0xFFFFD800  }
0xad: {  	[tilespmem:s13], [sflag:$0x2] =	stream.indirect.gather [hbm4b:s4+s11], $0x80, s8, s11, $0xb8;
	[tilespmem:$0x1DC00] =	vst v63  }
0xae: {  	_ =	swait.ge [sflag:s14], $0x2800  }
0xaf: {  	[sflag:s14] =	ssyncset.done $0x0  }
0xb0: {  	s21 =	rddreg [dreg:$0x1d];
	[sflag:s14] =	ssyncadd.s32 $0xFFFFD800  }
0xb1: {  	[spmem:s2] =	stream.indirect.scatter.add.f32 [tilespmem:s12], [sflag:$0x4], $0x80, s21, s11, $0xb8;
	[tilespmem:$0x1DC00] =	vst v63  }
0xb2: {  	_ =	swait.ge [sflag:s20], $0x2800  }
0xb3: {  	[sflag:s20] =	ssyncset.done $0x0  }
0xb4: {  	s7 =	rddreg [dreg:$0x1e];
	[sflag:s20] =	ssyncadd.s32 $0xFFFFD800  }
0xb5: {  	[tilespmem:s15], [sflag:$0x3] =	stream.indirect.gather [hbm4b:s4+s11], $0x80, s7, s11, $0xb8;
	[tilespmem:$0x1DC00] =	vst v63  }
0xb6: {  	_ =	swait.ge [sflag:s16], $0x2800  }
0xb7: {  	[sflag:s16] =	ssyncset.done $0x0  }
0xb8: {  	s8 =	rddreg [dreg:$0x1f];
	[sflag:s16] =	ssyncadd.s32 $0xFFFFD800  }
0xb9: {  	[spmem:s2] =	stream.indirect.scatter.add.f32 [tilespmem:s13], [sflag:$0x5], $0x80, s8, s11, $0xb8;
	[tilespmem:$0x1DC00] =	vst v63  }
0xba: {  	_ =	swait.ge [sflag:s17], $0x2800  }
0xbb: {  	s21 =	sld [smem:$0x7F5]  }
0xbc: {  	[sflag:s17] =	ssyncset.done $0x0  }
0xbd: {  	[sflag:s17] =	ssyncadd.s32 $0xFFFFD800  }
0xbe: {  	[tilespmem:s12], [sflag:$0x1] =	stream.indirect.gather [hbm4b:s4+s11], $0x80, s21, s11, $0xb8;
	[tilespmem:$0x1DC00] =	vst v63  }
0xbf: {  	_ =	swait.ge [sflag:s18], $0x2800  }
0xc0: {  	s7 =	sld [smem:$0x7F6]  }
0xc1: {  	[sflag:s18] =	ssyncset.done $0x0  }
0xc2: {  	[sflag:s18] =	ssyncadd.s32 $0xFFFFD800  }
0xc3: {  	[spmem:s2] =	stream.indirect.scatter.add.f32 [tilespmem:s15], [sflag:$0x6], $0x80, s7, s11, $0xb8;
	[tilespmem:$0x1DC00] =	vst v63  }
0xc4: {  	_ =	swait.ge [sflag:s19], $0x2800  }
0xc5: {  	s8 =	sld [smem:$0x7F7]  }
0xc6: {  	[sflag:s19] =	ssyncset.done $0x0  }
0xc7: {  	[sflag:s19] =	ssyncadd.s32 $0xFFFFD800  }
0xc8: {  	[tilespmem:s13], [sflag:$0x2] =	stream.indirect.gather [hbm4b:s4+s11], $0x80, s8, s11, $0xb8;
	[tilespmem:$0x1DC00] =	vst v63  }
0xc9: {  	_ =	swait.ge [sflag:s14], $0x2800  }
0xca: {  	s21 =	sld [smem:$0x7F8]  }
0xcb: {  	[sflag:s14] =	ssyncset.done $0x0  }
0xcc: {  	[sflag:s14] =	ssyncadd.s32 $0xFFFFD800  }
0xcd: {  	[spmem:s2] =	stream.indirect.scatter.add.f32 [tilespmem:s12], [sflag:$0x4], $0x80, s21, s11, $0xb8;
	[tilespmem:$0x1DC00] =	vst v63  }
0xce: {  	_ =	swait.ge [sflag:s20], $0x2800  }
0xcf: {  	s7 =	sld [smem:$0x7F9]  }
0xd0: {  	[sflag:s20] =	ssyncset.done $0x0  }
0xd1: {  	[sflag:s20] =	ssyncadd.s32 $0xFFFFD800  }
0xd2: {  	[tilespmem:s15], [sflag:$0x3] =	stream.indirect.gather [hbm4b:s4+s11], $0x80, s7, s11, $0xb8;
	[tilespmem:$0x1DC00] =	vst v63  }
0xd3: {  	_ =	swait.ge [sflag:s16], $0x2800  }
0xd4: {  	s8 =	sld [smem:$0x7FA]  }
0xd5: {  	[sflag:s16] =	ssyncset.done $0x0  }
0xd6: {  	[sflag:s16] =	ssyncadd.s32 $0xFFFFD800  }
0xd7: {  	[spmem:s2] =	stream.indirect.scatter.add.f32 [tilespmem:s13], [sflag:$0x5], $0x80, s8, s11, $0xb8;
	[tilespmem:$0x1DC00] =	vst v63  }
0xd8: {  	_ =	swait.ge [sflag:s17], $0x2800  }
0xd9: {  	s21 =	sld [smem:$0x7FB]  }
0xda: {  	[sflag:s17] =	ssyncset.done $0x0  }
0xdb: {  	[sflag:s17] =	ssyncadd.s32 $0xFFFFD800  }
0xdc: {  	[tilespmem:s12], [sflag:$0x1] =	stream.indirect.gather [hbm4b:s4+s11], $0x80, s21, s11, $0xb8;
	[tilespmem:$0x1DC00] =	vst v63  }
0xdd: {  	_ =	swait.ge [sflag:s18], $0x2800  }
0xde: {  	s7 =	sld [smem:$0x7FC]  }
0xdf: {  	[sflag:s18] =	ssyncset.done $0x0  }
0xe0: {  	[sflag:s18] =	ssyncadd.s32 $0xFFFFD800  }
0xe1: {  	[spmem:s2] =	stream.indirect.scatter.add.f32 [tilespmem:s15], [sflag:$0x6], $0x80, s7, s11, $0xb8;
	[tilespmem:$0x1DC00] =	vst v63  }
0xe2: {  	_ =	swait.ge [sflag:s19], $0x2800  }
0xe3: {  	s8 =	sld [smem:$0x7FD]  }
0xe4: {  	[sflag:s19] =	ssyncset.done $0x0  }
0xe5: {  	[sflag:s19] =	ssyncadd.s32 $0xFFFFD800  }
0xe6: {  	[tilespmem:s13], [sflag:$0x2] =	stream.indirect.gather [hbm4b:s4+s11], $0x80, s8, s11, $0xb8;
	[tilespmem:$0x1DC00] =	vst v63  }
0xe7: {  	_ =	swait.ge [sflag:s14], $0x2800  }
0xe8: {  	[sflag:s14] =	ssyncset.done $0x0  }
0xe9: {  	s21 =	simm.s32 $0x1900;
	[sflag:s14] =	ssyncadd.s32 $0xFFFFD800  }
0xea: {  	[spmem:s2] =	stream.indirect.scatter.add.f32 [tilespmem:s12], [sflag:$0x4], $0x80, s21, s11, $0xb8;
	[tilespmem:$0x1DC00] =	vst v63  }
0xeb: {  	_ =	swait.ge [sflag:s20], $0x2800  }
0xec: {  	[sflag:s20] =	ssyncset.done $0x0  }
0xed: {  	[sflag:s20] =	ssyncadd.s32 $0xFFFFD800  }
0xee: {  	[tilespmem:s15], [sflag:$0x3] =	stream.indirect.gather [hbm4b:s4+s11], $0x80, s22, s11, $0xb8;
	[tilespmem:$0x1DC00] =	vst v63  }
0xef: {  	_ =	swait.ge [sflag:s16], $0x2800  }
0xf0: {  	[sflag:s16] =	ssyncset.done $0x0  }
0xf1: {  	[sflag:s16] =	ssyncadd.s32 $0xFFFFD800  }
0xf2: {  	[spmem:s2] =	stream.indirect.scatter.add.f32 [tilespmem:s13], [sflag:$0x5], $0x80, s23, s11, $0xb8;
	[tilespmem:$0x1DC00] =	vst v63  }
0xf3: {  	_ =	swait.ge [sflag:s17], $0x2800  }
0xf4: {  	[sflag:s17] =	ssyncset.done $0x0  }
0xf5: {  	[sflag:s17] =	ssyncadd.s32 $0xFFFFD800  }
0xf6: {  	[tilespmem:s12], [sflag:$0x1] =	stream.indirect.gather [hbm4b:s4+s11], $0x80, s24, s11, $0xb8;
	[tilespmem:$0x1DC00] =	vst v63  }
0xf7: {  	_ =	swait.ge [sflag:s18], $0x2800  }
0xf8: {  	[sflag:s18] =	ssyncset.done $0x0  }
0xf9: {  	[sflag:s18] =	ssyncadd.s32 $0xFFFFD800  }
0xfa: {  	[spmem:s2] =	stream.indirect.scatter.add.f32 [tilespmem:s15], [sflag:$0x6], $0x80, s25, s11, $0xb8;
	[tilespmem:$0x1DC00] =	vst v63  }
0xfb: {  	_ =	swait.ge [sflag:s19], $0x2800  }
0xfc: {  	[sflag:s19] =	ssyncset.done $0x0  }
0xfd: {  	[sflag:s19] =	ssyncadd.s32 $0xFFFFD800  }
0xfe: {  	[tilespmem:s13], [sflag:$0x2] =	stream.indirect.gather [hbm4b:s4+s11], $0x80, s26, s11, $0xb8;
	[tilespmem:$0x1DC00] =	vst v63  }
0xff: {  	_ =	swait.ge [sflag:s14], $0x2800  }
0x100: {  	[sflag:s14] =	ssyncset.done $0x0  }
0x101: {  	[sflag:s14] =	ssyncadd.s32 $0xFFFFD800  }
0x102: {  	[spmem:s2] =	stream.indirect.scatter.add.f32 [tilespmem:s12], [sflag:$0x4], $0x80, s28, s11, $0xb8;
	[tilespmem:$0x1DC00] =	vst v63  }
0x103: {  	_ =	swait.ge [sflag:s20], $0x2800  }
0x104: {  	[sflag:s20] =	ssyncset.done $0x0  }
0x105: {  	[sflag:s20] =	ssyncadd.s32 $0xFFFFD800  }
0x106: {  	[tilespmem:s15], [sflag:$0x3] =	stream.indirect.gather [hbm4b:s4+s11], $0x80, s29, s11, $0xb8;
	[tilespmem:$0x1DC00] =	vst v63  }
0x107: {  	_ =	swait.ge [sflag:s16], $0x2800  }
0x108: {  	[sflag:s16] =	ssyncset.done $0x0  }
0x109: {  	[sflag:s16] =	ssyncadd.s32 $0xFFFFD800  }
0x10a: {  	[spmem:s2] =	stream.indirect.scatter.add.f32 [tilespmem:s13], [sflag:$0x5], $0x80, s30, s11, $0xb8;
	[tilespmem:$0x1DC00] =	vst v63  }
0x10b: {  	_ =	swait.ge [sflag:s17], $0x2800  }
0x10c: {  	[sflag:s17] =	ssyncset.done $0x0  }
0x10d: {  	[sflag:s17] =	ssyncadd.s32 $0xFFFFD800  }
0x10e: {  	[tilespmem:s12], [sflag:$0x1] =	stream.indirect.gather [hbm4b:s4+s11], $0x80, s31, s11, $0xb8;
	[tilespmem:$0x1DC00] =	vst v63  }
0x10f: {  	_ =	swait.ge [sflag:s18], $0x2800  }
0x110: {  	[sflag:s18] =	ssyncset.done $0x0  }
0x111: {  	[sflag:s18] =	ssyncadd.s32 $0xFFFFD800  }
0x112: {  	[spmem:s2] =	stream.indirect.scatter.add.f32 [tilespmem:s15], [sflag:$0x6], $0x80, s1, s11, $0xb8;
	[tilespmem:$0x1DC00] =	vst v63  }
0x113: {  	_ =	swait.ge [sflag:s14], $0x2800  }
0x114: {  	[sflag:s14] =	ssyncset.done $0x0  }
0x115: {  	[sflag:s14] =	ssyncadd.s32 $0xFFFFD800  }
0x116: {  	[spmem:s2] =	stream.indirect.scatter.add.f32 [tilespmem:s12], [sflag:$0x4], $0x80, s0, s11, $0xb8;
	[tilespmem:$0x1DC00] =	vst v63  }
0x117: {  	_ =	swait.ge [sflag:s19], $0x2800  }
0x118: {  	[sflag:s19] =	ssyncset.done $0x0  }
0x119: {  	[sflag:s19] =	ssyncadd.s32 $0xFFFFD800  }
0x11a: {  	_ =	swait.ge [sflag:s20], $0x2800  }
0x11b: {  	[sflag:s20] =	ssyncset.done $0x0  }
0x11c: {  	[sflag:s20] =	ssyncadd.s32 $0xFFFFD800  }
0x11d: {  	s6 =	simm.s32 $0x400;
	_ =	swait.ge [sflag:s17], $0x2800  }
0x11e: {  	s7 =	simm.s32 $0x200;
	s8 =	rddreg [dreg:$0x4];
	[sflag:s17] =	ssyncset.done $0x0  }
.LBB2_6:
0x11f: {  	[sflag:s17] =	ssyncadd.s32 $0xFFFFD800;
	s8 =	sadd.s32 s7, s8  }
0x120: {  	[tilespmem:s3], [sflag:$0x7] =	stream.linear.gather [hbm4b:s8+s3], $0xC80, $0x38;
	[tilespmem:$0x1DC00] =	vst v63  }
0x121: {  	_ =	swait.ge [sflag:s9], $0xC80  }
0x122: {  	s8 =	rddreg [dreg:$0x3];
	[sflag:s9] =	ssyncset.done $0x0  }
0x123: {  	[sflag:s9] =	ssyncadd.s32 $0xFFFFF380;
	s8 =	sadd.s32 s7, s8  }
0x124: {  	[tilespmem:s10], [sflag:$0x7] =	stream.linear.gather [hbm4b:s8+s3], $0xC80, $0x38;
	[tilespmem:$0x1DC00] =	vst v63  }
0x125: {  	_ =	swait.ge [sflag:s9], $0xC80  }
0x126: {  	[sflag:s9] =	ssyncset.done $0x0  }
0x127: {  	[sflag:s9] =	ssyncadd.s32 $0xFFFFF380  }
0x128: {  	[tilespmem:s12], [sflag:$0x1] =	stream.indirect.gather [hbm4b:s4+s11], $0x80, s3, s11, $0xb8;
	[tilespmem:$0x1DC00] =	vst v63  }
0x129: {  	s8 =	rddreg [dreg:$0x5]  }
0x12a: {  	[tilespmem:s13], [sflag:$0x2] =	stream.indirect.gather [hbm4b:s4+s11], $0x80, s8, s11, $0xb8;
	[tilespmem:$0x1DC00] =	vst v63  }
0x12b: {  	_ =	swait.ge [sflag:s14], $0x2800  }
0x12c: {  	[sflag:s14] =	ssyncset.done $0x0  }
0x12d: {  	[sflag:s14] =	ssyncadd.s32 $0xFFFFD800  }
0x12e: {  	[spmem:s2] =	stream.indirect.scatter.add.f32 [tilespmem:s12], [sflag:$0x4], $0x80, s10, s11, $0xb8;
	[tilespmem:$0x1DC00] =	vst v63  }
0x12f: {  	s8 =	rddreg [dreg:$0x6]  }
0x130: {  	[tilespmem:s15], [sflag:$0x3] =	stream.indirect.gather [hbm4b:s4+s11], $0x80, s8, s11, $0xb8;
	[tilespmem:$0x1DC00] =	vst v63  }
0x131: {  	_ =	swait.ge [sflag:s16], $0x2800  }
0x132: {  	[sflag:s16] =	ssyncset.done $0x0  }
0x133: {  	s8 =	rddreg [dreg:$0x7];
	[sflag:s16] =	ssyncadd.s32 $0xFFFFD800  }
0x134: {  	[spmem:s2] =	stream.indirect.scatter.add.f32 [tilespmem:s13], [sflag:$0x5], $0x80, s8, s11, $0xb8;
	[tilespmem:$0x1DC00] =	vst v63  }
0x135: {  	_ =	swait.ge [sflag:s17], $0x2800  }
0x136: {  	[sflag:s17] =	ssyncset.done $0x0  }
0x137: {  	s8 =	rddreg [dreg:$0x8];
	[sflag:s17] =	ssyncadd.s32 $0xFFFFD800  }
0x138: {  	[tilespmem:s12], [sflag:$0x1] =	stream.indirect.gather [hbm4b:s4+s11], $0x80, s8, s11, $0xb8;
	[tilespmem:$0x1DC00] =	vst v63  }
0x139: {  	_ =	swait.ge [sflag:s18], $0x2800  }
0x13a: {  	[sflag:s18] =	ssyncset.done $0x0  }
0x13b: {  	s8 =	rddreg [dreg:$0x9];
	[sflag:s18] =	ssyncadd.s32 $0xFFFFD800  }
0x13c: {  	[spmem:s2] =	stream.indirect.scatter.add.f32 [tilespmem:s15], [sflag:$0x6], $0x80, s8, s11, $0xb8;
	[tilespmem:$0x1DC00] =	vst v63  }
0x13d: {  	_ =	swait.ge [sflag:s19], $0x2800  }
0x13e: {  	[sflag:s19] =	ssyncset.done $0x0  }
0x13f: {  	s8 =	rddreg [dreg:$0xa];
	[sflag:s19] =	ssyncadd.s32 $0xFFFFD800  }
0x140: {  	[tilespmem:s13], [sflag:$0x2] =	stream.indirect.gather [hbm4b:s4+s11], $0x80, s8, s11, $0xb8;
	[tilespmem:$0x1DC00] =	vst v63  }
0x141: {  	_ =	swait.ge [sflag:s14], $0x2800  }
0x142: {  	[sflag:s14] =	ssyncset.done $0x0  }
0x143: {  	s8 =	rddreg [dreg:$0xb];
	[sflag:s14] =	ssyncadd.s32 $0xFFFFD800  }
0x144: {  	[spmem:s2] =	stream.indirect.scatter.add.f32 [tilespmem:s12], [sflag:$0x4], $0x80, s8, s11, $0xb8;
	[tilespmem:$0x1DC00] =	vst v63  }
0x145: {  	_ =	swait.ge [sflag:s20], $0x2800  }
0x146: {  	[sflag:s20] =	ssyncset.done $0x0  }
0x147: {  	s8 =	rddreg [dreg:$0xc];
	[sflag:s20] =	ssyncadd.s32 $0xFFFFD800  }
0x148: {  	[tilespmem:s15], [sflag:$0x3] =	stream.indirect.gather [hbm4b:s4+s11], $0x80, s8, s11, $0xb8;
	[tilespmem:$0x1DC00] =	vst v63  }
0x149: {  	_ =	swait.ge [sflag:s16], $0x2800  }
0x14a: {  	[sflag:s16] =	ssyncset.done $0x0  }
0x14b: {  	s8 =	rddreg [dreg:$0xd];
	[sflag:s16] =	ssyncadd.s32 $0xFFFFD800  }
0x14c: {  	[spmem:s2] =	stream.indirect.scatter.add.f32 [tilespmem:s13], [sflag:$0x5], $0x80, s8, s11, $0xb8;
	[tilespmem:$0x1DC00] =	vst v63  }
0x14d: {  	_ =	swait.ge [sflag:s17], $0x2800  }
0x14e: {  	[sflag:s17] =	ssyncset.done $0x0  }
0x14f: {  	s8 =	rddreg [dreg:$0xe];
	[sflag:s17] =	ssyncadd.s32 $0xFFFFD800  }
0x150: {  	[tilespmem:s12], [sflag:$0x1] =	stream.indirect.gather [hbm4b:s4+s11], $0x80, s8, s11, $0xb8;
	[tilespmem:$0x1DC00] =	vst v63  }
0x151: {  	_ =	swait.ge [sflag:s18], $0x2800  }
0x152: {  	[sflag:s18] =	ssyncset.done $0x0  }
0x153: {  	s8 =	rddreg [dreg:$0xf];
	[sflag:s18] =	ssyncadd.s32 $0xFFFFD800  }
0x154: {  	[spmem:s2] =	stream.indirect.scatter.add.f32 [tilespmem:s15], [sflag:$0x6], $0x80, s8, s11, $0xb8;
	[tilespmem:$0x1DC00] =	vst v63  }
0x155: {  	_ =	swait.ge [sflag:s19], $0x2800  }
0x156: {  	[sflag:s19] =	ssyncset.done $0x0  }
0x157: {  	s8 =	rddreg [dreg:$0x10];
	[sflag:s19] =	ssyncadd.s32 $0xFFFFD800  }
0x158: {  	[tilespmem:s13], [sflag:$0x2] =	stream.indirect.gather [hbm4b:s4+s11], $0x80, s8, s11, $0xb8;
	[tilespmem:$0x1DC00] =	vst v63  }
0x159: {  	_ =	swait.ge [sflag:s14], $0x2800  }
0x15a: {  	[sflag:s14] =	ssyncset.done $0x0  }
0x15b: {  	s8 =	rddreg [dreg:$0x11];
	[sflag:s14] =	ssyncadd.s32 $0xFFFFD800  }
0x15c: {  	[spmem:s2] =	stream.indirect.scatter.add.f32 [tilespmem:s12], [sflag:$0x4], $0x80, s8, s11, $0xb8;
	[tilespmem:$0x1DC00] =	vst v63  }
0x15d: {  	_ =	swait.ge [sflag:s20], $0x2800  }
0x15e: {  	[sflag:s20] =	ssyncset.done $0x0  }
0x15f: {  	s8 =	rddreg [dreg:$0x12];
	[sflag:s20] =	ssyncadd.s32 $0xFFFFD800  }
0x160: {  	[tilespmem:s15], [sflag:$0x3] =	stream.indirect.gather [hbm4b:s4+s11], $0x80, s8, s11, $0xb8;
	[tilespmem:$0x1DC00] =	vst v63  }
0x161: {  	_ =	swait.ge [sflag:s16], $0x2800  }
0x162: {  	[sflag:s16] =	ssyncset.done $0x0  }
0x163: {  	s8 =	rddreg [dreg:$0x13];
	[sflag:s16] =	ssyncadd.s32 $0xFFFFD800  }
0x164: {  	[spmem:s2] =	stream.indirect.scatter.add.f32 [tilespmem:s13], [sflag:$0x5], $0x80, s8, s11, $0xb8;
	[tilespmem:$0x1DC00] =	vst v63  }
0x165: {  	_ =	swait.ge [sflag:s17], $0x2800  }
0x166: {  	[sflag:s17] =	ssyncset.done $0x0  }
0x167: {  	s8 =	rddreg [dreg:$0x14];
	[sflag:s17] =	ssyncadd.s32 $0xFFFFD800  }
0x168: {  	[tilespmem:s12], [sflag:$0x1] =	stream.indirect.gather [hbm4b:s4+s11], $0x80, s8, s11, $0xb8;
	[tilespmem:$0x1DC00] =	vst v63  }
0x169: {  	_ =	swait.ge [sflag:s18], $0x2800  }
0x16a: {  	[sflag:s18] =	ssyncset.done $0x0  }
0x16b: {  	s8 =	rddreg [dreg:$0x15];
	[sflag:s18] =	ssyncadd.s32 $0xFFFFD800  }
0x16c: {  	[spmem:s2] =	stream.indirect.scatter.add.f32 [tilespmem:s15], [sflag:$0x6], $0x80, s8, s11, $0xb8;
	[tilespmem:$0x1DC00] =	vst v63  }
0x16d: {  	_ =	swait.ge [sflag:s19], $0x2800  }
0x16e: {  	[sflag:s19] =	ssyncset.done $0x0  }
0x16f: {  	s8 =	rddreg [dreg:$0x16];
	[sflag:s19] =	ssyncadd.s32 $0xFFFFD800  }
0x170: {  	[tilespmem:s13], [sflag:$0x2] =	stream.indirect.gather [hbm4b:s4+s11], $0x80, s8, s11, $0xb8;
	[tilespmem:$0x1DC00] =	vst v63  }
0x171: {  	_ =	swait.ge [sflag:s14], $0x2800  }
0x172: {  	[sflag:s14] =	ssyncset.done $0x0  }
0x173: {  	s8 =	rddreg [dreg:$0x17];
	[sflag:s14] =	ssyncadd.s32 $0xFFFFD800  }
0x174: {  	[spmem:s2] =	stream.indirect.scatter.add.f32 [tilespmem:s12], [sflag:$0x4], $0x80, s8, s11, $0xb8;
	[tilespmem:$0x1DC00] =	vst v63  }
0x175: {  	_ =	swait.ge [sflag:s20], $0x2800  }
0x176: {  	[sflag:s20] =	ssyncset.done $0x0  }
0x177: {  	s8 =	rddreg [dreg:$0x18];
	[sflag:s20] =	ssyncadd.s32 $0xFFFFD800  }
0x178: {  	[tilespmem:s15], [sflag:$0x3] =	stream.indirect.gather [hbm4b:s4+s11], $0x80, s8, s11, $0xb8;
	[tilespmem:$0x1DC00] =	vst v63  }
0x179: {  	_ =	swait.ge [sflag:s16], $0x2800  }
0x17a: {  	[sflag:s16] =	ssyncset.done $0x0  }
0x17b: {  	s8 =	rddreg [dreg:$0x19];
	[sflag:s16] =	ssyncadd.s32 $0xFFFFD800  }
0x17c: {  	[spmem:s2] =	stream.indirect.scatter.add.f32 [tilespmem:s13], [sflag:$0x5], $0x80, s8, s11, $0xb8;
	[tilespmem:$0x1DC00] =	vst v63  }
0x17d: {  	_ =	swait.ge [sflag:s17], $0x2800  }
0x17e: {  	[sflag:s17] =	ssyncset.done $0x0  }
0x17f: {  	s8 =	rddreg [dreg:$0x1a];
	[sflag:s17] =	ssyncadd.s32 $0xFFFFD800  }
0x180: {  	[tilespmem:s12], [sflag:$0x1] =	stream.indirect.gather [hbm4b:s4+s11], $0x80, s8, s11, $0xb8;
	[tilespmem:$0x1DC00] =	vst v63  }
0x181: {  	_ =	swait.ge [sflag:s18], $0x2800  }
0x182: {  	[sflag:s18] =	ssyncset.done $0x0  }
0x183: {  	s8 =	rddreg [dreg:$0x1b];
	[sflag:s18] =	ssyncadd.s32 $0xFFFFD800  }
0x184: {  	[spmem:s2] =	stream.indirect.scatter.add.f32 [tilespmem:s15], [sflag:$0x6], $0x80, s8, s11, $0xb8;
	[tilespmem:$0x1DC00] =	vst v63  }
0x185: {  	_ =	swait.ge [sflag:s19], $0x2800  }
0x186: {  	[sflag:s19] =	ssyncset.done $0x0  }
0x187: {  	s8 =	rddreg [dreg:$0x1c];
	[sflag:s19] =	ssyncadd.s32 $0xFFFFD800  }
0x188: {  	[tilespmem:s13], [sflag:$0x2] =	stream.indirect.gather [hbm4b:s4+s11], $0x80, s8, s11, $0xb8;
	[tilespmem:$0x1DC00] =	vst v63  }
0x189: {  	_ =	swait.ge [sflag:s14], $0x2800  }
0x18a: {  	[sflag:s14] =	ssyncset.done $0x0  }
0x18b: {  	s8 =	rddreg [dreg:$0x1d];
	[sflag:s14] =	ssyncadd.s32 $0xFFFFD800  }
0x18c: {  	[spmem:s2] =	stream.indirect.scatter.add.f32 [tilespmem:s12], [sflag:$0x4], $0x80, s8, s11, $0xb8;
	[tilespmem:$0x1DC00] =	vst v63  }
0x18d: {  	_ =	swait.ge [sflag:s20], $0x2800  }
0x18e: {  	[sflag:s20] =	ssyncset.done $0x0  }
0x18f: {  	s8 =	rddreg [dreg:$0x1e];
	[sflag:s20] =	ssyncadd.s32 $0xFFFFD800  }
0x190: {  	[tilespmem:s15], [sflag:$0x3] =	stream.indirect.gather [hbm4b:s4+s11], $0x80, s8, s11, $0xb8;
	[tilespmem:$0x1DC00] =	vst v63  }
0x191: {  	_ =	swait.ge [sflag:s16], $0x2800  }
0x192: {  	[sflag:s16] =	ssyncset.done $0x0  }
0x193: {  	s8 =	rddreg [dreg:$0x1f];
	[sflag:s16] =	ssyncadd.s32 $0xFFFFD800  }
0x194: {  	[spmem:s2] =	stream.indirect.scatter.add.f32 [tilespmem:s13], [sflag:$0x5], $0x80, s8, s11, $0xb8;
	[tilespmem:$0x1DC00] =	vst v63  }
0x195: {  	_ =	swait.ge [sflag:s17], $0x2800  }
0x196: {  	s8 =	sld [smem:$0x7F5]  }
0x197: {  	[sflag:s17] =	ssyncset.done $0x0  }
0x198: {  	[sflag:s17] =	ssyncadd.s32 $0xFFFFD800  }
0x199: {  	[tilespmem:s12], [sflag:$0x1] =	stream.indirect.gather [hbm4b:s4+s11], $0x80, s8, s11, $0xb8;
	[tilespmem:$0x1DC00] =	vst v63  }
0x19a: {  	_ =	swait.ge [sflag:s18], $0x2800  }
0x19b: {  	s8 =	sld [smem:$0x7F6]  }
0x19c: {  	[sflag:s18] =	ssyncset.done $0x0  }
0x19d: {  	[sflag:s18] =	ssyncadd.s32 $0xFFFFD800  }
0x19e: {  	[spmem:s2] =	stream.indirect.scatter.add.f32 [tilespmem:s15], [sflag:$0x6], $0x80, s8, s11, $0xb8;
	[tilespmem:$0x1DC00] =	vst v63  }
0x19f: {  	_ =	swait.ge [sflag:s19], $0x2800  }
0x1a0: {  	s8 =	sld [smem:$0x7F7]  }
0x1a1: {  	[sflag:s19] =	ssyncset.done $0x0  }
0x1a2: {  	[sflag:s19] =	ssyncadd.s32 $0xFFFFD800  }
0x1a3: {  	[tilespmem:s13], [sflag:$0x2] =	stream.indirect.gather [hbm4b:s4+s11], $0x80, s8, s11, $0xb8;
	[tilespmem:$0x1DC00] =	vst v63  }
0x1a4: {  	_ =	swait.ge [sflag:s14], $0x2800  }
0x1a5: {  	s8 =	sld [smem:$0x7F8]  }
0x1a6: {  	[sflag:s14] =	ssyncset.done $0x0  }
0x1a7: {  	[sflag:s14] =	ssyncadd.s32 $0xFFFFD800  }
0x1a8: {  	[spmem:s2] =	stream.indirect.scatter.add.f32 [tilespmem:s12], [sflag:$0x4], $0x80, s8, s11, $0xb8;
	[tilespmem:$0x1DC00] =	vst v63  }
0x1a9: {  	_ =	swait.ge [sflag:s20], $0x2800  }
0x1aa: {  	s8 =	sld [smem:$0x7F9]  }
0x1ab: {  	[sflag:s20] =	ssyncset.done $0x0  }
0x1ac: {  	[sflag:s20] =	ssyncadd.s32 $0xFFFFD800  }
0x1ad: {  	[tilespmem:s15], [sflag:$0x3] =	stream.indirect.gather [hbm4b:s4+s11], $0x80, s8, s11, $0xb8;
	[tilespmem:$0x1DC00] =	vst v63  }
0x1ae: {  	_ =	swait.ge [sflag:s16], $0x2800  }
0x1af: {  	s8 =	sld [smem:$0x7FA]  }
0x1b0: {  	[sflag:s16] =	ssyncset.done $0x0  }
0x1b1: {  	[sflag:s16] =	ssyncadd.s32 $0xFFFFD800  }
0x1b2: {  	[spmem:s2] =	stream.indirect.scatter.add.f32 [tilespmem:s13], [sflag:$0x5], $0x80, s8, s11, $0xb8;
	[tilespmem:$0x1DC00] =	vst v63  }
0x1b3: {  	_ =	swait.ge [sflag:s17], $0x2800  }
0x1b4: {  	s8 =	sld [smem:$0x7FB]  }
0x1b5: {  	[sflag:s17] =	ssyncset.done $0x0  }
0x1b6: {  	[sflag:s17] =	ssyncadd.s32 $0xFFFFD800  }
0x1b7: {  	[tilespmem:s12], [sflag:$0x1] =	stream.indirect.gather [hbm4b:s4+s11], $0x80, s8, s11, $0xb8;
	[tilespmem:$0x1DC00] =	vst v63  }
0x1b8: {  	_ =	swait.ge [sflag:s18], $0x2800  }
0x1b9: {  	s8 =	sld [smem:$0x7FC]  }
0x1ba: {  	[sflag:s18] =	ssyncset.done $0x0  }
0x1bb: {  	[sflag:s18] =	ssyncadd.s32 $0xFFFFD800  }
0x1bc: {  	[spmem:s2] =	stream.indirect.scatter.add.f32 [tilespmem:s15], [sflag:$0x6], $0x80, s8, s11, $0xb8;
	[tilespmem:$0x1DC00] =	vst v63  }
0x1bd: {  	_ =	swait.ge [sflag:s19], $0x2800  }
0x1be: {  	s8 =	sld [smem:$0x7FD]  }
0x1bf: {  	[sflag:s19] =	ssyncset.done $0x0  }
0x1c0: {  	[sflag:s19] =	ssyncadd.s32 $0xFFFFD800  }
0x1c1: {  	[tilespmem:s13], [sflag:$0x2] =	stream.indirect.gather [hbm4b:s4+s11], $0x80, s8, s11, $0xb8;
	[tilespmem:$0x1DC00] =	vst v63  }
0x1c2: {  	_ =	swait.ge [sflag:s14], $0x2800  }
0x1c3: {  	s21 =	smov.u32 s6;
	[sflag:s14] =	ssyncset.done $0x0  }
0x1c4: {  	s7 =	smov.u32 s21;
	s21 =	simm.s32 $0x1900;
	[sflag:s14] =	ssyncadd.s32 $0xFFFFD800  }
0x1c5: {  	[spmem:s2] =	stream.indirect.scatter.add.f32 [tilespmem:s12], [sflag:$0x4], $0x80, s21, s11, $0xb8;
	[tilespmem:$0x1DC00] =	vst v63  }
0x1c6: {  	_ =	swait.ge [sflag:s20], $0x2800  }
0x1c7: {  	[sflag:s20] =	ssyncset.done $0x0  }
0x1c8: {  	[sflag:s20] =	ssyncadd.s32 $0xFFFFD800  }
0x1c9: {  	[tilespmem:s15], [sflag:$0x3] =	stream.indirect.gather [hbm4b:s4+s11], $0x80, s22, s11, $0xb8;
	[tilespmem:$0x1DC00] =	vst v63  }
0x1ca: {  	_ =	swait.ge [sflag:s16], $0x2800  }
0x1cb: {  	[sflag:s16] =	ssyncset.done $0x0  }
0x1cc: {  	[sflag:s16] =	ssyncadd.s32 $0xFFFFD800  }
0x1cd: {  	[spmem:s2] =	stream.indirect.scatter.add.f32 [tilespmem:s13], [sflag:$0x5], $0x80, s23, s11, $0xb8;
	[tilespmem:$0x1DC00] =	vst v63  }
0x1ce: {  	_ =	swait.ge [sflag:s17], $0x2800  }
0x1cf: {  	[sflag:s17] =	ssyncset.done $0x0  }
0x1d0: {  	[sflag:s17] =	ssyncadd.s32 $0xFFFFD800  }
0x1d1: {  	[tilespmem:s12], [sflag:$0x1] =	stream.indirect.gather [hbm4b:s4+s11], $0x80, s24, s11, $0xb8;
	[tilespmem:$0x1DC00] =	vst v63  }
0x1d2: {  	_ =	swait.ge [sflag:s18], $0x2800  }
0x1d3: {  	[sflag:s18] =	ssyncset.done $0x0  }
0x1d4: {  	[sflag:s18] =	ssyncadd.s32 $0xFFFFD800  }
0x1d5: {  	[spmem:s2] =	stream.indirect.scatter.add.f32 [tilespmem:s15], [sflag:$0x6], $0x80, s25, s11, $0xb8;
	[tilespmem:$0x1DC00] =	vst v63  }
0x1d6: {  	_ =	swait.ge [sflag:s19], $0x2800  }
0x1d7: {  	[sflag:s19] =	ssyncset.done $0x0  }
0x1d8: {  	[sflag:s19] =	ssyncadd.s32 $0xFFFFD800  }
0x1d9: {  	[tilespmem:s13], [sflag:$0x2] =	stream.indirect.gather [hbm4b:s4+s11], $0x80, s26, s11, $0xb8;
	[tilespmem:$0x1DC00] =	vst v63  }
0x1da: {  	_ =	swait.ge [sflag:s14], $0x2800  }
0x1db: {  	[sflag:s14] =	ssyncset.done $0x0  }
0x1dc: {  	[sflag:s14] =	ssyncadd.s32 $0xFFFFD800  }
0x1dd: {  	[spmem:s2] =	stream.indirect.scatter.add.f32 [tilespmem:s12], [sflag:$0x4], $0x80, s28, s11, $0xb8;
	[tilespmem:$0x1DC00] =	vst v63  }
0x1de: {  	_ =	swait.ge [sflag:s20], $0x2800  }
0x1df: {  	[sflag:s20] =	ssyncset.done $0x0  }
0x1e0: {  	[sflag:s20] =	ssyncadd.s32 $0xFFFFD800  }
0x1e1: {  	[tilespmem:s15], [sflag:$0x3] =	stream.indirect.gather [hbm4b:s4+s11], $0x80, s29, s11, $0xb8;
	[tilespmem:$0x1DC00] =	vst v63  }
0x1e2: {  	_ =	swait.ge [sflag:s16], $0x2800  }
0x1e3: {  	[sflag:s16] =	ssyncset.done $0x0  }
0x1e4: {  	[sflag:s16] =	ssyncadd.s32 $0xFFFFD800  }
0x1e5: {  	[spmem:s2] =	stream.indirect.scatter.add.f32 [tilespmem:s13], [sflag:$0x5], $0x80, s30, s11, $0xb8;
	[tilespmem:$0x1DC00] =	vst v63  }
0x1e6: {  	_ =	swait.ge [sflag:s17], $0x2800  }
0x1e7: {  	[sflag:s17] =	ssyncset.done $0x0  }
0x1e8: {  	[sflag:s17] =	ssyncadd.s32 $0xFFFFD800  }
0x1e9: {  	[tilespmem:s12], [sflag:$0x1] =	stream.indirect.gather [hbm4b:s4+s11], $0x80, s31, s11, $0xb8;
	[tilespmem:$0x1DC00] =	vst v63  }
0x1ea: {  	_ =	swait.ge [sflag:s18], $0x2800  }
0x1eb: {  	[sflag:s18] =	ssyncset.done $0x0  }
0x1ec: {  	[sflag:s18] =	ssyncadd.s32 $0xFFFFD800  }
0x1ed: {  	[spmem:s2] =	stream.indirect.scatter.add.f32 [tilespmem:s15], [sflag:$0x6], $0x80, s1, s11, $0xb8;
	[tilespmem:$0x1DC00] =	vst v63  }
0x1ee: {  	_ =	swait.ge [sflag:s14], $0x2800  }
0x1ef: {  	[sflag:s14] =	ssyncset.done $0x0  }
0x1f0: {  	[sflag:s14] =	ssyncadd.s32 $0xFFFFD800  }
0x1f1: {  	[spmem:s2] =	stream.indirect.scatter.add.f32 [tilespmem:s12], [sflag:$0x4], $0x80, s0, s11, $0xb8;
	[tilespmem:$0x1DC00] =	vst v63  }
0x1f2: {  	_ =	swait.ge [sflag:s19], $0x2800  }
0x1f3: {  	[sflag:s19] =	ssyncset.done $0x0  }
0x1f4: {  	p0 =	sne.s32 s6, $0x800;
	[sflag:s19] =	ssyncadd.s32 $0xFFFFD800  }
.Ltmp2:
0x1f5: {  	_ =	swait.ge [sflag:s20], $0x2800;
	(pc) =	sbr.rel @p0 .LBB2_6-.Ltmp2, $4  }
0x1f6: {  	[sflag:s20] =	ssyncset.done $0x0  }
0x1f7: {  	[sflag:s20] =	ssyncadd.s32 $0xFFFFD800  }
0x1f8: {  	_ =	swait.ge [sflag:s17], $0x2800  }
0x1f9: {  	s6 =	sadd.s32 $0x200, s6;
	s8 =	rddreg [dreg:$0x4];
	[sflag:s17] =	ssyncset.done $0x0  }
0x1fa: {  	[sflag:s17] =	ssyncadd.s32 $0xFFFFD800;
	s6 =	sadd.s32 s7, s8  }
0x1fb: {  	[tilespmem:s3], [sflag:$0x7] =	stream.linear.gather [hbm4b:s6+s3], $0xC80, $0x38;
	[tilespmem:$0x1DC00] =	vst v63  }
0x1fc: {  	_ =	swait.ge [sflag:s9], $0xC80  }
0x1fd: {  	s8 =	rddreg [dreg:$0x3];
	[sflag:s9] =	ssyncset.done $0x0  }
0x1fe: {  	[sflag:s9] =	ssyncadd.s32 $0xFFFFF380;
	s6 =	sadd.s32 s7, s8  }
0x1ff: {  	[tilespmem:s10], [sflag:$0x7] =	stream.linear.gather [hbm4b:s6+s3], $0xC80, $0x38;
	[tilespmem:$0x1DC00] =	vst v63  }
0x200: {  	_ =	swait.ge [sflag:s9], $0xC80  }
0x201: {  	[sflag:s9] =	ssyncset.done $0x0  }
0x202: {  	[sflag:s9] =	ssyncadd.s32 $0xFFFFF380  }
0x203: {  	[tilespmem:s12], [sflag:$0x1] =	stream.indirect.gather [hbm4b:s4+s11], $0x80, s3, s11, $0xb8;
	[tilespmem:$0x1DC00] =	vst v63  }
0x204: {  	s7 =	rddreg [dreg:$0x5]  }
0x205: {  	[tilespmem:s13], [sflag:$0x2] =	stream.indirect.gather [hbm4b:s4+s11], $0x80, s7, s11, $0xb8;
	[tilespmem:$0x1DC00] =	vst v63  }
0x206: {  	_ =	swait.ge [sflag:s14], $0x2800  }
0x207: {  	[sflag:s14] =	ssyncset.done $0x0  }
0x208: {  	[sflag:s14] =	ssyncadd.s32 $0xFFFFD800  }
0x209: {  	[spmem:s2] =	stream.indirect.scatter.add.f32 [tilespmem:s12], [sflag:$0x4], $0x80, s10, s11, $0xb8;
	[tilespmem:$0x1DC00] =	vst v63  }
0x20a: {  	s8 =	rddreg [dreg:$0x6]  }
0x20b: {  	[tilespmem:s15], [sflag:$0x3] =	stream.indirect.gather [hbm4b:s4+s11], $0x80, s8, s11, $0xb8;
	[tilespmem:$0x1DC00] =	vst v63  }
0x20c: {  	_ =	swait.ge [sflag:s16], $0x2800  }
0x20d: {  	[sflag:s16] =	ssyncset.done $0x0  }
0x20e: {  	s7 =	rddreg [dreg:$0x7];
	[sflag:s16] =	ssyncadd.s32 $0xFFFFD800  }
0x20f: {  	[spmem:s2] =	stream.indirect.scatter.add.f32 [tilespmem:s13], [sflag:$0x5], $0x80, s7, s11, $0xb8;
	[tilespmem:$0x1DC00] =	vst v63  }
0x210: {  	_ =	swait.ge [sflag:s17], $0x2800  }
0x211: {  	[sflag:s17] =	ssyncset.done $0x0  }
0x212: {  	s8 =	rddreg [dreg:$0x8];
	[sflag:s17] =	ssyncadd.s32 $0xFFFFD800  }
0x213: {  	[tilespmem:s12], [sflag:$0x1] =	stream.indirect.gather [hbm4b:s4+s11], $0x80, s8, s11, $0xb8;
	[tilespmem:$0x1DC00] =	vst v63  }
0x214: {  	_ =	swait.ge [sflag:s18], $0x2800  }
0x215: {  	[sflag:s18] =	ssyncset.done $0x0  }
0x216: {  	s7 =	rddreg [dreg:$0x9];
	[sflag:s18] =	ssyncadd.s32 $0xFFFFD800  }
0x217: {  	[spmem:s2] =	stream.indirect.scatter.add.f32 [tilespmem:s15], [sflag:$0x6], $0x80, s7, s11, $0xb8;
	[tilespmem:$0x1DC00] =	vst v63  }
0x218: {  	_ =	swait.ge [sflag:s19], $0x2800  }
0x219: {  	[sflag:s19] =	ssyncset.done $0x0  }
0x21a: {  	s8 =	rddreg [dreg:$0xa];
	[sflag:s19] =	ssyncadd.s32 $0xFFFFD800  }
0x21b: {  	[tilespmem:s13], [sflag:$0x2] =	stream.indirect.gather [hbm4b:s4+s11], $0x80, s8, s11, $0xb8;
	[tilespmem:$0x1DC00] =	vst v63  }
0x21c: {  	_ =	swait.ge [sflag:s14], $0x2800  }
0x21d: {  	[sflag:s14] =	ssyncset.done $0x0  }
0x21e: {  	s7 =	rddreg [dreg:$0xb];
	[sflag:s14] =	ssyncadd.s32 $0xFFFFD800  }
0x21f: {  	[spmem:s2] =	stream.indirect.scatter.add.f32 [tilespmem:s12], [sflag:$0x4], $0x80, s7, s11, $0xb8;
	[tilespmem:$0x1DC00] =	vst v63  }
0x220: {  	_ =	swait.ge [sflag:s20], $0x2800  }
0x221: {  	[sflag:s20] =	ssyncset.done $0x0  }
0x222: {  	s8 =	rddreg [dreg:$0xc];
	[sflag:s20] =	ssyncadd.s32 $0xFFFFD800  }
0x223: {  	[tilespmem:s15], [sflag:$0x3] =	stream.indirect.gather [hbm4b:s4+s11], $0x80, s8, s11, $0xb8;
	[tilespmem:$0x1DC00] =	vst v63  }
0x224: {  	_ =	swait.ge [sflag:s16], $0x2800  }
0x225: {  	[sflag:s16] =	ssyncset.done $0x0  }
0x226: {  	s7 =	rddreg [dreg:$0xd];
	[sflag:s16] =	ssyncadd.s32 $0xFFFFD800  }
0x227: {  	[spmem:s2] =	stream.indirect.scatter.add.f32 [tilespmem:s13], [sflag:$0x5], $0x80, s7, s11, $0xb8;
	[tilespmem:$0x1DC00] =	vst v63  }
0x228: {  	_ =	swait.ge [sflag:s17], $0x2800  }
0x229: {  	[sflag:s17] =	ssyncset.done $0x0  }
0x22a: {  	s8 =	rddreg [dreg:$0xe];
	[sflag:s17] =	ssyncadd.s32 $0xFFFFD800  }
0x22b: {  	[tilespmem:s12], [sflag:$0x1] =	stream.indirect.gather [hbm4b:s4+s11], $0x80, s8, s11, $0xb8;
	[tilespmem:$0x1DC00] =	vst v63  }
0x22c: {  	_ =	swait.ge [sflag:s18], $0x2800  }
0x22d: {  	[sflag:s18] =	ssyncset.done $0x0  }
0x22e: {  	s7 =	rddreg [dreg:$0xf];
	[sflag:s18] =	ssyncadd.s32 $0xFFFFD800  }
0x22f: {  	[spmem:s2] =	stream.indirect.scatter.add.f32 [tilespmem:s15], [sflag:$0x6], $0x80, s7, s11, $0xb8;
	[tilespmem:$0x1DC00] =	vst v63  }
0x230: {  	_ =	swait.ge [sflag:s19], $0x2800  }
0x231: {  	[sflag:s19] =	ssyncset.done $0x0  }
0x232: {  	s8 =	rddreg [dreg:$0x10];
	[sflag:s19] =	ssyncadd.s32 $0xFFFFD800  }
0x233: {  	[tilespmem:s13], [sflag:$0x2] =	stream.indirect.gather [hbm4b:s4+s11], $0x80, s8, s11, $0xb8;
	[tilespmem:$0x1DC00] =	vst v63  }
0x234: {  	_ =	swait.ge [sflag:s14], $0x2800  }
0x235: {  	[sflag:s14] =	ssyncset.done $0x0  }
0x236: {  	s7 =	rddreg [dreg:$0x11];
	[sflag:s14] =	ssyncadd.s32 $0xFFFFD800  }
0x237: {  	[spmem:s2] =	stream.indirect.scatter.add.f32 [tilespmem:s12], [sflag:$0x4], $0x80, s7, s11, $0xb8;
	[tilespmem:$0x1DC00] =	vst v63  }
0x238: {  	_ =	swait.ge [sflag:s20], $0x2800  }
0x239: {  	[sflag:s20] =	ssyncset.done $0x0  }
0x23a: {  	s8 =	rddreg [dreg:$0x12];
	[sflag:s20] =	ssyncadd.s32 $0xFFFFD800  }
0x23b: {  	[tilespmem:s15], [sflag:$0x3] =	stream.indirect.gather [hbm4b:s4+s11], $0x80, s8, s11, $0xb8;
	[tilespmem:$0x1DC00] =	vst v63  }
0x23c: {  	_ =	swait.ge [sflag:s16], $0x2800  }
0x23d: {  	[sflag:s16] =	ssyncset.done $0x0  }
0x23e: {  	s7 =	rddreg [dreg:$0x13];
	[sflag:s16] =	ssyncadd.s32 $0xFFFFD800  }
0x23f: {  	[spmem:s2] =	stream.indirect.scatter.add.f32 [tilespmem:s13], [sflag:$0x5], $0x80, s7, s11, $0xb8;
	[tilespmem:$0x1DC00] =	vst v63  }
0x240: {  	_ =	swait.ge [sflag:s17], $0x2800  }
0x241: {  	[sflag:s17] =	ssyncset.done $0x0  }
0x242: {  	s8 =	rddreg [dreg:$0x14];
	[sflag:s17] =	ssyncadd.s32 $0xFFFFD800  }
0x243: {  	[tilespmem:s12], [sflag:$0x1] =	stream.indirect.gather [hbm4b:s4+s11], $0x80, s8, s11, $0xb8;
	[tilespmem:$0x1DC00] =	vst v63  }
0x244: {  	_ =	swait.ge [sflag:s18], $0x2800  }
0x245: {  	[sflag:s18] =	ssyncset.done $0x0  }
0x246: {  	s7 =	rddreg [dreg:$0x15];
	[sflag:s18] =	ssyncadd.s32 $0xFFFFD800  }
0x247: {  	[spmem:s2] =	stream.indirect.scatter.add.f32 [tilespmem:s15], [sflag:$0x6], $0x80, s7, s11, $0xb8;
	[tilespmem:$0x1DC00] =	vst v63  }
0x248: {  	_ =	swait.ge [sflag:s19], $0x2800  }
0x249: {  	[sflag:s19] =	ssyncset.done $0x0  }
0x24a: {  	s8 =	rddreg [dreg:$0x16];
	[sflag:s19] =	ssyncadd.s32 $0xFFFFD800  }
0x24b: {  	[tilespmem:s13], [sflag:$0x2] =	stream.indirect.gather [hbm4b:s4+s11], $0x80, s8, s11, $0xb8;
	[tilespmem:$0x1DC00] =	vst v63  }
0x24c: {  	_ =	swait.ge [sflag:s14], $0x2800  }
0x24d: {  	[sflag:s14] =	ssyncset.done $0x0  }
0x24e: {  	s7 =	rddreg [dreg:$0x17];
	[sflag:s14] =	ssyncadd.s32 $0xFFFFD800  }
0x24f: {  	[spmem:s2] =	stream.indirect.scatter.add.f32 [tilespmem:s12], [sflag:$0x4], $0x80, s7, s11, $0xb8;
	[tilespmem:$0x1DC00] =	vst v63  }
0x250: {  	_ =	swait.ge [sflag:s20], $0x2800  }
0x251: {  	[sflag:s20] =	ssyncset.done $0x0  }
0x252: {  	s8 =	rddreg [dreg:$0x18];
	[sflag:s20] =	ssyncadd.s32 $0xFFFFD800  }
0x253: {  	[tilespmem:s15], [sflag:$0x3] =	stream.indirect.gather [hbm4b:s4+s11], $0x80, s8, s11, $0xb8;
	[tilespmem:$0x1DC00] =	vst v63  }
0x254: {  	_ =	swait.ge [sflag:s16], $0x2800  }
0x255: {  	[sflag:s16] =	ssyncset.done $0x0  }
0x256: {  	s7 =	rddreg [dreg:$0x19];
	[sflag:s16] =	ssyncadd.s32 $0xFFFFD800  }
0x257: {  	[spmem:s2] =	stream.indirect.scatter.add.f32 [tilespmem:s13], [sflag:$0x5], $0x80, s7, s11, $0xb8;
	[tilespmem:$0x1DC00] =	vst v63  }
0x258: {  	_ =	swait.ge [sflag:s17], $0x2800  }
0x259: {  	[sflag:s17] =	ssyncset.done $0x0  }
0x25a: {  	s8 =	rddreg [dreg:$0x1a];
	[sflag:s17] =	ssyncadd.s32 $0xFFFFD800  }
0x25b: {  	[tilespmem:s12], [sflag:$0x1] =	stream.indirect.gather [hbm4b:s4+s11], $0x80, s8, s11, $0xb8;
	[tilespmem:$0x1DC00] =	vst v63  }
0x25c: {  	_ =	swait.ge [sflag:s18], $0x2800  }
0x25d: {  	[sflag:s18] =	ssyncset.done $0x0  }
0x25e: {  	s7 =	rddreg [dreg:$0x1b];
	[sflag:s18] =	ssyncadd.s32 $0xFFFFD800  }
0x25f: {  	[spmem:s2] =	stream.indirect.scatter.add.f32 [tilespmem:s15], [sflag:$0x6], $0x80, s7, s11, $0xb8;
	[tilespmem:$0x1DC00] =	vst v63  }
0x260: {  	_ =	swait.ge [sflag:s19], $0x2800  }
0x261: {  	[sflag:s19] =	ssyncset.done $0x0  }
0x262: {  	s8 =	rddreg [dreg:$0x1c];
	[sflag:s19] =	ssyncadd.s32 $0xFFFFD800  }
0x263: {  	[tilespmem:s13], [sflag:$0x2] =	stream.indirect.gather [hbm4b:s4+s11], $0x80, s8, s11, $0xb8;
	[tilespmem:$0x1DC00] =	vst v63  }
0x264: {  	_ =	swait.ge [sflag:s14], $0x2800  }
0x265: {  	[sflag:s14] =	ssyncset.done $0x0  }
0x266: {  	s7 =	rddreg [dreg:$0x1d];
	[sflag:s14] =	ssyncadd.s32 $0xFFFFD800  }
0x267: {  	[spmem:s2] =	stream.indirect.scatter.add.f32 [tilespmem:s12], [sflag:$0x4], $0x80, s7, s11, $0xb8;
	[tilespmem:$0x1DC00] =	vst v63  }
0x268: {  	_ =	swait.ge [sflag:s20], $0x2800  }
0x269: {  	[sflag:s20] =	ssyncset.done $0x0  }
0x26a: {  	s8 =	rddreg [dreg:$0x1e];
	[sflag:s20] =	ssyncadd.s32 $0xFFFFD800  }
0x26b: {  	[tilespmem:s15], [sflag:$0x3] =	stream.indirect.gather [hbm4b:s4+s11], $0x80, s8, s11, $0xb8;
	[tilespmem:$0x1DC00] =	vst v63  }
0x26c: {  	_ =	swait.ge [sflag:s16], $0x2800  }
0x26d: {  	[sflag:s16] =	ssyncset.done $0x0  }
0x26e: {  	s7 =	rddreg [dreg:$0x1f];
	[sflag:s16] =	ssyncadd.s32 $0xFFFFD800  }
0x26f: {  	[spmem:s2] =	stream.indirect.scatter.add.f32 [tilespmem:s13], [sflag:$0x5], $0x80, s7, s11, $0xb8;
	[tilespmem:$0x1DC00] =	vst v63  }
0x270: {  	_ =	swait.ge [sflag:s17], $0x2800  }
0x271: {  	s8 =	sld [smem:$0x7F5]  }
0x272: {  	[sflag:s17] =	ssyncset.done $0x0  }
0x273: {  	[sflag:s17] =	ssyncadd.s32 $0xFFFFD800  }
0x274: {  	[tilespmem:s12], [sflag:$0x1] =	stream.indirect.gather [hbm4b:s4+s11], $0x80, s8, s11, $0xb8;
	[tilespmem:$0x1DC00] =	vst v63  }
0x275: {  	_ =	swait.ge [sflag:s18], $0x2800  }
0x276: {  	s7 =	sld [smem:$0x7F6]  }
0x277: {  	[sflag:s18] =	ssyncset.done $0x0  }
0x278: {  	[sflag:s18] =	ssyncadd.s32 $0xFFFFD800  }
0x279: {  	[spmem:s2] =	stream.indirect.scatter.add.f32 [tilespmem:s15], [sflag:$0x6], $0x80, s7, s11, $0xb8;
	[tilespmem:$0x1DC00] =	vst v63  }
0x27a: {  	_ =	swait.ge [sflag:s19], $0x2800  }
0x27b: {  	s8 =	sld [smem:$0x7F7]  }
0x27c: {  	[sflag:s19] =	ssyncset.done $0x0  }
0x27d: {  	[sflag:s19] =	ssyncadd.s32 $0xFFFFD800  }
0x27e: {  	[tilespmem:s13], [sflag:$0x2] =	stream.indirect.gather [hbm4b:s4+s11], $0x80, s8, s11, $0xb8;
	[tilespmem:$0x1DC00] =	vst v63  }
0x27f: {  	_ =	swait.ge [sflag:s14], $0x2800  }
0x280: {  	s7 =	sld [smem:$0x7F8]  }
0x281: {  	[sflag:s14] =	ssyncset.done $0x0  }
0x282: {  	[sflag:s14] =	ssyncadd.s32 $0xFFFFD800  }
0x283: {  	[spmem:s2] =	stream.indirect.scatter.add.f32 [tilespmem:s12], [sflag:$0x4], $0x80, s7, s11, $0xb8;
	[tilespmem:$0x1DC00] =	vst v63  }
0x284: {  	_ =	swait.ge [sflag:s20], $0x2800  }
0x285: {  	s8 =	sld [smem:$0x7F9]  }
0x286: {  	[sflag:s20] =	ssyncset.done $0x0  }
0x287: {  	[sflag:s20] =	ssyncadd.s32 $0xFFFFD800  }
0x288: {  	[tilespmem:s15], [sflag:$0x3] =	stream.indirect.gather [hbm4b:s4+s11], $0x80, s8, s11, $0xb8;
	[tilespmem:$0x1DC00] =	vst v63  }
0x289: {  	_ =	swait.ge [sflag:s16], $0x2800  }
0x28a: {  	s7 =	sld [smem:$0x7FA]  }
0x28b: {  	[sflag:s16] =	ssyncset.done $0x0  }
0x28c: {  	[sflag:s16] =	ssyncadd.s32 $0xFFFFD800  }
0x28d: {  	[spmem:s2] =	stream.indirect.scatter.add.f32 [tilespmem:s13], [sflag:$0x5], $0x80, s7, s11, $0xb8;
	[tilespmem:$0x1DC00] =	vst v63  }
0x28e: {  	_ =	swait.ge [sflag:s17], $0x2800  }
0x28f: {  	s8 =	sld [smem:$0x7FB]  }
0x290: {  	[sflag:s17] =	ssyncset.done $0x0  }
0x291: {  	[sflag:s17] =	ssyncadd.s32 $0xFFFFD800  }
0x292: {  	[tilespmem:s12], [sflag:$0x1] =	stream.indirect.gather [hbm4b:s4+s11], $0x80, s8, s11, $0xb8;
	[tilespmem:$0x1DC00] =	vst v63  }
0x293: {  	_ =	swait.ge [sflag:s18], $0x2800  }
0x294: {  	s7 =	sld [smem:$0x7FC]  }
0x295: {  	[sflag:s18] =	ssyncset.done $0x0  }
0x296: {  	[sflag:s18] =	ssyncadd.s32 $0xFFFFD800  }
0x297: {  	[spmem:s2] =	stream.indirect.scatter.add.f32 [tilespmem:s15], [sflag:$0x6], $0x80, s7, s11, $0xb8;
	[tilespmem:$0x1DC00] =	vst v63  }
0x298: {  	_ =	swait.ge [sflag:s19], $0x2800  }
0x299: {  	s8 =	sld [smem:$0x7FD]  }
0x29a: {  	[sflag:s19] =	ssyncset.done $0x0  }
0x29b: {  	[sflag:s19] =	ssyncadd.s32 $0xFFFFD800  }
0x29c: {  	[tilespmem:s13], [sflag:$0x2] =	stream.indirect.gather [hbm4b:s4+s11], $0x80, s8, s11, $0xb8;
	[tilespmem:$0x1DC00] =	vst v63  }
0x29d: {  	_ =	swait.ge [sflag:s14], $0x2800  }
0x29e: {  	[sflag:s14] =	ssyncset.done $0x0  }
0x29f: {  	[sflag:s14] =	ssyncadd.s32 $0xFFFFD800  }
0x2a0: {  	[spmem:s2] =	stream.indirect.scatter.add.f32 [tilespmem:s12], [sflag:$0x4], $0x80, s21, s11, $0xb8;
	[tilespmem:$0x1DC00] =	vst v63  }
0x2a1: {  	_ =	swait.ge [sflag:s20], $0x2800  }
0x2a2: {  	[sflag:s20] =	ssyncset.done $0x0  }
0x2a3: {  	[sflag:s20] =	ssyncadd.s32 $0xFFFFD800  }
0x2a4: {  	[tilespmem:s15], [sflag:$0x3] =	stream.indirect.gather [hbm4b:s4+s11], $0x80, s22, s11, $0xb8;
	[tilespmem:$0x1DC00] =	vst v63  }
0x2a5: {  	_ =	swait.ge [sflag:s16], $0x2800  }
0x2a6: {  	[sflag:s16] =	ssyncset.done $0x0  }
0x2a7: {  	[sflag:s16] =	ssyncadd.s32 $0xFFFFD800  }
0x2a8: {  	[spmem:s2] =	stream.indirect.scatter.add.f32 [tilespmem:s13], [sflag:$0x5], $0x80, s23, s11, $0xb8;
	[tilespmem:$0x1DC00] =	vst v63  }
0x2a9: {  	_ =	swait.ge [sflag:s17], $0x2800  }
0x2aa: {  	[sflag:s17] =	ssyncset.done $0x0  }
0x2ab: {  	[sflag:s17] =	ssyncadd.s32 $0xFFFFD800  }
0x2ac: {  	[tilespmem:s12], [sflag:$0x1] =	stream.indirect.gather [hbm4b:s4+s11], $0x80, s24, s11, $0xb8;
	[tilespmem:$0x1DC00] =	vst v63  }
0x2ad: {  	_ =	swait.ge [sflag:s18], $0x2800  }
0x2ae: {  	[sflag:s18] =	ssyncset.done $0x0  }
0x2af: {  	[sflag:s18] =	ssyncadd.s32 $0xFFFFD800  }
0x2b0: {  	[spmem:s2] =	stream.indirect.scatter.add.f32 [tilespmem:s15], [sflag:$0x6], $0x80, s25, s11, $0xb8;
	[tilespmem:$0x1DC00] =	vst v63  }
0x2b1: {  	_ =	swait.ge [sflag:s19], $0x2800  }
0x2b2: {  	[sflag:s19] =	ssyncset.done $0x0  }
0x2b3: {  	[sflag:s19] =	ssyncadd.s32 $0xFFFFD800  }
0x2b4: {  	[tilespmem:s13], [sflag:$0x2] =	stream.indirect.gather [hbm4b:s4+s11], $0x80, s26, s11, $0xb8;
	[tilespmem:$0x1DC00] =	vst v63  }
0x2b5: {  	_ =	swait.ge [sflag:s14], $0x2800  }
0x2b6: {  	[sflag:s14] =	ssyncset.done $0x0  }
0x2b7: {  	[sflag:s14] =	ssyncadd.s32 $0xFFFFD800  }
0x2b8: {  	[spmem:s2] =	stream.indirect.scatter.add.f32 [tilespmem:s12], [sflag:$0x4], $0x80, s28, s11, $0xb8;
	[tilespmem:$0x1DC00] =	vst v63  }
0x2b9: {  	_ =	swait.ge [sflag:s20], $0x2800  }
0x2ba: {  	[sflag:s20] =	ssyncset.done $0x0  }
0x2bb: {  	[sflag:s20] =	ssyncadd.s32 $0xFFFFD800  }
0x2bc: {  	[tilespmem:s15], [sflag:$0x3] =	stream.indirect.gather [hbm4b:s4+s11], $0x80, s29, s11, $0xb8;
	[tilespmem:$0x1DC00] =	vst v63  }
0x2bd: {  	_ =	swait.ge [sflag:s16], $0x2800  }
0x2be: {  	[sflag:s16] =	ssyncset.done $0x0  }
0x2bf: {  	[sflag:s16] =	ssyncadd.s32 $0xFFFFD800  }
0x2c0: {  	[spmem:s2] =	stream.indirect.scatter.add.f32 [tilespmem:s13], [sflag:$0x5], $0x80, s30, s11, $0xb8;
	[tilespmem:$0x1DC00] =	vst v63  }
0x2c1: {  	_ =	swait.ge [sflag:s17], $0x2800  }
0x2c2: {  	[sflag:s17] =	ssyncset.done $0x0  }
0x2c3: {  	[sflag:s17] =	ssyncadd.s32 $0xFFFFD800  }
0x2c4: {  	[tilespmem:s12], [sflag:$0x1] =	stream.indirect.gather [hbm4b:s4+s11], $0x80, s31, s11, $0xb8;
	[tilespmem:$0x1DC00] =	vst v63  }
0x2c5: {  	_ =	swait.ge [sflag:s18], $0x2800  }
0x2c6: {  	[sflag:s18] =	ssyncset.done $0x0  }
0x2c7: {  	[sflag:s18] =	ssyncadd.s32 $0xFFFFD800  }
0x2c8: {  	[spmem:s2] =	stream.indirect.scatter.add.f32 [tilespmem:s15], [sflag:$0x6], $0x80, s1, s11, $0xb8;
	[tilespmem:$0x1DC00] =	vst v63  }
0x2c9: {  	_ =	swait.ge [sflag:s14], $0x2800  }
0x2ca: {  	[sflag:s14] =	ssyncset.done $0x0  }
0x2cb: {  	[sflag:s14] =	ssyncadd.s32 $0xFFFFD800  }
0x2cc: {  	[spmem:s2] =	stream.indirect.scatter.add.f32 [tilespmem:s12], [sflag:$0x4], $0x80, s0, s11, $0xb8;
	[tilespmem:$0x1DC00] =	vst v63  }
0x2cd: {  	_ =	swait.ge [sflag:s19], $0x2800  }
0x2ce: {  	[sflag:s19] =	ssyncset.done $0x0  }
0x2cf: {  	[sflag:s19] =	ssyncadd.s32 $0xFFFFD800  }
0x2d0: {  	_ =	swait.ge [sflag:s20], $0x2800  }
0x2d1: {  	[sflag:s20] =	ssyncset.done $0x0  }
0x2d2: {  	[sflag:s20] =	ssyncadd.s32 $0xFFFFD800  }
0x2d3: {  	_ =	swait.ge [sflag:s17], $0x2800  }
0x2d4: {  	[sflag:s17] =	ssyncset.done $0x0  }
0x2d5: {  	[sflag:s17] =	ssyncadd.s32 $0xFFFFD800  }
0x2d6: {  	[bflag:$0x0] =	sbarrier.arrive $0xFFFF  }
0x2d7: {  	s7 =	stileid.u32;
	s21 =	sld [smem:$0x7F3]  }
0x2d8: {  	s6 =	sshll.u32 s7, $0x6  }
0x2d9: {  	s6 =	sor.u32 $0x1C07, s6;
	s8 =	sshrl.u32 s5, $0x3  }
0x2da: {  	[hbm:s21], [sflag:s6] =	dma.local [spmem:s8], $0x2800  }
0x2db: {  	_ =	swait.ge [sflag:s9], $0x2800  }
0x2dc: {  	s8 =	sld [smem:$0x7F2]  }
0x2dd: {  	s21 =	sld [smem:$0x7F4];
	_ =	sdelay $0x1  }
0x2de: {  	s7 =	sadd.s32 $0x1, s8  }
0x2df: {  	p0 =	sne.s32 s7, s21  }
.Ltmp3:
0x2e0: {  	_ = 	snop;
	(pc) =	sbr.rel @p0 .LBB2_1-.Ltmp3, $3  }
0x2e1: {  	_ =	sdelay $0x1  }
0x2e2: {  	[sflag:s9] =	ssyncset.done $0x0  }
0x2e3: {  	[sflag:s9] =	ssyncadd.s32 $0xFFFFD800  }
0x2e4: {  	_ =	sfence.sel $0x180000  }
0x2e5: {  	[bflag:$0x0] =	sbarrier.arrive $0xFFFF  }
0x2e6: {  	_ =	strace $0x90000050  }
0x2e7: {  	s0 =	stileid.u32;
	[bflag:$0x2] =	sbarrier.arrive $0xFFFF  }
0x2e8: {  	p0 =	sne.s32 s0, $0x0;
	s0 =	rddreg [dreg:$0x2]  }
0x2e9: {  	s0 =	sadd.s32 @!p0 $0x100000, s0  }
0x2ea: {  	[sflag:s0] =	ssyncadd.tile.s32 @!p0 $0x1;
	_ =	shalt  }
.Lfunc_end2:
_tile_overlayer_lowered:
.L_overlay_start_2:
0x2eb: {  	(tag) =	ssettag $0x2  }
0x2ec: {  	s0 =	rddreg [dreg:$0x0];
	s2 =	stileid.u32  }
0x2ed: {  	s1 =	rddreg [dreg:$0x1];
	p0 =	sne.s32 s2, $0x0  }
0x2ee: {  	s3 =	rddreg [dreg:$0x2];
	[bflag:$0x3] =	sbarrier.arrive $0xFFFF;
	s2 =	simm.s32 @!p0 $0x1C07  }
0x2ef: {  	[timem:s3], [sflag:s2] =	dma.local @!p0 [hbm:s0], s1  }
0x2f0: {  	s0 =	simm.s32 @!p0 $0x7  }
0x2f1: {  	_ =	swait.ge @!p0 [sflag:s0], s1  }
0x2f2: {  	s1 =	ssub.s32 @!p0 $0x0, s1;
	[sflag:s0] =	ssyncset.done @!p0 $0x0  }
0x2f3: {  	[sflag:s0] =	ssyncadd.s32 @!p0 s1  }
0x2f4: {  	[bflag:$0x3] =	sbarrier.arrive $0xFFFF  }
0x2f5: {  	_ =	shalt  }

</sc_bundles>
